<compile_context>
chip_gen: v7x
topology: tpu7x:2x2x1
jax: 0.10.2.dev20260603
libtpu: 0.0.44.dev20260713+nightly
codegen_flags: <defaults>
</compile_context>

<pallas_src>
import functools

import jax
import jax.numpy as jnp
from jax import lax
from jax.experimental import pallas as pl
from jax.experimental.pallas import tpu as pltpu
from jax.experimental.pallas import tpu_sc as plsc

EPS = 1e-5
EMBED = 64
LANES = 16
ROWS_PER_CHUNK = 2
NBUF = 2


def _full(v):
    return jnp.full((LANES,), v, dtype=jnp.int32)


def _rsqrt(x):
    i = plsc.bitcast(x, jnp.int32)
    i = jnp.int32(0x5F3759DF) - (i >> 1)
    y = plsc.bitcast(i, jnp.float32)
    for _ in range(2):
        y = y * (1.5 - 0.5 * x * y * y)
    return y


def _make_sc_kernel(nb, nt):
    info = plsc.get_sparse_core_info()
    nc, ns = info.num_cores, info.num_subcores
    nw = nc * ns
    b_per_w = nb // nw
    n_chunks = b_per_w // ROWS_PER_CHUNK
    chunk = ROWS_PER_CHUNK * nt
    groups = chunk // LANES

    mesh = plsc.VectorSubcoreMesh(core_axis_name="c", subcore_axis_name="s")

    @functools.partial(
        pl.kernel,
        mesh=mesh,
        compiler_params=pltpu.CompilerParams(
            needs_layout_passes=False, use_tc_tiling_on_sc=False
        ),
        out_type=jax.ShapeDtypeStruct((nb, nt, EMBED), jnp.float32),
        scratch_types=[
            pltpu.VMEM((NBUF, chunk), jnp.int32),
            pltpu.VMEM((NBUF, chunk, EMBED), jnp.float32),
            pltpu.VMEM((EMBED,), jnp.float32),
            pltpu.VMEM((EMBED,), jnp.float32),
            pltpu.SemaphoreType.DMA,
            pltpu.SemaphoreType.DMA,
        ],
    )
    def sc_kernel(x_hbm, table_hbm, w_hbm, b_hbm, out_hbm,
                  idx_v, rows_v, w_v, b_v, sem_g, sem_o):
        wid = lax.axis_index("s") * nc + lax.axis_index("c")
        w0 = wid * b_per_w
        pltpu.sync_copy(w_hbm, w_v)
        pltpu.sync_copy(b_hbm, b_v)
        wq = [w_v[pl.ds(q * LANES, LANES)] for q in range(4)]
        bq = [b_v[pl.ds(q * LANES, LANES)] for q in range(4)]

        def load_idx(c, b):
            base = pl.multiple_of((w0 + c * ROWS_PER_CHUNK) * nt, 8)
            pltpu.sync_copy(x_hbm.at[pl.ds(base, chunk)], idx_v.at[b])

        _splits = [(0, 96), (96, nt - 96)]

        def g_pairs(b):
            out = []
            for r in range(ROWS_PER_CHUNK):
                for off, sz in _splits:
                    src = idx_v.at[b].at[pl.ds(r * nt + off, sz)]
                    dst = rows_v.at[b].at[pl.ds(r * nt + off, sz)]
                    out.append((src, dst))
            return out

        def fire_gathers(b):
            for src, dst in g_pairs(b):
                pltpu.async_copy(table_hbm.at[src], dst, sem_g)

        def wait_gathers(b):
            for src, dst in g_pairs(b):
                pltpu.make_async_copy(table_hbm.at[src], dst, sem_g).wait()

        def o_pairs(c, b):
            out = []
            for r in range(ROWS_PER_CHUNK):
                src = rows_v.at[b].at[pl.ds(r * nt, nt)]
                dst = out_hbm.at[w0 + c * ROWS_PER_CHUNK + r]
                out.append((src, dst))
            return out

        def fire_out(c, b):
            for src, dst in o_pairs(c, b):
                pltpu.async_copy(src, dst, sem_o)

        def wait_out(c, b):
            for src, dst in o_pairs(c, b):
                pltpu.make_async_copy(src, dst, sem_o).wait()

        def compute(b):
            rows = rows_v.at[b]
            lane = lax.iota(jnp.int32, 16)
            rot = [(lane + jj) & 15 for jj in range(LANES)]

            @plsc.parallel_loop(0, groups, unroll=1)
            def group_body(g):
                r0 = g * LANES
                rid = r0 + lane
                nacc = 8
                acc = [jnp.zeros((LANES,), jnp.float32) for _ in range(nacc)]
                acc2 = [jnp.zeros((LANES,), jnp.float32) for _ in range(nacc)]
                for j in range(EMBED):
                    q, jj = divmod(j, LANES)
                    col = plsc.load_gather(rows, [rid, rot[jj] | (q * LANES)])
                    k = j % nacc
                    acc[k] = acc[k] + col
                    acc2[k] = acc2[k] + col * col
                while len(acc) > 1:
                    acc = [a + b2 for a, b2 in zip(acc[::2], acc[1::2])]
                    acc2 = [a + b2 for a, b2 in zip(acc2[::2], acc2[1::2])]
                s, s2 = acc[0], acc2[0]
                mean = s * (1.0 / EMBED)
                var = s2 * (1.0 / EMBED) - mean * mean
                rstd = _rsqrt(var + EPS)
                for r in range(LANES):
                    mb = mean.at[_full(r)].get(mode="promise_in_bounds")
                    rb = rstd.at[_full(r)].get(mode="promise_in_bounds")
                    for q in range(4):
                        sl = pl.ds(q * LANES, LANES)
                        v = rows[r0 + r, sl]
                        rows[r0 + r, sl] = (v - mb) * rb * wq[q] + bq[q]

        load_idx(0, 0)
        fire_gathers(0)

        def chunk_body(c, _):
            b = lax.rem(c, NBUF)
            b1 = lax.rem(c + 1, NBUF)
            wait_gathers(b)

            @pl.when(c >= 1)
            def _drain():
                wait_out(c - 1, b1)

            @pl.when(c + 1 < n_chunks)
            def _prefetch():
                load_idx(c + 1, b1)
                fire_gathers(b1)

            compute(b)
            fire_out(c, b)
            return 0

        lax.fori_loop(0, n_chunks, chunk_body, 0)
        wait_out(n_chunks - 1, lax.rem(n_chunks - 1, NBUF))

    return sc_kernel


def kernel(x, table, ln_weight, ln_bias):
    nb, nt = x.shape
    sc = _make_sc_kernel(nb, nt)
    return sc(x.reshape(-1).astype(jnp.int32), table, ln_weight, ln_bias)

# --- scband reference (transcript-rebuilt; emitter-appended) ---
"""Pipeline reference for scband-wolf-bertembedding-55198919688599 (READ-ONLY COPY).

The authoritative reference and input builder live on the scoring server;
editing this copy changes nothing except your own understanding.
"""

import jax, jax.numpy as jnp
import numpy as np

VOCAB = 1000000
EMBED = 64
B, T = 4096, 200
EPS = 1e-5

def setup_inputs(seed: int = 0) -> dict:
    key = jax.random.key(seed)
    k1, k2 = jax.random.split(key)
    x = jax.random.randint(k1, (B, T), 0, VOCAB, dtype=jnp.int64 if jax.config.jax_enable_x64 else jnp.int32)
    table = jax.random.normal(k2, (VOCAB, EMBED), dtype=jnp.float32) * 0.02
    ln_weight = jnp.ones((EMBED,), dtype=jnp.float32)
    ln_bias = jnp.zeros((EMBED,), dtype=jnp.float32)
    return {"x": x, "table": table, "ln_weight": ln_weight, "ln_bias": ln_bias}

def reference(x, table, ln_weight, ln_bias):
    # token embedding lookup (gather)
    emb = jnp.take(table, x, axis=0)  # [B, T, EMBED]
    # dropout is identity in eval mode
    # LayerNorm over last dim
    mean = jnp.mean(emb, axis=-1, keepdims=True)
    var = jnp.mean((emb - mean) ** 2, axis=-1, keepdims=True)
    normed = (emb - mean) / jnp.sqrt(var + EPS)
    return normed * ln_weight + ln_bias

if __name__ == "__main__":
    import jax
    _d = setup_inputs()
    print(jax.jit(kernel)(*tuple(_d.values())))

</pallas_src>

<mosaic_0001>
#map = affine_map<(d0, d1) -> (0)>
#map1 = affine_map<(d0, d1) -> (0, 0)>
#map2 = affine_map<(d0, d1) -> (0, 0, 0)>
module attributes {stable_mosaic.version = 14 : i64} {
  func.func @sc_kernel(%arg0: i32, %arg1: i32, %arg2: memref<819200xi32, #tpu.memory_space<hbm>>, %arg3: memref<1000000x64xf32, #tpu.memory_space<hbm>>, %arg4: memref<64xf32, #tpu.memory_space<hbm>>, %arg5: memref<64xf32, #tpu.memory_space<hbm>>, %arg6: memref<4096x200x64xf32, #tpu.memory_space<hbm>>, %arg7: memref<2x400xi32, #tpu.memory_space<vmem>>, %arg8: memref<2x400x64xf32, #tpu.memory_space<vmem>>, %arg9: memref<64xf32, #tpu.memory_space<vmem>>, %arg10: memref<64xf32, #tpu.memory_space<vmem>>, %arg11: memref<!tpu.dma_semaphore, #tpu.memory_space<semaphore_mem>>, %arg12: memref<!tpu.dma_semaphore, #tpu.memory_space<semaphore_mem>>) attributes {dimension_semantics = [#tpu.dimension_semantics<core_parallel>, #tpu.dimension_semantics<subcore_parallel>], iteration_bounds = array<i64: 2, 16>, scalar_prefetch = 0 : i64, scratch_operands = 6 : i64, tpu.core_type = #tpu.core_type<sc_vector_subcore>, window_params = [{transform_indices = #map}, {transform_indices = #map1}, {transform_indices = #map}, {transform_indices = #map}, {transform_indices = #map2}]} {
    %mul3A = arith.constant 2 : i32
    %mul3A_0 = arith.muli %arg1, %mul3A : i32
    %add3A = arith.addi %mul3A_0, %arg0 : i32
    %mul3A_1 = arith.constant 128 : i32
    %mul3A_2 = arith.muli %add3A, %mul3A_1 : i32
    "tpu.region"() ({
      %run_scoped3A_148 = tpu.sem_alloc : memref<!tpu.dma_semaphore, #tpu.memory_space<semaphore_mem>>
      tpu.enqueue_dma source(%arg4 : memref<64xf32, #tpu.memory_space<hbm>>) target(%arg9 : memref<64xf32, #tpu.memory_space<vmem>>) target_semaphore(%run_scoped3A_148 : memref<!tpu.dma_semaphore, #tpu.memory_space<semaphore_mem>>)
      tpu.wait_dma2 semaphore(%run_scoped3A_148 : memref<!tpu.dma_semaphore, #tpu.memory_space<semaphore_mem>>) src(%arg4 : memref<64xf32, #tpu.memory_space<hbm>>) dst(%arg9 : memref<64xf32, #tpu.memory_space<vmem>>)
      tpu.yield
    }) : () -> ()
    "tpu.region"() ({
      %run_scoped3A_148 = tpu.sem_alloc : memref<!tpu.dma_semaphore, #tpu.memory_space<semaphore_mem>>
      tpu.enqueue_dma source(%arg5 : memref<64xf32, #tpu.memory_space<hbm>>) target(%arg10 : memref<64xf32, #tpu.memory_space<vmem>>) target_semaphore(%run_scoped3A_148 : memref<!tpu.dma_semaphore, #tpu.memory_space<semaphore_mem>>)
      tpu.wait_dma2 semaphore(%run_scoped3A_148 : memref<!tpu.dma_semaphore, #tpu.memory_space<semaphore_mem>>) src(%arg5 : memref<64xf32, #tpu.memory_space<hbm>>) dst(%arg10 : memref<64xf32, #tpu.memory_space<vmem>>)
      tpu.yield
    }) : () -> ()
    %get3A = arith.constant 0 : index
    %get3A_3 = tpu.vector_load %arg9[%get3A] {strides = array<i32>} : memref<64xf32, #tpu.memory_space<vmem>>, vector<16xf32>,
    %get3A_4 = arith.constant 16 : index
    %get3A_5 = tpu.vector_load %arg9[%get3A_4] {strides = array<i32>} : memref<64xf32, #tpu.memory_space<vmem>>, vector<16xf32>,
    %get3A_6 = arith.constant 32 : index
    %get3A_7 = tpu.vector_load %arg9[%get3A_6] {strides = array<i32>} : memref<64xf32, #tpu.memory_space<vmem>>, vector<16xf32>,
    %get3A_8 = arith.constant 48 : index
    %get3A_9 = tpu.vector_load %arg9[%get3A_8] {strides = array<i32>} : memref<64xf32, #tpu.memory_space<vmem>>, vector<16xf32>,
    %get3A_10 = arith.constant 0 : index
    %get3A_11 = tpu.vector_load %arg10[%get3A_10] {strides = array<i32>} : memref<64xf32, #tpu.memory_space<vmem>>, vector<16xf32>,
    %get3A_12 = arith.constant 16 : index
    %get3A_13 = tpu.vector_load %arg10[%get3A_12] {strides = array<i32>} : memref<64xf32, #tpu.memory_space<vmem>>, vector<16xf32>,
    %get3A_14 = arith.constant 32 : index
    %get3A_15 = tpu.vector_load %arg10[%get3A_14] {strides = array<i32>} : memref<64xf32, #tpu.memory_space<vmem>>, vector<16xf32>,
    %get3A_16 = arith.constant 48 : index
    %get3A_17 = tpu.vector_load %arg10[%get3A_16] {strides = array<i32>} : memref<64xf32, #tpu.memory_space<vmem>>, vector<16xf32>,
    %add3A_18 = arith.constant 0 : i32
    %add3A_19 = arith.addi %mul3A_2, %add3A_18 : i32
    %mul3A_20 = arith.constant 200 : i32
    %mul3A_21 = arith.muli %add3A_19, %mul3A_20 : i32
    %multiple_of3A = tpu.assume_multiple %mul3A_21, 8 : i32
    %run_scoped3A = arith.constant 0 : i32
    "tpu.region"() ({
      %run_scoped3A_148 = tpu.sem_alloc : memref<!tpu.dma_semaphore, #tpu.memory_space<semaphore_mem>>
      %dma_start3A_149 = arith.constant 0 : i32
      %dma_start3A_150 = tpu.memref_slice %arg7[%run_scoped3A, %dma_start3A_149] : memref<2x400xi32, #tpu.memory_space<vmem>> -> memref<1x400xi32, #tpu.memory_space<vmem>>
      %dma_start3A_151 = tpu.memref_squeeze %dma_start3A_150 : memref<1x400xi32, #tpu.memory_space<vmem>> -> memref<400xi32, #tpu.memory_space<vmem>>
      %dma_start3A_152 = tpu.memref_slice %arg2[%multiple_of3A] : memref<819200xi32, #tpu.memory_space<hbm>> -> memref<400xi32, #tpu.memory_space<hbm>>
      %dma_start3A_153 = arith.constant 0 : i32
      %dma_start3A_154 = tpu.memref_slice %arg7[%run_scoped3A, %dma_start3A_153] : memref<2x400xi32, #tpu.memory_space<vmem>> -> memref<1x400xi32, #tpu.memory_space<vmem>>
      %dma_start3A_155 = tpu.memref_squeeze %dma_start3A_154 : memref<1x400xi32, #tpu.memory_space<vmem>> -> memref<400xi32, #tpu.memory_space<vmem>>
      %dma_start3A_156 = tpu.memref_slice %arg2[%multiple_of3A] : memref<819200xi32, #tpu.memory_space<hbm>> -> memref<400xi32, #tpu.memory_space<hbm>>
      tpu.enqueue_dma source(%dma_start3A_156 : memref<400xi32, #tpu.memory_space<hbm>>) target(%dma_start3A_155 : memref<400xi32, #tpu.memory_space<vmem>>) target_semaphore(%run_scoped3A_148 : memref<!tpu.dma_semaphore, #tpu.memory_space<semaphore_mem>>)
      %dma_wait3A_157 = arith.constant 0 : i32
      %dma_wait3A_158 = tpu.memref_slice %arg7[%run_scoped3A, %dma_wait3A_157] : memref<2x400xi32, #tpu.memory_space<vmem>> -> memref<1x400xi32, #tpu.memory_space<vmem>>
      %dma_wait3A_159 = tpu.memref_squeeze %dma_wait3A_158 : memref<1x400xi32, #tpu.memory_space<vmem>> -> memref<400xi32, #tpu.memory_space<vmem>>
      %dma_wait3A_160 = tpu.memref_slice %arg2[%multiple_of3A] : memref<819200xi32, #tpu.memory_space<hbm>> -> memref<400xi32, #tpu.memory_space<hbm>>
      %dma_wait3A_161 = arith.constant 0 : i32
      %dma_wait3A_162 = tpu.memref_slice %arg7[%run_scoped3A, %dma_wait3A_161] : memref<2x400xi32, #tpu.memory_space<vmem>> -> memref<1x400xi32, #tpu.memory_space<vmem>>
      %dma_wait3A_163 = tpu.memref_squeeze %dma_wait3A_162 : memref<1x400xi32, #tpu.memory_space<vmem>> -> memref<400xi32, #tpu.memory_space<vmem>>
      %dma_wait3A_164 = tpu.memref_slice %arg2[%multiple_of3A] : memref<819200xi32, #tpu.memory_space<hbm>> -> memref<400xi32, #tpu.memory_space<hbm>>
      tpu.wait_dma2 semaphore(%run_scoped3A_148 : memref<!tpu.dma_semaphore, #tpu.memory_space<semaphore_mem>>) src(%dma_wait3A_164 : memref<400xi32, #tpu.memory_space<hbm>>) dst(%dma_wait3A_163 : memref<400xi32, #tpu.memory_space<vmem>>)
      tpu.yield
    }) : () -> ()
    %dma_start3A = arith.constant 0 : i32
    %dma_start3A_22 = arith.constant 0 : i32
    %dma_start3A_23 = arith.constant 0 : i32
    %dma_start3A_24 = arith.constant 0 : i32
    %dma_start3A_25 = tpu.memref_slice %arg8[%dma_start3A_22, %dma_start3A_23, %dma_start3A_24] : memref<2x400x64xf32, #tpu.memory_space<vmem>> -> memref<1x400x64xf32, #tpu.memory_space<vmem>>
    %dma_start3A_26 = tpu.memref_squeeze %dma_start3A_25 : memref<1x400x64xf32, #tpu.memory_space<vmem>> -> memref<400x64xf32, #tpu.memory_space<vmem>>
    %dma_start3A_27 = arith.constant 0 : i32
    %dma_start3A_28 = arith.constant 0 : i32
    %dma_start3A_29 = tpu.memref_slice %dma_start3A_26[%dma_start3A_27, %dma_start3A_28] : memref<400x64xf32, #tpu.memory_space<vmem>> -> memref<96x64xf32, #tpu.memory_space<vmem>>
    %dma_start3A_30 = arith.constant 0 : i32
    %dma_start3A_31 = tpu.memref_slice %arg7[%dma_start3A, %dma_start3A_30] : memref<2x400xi32, #tpu.memory_space<vmem>> -> memref<1x400xi32, #tpu.memory_space<vmem>>
    %dma_start3A_32 = tpu.memref_squeeze %dma_start3A_31 : memref<1x400xi32, #tpu.memory_space<vmem>> -> memref<400xi32, #tpu.memory_space<vmem>>
    %dma_start3A_33 = arith.constant 0 : i32
    %dma_start3A_34 = tpu.memref_slice %dma_start3A_32[%dma_start3A_33] : memref<400xi32, #tpu.memory_space<vmem>> -> memref<96xi32, #tpu.memory_space<vmem>>
    %dma_start3A_35 = arith.constant 0 : i32
    %dma_start3A_36 = arith.constant 0 : i32
    %dma_start3A_37 = tpu.memref_slice %arg3[%dma_start3A_35, %dma_start3A_36] : memref<1000000x64xf32, #tpu.memory_space<hbm>> -> memref<1000000x64xf32, #tpu.memory_space<hbm>>
    tpu.enqueue_indirect_dma source(%dma_start3A_37 : memref<1000000x64xf32, #tpu.memory_space<hbm>>) target(%dma_start3A_29 : memref<96x64xf32, #tpu.memory_space<vmem>>) offsets(%dma_start3A_34 : memref<96xi32, #tpu.memory_space<vmem>>) semaphore(%arg11 : memref<!tpu.dma_semaphore, #tpu.memory_space<semaphore_mem>>)
    %dma_start3A_38 = arith.constant 0 : i32
    %dma_start3A_39 = arith.constant 0 : i32
    %dma_start3A_40 = arith.constant 0 : i32
    %dma_start3A_41 = arith.constant 0 : i32
    %dma_start3A_42 = tpu.memref_slice %arg8[%dma_start3A_39, %dma_start3A_40, %dma_start3A_41] : memref<2x400x64xf32, #tpu.memory_space<vmem>> -> memref<1x400x64xf32, #tpu.memory_space<vmem>>
    %dma_start3A_43 = tpu.memref_squeeze %dma_start3A_42 : memref<1x400x64xf32, #tpu.memory_space<vmem>> -> memref<400x64xf32, #tpu.memory_space<vmem>>
    %dma_start3A_44 = arith.constant 96 : i32
    %dma_start3A_45 = arith.constant 0 : i32
    %dma_start3A_46 = tpu.memref_slice %dma_start3A_43[%dma_start3A_44, %dma_start3A_45] : memref<400x64xf32, #tpu.memory_space<vmem>> -> memref<104x64xf32, #tpu.memory_space<vmem>>
    %dma_start3A_47 = arith.constant 0 : i32
    %dma_start3A_48 = tpu.memref_slice %arg7[%dma_start3A_38, %dma_start3A_47] : memref<2x400xi32, #tpu.memory_space<vmem>> -> memref<1x400xi32, #tpu.memory_space<vmem>>
    %dma_start3A_49 = tpu.memref_squeeze %dma_start3A_48 : memref<1x400xi32, #tpu.memory_space<vmem>> -> memref<400xi32, #tpu.memory_space<vmem>>
    %dma_start3A_50 = arith.constant 96 : i32
    %dma_start3A_51 = tpu.memref_slice %dma_start3A_49[%dma_start3A_50] : memref<400xi32, #tpu.memory_space<vmem>> -> memref<104xi32, #tpu.memory_space<vmem>>
    %dma_start3A_52 = arith.constant 0 : i32
    %dma_start3A_53 = arith.constant 0 : i32
    %dma_start3A_54 = tpu.memref_slice %arg3[%dma_start3A_52, %dma_start3A_53] : memref<1000000x64xf32, #tpu.memory_space<hbm>> -> memref<1000000x64xf32, #tpu.memory_space<hbm>>
    tpu.enqueue_indirect_dma source(%dma_start3A_54 : memref<1000000x64xf32, #tpu.memory_space<hbm>>) target(%dma_start3A_46 : memref<104x64xf32, #tpu.memory_space<vmem>>) offsets(%dma_start3A_51 : memref<104xi32, #tpu.memory_space<vmem>>) semaphore(%arg11 : memref<!tpu.dma_semaphore, #tpu.memory_space<semaphore_mem>>)
    %dma_start3A_55 = arith.constant 0 : i32
    %dma_start3A_56 = arith.constant 0 : i32
    %dma_start3A_57 = arith.constant 0 : i32
    %dma_start3A_58 = arith.constant 0 : i32
    %dma_start3A_59 = tpu.memref_slice %arg8[%dma_start3A_56, %dma_start3A_57, %dma_start3A_58] : memref<2x400x64xf32, #tpu.memory_space<vmem>> -> memref<1x400x64xf32, #tpu.memory_space<vmem>>
    %dma_start3A_60 = tpu.memref_squeeze %dma_start3A_59 : memref<1x400x64xf32, #tpu.memory_space<vmem>> -> memref<400x64xf32, #tpu.memory_space<vmem>>
    %dma_start3A_61 = arith.constant 200 : i32
    %dma_start3A_62 = arith.constant 0 : i32
    %dma_start3A_63 = tpu.memref_slice %dma_start3A_60[%dma_start3A_61, %dma_start3A_62] : memref<400x64xf32, #tpu.memory_space<vmem>> -> memref<96x64xf32, #tpu.memory_space<vmem>>
    %dma_start3A_64 = arith.constant 0 : i32
    %dma_start3A_65 = tpu.memref_slice %arg7[%dma_start3A_55, %dma_start3A_64] : memref<2x400xi32, #tpu.memory_space<vmem>> -> memref<1x400xi32, #tpu.memory_space<vmem>>
    %dma_start3A_66 = tpu.memref_squeeze %dma_start3A_65 : memref<1x400xi32, #tpu.memory_space<vmem>> -> memref<400xi32, #tpu.memory_space<vmem>>
    %dma_start3A_67 = arith.constant 200 : i32
    %dma_start3A_68 = tpu.memref_slice %dma_start3A_66[%dma_start3A_67] : memref<400xi32, #tpu.memory_space<vmem>> -> memref<96xi32, #tpu.memory_space<vmem>>
    %dma_start3A_69 = arith.constant 0 : i32
    %dma_start3A_70 = arith.constant 0 : i32
    %dma_start3A_71 = tpu.memref_slice %arg3[%dma_start3A_69, %dma_start3A_70] : memref<1000000x64xf32, #tpu.memory_space<hbm>> -> memref<1000000x64xf32, #tpu.memory_space<hbm>>
    tpu.enqueue_indirect_dma source(%dma_start3A_71 : memref<1000000x64xf32, #tpu.memory_space<hbm>>) target(%dma_start3A_63 : memref<96x64xf32, #tpu.memory_space<vmem>>) offsets(%dma_start3A_68 : memref<96xi32, #tpu.memory_space<vmem>>) semaphore(%arg11 : memref<!tpu.dma_semaphore, #tpu.memory_space<semaphore_mem>>)
    %dma_start3A_72 = arith.constant 0 : i32
    %dma_start3A_73 = arith.constant 0 : i32
    %dma_start3A_74 = arith.constant 0 : i32
    %dma_start3A_75 = arith.constant 0 : i32
    %dma_start3A_76 = tpu.memref_slice %arg8[%dma_start3A_73, %dma_start3A_74, %dma_start3A_75] : memref<2x400x64xf32, #tpu.memory_space<vmem>> -> memref<1x400x64xf32, #tpu.memory_space<vmem>>
    %dma_start3A_77 = tpu.memref_squeeze %dma_start3A_76 : memref<1x400x64xf32, #tpu.memory_space<vmem>> -> memref<400x64xf32, #tpu.memory_space<vmem>>
    %dma_start3A_78 = arith.constant 296 : i32
    %dma_start3A_79 = arith.constant 0 : i32
    %dma_start3A_80 = tpu.memref_slice %dma_start3A_77[%dma_start3A_78, %dma_start3A_79] : memref<400x64xf32, #tpu.memory_space<vmem>> -> memref<104x64xf32, #tpu.memory_space<vmem>>
    %dma_start3A_81 = arith.constant 0 : i32
    %dma_start3A_82 = tpu.memref_slice %arg7[%dma_start3A_72, %dma_start3A_81] : memref<2x400xi32, #tpu.memory_space<vmem>> -> memref<1x400xi32, #tpu.memory_space<vmem>>
    %dma_start3A_83 = tpu.memref_squeeze %dma_start3A_82 : memref<1x400xi32, #tpu.memory_space<vmem>> -> memref<400xi32, #tpu.memory_space<vmem>>
    %dma_start3A_84 = arith.constant 296 : i32
    %dma_start3A_85 = tpu.memref_slice %dma_start3A_83[%dma_start3A_84] : memref<400xi32, #tpu.memory_space<vmem>> -> memref<104xi32, #tpu.memory_space<vmem>>
    %dma_start3A_86 = arith.constant 0 : i32
    %dma_start3A_87 = arith.constant 0 : i32
    %dma_start3A_88 = tpu.memref_slice %arg3[%dma_start3A_86, %dma_start3A_87] : memref<1000000x64xf32, #tpu.memory_space<hbm>> -> memref<1000000x64xf32, #tpu.memory_space<hbm>>
    tpu.enqueue_indirect_dma source(%dma_start3A_88 : memref<1000000x64xf32, #tpu.memory_space<hbm>>) target(%dma_start3A_80 : memref<104x64xf32, #tpu.memory_space<vmem>>) offsets(%dma_start3A_85 : memref<104xi32, #tpu.memory_space<vmem>>) semaphore(%arg11 : memref<!tpu.dma_semaphore, #tpu.memory_space<semaphore_mem>>)
    %scan3A = arith.constant 0 : i32
    %scan3A_89 = arith.constant 0 : i32
    %scan3A_90 = arith.constant 64 : i32
    %scan3A_91 = arith.addi %scan3A_89, %scan3A_90 : i32
    %scan3A_92 = arith.constant 1 : i32
    %scan3A_93 = scf.for %scan3A_148 = %scan3A_89 to %scan3A_91 step %scan3A_92 iter_args(%scan3A_149 = %scan3A) -> (i32)  : i32 {
      %rem3A_150 = arith.constant 2 : i32
      %rem3A_151 = arith.remsi %scan3A_148, %rem3A_150 : i32
      %add3A_152 = arith.constant 1 : i32
      %add3A_153 = arith.addi %scan3A_148, %add3A_152 : i32
      %rem3A_154 = arith.constant 2 : i32
      %rem3A_155 = arith.remsi %add3A_153, %rem3A_154 : i32
      %dma_wait3A_156 = arith.constant 0 : i32
      %dma_wait3A_157 = arith.constant 0 : i32
      %dma_wait3A_158 = tpu.memref_slice %arg8[%rem3A_151, %dma_wait3A_156, %dma_wait3A_157] : memref<2x400x64xf32, #tpu.memory_space<vmem>> -> memref<1x400x64xf32, #tpu.memory_space<vmem>>
      %dma_wait3A_159 = tpu.memref_squeeze %dma_wait3A_158 : memref<1x400x64xf32, #tpu.memory_space<vmem>> -> memref<400x64xf32, #tpu.memory_space<vmem>>
      %dma_wait3A_160 = arith.constant 0 : i32
      %dma_wait3A_161 = arith.constant 0 : i32
      %dma_wait3A_162 = tpu.memref_slice %dma_wait3A_159[%dma_wait3A_160, %dma_wait3A_161] : memref<400x64xf32, #tpu.memory_space<vmem>> -> memref<96x64xf32, #tpu.memory_space<vmem>>
      %dma_wait3A_163 = arith.constant 0 : i32
      %dma_wait3A_164 = tpu.memref_slice %arg7[%rem3A_151, %dma_wait3A_163] : memref<2x400xi32, #tpu.memory_space<vmem>> -> memref<1x400xi32, #tpu.memory_space<vmem>>
      %dma_wait3A_165 = tpu.memref_squeeze %dma_wait3A_164 : memref<1x400xi32, #tpu.memory_space<vmem>> -> memref<400xi32, #tpu.memory_space<vmem>>
      %dma_wait3A_166 = arith.constant 0 : i32
      %dma_wait3A_167 = tpu.memref_slice %dma_wait3A_165[%dma_wait3A_166] : memref<400xi32, #tpu.memory_space<vmem>> -> memref<96xi32, #tpu.memory_space<vmem>>
      %dma_wait3A_168 = arith.constant 0 : i32
      %dma_wait3A_169 = arith.constant 0 : i32
      %dma_wait3A_170 = tpu.memref_slice %arg3[%dma_wait3A_168, %dma_wait3A_169] : memref<1000000x64xf32, #tpu.memory_space<hbm>> -> memref<1000000x64xf32, #tpu.memory_space<hbm>>
      tpu.wait_indirect_dma semaphore(%arg11 : memref<!tpu.dma_semaphore, #tpu.memory_space<semaphore_mem>>) src(%dma_wait3A_170 : memref<1000000x64xf32, #tpu.memory_space<hbm>>) dst(%dma_wait3A_162 : memref<96x64xf32, #tpu.memory_space<vmem>>)
      %dma_wait3A_171 = arith.constant 0 : i32
      %dma_wait3A_172 = arith.constant 0 : i32
      %dma_wait3A_173 = tpu.memref_slice %arg8[%rem3A_151, %dma_wait3A_171, %dma_wait3A_172] : memref<2x400x64xf32, #tpu.memory_space<vmem>> -> memref<1x400x64xf32, #tpu.memory_space<vmem>>
      %dma_wait3A_174 = tpu.memref_squeeze %dma_wait3A_173 : memref<1x400x64xf32, #tpu.memory_space<vmem>> -> memref<400x64xf32, #tpu.memory_space<vmem>>
      %dma_wait3A_175 = arith.constant 96 : i32
      %dma_wait3A_176 = arith.constant 0 : i32
      %dma_wait3A_177 = tpu.memref_slice %dma_wait3A_174[%dma_wait3A_175, %dma_wait3A_176] : memref<400x64xf32, #tpu.memory_space<vmem>> -> memref<104x64xf32, #tpu.memory_space<vmem>>
      %dma_wait3A_178 = arith.constant 0 : i32
      %dma_wait3A_179 = tpu.memref_slice %arg7[%rem3A_151, %dma_wait3A_178] : memref<2x400xi32, #tpu.memory_space<vmem>> -> memref<1x400xi32, #tpu.memory_space<vmem>>
      %dma_wait3A_180 = tpu.memref_squeeze %dma_wait3A_179 : memref<1x400xi32, #tpu.memory_space<vmem>> -> memref<400xi32, #tpu.memory_space<vmem>>
      %dma_wait3A_181 = arith.constant 96 : i32
      %dma_wait3A_182 = tpu.memref_slice %dma_wait3A_180[%dma_wait3A_181] : memref<400xi32, #tpu.memory_space<vmem>> -> memref<104xi32, #tpu.memory_space<vmem>>
      %dma_wait3A_183 = arith.constant 0 : i32
      %dma_wait3A_184 = arith.constant 0 : i32
      %dma_wait3A_185 = tpu.memref_slice %arg3[%dma_wait3A_183, %dma_wait3A_184] : memref<1000000x64xf32, #tpu.memory_space<hbm>> -> memref<1000000x64xf32, #tpu.memory_space<hbm>>
      tpu.wait_indirect_dma semaphore(%arg11 : memref<!tpu.dma_semaphore, #tpu.memory_space<semaphore_mem>>) src(%dma_wait3A_185 : memref<1000000x64xf32, #tpu.memory_space<hbm>>) dst(%dma_wait3A_177 : memref<104x64xf32, #tpu.memory_space<vmem>>)
      %dma_wait3A_186 = arith.constant 0 : i32
      %dma_wait3A_187 = arith.constant 0 : i32
      %dma_wait3A_188 = tpu.memref_slice %arg8[%rem3A_151, %dma_wait3A_186, %dma_wait3A_187] : memref<2x400x64xf32, #tpu.memory_space<vmem>> -> memref<1x400x64xf32, #tpu.memory_space<vmem>>
      %dma_wait3A_189 = tpu.memref_squeeze %dma_wait3A_188 : memref<1x400x64xf32, #tpu.memory_space<vmem>> -> memref<400x64xf32, #tpu.memory_space<vmem>>
      %dma_wait3A_190 = arith.constant 200 : i32
      %dma_wait3A_191 = arith.constant 0 : i32
      %dma_wait3A_192 = tpu.memref_slice %dma_wait3A_189[%dma_wait3A_190, %dma_wait3A_191] : memref<400x64xf32, #tpu.memory_space<vmem>> -> memref<96x64xf32, #tpu.memory_space<vmem>>
      %dma_wait3A_193 = arith.constant 0 : i32
      %dma_wait3A_194 = tpu.memref_slice %arg7[%rem3A_151, %dma_wait3A_193] : memref<2x400xi32, #tpu.memory_space<vmem>> -> memref<1x400xi32, #tpu.memory_space<vmem>>
      %dma_wait3A_195 = tpu.memref_squeeze %dma_wait3A_194 : memref<1x400xi32, #tpu.memory_space<vmem>> -> memref<400xi32, #tpu.memory_space<vmem>>
      %dma_wait3A_196 = arith.constant 200 : i32
      %dma_wait3A_197 = tpu.memref_slice %dma_wait3A_195[%dma_wait3A_196] : memref<400xi32, #tpu.memory_space<vmem>> -> memref<96xi32, #tpu.memory_space<vmem>>
      %dma_wait3A_198 = arith.constant 0 : i32
      %dma_wait3A_199 = arith.constant 0 : i32
      %dma_wait3A_200 = tpu.memref_slice %arg3[%dma_wait3A_198, %dma_wait3A_199] : memref<1000000x64xf32, #tpu.memory_space<hbm>> -> memref<1000000x64xf32, #tpu.memory_space<hbm>>
      tpu.wait_indirect_dma semaphore(%arg11 : memref<!tpu.dma_semaphore, #tpu.memory_space<semaphore_mem>>) src(%dma_wait3A_200 : memref<1000000x64xf32, #tpu.memory_space<hbm>>) dst(%dma_wait3A_192 : memref<96x64xf32, #tpu.memory_space<vmem>>)
      %dma_wait3A_201 = arith.constant 0 : i32
      %dma_wait3A_202 = arith.constant 0 : i32
      %dma_wait3A_203 = tpu.memref_slice %arg8[%rem3A_151, %dma_wait3A_201, %dma_wait3A_202] : memref<2x400x64xf32, #tpu.memory_space<vmem>> -> memref<1x400x64xf32, #tpu.memory_space<vmem>>
      %dma_wait3A_204 = tpu.memref_squeeze %dma_wait3A_203 : memref<1x400x64xf32, #tpu.memory_space<vmem>> -> memref<400x64xf32, #tpu.memory_space<vmem>>
      %dma_wait3A_205 = arith.constant 296 : i32
      %dma_wait3A_206 = arith.constant 0 : i32
      %dma_wait3A_207 = tpu.memref_slice %dma_wait3A_204[%dma_wait3A_205, %dma_wait3A_206] : memref<400x64xf32, #tpu.memory_space<vmem>> -> memref<104x64xf32, #tpu.memory_space<vmem>>
      %dma_wait3A_208 = arith.constant 0 : i32
      %dma_wait3A_209 = tpu.memref_slice %arg7[%rem3A_151, %dma_wait3A_208] : memref<2x400xi32, #tpu.memory_space<vmem>> -> memref<1x400xi32, #tpu.memory_space<vmem>>
      %dma_wait3A_210 = tpu.memref_squeeze %dma_wait3A_209 : memref<1x400xi32, #tpu.memory_space<vmem>> -> memref<400xi32, #tpu.memory_space<vmem>>
      %dma_wait3A_211 = arith.constant 296 : i32
      %dma_wait3A_212 = tpu.memref_slice %dma_wait3A_210[%dma_wait3A_211] : memref<400xi32, #tpu.memory_space<vmem>> -> memref<104xi32, #tpu.memory_space<vmem>>
      %dma_wait3A_213 = arith.constant 0 : i32
      %dma_wait3A_214 = arith.constant 0 : i32
      %dma_wait3A_215 = tpu.memref_slice %arg3[%dma_wait3A_213, %dma_wait3A_214] : memref<1000000x64xf32, #tpu.memory_space<hbm>> -> memref<1000000x64xf32, #tpu.memory_space<hbm>>
      tpu.wait_indirect_dma semaphore(%arg11 : memref<!tpu.dma_semaphore, #tpu.memory_space<semaphore_mem>>) src(%dma_wait3A_215 : memref<1000000x64xf32, #tpu.memory_space<hbm>>) dst(%dma_wait3A_207 : memref<104x64xf32, #tpu.memory_space<vmem>>)
      %ge3A = arith.constant 1 : i32
      %ge3A_216 = arith.cmpi sge, %scan3A_148, %ge3A : i32
      %convert_element_type3A = arith.extui %ge3A_216 : i1 to i32
      %cond3A = arith.constant 0 : i32
      %cond3A_217 = arith.cmpi ne, %convert_element_type3A, %cond3A : i32
      scf.if %cond3A_217 {
        %sub3A = arith.constant 1 : i32
        %sub3A_376 = arith.subi %scan3A_148, %sub3A : i32
        %mul3A_377 = arith.constant 2 : i32
        %mul3A_378 = arith.muli %sub3A_376, %mul3A_377 : i32
        %add3A_379 = arith.addi %mul3A_2, %mul3A_378 : i32
        %add3A_380 = arith.constant 0 : i32
        %add3A_381 = arith.addi %add3A_379, %add3A_380 : i32
        %mul3A_382 = arith.constant 2 : i32
        %mul3A_383 = arith.muli %sub3A_376, %mul3A_382 : i32
        %add3A_384 = arith.addi %mul3A_2, %mul3A_383 : i32
        %add3A_385 = arith.constant 1 : i32
        %add3A_386 = arith.addi %add3A_384, %add3A_385 : i32
        %dma_wait3A_387 = arith.constant 0 : i32
        %dma_wait3A_388 = arith.constant 0 : i32
        %dma_wait3A_389 = tpu.memref_slice %arg8[%rem3A_155, %dma_wait3A_387, %dma_wait3A_388] : memref<2x400x64xf32, #tpu.memory_space<vmem>> -> memref<1x400x64xf32, #tpu.memory_space<vmem>>
        %dma_wait3A_390 = tpu.memref_squeeze %dma_wait3A_389 : memref<1x400x64xf32, #tpu.memory_space<vmem>> -> memref<400x64xf32, #tpu.memory_space<vmem>>
        %dma_wait3A_391 = arith.constant 0 : i32
        %dma_wait3A_392 = arith.constant 0 : i32
        %dma_wait3A_393 = tpu.memref_slice %dma_wait3A_390[%dma_wait3A_391, %dma_wait3A_392] : memref<400x64xf32, #tpu.memory_space<vmem>> -> memref<200x64xf32, #tpu.memory_space<vmem>>
        %dma_wait3A_394 = arith.constant 0 : i32
        %dma_wait3A_395 = arith.constant 0 : i32
        %dma_wait3A_396 = tpu.memref_slice %arg6[%add3A_381, %dma_wait3A_394, %dma_wait3A_395] : memref<4096x200x64xf32, #tpu.memory_space<hbm>> -> memref<1x200x64xf32, #tpu.memory_space<hbm>>
        %dma_wait3A_397 = tpu.memref_squeeze %dma_wait3A_396 : memref<1x200x64xf32, #tpu.memory_space<hbm>> -> memref<200x64xf32, #tpu.memory_space<hbm>>
        %dma_wait3A_398 = arith.constant 0 : i32
        %dma_wait3A_399 = arith.constant 0 : i32
        %dma_wait3A_400 = tpu.memref_slice %arg6[%add3A_381, %dma_wait3A_398, %dma_wait3A_399] : memref<4096x200x64xf32, #tpu.memory_space<hbm>> -> memref<1x200x64xf32, #tpu.memory_space<hbm>>
        %dma_wait3A_401 = tpu.memref_squeeze %dma_wait3A_400 : memref<1x200x64xf32, #tpu.memory_space<hbm>> -> memref<200x64xf32, #tpu.memory_space<hbm>>
        %dma_wait3A_402 = arith.constant 0 : i32
        %dma_wait3A_403 = arith.constant 0 : i32
        %dma_wait3A_404 = tpu.memref_slice %arg8[%rem3A_155, %dma_wait3A_402, %dma_wait3A_403] : memref<2x400x64xf32, #tpu.memory_space<vmem>> -> memref<1x400x64xf32, #tpu.memory_space<vmem>>
        %dma_wait3A_405 = tpu.memref_squeeze %dma_wait3A_404 : memref<1x400x64xf32, #tpu.memory_space<vmem>> -> memref<400x64xf32, #tpu.memory_space<vmem>>
        %dma_wait3A_406 = arith.constant 0 : i32
        %dma_wait3A_407 = arith.constant 0 : i32
        %dma_wait3A_408 = tpu.memref_slice %dma_wait3A_405[%dma_wait3A_406, %dma_wait3A_407] : memref<400x64xf32, #tpu.memory_space<vmem>> -> memref<200x64xf32, #tpu.memory_space<vmem>>
        tpu.wait_dma2 semaphore(%arg12 : memref<!tpu.dma_semaphore, #tpu.memory_space<semaphore_mem>>) src(%dma_wait3A_408 : memref<200x64xf32, #tpu.memory_space<vmem>>) dst(%dma_wait3A_401 : memref<200x64xf32, #tpu.memory_space<hbm>>)
        %dma_wait3A_409 = arith.constant 0 : i32
        %dma_wait3A_410 = arith.constant 0 : i32
        %dma_wait3A_411 = tpu.memref_slice %arg8[%rem3A_155, %dma_wait3A_409, %dma_wait3A_410] : memref<2x400x64xf32, #tpu.memory_space<vmem>> -> memref<1x400x64xf32, #tpu.memory_space<vmem>>
        %dma_wait3A_412 = tpu.memref_squeeze %dma_wait3A_411 : memref<1x400x64xf32, #tpu.memory_space<vmem>> -> memref<400x64xf32, #tpu.memory_space<vmem>>
        %dma_wait3A_413 = arith.constant 200 : i32
        %dma_wait3A_414 = arith.constant 0 : i32
        %dma_wait3A_415 = tpu.memref_slice %dma_wait3A_412[%dma_wait3A_413, %dma_wait3A_414] : memref<400x64xf32, #tpu.memory_space<vmem>> -> memref<200x64xf32, #tpu.memory_space<vmem>>
        %dma_wait3A_416 = arith.constant 0 : i32
        %dma_wait3A_417 = arith.constant 0 : i32
        %dma_wait3A_418 = tpu.memref_slice %arg6[%add3A_386, %dma_wait3A_416, %dma_wait3A_417] : memref<4096x200x64xf32, #tpu.memory_space<hbm>> -> memref<1x200x64xf32, #tpu.memory_space<hbm>>
        %dma_wait3A_419 = tpu.memref_squeeze %dma_wait3A_418 : memref<1x200x64xf32, #tpu.memory_space<hbm>> -> memref<200x64xf32, #tpu.memory_space<hbm>>
        %dma_wait3A_420 = arith.constant 0 : i32
        %dma_wait3A_421 = arith.constant 0 : i32
        %dma_wait3A_422 = tpu.memref_slice %arg6[%add3A_386, %dma_wait3A_420, %dma_wait3A_421] : memref<4096x200x64xf32, #tpu.memory_space<hbm>> -> memref<1x200x64xf32, #tpu.memory_space<hbm>>
        %dma_wait3A_423 = tpu.memref_squeeze %dma_wait3A_422 : memref<1x200x64xf32, #tpu.memory_space<hbm>> -> memref<200x64xf32, #tpu.memory_space<hbm>>
        %dma_wait3A_424 = arith.constant 0 : i32
        %dma_wait3A_425 = arith.constant 0 : i32
        %dma_wait3A_426 = tpu.memref_slice %arg8[%rem3A_155, %dma_wait3A_424, %dma_wait3A_425] : memref<2x400x64xf32, #tpu.memory_space<vmem>> -> memref<1x400x64xf32, #tpu.memory_space<vmem>>
        %dma_wait3A_427 = tpu.memref_squeeze %dma_wait3A_426 : memref<1x400x64xf32, #tpu.memory_space<vmem>> -> memref<400x64xf32, #tpu.memory_space<vmem>>
        %dma_wait3A_428 = arith.constant 200 : i32
        %dma_wait3A_429 = arith.constant 0 : i32
        %dma_wait3A_430 = tpu.memref_slice %dma_wait3A_427[%dma_wait3A_428, %dma_wait3A_429] : memref<400x64xf32, #tpu.memory_space<vmem>> -> memref<200x64xf32, #tpu.memory_space<vmem>>
        tpu.wait_dma2 semaphore(%arg12 : memref<!tpu.dma_semaphore, #tpu.memory_space<semaphore_mem>>) src(%dma_wait3A_430 : memref<200x64xf32, #tpu.memory_space<vmem>>) dst(%dma_wait3A_423 : memref<200x64xf32, #tpu.memory_space<hbm>>)
      } else {
      }
      %add3A_218 = arith.constant 1 : i32
      %add3A_219 = arith.addi %scan3A_148, %add3A_218 : i32
      %lt3A = arith.constant 64 : i32
      %lt3A_220 = arith.cmpi slt, %add3A_219, %lt3A : i32
      %convert_element_type3A_221 = arith.extui %lt3A_220 : i1 to i32
      %cond3A_222 = arith.constant 0 : i32
      %cond3A_223 = arith.cmpi ne, %convert_element_type3A_221, %cond3A_222 : i32
      scf.if %cond3A_223 {
        %add3A_376 = arith.constant 1 : i32
        %add3A_377 = arith.addi %scan3A_148, %add3A_376 : i32
        %mul3A_378 = arith.constant 2 : i32
        %mul3A_379 = arith.muli %add3A_377, %mul3A_378 : i32
        %add3A_380 = arith.addi %mul3A_2, %mul3A_379 : i32
        %mul3A_381 = arith.constant 200 : i32
        %mul3A_382 = arith.muli %add3A_380, %mul3A_381 : i32
        %multiple_of3A_383 = tpu.assume_multiple %mul3A_382, 8 : i32
        "tpu.region"() ({
          %run_scoped3A_444 = tpu.sem_alloc : memref<!tpu.dma_semaphore, #tpu.memory_space<semaphore_mem>>
          %dma_start3A_445 = arith.constant 0 : i32
          %dma_start3A_446 = tpu.memref_slice %arg7[%rem3A_155, %dma_start3A_445] : memref<2x400xi32, #tpu.memory_space<vmem>> -> memref<1x400xi32, #tpu.memory_space<vmem>>
          %dma_start3A_447 = tpu.memref_squeeze %dma_start3A_446 : memref<1x400xi32, #tpu.memory_space<vmem>> -> memref<400xi32, #tpu.memory_space<vmem>>
          %dma_start3A_448 = tpu.memref_slice %arg2[%multiple_of3A_383] : memref<819200xi32, #tpu.memory_space<hbm>> -> memref<400xi32, #tpu.memory_space<hbm>>
          %dma_start3A_449 = arith.constant 0 : i32
          %dma_start3A_450 = tpu.memref_slice %arg7[%rem3A_155, %dma_start3A_449] : memref<2x400xi32, #tpu.memory_space<vmem>> -> memref<1x400xi32, #tpu.memory_space<vmem>>
          %dma_start3A_451 = tpu.memref_squeeze %dma_start3A_450 : memref<1x400xi32, #tpu.memory_space<vmem>> -> memref<400xi32, #tpu.memory_space<vmem>>
          %dma_start3A_452 = tpu.memref_slice %arg2[%multiple_of3A_383] : memref<819200xi32, #tpu.memory_space<hbm>> -> memref<400xi32, #tpu.memory_space<hbm>>
          tpu.enqueue_dma source(%dma_start3A_452 : memref<400xi32, #tpu.memory_space<hbm>>) target(%dma_start3A_451 : memref<400xi32, #tpu.memory_space<vmem>>) target_semaphore(%run_scoped3A_444 : memref<!tpu.dma_semaphore, #tpu.memory_space<semaphore_mem>>)
          %dma_wait3A_453 = arith.constant 0 : i32
          %dma_wait3A_454 = tpu.memref_slice %arg7[%rem3A_155, %dma_wait3A_453] : memref<2x400xi32, #tpu.memory_space<vmem>> -> memref<1x400xi32, #tpu.memory_space<vmem>>
          %dma_wait3A_455 = tpu.memref_squeeze %dma_wait3A_454 : memref<1x400xi32, #tpu.memory_space<vmem>> -> memref<400xi32, #tpu.memory_space<vmem>>
          %dma_wait3A_456 = tpu.memref_slice %arg2[%multiple_of3A_383] : memref<819200xi32, #tpu.memory_space<hbm>> -> memref<400xi32, #tpu.memory_space<hbm>>
          %dma_wait3A_457 = arith.constant 0 : i32
          %dma_wait3A_458 = tpu.memref_slice %arg7[%rem3A_155, %dma_wait3A_457] : memref<2x400xi32, #tpu.memory_space<vmem>> -> memref<1x400xi32, #tpu.memory_space<vmem>>
          %dma_wait3A_459 = tpu.memref_squeeze %dma_wait3A_458 : memref<1x400xi32, #tpu.memory_space<vmem>> -> memref<400xi32, #tpu.memory_space<vmem>>
          %dma_wait3A_460 = tpu.memref_slice %arg2[%multiple_of3A_383] : memref<819200xi32, #tpu.memory_space<hbm>> -> memref<400xi32, #tpu.memory_space<hbm>>
          tpu.wait_dma2 semaphore(%run_scoped3A_444 : memref<!tpu.dma_semaphore, #tpu.memory_space<semaphore_mem>>) src(%dma_wait3A_460 : memref<400xi32, #tpu.memory_space<hbm>>) dst(%dma_wait3A_459 : memref<400xi32, #tpu.memory_space<vmem>>)
          tpu.yield
        }) : () -> ()
        %dma_start3A_384 = arith.constant 0 : i32
        %dma_start3A_385 = arith.constant 0 : i32
        %dma_start3A_386 = tpu.memref_slice %arg8[%rem3A_155, %dma_start3A_384, %dma_start3A_385] : memref<2x400x64xf32, #tpu.memory_space<vmem>> -> memref<1x400x64xf32, #tpu.memory_space<vmem>>
        %dma_start3A_387 = tpu.memref_squeeze %dma_start3A_386 : memref<1x400x64xf32, #tpu.memory_space<vmem>> -> memref<400x64xf32, #tpu.memory_space<vmem>>
        %dma_start3A_388 = arith.constant 0 : i32
        %dma_start3A_389 = arith.constant 0 : i32
        %dma_start3A_390 = tpu.memref_slice %dma_start3A_387[%dma_start3A_388, %dma_start3A_389] : memref<400x64xf32, #tpu.memory_space<vmem>> -> memref<96x64xf32, #tpu.memory_space<vmem>>
        %dma_start3A_391 = arith.constant 0 : i32
        %dma_start3A_392 = tpu.memref_slice %arg7[%rem3A_155, %dma_start3A_391] : memref<2x400xi32, #tpu.memory_space<vmem>> -> memref<1x400xi32, #tpu.memory_space<vmem>>
        %dma_start3A_393 = tpu.memref_squeeze %dma_start3A_392 : memref<1x400xi32, #tpu.memory_space<vmem>> -> memref<400xi32, #tpu.memory_space<vmem>>
        %dma_start3A_394 = arith.constant 0 : i32
        %dma_start3A_395 = tpu.memref_slice %dma_start3A_393[%dma_start3A_394] : memref<400xi32, #tpu.memory_space<vmem>> -> memref<96xi32, #tpu.memory_space<vmem>>
        %dma_start3A_396 = arith.constant 0 : i32
        %dma_start3A_397 = arith.constant 0 : i32
        %dma_start3A_398 = tpu.memref_slice %arg3[%dma_start3A_396, %dma_start3A_397] : memref<1000000x64xf32, #tpu.memory_space<hbm>> -> memref<1000000x64xf32, #tpu.memory_space<hbm>>
        tpu.enqueue_indirect_dma source(%dma_start3A_398 : memref<1000000x64xf32, #tpu.memory_space<hbm>>) target(%dma_start3A_390 : memref<96x64xf32, #tpu.memory_space<vmem>>) offsets(%dma_start3A_395 : memref<96xi32, #tpu.memory_space<vmem>>) semaphore(%arg11 : memref<!tpu.dma_semaphore, #tpu.memory_space<semaphore_mem>>)
        %dma_start3A_399 = arith.constant 0 : i32
        %dma_start3A_400 = arith.constant 0 : i32
        %dma_start3A_401 = tpu.memref_slice %arg8[%rem3A_155, %dma_start3A_399, %dma_start3A_400] : memref<2x400x64xf32, #tpu.memory_space<vmem>> -> memref<1x400x64xf32, #tpu.memory_space<vmem>>
        %dma_start3A_402 = tpu.memref_squeeze %dma_start3A_401 : memref<1x400x64xf32, #tpu.memory_space<vmem>> -> memref<400x64xf32, #tpu.memory_space<vmem>>
        %dma_start3A_403 = arith.constant 96 : i32
        %dma_start3A_404 = arith.constant 0 : i32
        %dma_start3A_405 = tpu.memref_slice %dma_start3A_402[%dma_start3A_403, %dma_start3A_404] : memref<400x64xf32, #tpu.memory_space<vmem>> -> memref<104x64xf32, #tpu.memory_space<vmem>>
        %dma_start3A_406 = arith.constant 0 : i32
        %dma_start3A_407 = tpu.memref_slice %arg7[%rem3A_155, %dma_start3A_406] : memref<2x400xi32, #tpu.memory_space<vmem>> -> memref<1x400xi32, #tpu.memory_space<vmem>>
        %dma_start3A_408 = tpu.memref_squeeze %dma_start3A_407 : memref<1x400xi32, #tpu.memory_space<vmem>> -> memref<400xi32, #tpu.memory_space<vmem>>
        %dma_start3A_409 = arith.constant 96 : i32
        %dma_start3A_410 = tpu.memref_slice %dma_start3A_408[%dma_start3A_409] : memref<400xi32, #tpu.memory_space<vmem>> -> memref<104xi32, #tpu.memory_space<vmem>>
        %dma_start3A_411 = arith.constant 0 : i32
        %dma_start3A_412 = arith.constant 0 : i32
        %dma_start3A_413 = tpu.memref_slice %arg3[%dma_start3A_411, %dma_start3A_412] : memref<1000000x64xf32, #tpu.memory_space<hbm>> -> memref<1000000x64xf32, #tpu.memory_space<hbm>>
        tpu.enqueue_indirect_dma source(%dma_start3A_413 : memref<1000000x64xf32, #tpu.memory_space<hbm>>) target(%dma_start3A_405 : memref<104x64xf32, #tpu.memory_space<vmem>>) offsets(%dma_start3A_410 : memref<104xi32, #tpu.memory_space<vmem>>) semaphore(%arg11 : memref<!tpu.dma_semaphore, #tpu.memory_space<semaphore_mem>>)
        %dma_start3A_414 = arith.constant 0 : i32
        %dma_start3A_415 = arith.constant 0 : i32
        %dma_start3A_416 = tpu.memref_slice %arg8[%rem3A_155, %dma_start3A_414, %dma_start3A_415] : memref<2x400x64xf32, #tpu.memory_space<vmem>> -> memref<1x400x64xf32, #tpu.memory_space<vmem>>
        %dma_start3A_417 = tpu.memref_squeeze %dma_start3A_416 : memref<1x400x64xf32, #tpu.memory_space<vmem>> -> memref<400x64xf32, #tpu.memory_space<vmem>>
        %dma_start3A_418 = arith.constant 200 : i32
        %dma_start3A_419 = arith.constant 0 : i32
        %dma_start3A_420 = tpu.memref_slice %dma_start3A_417[%dma_start3A_418, %dma_start3A_419] : memref<400x64xf32, #tpu.memory_space<vmem>> -> memref<96x64xf32, #tpu.memory_space<vmem>>
        %dma_start3A_421 = arith.constant 0 : i32
        %dma_start3A_422 = tpu.memref_slice %arg7[%rem3A_155, %dma_start3A_421] : memref<2x400xi32, #tpu.memory_space<vmem>> -> memref<1x400xi32, #tpu.memory_space<vmem>>
        %dma_start3A_423 = tpu.memref_squeeze %dma_start3A_422 : memref<1x400xi32, #tpu.memory_space<vmem>> -> memref<400xi32, #tpu.memory_space<vmem>>
        %dma_start3A_424 = arith.constant 200 : i32
        %dma_start3A_425 = tpu.memref_slice %dma_start3A_423[%dma_start3A_424] : memref<400xi32, #tpu.memory_space<vmem>> -> memref<96xi32, #tpu.memory_space<vmem>>
        %dma_start3A_426 = arith.constant 0 : i32
        %dma_start3A_427 = arith.constant 0 : i32
        %dma_start3A_428 = tpu.memref_slice %arg3[%dma_start3A_426, %dma_start3A_427] : memref<1000000x64xf32, #tpu.memory_space<hbm>> -> memref<1000000x64xf32, #tpu.memory_space<hbm>>
        tpu.enqueue_indirect_dma source(%dma_start3A_428 : memref<1000000x64xf32, #tpu.memory_space<hbm>>) target(%dma_start3A_420 : memref<96x64xf32, #tpu.memory_space<vmem>>) offsets(%dma_start3A_425 : memref<96xi32, #tpu.memory_space<vmem>>) semaphore(%arg11 : memref<!tpu.dma_semaphore, #tpu.memory_space<semaphore_mem>>)
        %dma_start3A_429 = arith.constant 0 : i32
        %dma_start3A_430 = arith.constant 0 : i32
        %dma_start3A_431 = tpu.memref_slice %arg8[%rem3A_155, %dma_start3A_429, %dma_start3A_430] : memref<2x400x64xf32, #tpu.memory_space<vmem>> -> memref<1x400x64xf32, #tpu.memory_space<vmem>>
        %dma_start3A_432 = tpu.memref_squeeze %dma_start3A_431 : memref<1x400x64xf32, #tpu.memory_space<vmem>> -> memref<400x64xf32, #tpu.memory_space<vmem>>
        %dma_start3A_433 = arith.constant 296 : i32
        %dma_start3A_434 = arith.constant 0 : i32
        %dma_start3A_435 = tpu.memref_slice %dma_start3A_432[%dma_start3A_433, %dma_start3A_434] : memref<400x64xf32, #tpu.memory_space<vmem>> -> memref<104x64xf32, #tpu.memory_space<vmem>>
        %dma_start3A_436 = arith.constant 0 : i32
        %dma_start3A_437 = tpu.memref_slice %arg7[%rem3A_155, %dma_start3A_436] : memref<2x400xi32, #tpu.memory_space<vmem>> -> memref<1x400xi32, #tpu.memory_space<vmem>>
        %dma_start3A_438 = tpu.memref_squeeze %dma_start3A_437 : memref<1x400xi32, #tpu.memory_space<vmem>> -> memref<400xi32, #tpu.memory_space<vmem>>
        %dma_start3A_439 = arith.constant 296 : i32
        %dma_start3A_440 = tpu.memref_slice %dma_start3A_438[%dma_start3A_439] : memref<400xi32, #tpu.memory_space<vmem>> -> memref<104xi32, #tpu.memory_space<vmem>>
        %dma_start3A_441 = arith.constant 0 : i32
        %dma_start3A_442 = arith.constant 0 : i32
        %dma_start3A_443 = tpu.memref_slice %arg3[%dma_start3A_441, %dma_start3A_442] : memref<1000000x64xf32, #tpu.memory_space<hbm>> -> memref<1000000x64xf32, #tpu.memory_space<hbm>>
        tpu.enqueue_indirect_dma source(%dma_start3A_443 : memref<1000000x64xf32, #tpu.memory_space<hbm>>) target(%dma_start3A_435 : memref<104x64xf32, #tpu.memory_space<vmem>>) offsets(%dma_start3A_440 : memref<104xi32, #tpu.memory_space<vmem>>) semaphore(%arg11 : memref<!tpu.dma_semaphore, #tpu.memory_space<semaphore_mem>>)
      } else {
      }
      %iota3A = tpu.iota {dimensions = array<i32: 0>} : vector<16xi32>
      %add3A_224 = arith.constant 0 : i32
      %add3A_225 = vector.broadcast %add3A_224 : i32 to vector<16xi32>
      %add3A_226 = arith.addi %iota3A, %add3A_225 : vector<16xi32>
      %and3A = arith.constant 15 : i32
      %and3A_227 = vector.broadcast %and3A : i32 to vector<16xi32>
      %and3A_228 = arith.andi %add3A_226, %and3A_227 : vector<16xi32>
      %add3A_229 = arith.constant 1 : i32
      %add3A_230 = vector.broadcast %add3A_229 : i32 to vector<16xi32>
      %add3A_231 = arith.addi %iota3A, %add3A_230 : vector<16xi32>
      %and3A_232 = arith.constant 15 : i32
      %and3A_233 = vector.broadcast %and3A_232 : i32 to vector<16xi32>
      %and3A_234 = arith.andi %add3A_231, %and3A_233 : vector<16xi32>
      %add3A_235 = arith.constant 2 : i32
      %add3A_236 = vector.broadcast %add3A_235 : i32 to vector<16xi32>
      %add3A_237 = arith.addi %iota3A, %add3A_236 : vector<16xi32>
      %and3A_238 = arith.constant 15 : i32
      %and3A_239 = vector.broadcast %and3A_238 : i32 to vector<16xi32>
      %and3A_240 = arith.andi %add3A_237, %and3A_239 : vector<16xi32>
      %add3A_241 = arith.constant 3 : i32
      %add3A_242 = vector.broadcast %add3A_241 : i32 to vector<16xi32>
      %add3A_243 = arith.addi %iota3A, %add3A_242 : vector<16xi32>
      %and3A_244 = arith.constant 15 : i32
      %and3A_245 = vector.broadcast %and3A_244 : i32 to vector<16xi32>
      %and3A_246 = arith.andi %add3A_243, %and3A_245 : vector<16xi32>
      %add3A_247 = arith.constant 4 : i32
      %add3A_248 = vector.broadcast %add3A_247 : i32 to vector<16xi32>
      %add3A_249 = arith.addi %iota3A, %add3A_248 : vector<16xi32>
      %and3A_250 = arith.constant 15 : i32
      %and3A_251 = vector.broadcast %and3A_250 : i32 to vector<16xi32>
      %and3A_252 = arith.andi %add3A_249, %and3A_251 : vector<16xi32>
      %add3A_253 = arith.constant 5 : i32
      %add3A_254 = vector.broadcast %add3A_253 : i32 to vector<16xi32>
      %add3A_255 = arith.addi %iota3A, %add3A_254 : vector<16xi32>
      %and3A_256 = arith.constant 15 : i32
      %and3A_257 = vector.broadcast %and3A_256 : i32 to vector<16xi32>
      %and3A_258 = arith.andi %add3A_255, %and3A_257 : vector<16xi32>
      %add3A_259 = arith.constant 6 : i32
      %add3A_260 = vector.broadcast %add3A_259 : i32 to vector<16xi32>
      %add3A_261 = arith.addi %iota3A, %add3A_260 : vector<16xi32>
      %and3A_262 = arith.constant 15 : i32
      %and3A_263 = vector.broadcast %and3A_262 : i32 to vector<16xi32>
      %and3A_264 = arith.andi %add3A_261, %and3A_263 : vector<16xi32>
      %add3A_265 = arith.constant 7 : i32
      %add3A_266 = vector.broadcast %add3A_265 : i32 to vector<16xi32>
      %add3A_267 = arith.addi %iota3A, %add3A_266 : vector<16xi32>
      %and3A_268 = arith.constant 15 : i32
      %and3A_269 = vector.broadcast %and3A_268 : i32 to vector<16xi32>
      %and3A_270 = arith.andi %add3A_267, %and3A_269 : vector<16xi32>
      %add3A_271 = arith.constant 8 : i32
      %add3A_272 = vector.broadcast %add3A_271 : i32 to vector<16xi32>
      %add3A_273 = arith.addi %iota3A, %add3A_272 : vector<16xi32>
      %and3A_274 = arith.constant 15 : i32
      %and3A_275 = vector.broadcast %and3A_274 : i32 to vector<16xi32>
      %and3A_276 = arith.andi %add3A_273, %and3A_275 : vector<16xi32>
      %add3A_277 = arith.constant 9 : i32
      %add3A_278 = vector.broadcast %add3A_277 : i32 to vector<16xi32>
      %add3A_279 = arith.addi %iota3A, %add3A_278 : vector<16xi32>
      %and3A_280 = arith.constant 15 : i32
      %and3A_281 = vector.broadcast %and3A_280 : i32 to vector<16xi32>
      %and3A_282 = arith.andi %add3A_279, %and3A_281 : vector<16xi32>
      %add3A_283 = arith.constant 10 : i32
      %add3A_284 = vector.broadcast %add3A_283 : i32 to vector<16xi32>
      %add3A_285 = arith.addi %iota3A, %add3A_284 : vector<16xi32>
      %and3A_286 = arith.constant 15 : i32
      %and3A_287 = vector.broadcast %and3A_286 : i32 to vector<16xi32>
      %and3A_288 = arith.andi %add3A_285, %and3A_287 : vector<16xi32>
      %add3A_289 = arith.constant 11 : i32
      %add3A_290 = vector.broadcast %add3A_289 : i32 to vector<16xi32>
      %add3A_291 = arith.addi %iota3A, %add3A_290 : vector<16xi32>
      %and3A_292 = arith.constant 15 : i32
      %and3A_293 = vector.broadcast %and3A_292 : i32 to vector<16xi32>
      %and3A_294 = arith.andi %add3A_291, %and3A_293 : vector<16xi32>
      %add3A_295 = arith.constant 12 : i32
      %add3A_296 = vector.broadcast %add3A_295 : i32 to vector<16xi32>
      %add3A_297 = arith.addi %iota3A, %add3A_296 : vector<16xi32>
      %and3A_298 = arith.constant 15 : i32
      %and3A_299 = vector.broadcast %and3A_298 : i32 to vector<16xi32>
      %and3A_300 = arith.andi %add3A_297, %and3A_299 : vector<16xi32>
      %add3A_301 = arith.constant 13 : i32
      %add3A_302 = vector.broadcast %add3A_301 : i32 to vector<16xi32>
      %add3A_303 = arith.addi %iota3A, %add3A_302 : vector<16xi32>
      %and3A_304 = arith.constant 15 : i32
      %and3A_305 = vector.broadcast %and3A_304 : i32 to vector<16xi32>
      %and3A_306 = arith.andi %add3A_303, %and3A_305 : vector<16xi32>
      %add3A_307 = arith.constant 14 : i32
      %add3A_308 = vector.broadcast %add3A_307 : i32 to vector<16xi32>
      %add3A_309 = arith.addi %iota3A, %add3A_308 : vector<16xi32>
      %and3A_310 = arith.constant 15 : i32
      %and3A_311 = vector.broadcast %and3A_310 : i32 to vector<16xi32>
      %and3A_312 = arith.andi %add3A_309, %and3A_311 : vector<16xi32>
      %add3A_313 = arith.constant 15 : i32
      %add3A_314 = vector.broadcast %add3A_313 : i32 to vector<16xi32>
      %add3A_315 = arith.addi %iota3A, %add3A_314 : vector<16xi32>
      %and3A_316 = arith.constant 15 : i32
      %and3A_317 = vector.broadcast %and3A_316 : i32 to vector<16xi32>
      %and3A_318 = arith.andi %add3A_315, %and3A_317 : vector<16xi32>
      %parallel_loop3A = arith.constant 0 : i32
      %parallel_loop3A_319 = arith.constant 25 : i32
      %parallel_loop3A_320 = arith.constant 1 : i32
      scf.for %parallel_loop3A_376 = %parallel_loop3A to %parallel_loop3A_319 step %parallel_loop3A_320  : i32 {
        %parallel_loop3A_377 = arith.constant 16 : i32
        %parallel_loop3A_378 = arith.muli %parallel_loop3A_376, %parallel_loop3A_377 : i32
        %parallel_loop3A_379 = vector.broadcast %parallel_loop3A_378 : i32 to vector<16xi32>
        %parallel_loop3A_380 = arith.addi %parallel_loop3A_379, %iota3A : vector<16xi32>
        %parallel_loop3A_381 = arith.constant 0.000000e+00 : f32
        %parallel_loop3A_382 = vector.broadcast %parallel_loop3A_381 : f32 to vector<16xf32>
        %parallel_loop3A_383 = arith.constant 0.000000e+00 : f32
        %parallel_loop3A_384 = vector.broadcast %parallel_loop3A_383 : f32 to vector<16xf32>
        %parallel_loop3A_385 = arith.constant 0.000000e+00 : f32
        %parallel_loop3A_386 = vector.broadcast %parallel_loop3A_385 : f32 to vector<16xf32>
        %parallel_loop3A_387 = arith.constant 0.000000e+00 : f32
        %parallel_loop3A_388 = vector.broadcast %parallel_loop3A_387 : f32 to vector<16xf32>
        %parallel_loop3A_389 = arith.constant 0.000000e+00 : f32
        %parallel_loop3A_390 = vector.broadcast %parallel_loop3A_389 : f32 to vector<16xf32>
        %parallel_loop3A_391 = arith.constant 0.000000e+00 : f32
        %parallel_loop3A_392 = vector.broadcast %parallel_loop3A_391 : f32 to vector<16xf32>
        %parallel_loop3A_393 = arith.constant 0.000000e+00 : f32
        %parallel_loop3A_394 = vector.broadcast %parallel_loop3A_393 : f32 to vector<16xf32>
        %parallel_loop3A_395 = arith.constant 0.000000e+00 : f32
        %parallel_loop3A_396 = vector.broadcast %parallel_loop3A_395 : f32 to vector<16xf32>
        %parallel_loop3A_397 = arith.constant 0.000000e+00 : f32
        %parallel_loop3A_398 = vector.broadcast %parallel_loop3A_397 : f32 to vector<16xf32>
        %parallel_loop3A_399 = arith.constant 0.000000e+00 : f32
        %parallel_loop3A_400 = vector.broadcast %parallel_loop3A_399 : f32 to vector<16xf32>
        %parallel_loop3A_401 = arith.constant 0.000000e+00 : f32
        %parallel_loop3A_402 = vector.broadcast %parallel_loop3A_401 : f32 to vector<16xf32>
        %parallel_loop3A_403 = arith.constant 0.000000e+00 : f32
        %parallel_loop3A_404 = vector.broadcast %parallel_loop3A_403 : f32 to vector<16xf32>
        %parallel_loop3A_405 = arith.constant 0.000000e+00 : f32
        %parallel_loop3A_406 = vector.broadcast %parallel_loop3A_405 : f32 to vector<16xf32>
        %parallel_loop3A_407 = arith.constant 0.000000e+00 : f32
        %parallel_loop3A_408 = vector.broadcast %parallel_loop3A_407 : f32 to vector<16xf32>
        %parallel_loop3A_409 = arith.constant 0.000000e+00 : f32
        %parallel_loop3A_410 = vector.broadcast %parallel_loop3A_409 : f32 to vector<16xf32>
        %parallel_loop3A_411 = arith.constant 0.000000e+00 : f32
        %parallel_loop3A_412 = vector.broadcast %parallel_loop3A_411 : f32 to vector<16xf32>
        %parallel_loop3A_413 = arith.constant 0 : i32
        %parallel_loop3A_414 = vector.broadcast %parallel_loop3A_413 : i32 to vector<16xi32>
        %parallel_loop3A_415 = arith.ori %and3A_228, %parallel_loop3A_414 : vector<16xi32>
        %parallel_loop3A_416 = arith.constant 0 : i32
        %parallel_loop3A_417 = arith.constant 0 : i32
        %parallel_loop3A_418 = tpu.memref_slice %arg8[%rem3A_151, %parallel_loop3A_416, %parallel_loop3A_417] : memref<2x400x64xf32, #tpu.memory_space<vmem>> -> memref<1x400x64xf32, #tpu.memory_space<vmem>>
        %parallel_loop3A_419 = tpu.memref_squeeze %parallel_loop3A_418 : memref<1x400x64xf32, #tpu.memory_space<vmem>> -> memref<400x64xf32, #tpu.memory_space<vmem>>
        %parallel_loop3A_420 = tpu.vector_load_idx %parallel_loop3A_419[%parallel_loop3A_380, %parallel_loop3A_415] : memref<400x64xf32, #tpu.memory_space<vmem>>[vector<16xi32>, vector<16xi32>], vector<16xf32>,
        %parallel_loop3A_421 = arith.addf %parallel_loop3A_382, %parallel_loop3A_420 : vector<16xf32>
        %parallel_loop3A_422 = arith.mulf %parallel_loop3A_420, %parallel_loop3A_420 : vector<16xf32>
        %parallel_loop3A_423 = arith.addf %parallel_loop3A_398, %parallel_loop3A_422 : vector<16xf32>
        %parallel_loop3A_424 = arith.constant 0 : i32
        %parallel_loop3A_425 = vector.broadcast %parallel_loop3A_424 : i32 to vector<16xi32>
        %parallel_loop3A_426 = arith.ori %and3A_234, %parallel_loop3A_425 : vector<16xi32>
        %parallel_loop3A_427 = arith.constant 0 : i32
        %parallel_loop3A_428 = arith.constant 0 : i32
        %parallel_loop3A_429 = tpu.memref_slice %arg8[%rem3A_151, %parallel_loop3A_427, %parallel_loop3A_428] : memref<2x400x64xf32, #tpu.memory_space<vmem>> -> memref<1x400x64xf32, #tpu.memory_space<vmem>>
        %parallel_loop3A_430 = tpu.memref_squeeze %parallel_loop3A_429 : memref<1x400x64xf32, #tpu.memory_space<vmem>> -> memref<400x64xf32, #tpu.memory_space<vmem>>
        %parallel_loop3A_431 = tpu.vector_load_idx %parallel_loop3A_430[%parallel_loop3A_380, %parallel_loop3A_426] : memref<400x64xf32, #tpu.memory_space<vmem>>[vector<16xi32>, vector<16xi32>], vector<16xf32>,
        %parallel_loop3A_432 = arith.addf %parallel_loop3A_384, %parallel_loop3A_431 : vector<16xf32>
        %parallel_loop3A_433 = arith.mulf %parallel_loop3A_431, %parallel_loop3A_431 : vector<16xf32>
        %parallel_loop3A_434 = arith.addf %parallel_loop3A_400, %parallel_loop3A_433 : vector<16xf32>
        %parallel_loop3A_435 = arith.constant 0 : i32
        %parallel_loop3A_436 = vector.broadcast %parallel_loop3A_435 : i32 to vector<16xi32>
        %parallel_loop3A_437 = arith.ori %and3A_240, %parallel_loop3A_436 : vector<16xi32>
        %parallel_loop3A_438 = arith.constant 0 : i32
        %parallel_loop3A_439 = arith.constant 0 : i32
        %parallel_loop3A_440 = tpu.memref_slice %arg8[%rem3A_151, %parallel_loop3A_438, %parallel_loop3A_439] : memref<2x400x64xf32, #tpu.memory_space<vmem>> -> memref<1x400x64xf32, #tpu.memory_space<vmem>>
        %parallel_loop3A_441 = tpu.memref_squeeze %parallel_loop3A_440 : memref<1x400x64xf32, #tpu.memory_space<vmem>> -> memref<400x64xf32, #tpu.memory_space<vmem>>
        %parallel_loop3A_442 = tpu.vector_load_idx %parallel_loop3A_441[%parallel_loop3A_380, %parallel_loop3A_437] : memref<400x64xf32, #tpu.memory_space<vmem>>[vector<16xi32>, vector<16xi32>], vector<16xf32>,
        %parallel_loop3A_443 = arith.addf %parallel_loop3A_386, %parallel_loop3A_442 : vector<16xf32>
        %parallel_loop3A_444 = arith.mulf %parallel_loop3A_442, %parallel_loop3A_442 : vector<16xf32>
        %parallel_loop3A_445 = arith.addf %parallel_loop3A_402, %parallel_loop3A_444 : vector<16xf32>
        %parallel_loop3A_446 = arith.constant 0 : i32
        %parallel_loop3A_447 = vector.broadcast %parallel_loop3A_446 : i32 to vector<16xi32>
        %parallel_loop3A_448 = arith.ori %and3A_246, %parallel_loop3A_447 : vector<16xi32>
        %parallel_loop3A_449 = arith.constant 0 : i32
        %parallel_loop3A_450 = arith.constant 0 : i32
        %parallel_loop3A_451 = tpu.memref_slice %arg8[%rem3A_151, %parallel_loop3A_449, %parallel_loop3A_450] : memref<2x400x64xf32, #tpu.memory_space<vmem>> -> memref<1x400x64xf32, #tpu.memory_space<vmem>>
        %parallel_loop3A_452 = tpu.memref_squeeze %parallel_loop3A_451 : memref<1x400x64xf32, #tpu.memory_space<vmem>> -> memref<400x64xf32, #tpu.memory_space<vmem>>
        %parallel_loop3A_453 = tpu.vector_load_idx %parallel_loop3A_452[%parallel_loop3A_380, %parallel_loop3A_448] : memref<400x64xf32, #tpu.memory_space<vmem>>[vector<16xi32>, vector<16xi32>], vector<16xf32>,
        %parallel_loop3A_454 = arith.addf %parallel_loop3A_388, %parallel_loop3A_453 : vector<16xf32>
        %parallel_loop3A_455 = arith.mulf %parallel_loop3A_453, %parallel_loop3A_453 : vector<16xf32>
        %parallel_loop3A_456 = arith.addf %parallel_loop3A_404, %parallel_loop3A_455 : vector<16xf32>
        %parallel_loop3A_457 = arith.constant 0 : i32
        %parallel_loop3A_458 = vector.broadcast %parallel_loop3A_457 : i32 to vector<16xi32>
        %parallel_loop3A_459 = arith.ori %and3A_252, %parallel_loop3A_458 : vector<16xi32>
        %parallel_loop3A_460 = arith.constant 0 : i32
        %parallel_loop3A_461 = arith.constant 0 : i32
        %parallel_loop3A_462 = tpu.memref_slice %arg8[%rem3A_151, %parallel_loop3A_460, %parallel_loop3A_461] : memref<2x400x64xf32, #tpu.memory_space<vmem>> -> memref<1x400x64xf32, #tpu.memory_space<vmem>>
        %parallel_loop3A_463 = tpu.memref_squeeze %parallel_loop3A_462 : memref<1x400x64xf32, #tpu.memory_space<vmem>> -> memref<400x64xf32, #tpu.memory_space<vmem>>
        %parallel_loop3A_464 = tpu.vector_load_idx %parallel_loop3A_463[%parallel_loop3A_380, %parallel_loop3A_459] : memref<400x64xf32, #tpu.memory_space<vmem>>[vector<16xi32>, vector<16xi32>], vector<16xf32>,
        %parallel_loop3A_465 = arith.addf %parallel_loop3A_390, %parallel_loop3A_464 : vector<16xf32>
        %parallel_loop3A_466 = arith.mulf %parallel_loop3A_464, %parallel_loop3A_464 : vector<16xf32>
        %parallel_loop3A_467 = arith.addf %parallel_loop3A_406, %parallel_loop3A_466 : vector<16xf32>
        %parallel_loop3A_468 = arith.constant 0 : i32
        %parallel_loop3A_469 = vector.broadcast %parallel_loop3A_468 : i32 to vector<16xi32>
        %parallel_loop3A_470 = arith.ori %and3A_258, %parallel_loop3A_469 : vector<16xi32>
        %parallel_loop3A_471 = arith.constant 0 : i32
        %parallel_loop3A_472 = arith.constant 0 : i32
        %parallel_loop3A_473 = tpu.memref_slice %arg8[%rem3A_151, %parallel_loop3A_471, %parallel_loop3A_472] : memref<2x400x64xf32, #tpu.memory_space<vmem>> -> memref<1x400x64xf32, #tpu.memory_space<vmem>>
        %parallel_loop3A_474 = tpu.memref_squeeze %parallel_loop3A_473 : memref<1x400x64xf32, #tpu.memory_space<vmem>> -> memref<400x64xf32, #tpu.memory_space<vmem>>
        %parallel_loop3A_475 = tpu.vector_load_idx %parallel_loop3A_474[%parallel_loop3A_380, %parallel_loop3A_470] : memref<400x64xf32, #tpu.memory_space<vmem>>[vector<16xi32>, vector<16xi32>], vector<16xf32>,
        %parallel_loop3A_476 = arith.addf %parallel_loop3A_392, %parallel_loop3A_475 : vector<16xf32>
        %parallel_loop3A_477 = arith.mulf %parallel_loop3A_475, %parallel_loop3A_475 : vector<16xf32>
        %parallel_loop3A_478 = arith.addf %parallel_loop3A_408, %parallel_loop3A_477 : vector<16xf32>
        %parallel_loop3A_479 = arith.constant 0 : i32
        %parallel_loop3A_480 = vector.broadcast %parallel_loop3A_479 : i32 to vector<16xi32>
        %parallel_loop3A_481 = arith.ori %and3A_264, %parallel_loop3A_480 : vector<16xi32>
        %parallel_loop3A_482 = arith.constant 0 : i32
        %parallel_loop3A_483 = arith.constant 0 : i32
        %parallel_loop3A_484 = tpu.memref_slice %arg8[%rem3A_151, %parallel_loop3A_482, %parallel_loop3A_483] : memref<2x400x64xf32, #tpu.memory_space<vmem>> -> memref<1x400x64xf32, #tpu.memory_space<vmem>>
        %parallel_loop3A_485 = tpu.memref_squeeze %parallel_loop3A_484 : memref<1x400x64xf32, #tpu.memory_space<vmem>> -> memref<400x64xf32, #tpu.memory_space<vmem>>
        %parallel_loop3A_486 = tpu.vector_load_idx %parallel_loop3A_485[%parallel_loop3A_380, %parallel_loop3A_481] : memref<400x64xf32, #tpu.memory_space<vmem>>[vector<16xi32>, vector<16xi32>], vector<16xf32>,
        %parallel_loop3A_487 = arith.addf %parallel_loop3A_394, %parallel_loop3A_486 : vector<16xf32>
        %parallel_loop3A_488 = arith.mulf %parallel_loop3A_486, %parallel_loop3A_486 : vector<16xf32>
        %parallel_loop3A_489 = arith.addf %parallel_loop3A_410, %parallel_loop3A_488 : vector<16xf32>
        %parallel_loop3A_490 = arith.constant 0 : i32
        %parallel_loop3A_491 = vector.broadcast %parallel_loop3A_490 : i32 to vector<16xi32>
        %parallel_loop3A_492 = arith.ori %and3A_270, %parallel_loop3A_491 : vector<16xi32>
        %parallel_loop3A_493 = arith.constant 0 : i32
        %parallel_loop3A_494 = arith.constant 0 : i32
        %parallel_loop3A_495 = tpu.memref_slice %arg8[%rem3A_151, %parallel_loop3A_493, %parallel_loop3A_494] : memref<2x400x64xf32, #tpu.memory_space<vmem>> -> memref<1x400x64xf32, #tpu.memory_space<vmem>>
        %parallel_loop3A_496 = tpu.memref_squeeze %parallel_loop3A_495 : memref<1x400x64xf32, #tpu.memory_space<vmem>> -> memref<400x64xf32, #tpu.memory_space<vmem>>
        %parallel_loop3A_497 = tpu.vector_load_idx %parallel_loop3A_496[%parallel_loop3A_380, %parallel_loop3A_492] : memref<400x64xf32, #tpu.memory_space<vmem>>[vector<16xi32>, vector<16xi32>], vector<16xf32>,
        %parallel_loop3A_498 = arith.addf %parallel_loop3A_396, %parallel_loop3A_497 : vector<16xf32>
        %parallel_loop3A_499 = arith.mulf %parallel_loop3A_497, %parallel_loop3A_497 : vector<16xf32>
        %parallel_loop3A_500 = arith.addf %parallel_loop3A_412, %parallel_loop3A_499 : vector<16xf32>
        %parallel_loop3A_501 = arith.constant 0 : i32
        %parallel_loop3A_502 = vector.broadcast %parallel_loop3A_501 : i32 to vector<16xi32>
        %parallel_loop3A_503 = arith.ori %and3A_276, %parallel_loop3A_502 : vector<16xi32>
        %parallel_loop3A_504 = arith.constant 0 : i32
        %parallel_loop3A_505 = arith.constant 0 : i32
        %parallel_loop3A_506 = tpu.memref_slice %arg8[%rem3A_151, %parallel_loop3A_504, %parallel_loop3A_505] : memref<2x400x64xf32, #tpu.memory_space<vmem>> -> memref<1x400x64xf32, #tpu.memory_space<vmem>>
        %parallel_loop3A_507 = tpu.memref_squeeze %parallel_loop3A_506 : memref<1x400x64xf32, #tpu.memory_space<vmem>> -> memref<400x64xf32, #tpu.memory_space<vmem>>
        %parallel_loop3A_508 = tpu.vector_load_idx %parallel_loop3A_507[%parallel_loop3A_380, %parallel_loop3A_503] : memref<400x64xf32, #tpu.memory_space<vmem>>[vector<16xi32>, vector<16xi32>], vector<16xf32>,
        %parallel_loop3A_509 = arith.addf %parallel_loop3A_421, %parallel_loop3A_508 : vector<16xf32>
        %parallel_loop3A_510 = arith.mulf %parallel_loop3A_508, %parallel_loop3A_508 : vector<16xf32>
        %parallel_loop3A_511 = arith.addf %parallel_loop3A_423, %parallel_loop3A_510 : vector<16xf32>
        %parallel_loop3A_512 = arith.constant 0 : i32
        %parallel_loop3A_513 = vector.broadcast %parallel_loop3A_512 : i32 to vector<16xi32>
        %parallel_loop3A_514 = arith.ori %and3A_282, %parallel_loop3A_513 : vector<16xi32>
        %parallel_loop3A_515 = arith.constant 0 : i32
        %parallel_loop3A_516 = arith.constant 0 : i32
        %parallel_loop3A_517 = tpu.memref_slice %arg8[%rem3A_151, %parallel_loop3A_515, %parallel_loop3A_516] : memref<2x400x64xf32, #tpu.memory_space<vmem>> -> memref<1x400x64xf32, #tpu.memory_space<vmem>>
        %parallel_loop3A_518 = tpu.memref_squeeze %parallel_loop3A_517 : memref<1x400x64xf32, #tpu.memory_space<vmem>> -> memref<400x64xf32, #tpu.memory_space<vmem>>
        %parallel_loop3A_519 = tpu.vector_load_idx %parallel_loop3A_518[%parallel_loop3A_380, %parallel_loop3A_514] : memref<400x64xf32, #tpu.memory_space<vmem>>[vector<16xi32>, vector<16xi32>], vector<16xf32>,
        %parallel_loop3A_520 = arith.addf %parallel_loop3A_432, %parallel_loop3A_519 : vector<16xf32>
        %parallel_loop3A_521 = arith.mulf %parallel_loop3A_519, %parallel_loop3A_519 : vector<16xf32>
        %parallel_loop3A_522 = arith.addf %parallel_loop3A_434, %parallel_loop3A_521 : vector<16xf32>
        %parallel_loop3A_523 = arith.constant 0 : i32
        %parallel_loop3A_524 = vector.broadcast %parallel_loop3A_523 : i32 to vector<16xi32>
        %parallel_loop3A_525 = arith.ori %and3A_288, %parallel_loop3A_524 : vector<16xi32>
        %parallel_loop3A_526 = arith.constant 0 : i32
        %parallel_loop3A_527 = arith.constant 0 : i32
        %parallel_loop3A_528 = tpu.memref_slice %arg8[%rem3A_151, %parallel_loop3A_526, %parallel_loop3A_527] : memref<2x400x64xf32, #tpu.memory_space<vmem>> -> memref<1x400x64xf32, #tpu.memory_space<vmem>>
        %parallel_loop3A_529 = tpu.memref_squeeze %parallel_loop3A_528 : memref<1x400x64xf32, #tpu.memory_space<vmem>> -> memref<400x64xf32, #tpu.memory_space<vmem>>
        %parallel_loop3A_530 = tpu.vector_load_idx %parallel_loop3A_529[%parallel_loop3A_380, %parallel_loop3A_525] : memref<400x64xf32, #tpu.memory_space<vmem>>[vector<16xi32>, vector<16xi32>], vector<16xf32>,
        %parallel_loop3A_531 = arith.addf %parallel_loop3A_443, %parallel_loop3A_530 : vector<16xf32>
        %parallel_loop3A_532 = arith.mulf %parallel_loop3A_530, %parallel_loop3A_530 : vector<16xf32>
        %parallel_loop3A_533 = arith.addf %parallel_loop3A_445, %parallel_loop3A_532 : vector<16xf32>
        %parallel_loop3A_534 = arith.constant 0 : i32
        %parallel_loop3A_535 = vector.broadcast %parallel_loop3A_534 : i32 to vector<16xi32>
        %parallel_loop3A_536 = arith.ori %and3A_294, %parallel_loop3A_535 : vector<16xi32>
        %parallel_loop3A_537 = arith.constant 0 : i32
        %parallel_loop3A_538 = arith.constant 0 : i32
        %parallel_loop3A_539 = tpu.memref_slice %arg8[%rem3A_151, %parallel_loop3A_537, %parallel_loop3A_538] : memref<2x400x64xf32, #tpu.memory_space<vmem>> -> memref<1x400x64xf32, #tpu.memory_space<vmem>>
        %parallel_loop3A_540 = tpu.memref_squeeze %parallel_loop3A_539 : memref<1x400x64xf32, #tpu.memory_space<vmem>> -> memref<400x64xf32, #tpu.memory_space<vmem>>
        %parallel_loop3A_541 = tpu.vector_load_idx %parallel_loop3A_540[%parallel_loop3A_380, %parallel_loop3A_536] : memref<400x64xf32, #tpu.memory_space<vmem>>[vector<16xi32>, vector<16xi32>], vector<16xf32>,
        %parallel_loop3A_542 = arith.addf %parallel_loop3A_454, %parallel_loop3A_541 : vector<16xf32>
        %parallel_loop3A_543 = arith.mulf %parallel_loop3A_541, %parallel_loop3A_541 : vector<16xf32>
        %parallel_loop3A_544 = arith.addf %parallel_loop3A_456, %parallel_loop3A_543 : vector<16xf32>
        %parallel_loop3A_545 = arith.constant 0 : i32
        %parallel_loop3A_546 = vector.broadcast %parallel_loop3A_545 : i32 to vector<16xi32>
        %parallel_loop3A_547 = arith.ori %and3A_300, %parallel_loop3A_546 : vector<16xi32>
        %parallel_loop3A_548 = arith.constant 0 : i32
        %parallel_loop3A_549 = arith.constant 0 : i32
        %parallel_loop3A_550 = tpu.memref_slice %arg8[%rem3A_151, %parallel_loop3A_548, %parallel_loop3A_549] : memref<2x400x64xf32, #tpu.memory_space<vmem>> -> memref<1x400x64xf32, #tpu.memory_space<vmem>>
        %parallel_loop3A_551 = tpu.memref_squeeze %parallel_loop3A_550 : memref<1x400x64xf32, #tpu.memory_space<vmem>> -> memref<400x64xf32, #tpu.memory_space<vmem>>
        %parallel_loop3A_552 = tpu.vector_load_idx %parallel_loop3A_551[%parallel_loop3A_380, %parallel_loop3A_547] : memref<400x64xf32, #tpu.memory_space<vmem>>[vector<16xi32>, vector<16xi32>], vector<16xf32>,
        %parallel_loop3A_553 = arith.addf %parallel_loop3A_465, %parallel_loop3A_552 : vector<16xf32>
        %parallel_loop3A_554 = arith.mulf %parallel_loop3A_552, %parallel_loop3A_552 : vector<16xf32>
        %parallel_loop3A_555 = arith.addf %parallel_loop3A_467, %parallel_loop3A_554 : vector<16xf32>
        %parallel_loop3A_556 = arith.constant 0 : i32
        %parallel_loop3A_557 = vector.broadcast %parallel_loop3A_556 : i32 to vector<16xi32>
        %parallel_loop3A_558 = arith.ori %and3A_306, %parallel_loop3A_557 : vector<16xi32>
        %parallel_loop3A_559 = arith.constant 0 : i32
        %parallel_loop3A_560 = arith.constant 0 : i32
        %parallel_loop3A_561 = tpu.memref_slice %arg8[%rem3A_151, %parallel_loop3A_559, %parallel_loop3A_560] : memref<2x400x64xf32, #tpu.memory_space<vmem>> -> memref<1x400x64xf32, #tpu.memory_space<vmem>>
        %parallel_loop3A_562 = tpu.memref_squeeze %parallel_loop3A_561 : memref<1x400x64xf32, #tpu.memory_space<vmem>> -> memref<400x64xf32, #tpu.memory_space<vmem>>
        %parallel_loop3A_563 = tpu.vector_load_idx %parallel_loop3A_562[%parallel_loop3A_380, %parallel_loop3A_558] : memref<400x64xf32, #tpu.memory_space<vmem>>[vector<16xi32>, vector<16xi32>], vector<16xf32>,
        %parallel_loop3A_564 = arith.addf %parallel_loop3A_476, %parallel_loop3A_563 : vector<16xf32>
        %parallel_loop3A_565 = arith.mulf %parallel_loop3A_563, %parallel_loop3A_563 : vector<16xf32>
        %parallel_loop3A_566 = arith.addf %parallel_loop3A_478, %parallel_loop3A_565 : vector<16xf32>
        %parallel_loop3A_567 = arith.constant 0 : i32
        %parallel_loop3A_568 = vector.broadcast %parallel_loop3A_567 : i32 to vector<16xi32>
        %parallel_loop3A_569 = arith.ori %and3A_312, %parallel_loop3A_568 : vector<16xi32>
        %parallel_loop3A_570 = arith.constant 0 : i32
        %parallel_loop3A_571 = arith.constant 0 : i32
        %parallel_loop3A_572 = tpu.memref_slice %arg8[%rem3A_151, %parallel_loop3A_570, %parallel_loop3A_571] : memref<2x400x64xf32, #tpu.memory_space<vmem>> -> memref<1x400x64xf32, #tpu.memory_space<vmem>>
        %parallel_loop3A_573 = tpu.memref_squeeze %parallel_loop3A_572 : memref<1x400x64xf32, #tpu.memory_space<vmem>> -> memref<400x64xf32, #tpu.memory_space<vmem>>
        %parallel_loop3A_574 = tpu.vector_load_idx %parallel_loop3A_573[%parallel_loop3A_380, %parallel_loop3A_569] : memref<400x64xf32, #tpu.memory_space<vmem>>[vector<16xi32>, vector<16xi32>], vector<16xf32>,
        %parallel_loop3A_575 = arith.addf %parallel_loop3A_487, %parallel_loop3A_574 : vector<16xf32>
        %parallel_loop3A_576 = arith.mulf %parallel_loop3A_574, %parallel_loop3A_574 : vector<16xf32>
        %parallel_loop3A_577 = arith.addf %parallel_loop3A_489, %parallel_loop3A_576 : vector<16xf32>
        %parallel_loop3A_578 = arith.constant 0 : i32
        %parallel_loop3A_579 = vector.broadcast %parallel_loop3A_578 : i32 to vector<16xi32>
        %parallel_loop3A_580 = arith.ori %and3A_318, %parallel_loop3A_579 : vector<16xi32>
        %parallel_loop3A_581 = arith.constant 0 : i32
        %parallel_loop3A_582 = arith.constant 0 : i32
        %parallel_loop3A_583 = tpu.memref_slice %arg8[%rem3A_151, %parallel_loop3A_581, %parallel_loop3A_582] : memref<2x400x64xf32, #tpu.memory_space<vmem>> -> memref<1x400x64xf32, #tpu.memory_space<vmem>>
        %parallel_loop3A_584 = tpu.memref_squeeze %parallel_loop3A_583 : memref<1x400x64xf32, #tpu.memory_space<vmem>> -> memref<400x64xf32, #tpu.memory_space<vmem>>
        %parallel_loop3A_585 = tpu.vector_load_idx %parallel_loop3A_584[%parallel_loop3A_380, %parallel_loop3A_580] : memref<400x64xf32, #tpu.memory_space<vmem>>[vector<16xi32>, vector<16xi32>], vector<16xf32>,
        %parallel_loop3A_586 = arith.addf %parallel_loop3A_498, %parallel_loop3A_585 : vector<16xf32>
        %parallel_loop3A_587 = arith.mulf %parallel_loop3A_585, %parallel_loop3A_585 : vector<16xf32>
        %parallel_loop3A_588 = arith.addf %parallel_loop3A_500, %parallel_loop3A_587 : vector<16xf32>
        %parallel_loop3A_589 = arith.constant 16 : i32
        %parallel_loop3A_590 = vector.broadcast %parallel_loop3A_589 : i32 to vector<16xi32>
        %parallel_loop3A_591 = arith.ori %and3A_228, %parallel_loop3A_590 : vector<16xi32>
        %parallel_loop3A_592 = arith.constant 0 : i32
        %parallel_loop3A_593 = arith.constant 0 : i32
        %parallel_loop3A_594 = tpu.memref_slice %arg8[%rem3A_151, %parallel_loop3A_592, %parallel_loop3A_593] : memref<2x400x64xf32, #tpu.memory_space<vmem>> -> memref<1x400x64xf32, #tpu.memory_space<vmem>>
        %parallel_loop3A_595 = tpu.memref_squeeze %parallel_loop3A_594 : memref<1x400x64xf32, #tpu.memory_space<vmem>> -> memref<400x64xf32, #tpu.memory_space<vmem>>
        %parallel_loop3A_596 = tpu.vector_load_idx %parallel_loop3A_595[%parallel_loop3A_380, %parallel_loop3A_591] : memref<400x64xf32, #tpu.memory_space<vmem>>[vector<16xi32>, vector<16xi32>], vector<16xf32>,
        %parallel_loop3A_597 = arith.addf %parallel_loop3A_509, %parallel_loop3A_596 : vector<16xf32>
        %parallel_loop3A_598 = arith.mulf %parallel_loop3A_596, %parallel_loop3A_596 : vector<16xf32>
        %parallel_loop3A_599 = arith.addf %parallel_loop3A_511, %parallel_loop3A_598 : vector<16xf32>
        %parallel_loop3A_600 = arith.constant 16 : i32
        %parallel_loop3A_601 = vector.broadcast %parallel_loop3A_600 : i32 to vector<16xi32>
        %parallel_loop3A_602 = arith.ori %and3A_234, %parallel_loop3A_601 : vector<16xi32>
        %parallel_loop3A_603 = arith.constant 0 : i32
        %parallel_loop3A_604 = arith.constant 0 : i32
        %parallel_loop3A_605 = tpu.memref_slice %arg8[%rem3A_151, %parallel_loop3A_603, %parallel_loop3A_604] : memref<2x400x64xf32, #tpu.memory_space<vmem>> -> memref<1x400x64xf32, #tpu.memory_space<vmem>>
        %parallel_loop3A_606 = tpu.memref_squeeze %parallel_loop3A_605 : memref<1x400x64xf32, #tpu.memory_space<vmem>> -> memref<400x64xf32, #tpu.memory_space<vmem>>
        %parallel_loop3A_607 = tpu.vector_load_idx %parallel_loop3A_606[%parallel_loop3A_380, %parallel_loop3A_602] : memref<400x64xf32, #tpu.memory_space<vmem>>[vector<16xi32>, vector<16xi32>], vector<16xf32>,
        %parallel_loop3A_608 = arith.addf %parallel_loop3A_520, %parallel_loop3A_607 : vector<16xf32>
        %parallel_loop3A_609 = arith.mulf %parallel_loop3A_607, %parallel_loop3A_607 : vector<16xf32>
        %parallel_loop3A_610 = arith.addf %parallel_loop3A_522, %parallel_loop3A_609 : vector<16xf32>
        %parallel_loop3A_611 = arith.constant 16 : i32
        %parallel_loop3A_612 = vector.broadcast %parallel_loop3A_611 : i32 to vector<16xi32>
        %parallel_loop3A_613 = arith.ori %and3A_240, %parallel_loop3A_612 : vector<16xi32>
        %parallel_loop3A_614 = arith.constant 0 : i32
        %parallel_loop3A_615 = arith.constant 0 : i32
        %parallel_loop3A_616 = tpu.memref_slice %arg8[%rem3A_151, %parallel_loop3A_614, %parallel_loop3A_615] : memref<2x400x64xf32, #tpu.memory_space<vmem>> -> memref<1x400x64xf32, #tpu.memory_space<vmem>>
        %parallel_loop3A_617 = tpu.memref_squeeze %parallel_loop3A_616 : memref<1x400x64xf32, #tpu.memory_space<vmem>> -> memref<400x64xf32, #tpu.memory_space<vmem>>
        %parallel_loop3A_618 = tpu.vector_load_idx %parallel_loop3A_617[%parallel_loop3A_380, %parallel_loop3A_613] : memref<400x64xf32, #tpu.memory_space<vmem>>[vector<16xi32>, vector<16xi32>], vector<16xf32>,
        %parallel_loop3A_619 = arith.addf %parallel_loop3A_531, %parallel_loop3A_618 : vector<16xf32>
        %parallel_loop3A_620 = arith.mulf %parallel_loop3A_618, %parallel_loop3A_618 : vector<16xf32>
        %parallel_loop3A_621 = arith.addf %parallel_loop3A_533, %parallel_loop3A_620 : vector<16xf32>
        %parallel_loop3A_622 = arith.constant 16 : i32
        %parallel_loop3A_623 = vector.broadcast %parallel_loop3A_622 : i32 to vector<16xi32>
        %parallel_loop3A_624 = arith.ori %and3A_246, %parallel_loop3A_623 : vector<16xi32>
        %parallel_loop3A_625 = arith.constant 0 : i32
        %parallel_loop3A_626 = arith.constant 0 : i32
        %parallel_loop3A_627 = tpu.memref_slice %arg8[%rem3A_151, %parallel_loop3A_625, %parallel_loop3A_626] : memref<2x400x64xf32, #tpu.memory_space<vmem>> -> memref<1x400x64xf32, #tpu.memory_space<vmem>>
        %parallel_loop3A_628 = tpu.memref_squeeze %parallel_loop3A_627 : memref<1x400x64xf32, #tpu.memory_space<vmem>> -> memref<400x64xf32, #tpu.memory_space<vmem>>
        %parallel_loop3A_629 = tpu.vector_load_idx %parallel_loop3A_628[%parallel_loop3A_380, %parallel_loop3A_624] : memref<400x64xf32, #tpu.memory_space<vmem>>[vector<16xi32>, vector<16xi32>], vector<16xf32>,
        %parallel_loop3A_630 = arith.addf %parallel_loop3A_542, %parallel_loop3A_629 : vector<16xf32>
        %parallel_loop3A_631 = arith.mulf %parallel_loop3A_629, %parallel_loop3A_629 : vector<16xf32>
        %parallel_loop3A_632 = arith.addf %parallel_loop3A_544, %parallel_loop3A_631 : vector<16xf32>
        %parallel_loop3A_633 = arith.constant 16 : i32
        %parallel_loop3A_634 = vector.broadcast %parallel_loop3A_633 : i32 to vector<16xi32>
        %parallel_loop3A_635 = arith.ori %and3A_252, %parallel_loop3A_634 : vector<16xi32>
        %parallel_loop3A_636 = arith.constant 0 : i32
        %parallel_loop3A_637 = arith.constant 0 : i32
        %parallel_loop3A_638 = tpu.memref_slice %arg8[%rem3A_151, %parallel_loop3A_636, %parallel_loop3A_637] : memref<2x400x64xf32, #tpu.memory_space<vmem>> -> memref<1x400x64xf32, #tpu.memory_space<vmem>>
        %parallel_loop3A_639 = tpu.memref_squeeze %parallel_loop3A_638 : memref<1x400x64xf32, #tpu.memory_space<vmem>> -> memref<400x64xf32, #tpu.memory_space<vmem>>
        %parallel_loop3A_640 = tpu.vector_load_idx %parallel_loop3A_639[%parallel_loop3A_380, %parallel_loop3A_635] : memref<400x64xf32, #tpu.memory_space<vmem>>[vector<16xi32>, vector<16xi32>], vector<16xf32>,
        %parallel_loop3A_641 = arith.addf %parallel_loop3A_553, %parallel_loop3A_640 : vector<16xf32>
        %parallel_loop3A_642 = arith.mulf %parallel_loop3A_640, %parallel_loop3A_640 : vector<16xf32>
        %parallel_loop3A_643 = arith.addf %parallel_loop3A_555, %parallel_loop3A_642 : vector<16xf32>
        %parallel_loop3A_644 = arith.constant 16 : i32
        %parallel_loop3A_645 = vector.broadcast %parallel_loop3A_644 : i32 to vector<16xi32>
        %parallel_loop3A_646 = arith.ori %and3A_258, %parallel_loop3A_645 : vector<16xi32>
        %parallel_loop3A_647 = arith.constant 0 : i32
        %parallel_loop3A_648 = arith.constant 0 : i32
        %parallel_loop3A_649 = tpu.memref_slice %arg8[%rem3A_151, %parallel_loop3A_647, %parallel_loop3A_648] : memref<2x400x64xf32, #tpu.memory_space<vmem>> -> memref<1x400x64xf32, #tpu.memory_space<vmem>>
        %parallel_loop3A_650 = tpu.memref_squeeze %parallel_loop3A_649 : memref<1x400x64xf32, #tpu.memory_space<vmem>> -> memref<400x64xf32, #tpu.memory_space<vmem>>
        %parallel_loop3A_651 = tpu.vector_load_idx %parallel_loop3A_650[%parallel_loop3A_380, %parallel_loop3A_646] : memref<400x64xf32, #tpu.memory_space<vmem>>[vector<16xi32>, vector<16xi32>], vector<16xf32>,
        %parallel_loop3A_652 = arith.addf %parallel_loop3A_564, %parallel_loop3A_651 : vector<16xf32>
        %parallel_loop3A_653 = arith.mulf %parallel_loop3A_651, %parallel_loop3A_651 : vector<16xf32>
        %parallel_loop3A_654 = arith.addf %parallel_loop3A_566, %parallel_loop3A_653 : vector<16xf32>
        %parallel_loop3A_655 = arith.constant 16 : i32
        %parallel_loop3A_656 = vector.broadcast %parallel_loop3A_655 : i32 to vector<16xi32>
        %parallel_loop3A_657 = arith.ori %and3A_264, %parallel_loop3A_656 : vector<16xi32>
        %parallel_loop3A_658 = arith.constant 0 : i32
        %parallel_loop3A_659 = arith.constant 0 : i32
        %parallel_loop3A_660 = tpu.memref_slice %arg8[%rem3A_151, %parallel_loop3A_658, %parallel_loop3A_659] : memref<2x400x64xf32, #tpu.memory_space<vmem>> -> memref<1x400x64xf32, #tpu.memory_space<vmem>>
        %parallel_loop3A_661 = tpu.memref_squeeze %parallel_loop3A_660 : memref<1x400x64xf32, #tpu.memory_space<vmem>> -> memref<400x64xf32, #tpu.memory_space<vmem>>
        %parallel_loop3A_662 = tpu.vector_load_idx %parallel_loop3A_661[%parallel_loop3A_380, %parallel_loop3A_657] : memref<400x64xf32, #tpu.memory_space<vmem>>[vector<16xi32>, vector<16xi32>], vector<16xf32>,
        %parallel_loop3A_663 = arith.addf %parallel_loop3A_575, %parallel_loop3A_662 : vector<16xf32>
        %parallel_loop3A_664 = arith.mulf %parallel_loop3A_662, %parallel_loop3A_662 : vector<16xf32>
        %parallel_loop3A_665 = arith.addf %parallel_loop3A_577, %parallel_loop3A_664 : vector<16xf32>
        %parallel_loop3A_666 = arith.constant 16 : i32
        %parallel_loop3A_667 = vector.broadcast %parallel_loop3A_666 : i32 to vector<16xi32>
        %parallel_loop3A_668 = arith.ori %and3A_270, %parallel_loop3A_667 : vector<16xi32>
        %parallel_loop3A_669 = arith.constant 0 : i32
        %parallel_loop3A_670 = arith.constant 0 : i32
        %parallel_loop3A_671 = tpu.memref_slice %arg8[%rem3A_151, %parallel_loop3A_669, %parallel_loop3A_670] : memref<2x400x64xf32, #tpu.memory_space<vmem>> -> memref<1x400x64xf32, #tpu.memory_space<vmem>>
        %parallel_loop3A_672 = tpu.memref_squeeze %parallel_loop3A_671 : memref<1x400x64xf32, #tpu.memory_space<vmem>> -> memref<400x64xf32, #tpu.memory_space<vmem>>
        %parallel_loop3A_673 = tpu.vector_load_idx %parallel_loop3A_672[%parallel_loop3A_380, %parallel_loop3A_668] : memref<400x64xf32, #tpu.memory_space<vmem>>[vector<16xi32>, vector<16xi32>], vector<16xf32>,
        %parallel_loop3A_674 = arith.addf %parallel_loop3A_586, %parallel_loop3A_673 : vector<16xf32>
        %parallel_loop3A_675 = arith.mulf %parallel_loop3A_673, %parallel_loop3A_673 : vector<16xf32>
        %parallel_loop3A_676 = arith.addf %parallel_loop3A_588, %parallel_loop3A_675 : vector<16xf32>
        %parallel_loop3A_677 = arith.constant 16 : i32
        %parallel_loop3A_678 = vector.broadcast %parallel_loop3A_677 : i32 to vector<16xi32>
        %parallel_loop3A_679 = arith.ori %and3A_276, %parallel_loop3A_678 : vector<16xi32>
        %parallel_loop3A_680 = arith.constant 0 : i32
        %parallel_loop3A_681 = arith.constant 0 : i32
        %parallel_loop3A_682 = tpu.memref_slice %arg8[%rem3A_151, %parallel_loop3A_680, %parallel_loop3A_681] : memref<2x400x64xf32, #tpu.memory_space<vmem>> -> memref<1x400x64xf32, #tpu.memory_space<vmem>>
        %parallel_loop3A_683 = tpu.memref_squeeze %parallel_loop3A_682 : memref<1x400x64xf32, #tpu.memory_space<vmem>> -> memref<400x64xf32, #tpu.memory_space<vmem>>
        %parallel_loop3A_684 = tpu.vector_load_idx %parallel_loop3A_683[%parallel_loop3A_380, %parallel_loop3A_679] : memref<400x64xf32, #tpu.memory_space<vmem>>[vector<16xi32>, vector<16xi32>], vector<16xf32>,
        %parallel_loop3A_685 = arith.addf %parallel_loop3A_597, %parallel_loop3A_684 : vector<16xf32>
        %parallel_loop3A_686 = arith.mulf %parallel_loop3A_684, %parallel_loop3A_684 : vector<16xf32>
        %parallel_loop3A_687 = arith.addf %parallel_loop3A_599, %parallel_loop3A_686 : vector<16xf32>
        %parallel_loop3A_688 = arith.constant 16 : i32
        %parallel_loop3A_689 = vector.broadcast %parallel_loop3A_688 : i32 to vector<16xi32>
        %parallel_loop3A_690 = arith.ori %and3A_282, %parallel_loop3A_689 : vector<16xi32>
        %parallel_loop3A_691 = arith.constant 0 : i32
        %parallel_loop3A_692 = arith.constant 0 : i32
        %parallel_loop3A_693 = tpu.memref_slice %arg8[%rem3A_151, %parallel_loop3A_691, %parallel_loop3A_692] : memref<2x400x64xf32, #tpu.memory_space<vmem>> -> memref<1x400x64xf32, #tpu.memory_space<vmem>>
        %parallel_loop3A_694 = tpu.memref_squeeze %parallel_loop3A_693 : memref<1x400x64xf32, #tpu.memory_space<vmem>> -> memref<400x64xf32, #tpu.memory_space<vmem>>
        %parallel_loop3A_695 = tpu.vector_load_idx %parallel_loop3A_694[%parallel_loop3A_380, %parallel_loop3A_690] : memref<400x64xf32, #tpu.memory_space<vmem>>[vector<16xi32>, vector<16xi32>], vector<16xf32>,
        %parallel_loop3A_696 = arith.addf %parallel_loop3A_608, %parallel_loop3A_695 : vector<16xf32>
        %parallel_loop3A_697 = arith.mulf %parallel_loop3A_695, %parallel_loop3A_695 : vector<16xf32>
        %parallel_loop3A_698 = arith.addf %parallel_loop3A_610, %parallel_loop3A_697 : vector<16xf32>
        %parallel_loop3A_699 = arith.constant 16 : i32
        %parallel_loop3A_700 = vector.broadcast %parallel_loop3A_699 : i32 to vector<16xi32>
        %parallel_loop3A_701 = arith.ori %and3A_288, %parallel_loop3A_700 : vector<16xi32>
        %parallel_loop3A_702 = arith.constant 0 : i32
        %parallel_loop3A_703 = arith.constant 0 : i32
        %parallel_loop3A_704 = tpu.memref_slice %arg8[%rem3A_151, %parallel_loop3A_702, %parallel_loop3A_703] : memref<2x400x64xf32, #tpu.memory_space<vmem>> -> memref<1x400x64xf32, #tpu.memory_space<vmem>>
        %parallel_loop3A_705 = tpu.memref_squeeze %parallel_loop3A_704 : memref<1x400x64xf32, #tpu.memory_space<vmem>> -> memref<400x64xf32, #tpu.memory_space<vmem>>
        %parallel_loop3A_706 = tpu.vector_load_idx %parallel_loop3A_705[%parallel_loop3A_380, %parallel_loop3A_701] : memref<400x64xf32, #tpu.memory_space<vmem>>[vector<16xi32>, vector<16xi32>], vector<16xf32>,
        %parallel_loop3A_707 = arith.addf %parallel_loop3A_619, %parallel_loop3A_706 : vector<16xf32>
        %parallel_loop3A_708 = arith.mulf %parallel_loop3A_706, %parallel_loop3A_706 : vector<16xf32>
        %parallel_loop3A_709 = arith.addf %parallel_loop3A_621, %parallel_loop3A_708 : vector<16xf32>
        %parallel_loop3A_710 = arith.constant 16 : i32
        %parallel_loop3A_711 = vector.broadcast %parallel_loop3A_710 : i32 to vector<16xi32>
        %parallel_loop3A_712 = arith.ori %and3A_294, %parallel_loop3A_711 : vector<16xi32>
        %parallel_loop3A_713 = arith.constant 0 : i32
        %parallel_loop3A_714 = arith.constant 0 : i32
        %parallel_loop3A_715 = tpu.memref_slice %arg8[%rem3A_151, %parallel_loop3A_713, %parallel_loop3A_714] : memref<2x400x64xf32, #tpu.memory_space<vmem>> -> memref<1x400x64xf32, #tpu.memory_space<vmem>>
        %parallel_loop3A_716 = tpu.memref_squeeze %parallel_loop3A_715 : memref<1x400x64xf32, #tpu.memory_space<vmem>> -> memref<400x64xf32, #tpu.memory_space<vmem>>
        %parallel_loop3A_717 = tpu.vector_load_idx %parallel_loop3A_716[%parallel_loop3A_380, %parallel_loop3A_712] : memref<400x64xf32, #tpu.memory_space<vmem>>[vector<16xi32>, vector<16xi32>], vector<16xf32>,
        %parallel_loop3A_718 = arith.addf %parallel_loop3A_630, %parallel_loop3A_717 : vector<16xf32>
        %parallel_loop3A_719 = arith.mulf %parallel_loop3A_717, %parallel_loop3A_717 : vector<16xf32>
        %parallel_loop3A_720 = arith.addf %parallel_loop3A_632, %parallel_loop3A_719 : vector<16xf32>
        %parallel_loop3A_721 = arith.constant 16 : i32
        %parallel_loop3A_722 = vector.broadcast %parallel_loop3A_721 : i32 to vector<16xi32>
        %parallel_loop3A_723 = arith.ori %and3A_300, %parallel_loop3A_722 : vector<16xi32>
        %parallel_loop3A_724 = arith.constant 0 : i32
        %parallel_loop3A_725 = arith.constant 0 : i32
        %parallel_loop3A_726 = tpu.memref_slice %arg8[%rem3A_151, %parallel_loop3A_724, %parallel_loop3A_725] : memref<2x400x64xf32, #tpu.memory_space<vmem>> -> memref<1x400x64xf32, #tpu.memory_space<vmem>>
        %parallel_loop3A_727 = tpu.memref_squeeze %parallel_loop3A_726 : memref<1x400x64xf32, #tpu.memory_space<vmem>> -> memref<400x64xf32, #tpu.memory_space<vmem>>
        %parallel_loop3A_728 = tpu.vector_load_idx %parallel_loop3A_727[%parallel_loop3A_380, %parallel_loop3A_723] : memref<400x64xf32, #tpu.memory_space<vmem>>[vector<16xi32>, vector<16xi32>], vector<16xf32>,
        %parallel_loop3A_729 = arith.addf %parallel_loop3A_641, %parallel_loop3A_728 : vector<16xf32>
        %parallel_loop3A_730 = arith.mulf %parallel_loop3A_728, %parallel_loop3A_728 : vector<16xf32>
        %parallel_loop3A_731 = arith.addf %parallel_loop3A_643, %parallel_loop3A_730 : vector<16xf32>
        %parallel_loop3A_732 = arith.constant 16 : i32
        %parallel_loop3A_733 = vector.broadcast %parallel_loop3A_732 : i32 to vector<16xi32>
        %parallel_loop3A_734 = arith.ori %and3A_306, %parallel_loop3A_733 : vector<16xi32>
        %parallel_loop3A_735 = arith.constant 0 : i32
        %parallel_loop3A_736 = arith.constant 0 : i32
        %parallel_loop3A_737 = tpu.memref_slice %arg8[%rem3A_151, %parallel_loop3A_735, %parallel_loop3A_736] : memref<2x400x64xf32, #tpu.memory_space<vmem>> -> memref<1x400x64xf32, #tpu.memory_space<vmem>>
        %parallel_loop3A_738 = tpu.memref_squeeze %parallel_loop3A_737 : memref<1x400x64xf32, #tpu.memory_space<vmem>> -> memref<400x64xf32, #tpu.memory_space<vmem>>
        %parallel_loop3A_739 = tpu.vector_load_idx %parallel_loop3A_738[%parallel_loop3A_380, %parallel_loop3A_734] : memref<400x64xf32, #tpu.memory_space<vmem>>[vector<16xi32>, vector<16xi32>], vector<16xf32>,
        %parallel_loop3A_740 = arith.addf %parallel_loop3A_652, %parallel_loop3A_739 : vector<16xf32>
        %parallel_loop3A_741 = arith.mulf %parallel_loop3A_739, %parallel_loop3A_739 : vector<16xf32>
        %parallel_loop3A_742 = arith.addf %parallel_loop3A_654, %parallel_loop3A_741 : vector<16xf32>
        %parallel_loop3A_743 = arith.constant 16 : i32
        %parallel_loop3A_744 = vector.broadcast %parallel_loop3A_743 : i32 to vector<16xi32>
        %parallel_loop3A_745 = arith.ori %and3A_312, %parallel_loop3A_744 : vector<16xi32>
        %parallel_loop3A_746 = arith.constant 0 : i32
        %parallel_loop3A_747 = arith.constant 0 : i32
        %parallel_loop3A_748 = tpu.memref_slice %arg8[%rem3A_151, %parallel_loop3A_746, %parallel_loop3A_747] : memref<2x400x64xf32, #tpu.memory_space<vmem>> -> memref<1x400x64xf32, #tpu.memory_space<vmem>>
        %parallel_loop3A_749 = tpu.memref_squeeze %parallel_loop3A_748 : memref<1x400x64xf32, #tpu.memory_space<vmem>> -> memref<400x64xf32, #tpu.memory_space<vmem>>
        %parallel_loop3A_750 = tpu.vector_load_idx %parallel_loop3A_749[%parallel_loop3A_380, %parallel_loop3A_745] : memref<400x64xf32, #tpu.memory_space<vmem>>[vector<16xi32>, vector<16xi32>], vector<16xf32>,
        %parallel_loop3A_751 = arith.addf %parallel_loop3A_663, %parallel_loop3A_750 : vector<16xf32>
        %parallel_loop3A_752 = arith.mulf %parallel_loop3A_750, %parallel_loop3A_750 : vector<16xf32>
        %parallel_loop3A_753 = arith.addf %parallel_loop3A_665, %parallel_loop3A_752 : vector<16xf32>
        %parallel_loop3A_754 = arith.constant 16 : i32
        %parallel_loop3A_755 = vector.broadcast %parallel_loop3A_754 : i32 to vector<16xi32>
        %parallel_loop3A_756 = arith.ori %and3A_318, %parallel_loop3A_755 : vector<16xi32>
        %parallel_loop3A_757 = arith.constant 0 : i32
        %parallel_loop3A_758 = arith.constant 0 : i32
        %parallel_loop3A_759 = tpu.memref_slice %arg8[%rem3A_151, %parallel_loop3A_757, %parallel_loop3A_758] : memref<2x400x64xf32, #tpu.memory_space<vmem>> -> memref<1x400x64xf32, #tpu.memory_space<vmem>>
        %parallel_loop3A_760 = tpu.memref_squeeze %parallel_loop3A_759 : memref<1x400x64xf32, #tpu.memory_space<vmem>> -> memref<400x64xf32, #tpu.memory_space<vmem>>
        %parallel_loop3A_761 = tpu.vector_load_idx %parallel_loop3A_760[%parallel_loop3A_380, %parallel_loop3A_756] : memref<400x64xf32, #tpu.memory_space<vmem>>[vector<16xi32>, vector<16xi32>], vector<16xf32>,
        %parallel_loop3A_762 = arith.addf %parallel_loop3A_674, %parallel_loop3A_761 : vector<16xf32>
        %parallel_loop3A_763 = arith.mulf %parallel_loop3A_761, %parallel_loop3A_761 : vector<16xf32>
        %parallel_loop3A_764 = arith.addf %parallel_loop3A_676, %parallel_loop3A_763 : vector<16xf32>
        %parallel_loop3A_765 = arith.constant 32 : i32
        %parallel_loop3A_766 = vector.broadcast %parallel_loop3A_765 : i32 to vector<16xi32>
        %parallel_loop3A_767 = arith.ori %and3A_228, %parallel_loop3A_766 : vector<16xi32>
        %parallel_loop3A_768 = arith.constant 0 : i32
        %parallel_loop3A_769 = arith.constant 0 : i32
        %parallel_loop3A_770 = tpu.memref_slice %arg8[%rem3A_151, %parallel_loop3A_768, %parallel_loop3A_769] : memref<2x400x64xf32, #tpu.memory_space<vmem>> -> memref<1x400x64xf32, #tpu.memory_space<vmem>>
        %parallel_loop3A_771 = tpu.memref_squeeze %parallel_loop3A_770 : memref<1x400x64xf32, #tpu.memory_space<vmem>> -> memref<400x64xf32, #tpu.memory_space<vmem>>
        %parallel_loop3A_772 = tpu.vector_load_idx %parallel_loop3A_771[%parallel_loop3A_380, %parallel_loop3A_767] : memref<400x64xf32, #tpu.memory_space<vmem>>[vector<16xi32>, vector<16xi32>], vector<16xf32>,
        %parallel_loop3A_773 = arith.addf %parallel_loop3A_685, %parallel_loop3A_772 : vector<16xf32>
        %parallel_loop3A_774 = arith.mulf %parallel_loop3A_772, %parallel_loop3A_772 : vector<16xf32>
        %parallel_loop3A_775 = arith.addf %parallel_loop3A_687, %parallel_loop3A_774 : vector<16xf32>
        %parallel_loop3A_776 = arith.constant 32 : i32
        %parallel_loop3A_777 = vector.broadcast %parallel_loop3A_776 : i32 to vector<16xi32>
        %parallel_loop3A_778 = arith.ori %and3A_234, %parallel_loop3A_777 : vector<16xi32>
        %parallel_loop3A_779 = arith.constant 0 : i32
        %parallel_loop3A_780 = arith.constant 0 : i32
        %parallel_loop3A_781 = tpu.memref_slice %arg8[%rem3A_151, %parallel_loop3A_779, %parallel_loop3A_780] : memref<2x400x64xf32, #tpu.memory_space<vmem>> -> memref<1x400x64xf32, #tpu.memory_space<vmem>>
        %parallel_loop3A_782 = tpu.memref_squeeze %parallel_loop3A_781 : memref<1x400x64xf32, #tpu.memory_space<vmem>> -> memref<400x64xf32, #tpu.memory_space<vmem>>
        %parallel_loop3A_783 = tpu.vector_load_idx %parallel_loop3A_782[%parallel_loop3A_380, %parallel_loop3A_778] : memref<400x64xf32, #tpu.memory_space<vmem>>[vector<16xi32>, vector<16xi32>], vector<16xf32>,
        %parallel_loop3A_784 = arith.addf %parallel_loop3A_696, %parallel_loop3A_783 : vector<16xf32>
        %parallel_loop3A_785 = arith.mulf %parallel_loop3A_783, %parallel_loop3A_783 : vector<16xf32>
        %parallel_loop3A_786 = arith.addf %parallel_loop3A_698, %parallel_loop3A_785 : vector<16xf32>
        %parallel_loop3A_787 = arith.constant 32 : i32
        %parallel_loop3A_788 = vector.broadcast %parallel_loop3A_787 : i32 to vector<16xi32>
        %parallel_loop3A_789 = arith.ori %and3A_240, %parallel_loop3A_788 : vector<16xi32>
        %parallel_loop3A_790 = arith.constant 0 : i32
        %parallel_loop3A_791 = arith.constant 0 : i32
        %parallel_loop3A_792 = tpu.memref_slice %arg8[%rem3A_151, %parallel_loop3A_790, %parallel_loop3A_791] : memref<2x400x64xf32, #tpu.memory_space<vmem>> -> memref<1x400x64xf32, #tpu.memory_space<vmem>>
        %parallel_loop3A_793 = tpu.memref_squeeze %parallel_loop3A_792 : memref<1x400x64xf32, #tpu.memory_space<vmem>> -> memref<400x64xf32, #tpu.memory_space<vmem>>
        %parallel_loop3A_794 = tpu.vector_load_idx %parallel_loop3A_793[%parallel_loop3A_380, %parallel_loop3A_789] : memref<400x64xf32, #tpu.memory_space<vmem>>[vector<16xi32>, vector<16xi32>], vector<16xf32>,
        %parallel_loop3A_795 = arith.addf %parallel_loop3A_707, %parallel_loop3A_794 : vector<16xf32>
        %parallel_loop3A_796 = arith.mulf %parallel_loop3A_794, %parallel_loop3A_794 : vector<16xf32>
        %parallel_loop3A_797 = arith.addf %parallel_loop3A_709, %parallel_loop3A_796 : vector<16xf32>
        %parallel_loop3A_798 = arith.constant 32 : i32
        %parallel_loop3A_799 = vector.broadcast %parallel_loop3A_798 : i32 to vector<16xi32>
        %parallel_loop3A_800 = arith.ori %and3A_246, %parallel_loop3A_799 : vector<16xi32>
        %parallel_loop3A_801 = arith.constant 0 : i32
        %parallel_loop3A_802 = arith.constant 0 : i32
        %parallel_loop3A_803 = tpu.memref_slice %arg8[%rem3A_151, %parallel_loop3A_801, %parallel_loop3A_802] : memref<2x400x64xf32, #tpu.memory_space<vmem>> -> memref<1x400x64xf32, #tpu.memory_space<vmem>>
        %parallel_loop3A_804 = tpu.memref_squeeze %parallel_loop3A_803 : memref<1x400x64xf32, #tpu.memory_space<vmem>> -> memref<400x64xf32, #tpu.memory_space<vmem>>
        %parallel_loop3A_805 = tpu.vector_load_idx %parallel_loop3A_804[%parallel_loop3A_380, %parallel_loop3A_800] : memref<400x64xf32, #tpu.memory_space<vmem>>[vector<16xi32>, vector<16xi32>], vector<16xf32>,
        %parallel_loop3A_806 = arith.addf %parallel_loop3A_718, %parallel_loop3A_805 : vector<16xf32>
        %parallel_loop3A_807 = arith.mulf %parallel_loop3A_805, %parallel_loop3A_805 : vector<16xf32>
        %parallel_loop3A_808 = arith.addf %parallel_loop3A_720, %parallel_loop3A_807 : vector<16xf32>
        %parallel_loop3A_809 = arith.constant 32 : i32
        %parallel_loop3A_810 = vector.broadcast %parallel_loop3A_809 : i32 to vector<16xi32>
        %parallel_loop3A_811 = arith.ori %and3A_252, %parallel_loop3A_810 : vector<16xi32>
        %parallel_loop3A_812 = arith.constant 0 : i32
        %parallel_loop3A_813 = arith.constant 0 : i32
        %parallel_loop3A_814 = tpu.memref_slice %arg8[%rem3A_151, %parallel_loop3A_812, %parallel_loop3A_813] : memref<2x400x64xf32, #tpu.memory_space<vmem>> -> memref<1x400x64xf32, #tpu.memory_space<vmem>>
        %parallel_loop3A_815 = tpu.memref_squeeze %parallel_loop3A_814 : memref<1x400x64xf32, #tpu.memory_space<vmem>> -> memref<400x64xf32, #tpu.memory_space<vmem>>
        %parallel_loop3A_816 = tpu.vector_load_idx %parallel_loop3A_815[%parallel_loop3A_380, %parallel_loop3A_811] : memref<400x64xf32, #tpu.memory_space<vmem>>[vector<16xi32>, vector<16xi32>], vector<16xf32>,
        %parallel_loop3A_817 = arith.addf %parallel_loop3A_729, %parallel_loop3A_816 : vector<16xf32>
        %parallel_loop3A_818 = arith.mulf %parallel_loop3A_816, %parallel_loop3A_816 : vector<16xf32>
        %parallel_loop3A_819 = arith.addf %parallel_loop3A_731, %parallel_loop3A_818 : vector<16xf32>
        %parallel_loop3A_820 = arith.constant 32 : i32
        %parallel_loop3A_821 = vector.broadcast %parallel_loop3A_820 : i32 to vector<16xi32>
        %parallel_loop3A_822 = arith.ori %and3A_258, %parallel_loop3A_821 : vector<16xi32>
        %parallel_loop3A_823 = arith.constant 0 : i32
        %parallel_loop3A_824 = arith.constant 0 : i32
        %parallel_loop3A_825 = tpu.memref_slice %arg8[%rem3A_151, %parallel_loop3A_823, %parallel_loop3A_824] : memref<2x400x64xf32, #tpu.memory_space<vmem>> -> memref<1x400x64xf32, #tpu.memory_space<vmem>>
        %parallel_loop3A_826 = tpu.memref_squeeze %parallel_loop3A_825 : memref<1x400x64xf32, #tpu.memory_space<vmem>> -> memref<400x64xf32, #tpu.memory_space<vmem>>
        %parallel_loop3A_827 = tpu.vector_load_idx %parallel_loop3A_826[%parallel_loop3A_380, %parallel_loop3A_822] : memref<400x64xf32, #tpu.memory_space<vmem>>[vector<16xi32>, vector<16xi32>], vector<16xf32>,
        %parallel_loop3A_828 = arith.addf %parallel_loop3A_740, %parallel_loop3A_827 : vector<16xf32>
        %parallel_loop3A_829 = arith.mulf %parallel_loop3A_827, %parallel_loop3A_827 : vector<16xf32>
        %parallel_loop3A_830 = arith.addf %parallel_loop3A_742, %parallel_loop3A_829 : vector<16xf32>
        %parallel_loop3A_831 = arith.constant 32 : i32
        %parallel_loop3A_832 = vector.broadcast %parallel_loop3A_831 : i32 to vector<16xi32>
        %parallel_loop3A_833 = arith.ori %and3A_264, %parallel_loop3A_832 : vector<16xi32>
        %parallel_loop3A_834 = arith.constant 0 : i32
        %parallel_loop3A_835 = arith.constant 0 : i32
        %parallel_loop3A_836 = tpu.memref_slice %arg8[%rem3A_151, %parallel_loop3A_834, %parallel_loop3A_835] : memref<2x400x64xf32, #tpu.memory_space<vmem>> -> memref<1x400x64xf32, #tpu.memory_space<vmem>>
        %parallel_loop3A_837 = tpu.memref_squeeze %parallel_loop3A_836 : memref<1x400x64xf32, #tpu.memory_space<vmem>> -> memref<400x64xf32, #tpu.memory_space<vmem>>
        %parallel_loop3A_838 = tpu.vector_load_idx %parallel_loop3A_837[%parallel_loop3A_380, %parallel_loop3A_833] : memref<400x64xf32, #tpu.memory_space<vmem>>[vector<16xi32>, vector<16xi32>], vector<16xf32>,
        %parallel_loop3A_839 = arith.addf %parallel_loop3A_751, %parallel_loop3A_838 : vector<16xf32>
        %parallel_loop3A_840 = arith.mulf %parallel_loop3A_838, %parallel_loop3A_838 : vector<16xf32>
        %parallel_loop3A_841 = arith.addf %parallel_loop3A_753, %parallel_loop3A_840 : vector<16xf32>
        %parallel_loop3A_842 = arith.constant 32 : i32
        %parallel_loop3A_843 = vector.broadcast %parallel_loop3A_842 : i32 to vector<16xi32>
        %parallel_loop3A_844 = arith.ori %and3A_270, %parallel_loop3A_843 : vector<16xi32>
        %parallel_loop3A_845 = arith.constant 0 : i32
        %parallel_loop3A_846 = arith.constant 0 : i32
        %parallel_loop3A_847 = tpu.memref_slice %arg8[%rem3A_151, %parallel_loop3A_845, %parallel_loop3A_846] : memref<2x400x64xf32, #tpu.memory_space<vmem>> -> memref<1x400x64xf32, #tpu.memory_space<vmem>>
        %parallel_loop3A_848 = tpu.memref_squeeze %parallel_loop3A_847 : memref<1x400x64xf32, #tpu.memory_space<vmem>> -> memref<400x64xf32, #tpu.memory_space<vmem>>
        %parallel_loop3A_849 = tpu.vector_load_idx %parallel_loop3A_848[%parallel_loop3A_380, %parallel_loop3A_844] : memref<400x64xf32, #tpu.memory_space<vmem>>[vector<16xi32>, vector<16xi32>], vector<16xf32>,
        %parallel_loop3A_850 = arith.addf %parallel_loop3A_762, %parallel_loop3A_849 : vector<16xf32>
        %parallel_loop3A_851 = arith.mulf %parallel_loop3A_849, %parallel_loop3A_849 : vector<16xf32>
        %parallel_loop3A_852 = arith.addf %parallel_loop3A_764, %parallel_loop3A_851 : vector<16xf32>
        %parallel_loop3A_853 = arith.constant 32 : i32
        %parallel_loop3A_854 = vector.broadcast %parallel_loop3A_853 : i32 to vector<16xi32>
        %parallel_loop3A_855 = arith.ori %and3A_276, %parallel_loop3A_854 : vector<16xi32>
        %parallel_loop3A_856 = arith.constant 0 : i32
        %parallel_loop3A_857 = arith.constant 0 : i32
        %parallel_loop3A_858 = tpu.memref_slice %arg8[%rem3A_151, %parallel_loop3A_856, %parallel_loop3A_857] : memref<2x400x64xf32, #tpu.memory_space<vmem>> -> memref<1x400x64xf32, #tpu.memory_space<vmem>>
        %parallel_loop3A_859 = tpu.memref_squeeze %parallel_loop3A_858 : memref<1x400x64xf32, #tpu.memory_space<vmem>> -> memref<400x64xf32, #tpu.memory_space<vmem>>
        %parallel_loop3A_860 = tpu.vector_load_idx %parallel_loop3A_859[%parallel_loop3A_380, %parallel_loop3A_855] : memref<400x64xf32, #tpu.memory_space<vmem>>[vector<16xi32>, vector<16xi32>], vector<16xf32>,
        %parallel_loop3A_861 = arith.addf %parallel_loop3A_773, %parallel_loop3A_860 : vector<16xf32>
        %parallel_loop3A_862 = arith.mulf %parallel_loop3A_860, %parallel_loop3A_860 : vector<16xf32>
        %parallel_loop3A_863 = arith.addf %parallel_loop3A_775, %parallel_loop3A_862 : vector<16xf32>
        %parallel_loop3A_864 = arith.constant 32 : i32
        %parallel_loop3A_865 = vector.broadcast %parallel_loop3A_864 : i32 to vector<16xi32>
        %parallel_loop3A_866 = arith.ori %and3A_282, %parallel_loop3A_865 : vector<16xi32>
        %parallel_loop3A_867 = arith.constant 0 : i32
        %parallel_loop3A_868 = arith.constant 0 : i32
        %parallel_loop3A_869 = tpu.memref_slice %arg8[%rem3A_151, %parallel_loop3A_867, %parallel_loop3A_868] : memref<2x400x64xf32, #tpu.memory_space<vmem>> -> memref<1x400x64xf32, #tpu.memory_space<vmem>>
        %parallel_loop3A_870 = tpu.memref_squeeze %parallel_loop3A_869 : memref<1x400x64xf32, #tpu.memory_space<vmem>> -> memref<400x64xf32, #tpu.memory_space<vmem>>
        %parallel_loop3A_871 = tpu.vector_load_idx %parallel_loop3A_870[%parallel_loop3A_380, %parallel_loop3A_866] : memref<400x64xf32, #tpu.memory_space<vmem>>[vector<16xi32>, vector<16xi32>], vector<16xf32>,
        %parallel_loop3A_872 = arith.addf %parallel_loop3A_784, %parallel_loop3A_871 : vector<16xf32>
        %parallel_loop3A_873 = arith.mulf %parallel_loop3A_871, %parallel_loop3A_871 : vector<16xf32>
        %parallel_loop3A_874 = arith.addf %parallel_loop3A_786, %parallel_loop3A_873 : vector<16xf32>
        %parallel_loop3A_875 = arith.constant 32 : i32
        %parallel_loop3A_876 = vector.broadcast %parallel_loop3A_875 : i32 to vector<16xi32>
        %parallel_loop3A_877 = arith.ori %and3A_288, %parallel_loop3A_876 : vector<16xi32>
        %parallel_loop3A_878 = arith.constant 0 : i32
        %parallel_loop3A_879 = arith.constant 0 : i32
        %parallel_loop3A_880 = tpu.memref_slice %arg8[%rem3A_151, %parallel_loop3A_878, %parallel_loop3A_879] : memref<2x400x64xf32, #tpu.memory_space<vmem>> -> memref<1x400x64xf32, #tpu.memory_space<vmem>>
        %parallel_loop3A_881 = tpu.memref_squeeze %parallel_loop3A_880 : memref<1x400x64xf32, #tpu.memory_space<vmem>> -> memref<400x64xf32, #tpu.memory_space<vmem>>
        %parallel_loop3A_882 = tpu.vector_load_idx %parallel_loop3A_881[%parallel_loop3A_380, %parallel_loop3A_877] : memref<400x64xf32, #tpu.memory_space<vmem>>[vector<16xi32>, vector<16xi32>], vector<16xf32>,
        %parallel_loop3A_883 = arith.addf %parallel_loop3A_795, %parallel_loop3A_882 : vector<16xf32>
        %parallel_loop3A_884 = arith.mulf %parallel_loop3A_882, %parallel_loop3A_882 : vector<16xf32>
        %parallel_loop3A_885 = arith.addf %parallel_loop3A_797, %parallel_loop3A_884 : vector<16xf32>
        %parallel_loop3A_886 = arith.constant 32 : i32
        %parallel_loop3A_887 = vector.broadcast %parallel_loop3A_886 : i32 to vector<16xi32>
        %parallel_loop3A_888 = arith.ori %and3A_294, %parallel_loop3A_887 : vector<16xi32>
        %parallel_loop3A_889 = arith.constant 0 : i32
        %parallel_loop3A_890 = arith.constant 0 : i32
        %parallel_loop3A_891 = tpu.memref_slice %arg8[%rem3A_151, %parallel_loop3A_889, %parallel_loop3A_890] : memref<2x400x64xf32, #tpu.memory_space<vmem>> -> memref<1x400x64xf32, #tpu.memory_space<vmem>>
        %parallel_loop3A_892 = tpu.memref_squeeze %parallel_loop3A_891 : memref<1x400x64xf32, #tpu.memory_space<vmem>> -> memref<400x64xf32, #tpu.memory_space<vmem>>
        %parallel_loop3A_893 = tpu.vector_load_idx %parallel_loop3A_892[%parallel_loop3A_380, %parallel_loop3A_888] : memref<400x64xf32, #tpu.memory_space<vmem>>[vector<16xi32>, vector<16xi32>], vector<16xf32>,
        %parallel_loop3A_894 = arith.addf %parallel_loop3A_806, %parallel_loop3A_893 : vector<16xf32>
        %parallel_loop3A_895 = arith.mulf %parallel_loop3A_893, %parallel_loop3A_893 : vector<16xf32>
        %parallel_loop3A_896 = arith.addf %parallel_loop3A_808, %parallel_loop3A_895 : vector<16xf32>
        %parallel_loop3A_897 = arith.constant 32 : i32
        %parallel_loop3A_898 = vector.broadcast %parallel_loop3A_897 : i32 to vector<16xi32>
        %parallel_loop3A_899 = arith.ori %and3A_300, %parallel_loop3A_898 : vector<16xi32>
        %parallel_loop3A_900 = arith.constant 0 : i32
        %parallel_loop3A_901 = arith.constant 0 : i32
        %parallel_loop3A_902 = tpu.memref_slice %arg8[%rem3A_151, %parallel_loop3A_900, %parallel_loop3A_901] : memref<2x400x64xf32, #tpu.memory_space<vmem>> -> memref<1x400x64xf32, #tpu.memory_space<vmem>>
        %parallel_loop3A_903 = tpu.memref_squeeze %parallel_loop3A_902 : memref<1x400x64xf32, #tpu.memory_space<vmem>> -> memref<400x64xf32, #tpu.memory_space<vmem>>
        %parallel_loop3A_904 = tpu.vector_load_idx %parallel_loop3A_903[%parallel_loop3A_380, %parallel_loop3A_899] : memref<400x64xf32, #tpu.memory_space<vmem>>[vector<16xi32>, vector<16xi32>], vector<16xf32>,
        %parallel_loop3A_905 = arith.addf %parallel_loop3A_817, %parallel_loop3A_904 : vector<16xf32>
        %parallel_loop3A_906 = arith.mulf %parallel_loop3A_904, %parallel_loop3A_904 : vector<16xf32>
        %parallel_loop3A_907 = arith.addf %parallel_loop3A_819, %parallel_loop3A_906 : vector<16xf32>
        %parallel_loop3A_908 = arith.constant 32 : i32
        %parallel_loop3A_909 = vector.broadcast %parallel_loop3A_908 : i32 to vector<16xi32>
        %parallel_loop3A_910 = arith.ori %and3A_306, %parallel_loop3A_909 : vector<16xi32>
        %parallel_loop3A_911 = arith.constant 0 : i32
        %parallel_loop3A_912 = arith.constant 0 : i32
        %parallel_loop3A_913 = tpu.memref_slice %arg8[%rem3A_151, %parallel_loop3A_911, %parallel_loop3A_912] : memref<2x400x64xf32, #tpu.memory_space<vmem>> -> memref<1x400x64xf32, #tpu.memory_space<vmem>>
        %parallel_loop3A_914 = tpu.memref_squeeze %parallel_loop3A_913 : memref<1x400x64xf32, #tpu.memory_space<vmem>> -> memref<400x64xf32, #tpu.memory_space<vmem>>
        %parallel_loop3A_915 = tpu.vector_load_idx %parallel_loop3A_914[%parallel_loop3A_380, %parallel_loop3A_910] : memref<400x64xf32, #tpu.memory_space<vmem>>[vector<16xi32>, vector<16xi32>], vector<16xf32>,
        %parallel_loop3A_916 = arith.addf %parallel_loop3A_828, %parallel_loop3A_915 : vector<16xf32>
        %parallel_loop3A_917 = arith.mulf %parallel_loop3A_915, %parallel_loop3A_915 : vector<16xf32>
        %parallel_loop3A_918 = arith.addf %parallel_loop3A_830, %parallel_loop3A_917 : vector<16xf32>
        %parallel_loop3A_919 = arith.constant 32 : i32
        %parallel_loop3A_920 = vector.broadcast %parallel_loop3A_919 : i32 to vector<16xi32>
        %parallel_loop3A_921 = arith.ori %and3A_312, %parallel_loop3A_920 : vector<16xi32>
        %parallel_loop3A_922 = arith.constant 0 : i32
        %parallel_loop3A_923 = arith.constant 0 : i32
        %parallel_loop3A_924 = tpu.memref_slice %arg8[%rem3A_151, %parallel_loop3A_922, %parallel_loop3A_923] : memref<2x400x64xf32, #tpu.memory_space<vmem>> -> memref<1x400x64xf32, #tpu.memory_space<vmem>>
        %parallel_loop3A_925 = tpu.memref_squeeze %parallel_loop3A_924 : memref<1x400x64xf32, #tpu.memory_space<vmem>> -> memref<400x64xf32, #tpu.memory_space<vmem>>
        %parallel_loop3A_926 = tpu.vector_load_idx %parallel_loop3A_925[%parallel_loop3A_380, %parallel_loop3A_921] : memref<400x64xf32, #tpu.memory_space<vmem>>[vector<16xi32>, vector<16xi32>], vector<16xf32>,
        %parallel_loop3A_927 = arith.addf %parallel_loop3A_839, %parallel_loop3A_926 : vector<16xf32>
        %parallel_loop3A_928 = arith.mulf %parallel_loop3A_926, %parallel_loop3A_926 : vector<16xf32>
        %parallel_loop3A_929 = arith.addf %parallel_loop3A_841, %parallel_loop3A_928 : vector<16xf32>
        %parallel_loop3A_930 = arith.constant 32 : i32
        %parallel_loop3A_931 = vector.broadcast %parallel_loop3A_930 : i32 to vector<16xi32>
        %parallel_loop3A_932 = arith.ori %and3A_318, %parallel_loop3A_931 : vector<16xi32>
        %parallel_loop3A_933 = arith.constant 0 : i32
        %parallel_loop3A_934 = arith.constant 0 : i32
        %parallel_loop3A_935 = tpu.memref_slice %arg8[%rem3A_151, %parallel_loop3A_933, %parallel_loop3A_934] : memref<2x400x64xf32, #tpu.memory_space<vmem>> -> memref<1x400x64xf32, #tpu.memory_space<vmem>>
        %parallel_loop3A_936 = tpu.memref_squeeze %parallel_loop3A_935 : memref<1x400x64xf32, #tpu.memory_space<vmem>> -> memref<400x64xf32, #tpu.memory_space<vmem>>
        %parallel_loop3A_937 = tpu.vector_load_idx %parallel_loop3A_936[%parallel_loop3A_380, %parallel_loop3A_932] : memref<400x64xf32, #tpu.memory_space<vmem>>[vector<16xi32>, vector<16xi32>], vector<16xf32>,
        %parallel_loop3A_938 = arith.addf %parallel_loop3A_850, %parallel_loop3A_937 : vector<16xf32>
        %parallel_loop3A_939 = arith.mulf %parallel_loop3A_937, %parallel_loop3A_937 : vector<16xf32>
        %parallel_loop3A_940 = arith.addf %parallel_loop3A_852, %parallel_loop3A_939 : vector<16xf32>
        %parallel_loop3A_941 = arith.constant 48 : i32
        %parallel_loop3A_942 = vector.broadcast %parallel_loop3A_941 : i32 to vector<16xi32>
        %parallel_loop3A_943 = arith.ori %and3A_228, %parallel_loop3A_942 : vector<16xi32>
        %parallel_loop3A_944 = arith.constant 0 : i32
        %parallel_loop3A_945 = arith.constant 0 : i32
        %parallel_loop3A_946 = tpu.memref_slice %arg8[%rem3A_151, %parallel_loop3A_944, %parallel_loop3A_945] : memref<2x400x64xf32, #tpu.memory_space<vmem>> -> memref<1x400x64xf32, #tpu.memory_space<vmem>>
        %parallel_loop3A_947 = tpu.memref_squeeze %parallel_loop3A_946 : memref<1x400x64xf32, #tpu.memory_space<vmem>> -> memref<400x64xf32, #tpu.memory_space<vmem>>
        %parallel_loop3A_948 = tpu.vector_load_idx %parallel_loop3A_947[%parallel_loop3A_380, %parallel_loop3A_943] : memref<400x64xf32, #tpu.memory_space<vmem>>[vector<16xi32>, vector<16xi32>], vector<16xf32>,
        %parallel_loop3A_949 = arith.addf %parallel_loop3A_861, %parallel_loop3A_948 : vector<16xf32>
        %parallel_loop3A_950 = arith.mulf %parallel_loop3A_948, %parallel_loop3A_948 : vector<16xf32>
        %parallel_loop3A_951 = arith.addf %parallel_loop3A_863, %parallel_loop3A_950 : vector<16xf32>
        %parallel_loop3A_952 = arith.constant 48 : i32
        %parallel_loop3A_953 = vector.broadcast %parallel_loop3A_952 : i32 to vector<16xi32>
        %parallel_loop3A_954 = arith.ori %and3A_234, %parallel_loop3A_953 : vector<16xi32>
        %parallel_loop3A_955 = arith.constant 0 : i32
        %parallel_loop3A_956 = arith.constant 0 : i32
        %parallel_loop3A_957 = tpu.memref_slice %arg8[%rem3A_151, %parallel_loop3A_955, %parallel_loop3A_956] : memref<2x400x64xf32, #tpu.memory_space<vmem>> -> memref<1x400x64xf32, #tpu.memory_space<vmem>>
        %parallel_loop3A_958 = tpu.memref_squeeze %parallel_loop3A_957 : memref<1x400x64xf32, #tpu.memory_space<vmem>> -> memref<400x64xf32, #tpu.memory_space<vmem>>
        %parallel_loop3A_959 = tpu.vector_load_idx %parallel_loop3A_958[%parallel_loop3A_380, %parallel_loop3A_954] : memref<400x64xf32, #tpu.memory_space<vmem>>[vector<16xi32>, vector<16xi32>], vector<16xf32>,
        %parallel_loop3A_960 = arith.addf %parallel_loop3A_872, %parallel_loop3A_959 : vector<16xf32>
        %parallel_loop3A_961 = arith.mulf %parallel_loop3A_959, %parallel_loop3A_959 : vector<16xf32>
        %parallel_loop3A_962 = arith.addf %parallel_loop3A_874, %parallel_loop3A_961 : vector<16xf32>
        %parallel_loop3A_963 = arith.constant 48 : i32
        %parallel_loop3A_964 = vector.broadcast %parallel_loop3A_963 : i32 to vector<16xi32>
        %parallel_loop3A_965 = arith.ori %and3A_240, %parallel_loop3A_964 : vector<16xi32>
        %parallel_loop3A_966 = arith.constant 0 : i32
        %parallel_loop3A_967 = arith.constant 0 : i32
        %parallel_loop3A_968 = tpu.memref_slice %arg8[%rem3A_151, %parallel_loop3A_966, %parallel_loop3A_967] : memref<2x400x64xf32, #tpu.memory_space<vmem>> -> memref<1x400x64xf32, #tpu.memory_space<vmem>>
        %parallel_loop3A_969 = tpu.memref_squeeze %parallel_loop3A_968 : memref<1x400x64xf32, #tpu.memory_space<vmem>> -> memref<400x64xf32, #tpu.memory_space<vmem>>
        %parallel_loop3A_970 = tpu.vector_load_idx %parallel_loop3A_969[%parallel_loop3A_380, %parallel_loop3A_965] : memref<400x64xf32, #tpu.memory_space<vmem>>[vector<16xi32>, vector<16xi32>], vector<16xf32>,
        %parallel_loop3A_971 = arith.addf %parallel_loop3A_883, %parallel_loop3A_970 : vector<16xf32>
        %parallel_loop3A_972 = arith.mulf %parallel_loop3A_970, %parallel_loop3A_970 : vector<16xf32>
        %parallel_loop3A_973 = arith.addf %parallel_loop3A_885, %parallel_loop3A_972 : vector<16xf32>
        %parallel_loop3A_974 = arith.constant 48 : i32
        %parallel_loop3A_975 = vector.broadcast %parallel_loop3A_974 : i32 to vector<16xi32>
        %parallel_loop3A_976 = arith.ori %and3A_246, %parallel_loop3A_975 : vector<16xi32>
        %parallel_loop3A_977 = arith.constant 0 : i32
        %parallel_loop3A_978 = arith.constant 0 : i32
        %parallel_loop3A_979 = tpu.memref_slice %arg8[%rem3A_151, %parallel_loop3A_977, %parallel_loop3A_978] : memref<2x400x64xf32, #tpu.memory_space<vmem>> -> memref<1x400x64xf32, #tpu.memory_space<vmem>>
        %parallel_loop3A_980 = tpu.memref_squeeze %parallel_loop3A_979 : memref<1x400x64xf32, #tpu.memory_space<vmem>> -> memref<400x64xf32, #tpu.memory_space<vmem>>
        %parallel_loop3A_981 = tpu.vector_load_idx %parallel_loop3A_980[%parallel_loop3A_380, %parallel_loop3A_976] : memref<400x64xf32, #tpu.memory_space<vmem>>[vector<16xi32>, vector<16xi32>], vector<16xf32>,
        %parallel_loop3A_982 = arith.addf %parallel_loop3A_894, %parallel_loop3A_981 : vector<16xf32>
        %parallel_loop3A_983 = arith.mulf %parallel_loop3A_981, %parallel_loop3A_981 : vector<16xf32>
        %parallel_loop3A_984 = arith.addf %parallel_loop3A_896, %parallel_loop3A_983 : vector<16xf32>
        %parallel_loop3A_985 = arith.constant 48 : i32
        %parallel_loop3A_986 = vector.broadcast %parallel_loop3A_985 : i32 to vector<16xi32>
        %parallel_loop3A_987 = arith.ori %and3A_252, %parallel_loop3A_986 : vector<16xi32>
        %parallel_loop3A_988 = arith.constant 0 : i32
        %parallel_loop3A_989 = arith.constant 0 : i32
        %parallel_loop3A_990 = tpu.memref_slice %arg8[%rem3A_151, %parallel_loop3A_988, %parallel_loop3A_989] : memref<2x400x64xf32, #tpu.memory_space<vmem>> -> memref<1x400x64xf32, #tpu.memory_space<vmem>>
        %parallel_loop3A_991 = tpu.memref_squeeze %parallel_loop3A_990 : memref<1x400x64xf32, #tpu.memory_space<vmem>> -> memref<400x64xf32, #tpu.memory_space<vmem>>
        %parallel_loop3A_992 = tpu.vector_load_idx %parallel_loop3A_991[%parallel_loop3A_380, %parallel_loop3A_987] : memref<400x64xf32, #tpu.memory_space<vmem>>[vector<16xi32>, vector<16xi32>], vector<16xf32>,
        %parallel_loop3A_993 = arith.addf %parallel_loop3A_905, %parallel_loop3A_992 : vector<16xf32>
        %parallel_loop3A_994 = arith.mulf %parallel_loop3A_992, %parallel_loop3A_992 : vector<16xf32>
        %parallel_loop3A_995 = arith.addf %parallel_loop3A_907, %parallel_loop3A_994 : vector<16xf32>
        %parallel_loop3A_996 = arith.constant 48 : i32
        %parallel_loop3A_997 = vector.broadcast %parallel_loop3A_996 : i32 to vector<16xi32>
        %parallel_loop3A_998 = arith.ori %and3A_258, %parallel_loop3A_997 : vector<16xi32>
        %parallel_loop3A_999 = arith.constant 0 : i32
        %parallel_loop3A_1000 = arith.constant 0 : i32
        %parallel_loop3A_1001 = tpu.memref_slice %arg8[%rem3A_151, %parallel_loop3A_999, %parallel_loop3A_1000] : memref<2x400x64xf32, #tpu.memory_space<vmem>> -> memref<1x400x64xf32, #tpu.memory_space<vmem>>
        %parallel_loop3A_1002 = tpu.memref_squeeze %parallel_loop3A_1001 : memref<1x400x64xf32, #tpu.memory_space<vmem>> -> memref<400x64xf32, #tpu.memory_space<vmem>>
        %parallel_loop3A_1003 = tpu.vector_load_idx %parallel_loop3A_1002[%parallel_loop3A_380, %parallel_loop3A_998] : memref<400x64xf32, #tpu.memory_space<vmem>>[vector<16xi32>, vector<16xi32>], vector<16xf32>,
        %parallel_loop3A_1004 = arith.addf %parallel_loop3A_916, %parallel_loop3A_1003 : vector<16xf32>
        %parallel_loop3A_1005 = arith.mulf %parallel_loop3A_1003, %parallel_loop3A_1003 : vector<16xf32>
        %parallel_loop3A_1006 = arith.addf %parallel_loop3A_918, %parallel_loop3A_1005 : vector<16xf32>
        %parallel_loop3A_1007 = arith.constant 48 : i32
        %parallel_loop3A_1008 = vector.broadcast %parallel_loop3A_1007 : i32 to vector<16xi32>
        %parallel_loop3A_1009 = arith.ori %and3A_264, %parallel_loop3A_1008 : vector<16xi32>
        %parallel_loop3A_1010 = arith.constant 0 : i32
        %parallel_loop3A_1011 = arith.constant 0 : i32
        %parallel_loop3A_1012 = tpu.memref_slice %arg8[%rem3A_151, %parallel_loop3A_1010, %parallel_loop3A_1011] : memref<2x400x64xf32, #tpu.memory_space<vmem>> -> memref<1x400x64xf32, #tpu.memory_space<vmem>>
        %parallel_loop3A_1013 = tpu.memref_squeeze %parallel_loop3A_1012 : memref<1x400x64xf32, #tpu.memory_space<vmem>> -> memref<400x64xf32, #tpu.memory_space<vmem>>
        %parallel_loop3A_1014 = tpu.vector_load_idx %parallel_loop3A_1013[%parallel_loop3A_380, %parallel_loop3A_1009] : memref<400x64xf32, #tpu.memory_space<vmem>>[vector<16xi32>, vector<16xi32>], vector<16xf32>,
        %parallel_loop3A_1015 = arith.addf %parallel_loop3A_927, %parallel_loop3A_1014 : vector<16xf32>
        %parallel_loop3A_1016 = arith.mulf %parallel_loop3A_1014, %parallel_loop3A_1014 : vector<16xf32>
        %parallel_loop3A_1017 = arith.addf %parallel_loop3A_929, %parallel_loop3A_1016 : vector<16xf32>
        %parallel_loop3A_1018 = arith.constant 48 : i32
        %parallel_loop3A_1019 = vector.broadcast %parallel_loop3A_1018 : i32 to vector<16xi32>
        %parallel_loop3A_1020 = arith.ori %and3A_270, %parallel_loop3A_1019 : vector<16xi32>
        %parallel_loop3A_1021 = arith.constant 0 : i32
        %parallel_loop3A_1022 = arith.constant 0 : i32
        %parallel_loop3A_1023 = tpu.memref_slice %arg8[%rem3A_151, %parallel_loop3A_1021, %parallel_loop3A_1022] : memref<2x400x64xf32, #tpu.memory_space<vmem>> -> memref<1x400x64xf32, #tpu.memory_space<vmem>>
        %parallel_loop3A_1024 = tpu.memref_squeeze %parallel_loop3A_1023 : memref<1x400x64xf32, #tpu.memory_space<vmem>> -> memref<400x64xf32, #tpu.memory_space<vmem>>
        %parallel_loop3A_1025 = tpu.vector_load_idx %parallel_loop3A_1024[%parallel_loop3A_380, %parallel_loop3A_1020] : memref<400x64xf32, #tpu.memory_space<vmem>>[vector<16xi32>, vector<16xi32>], vector<16xf32>,
        %parallel_loop3A_1026 = arith.addf %parallel_loop3A_938, %parallel_loop3A_1025 : vector<16xf32>
        %parallel_loop3A_1027 = arith.mulf %parallel_loop3A_1025, %parallel_loop3A_1025 : vector<16xf32>
        %parallel_loop3A_1028 = arith.addf %parallel_loop3A_940, %parallel_loop3A_1027 : vector<16xf32>
        %parallel_loop3A_1029 = arith.constant 48 : i32
        %parallel_loop3A_1030 = vector.broadcast %parallel_loop3A_1029 : i32 to vector<16xi32>
        %parallel_loop3A_1031 = arith.ori %and3A_276, %parallel_loop3A_1030 : vector<16xi32>
        %parallel_loop3A_1032 = arith.constant 0 : i32
        %parallel_loop3A_1033 = arith.constant 0 : i32
        %parallel_loop3A_1034 = tpu.memref_slice %arg8[%rem3A_151, %parallel_loop3A_1032, %parallel_loop3A_1033] : memref<2x400x64xf32, #tpu.memory_space<vmem>> -> memref<1x400x64xf32, #tpu.memory_space<vmem>>
        %parallel_loop3A_1035 = tpu.memref_squeeze %parallel_loop3A_1034 : memref<1x400x64xf32, #tpu.memory_space<vmem>> -> memref<400x64xf32, #tpu.memory_space<vmem>>
        %parallel_loop3A_1036 = tpu.vector_load_idx %parallel_loop3A_1035[%parallel_loop3A_380, %parallel_loop3A_1031] : memref<400x64xf32, #tpu.memory_space<vmem>>[vector<16xi32>, vector<16xi32>], vector<16xf32>,
        %parallel_loop3A_1037 = arith.addf %parallel_loop3A_949, %parallel_loop3A_1036 : vector<16xf32>
        %parallel_loop3A_1038 = arith.mulf %parallel_loop3A_1036, %parallel_loop3A_1036 : vector<16xf32>
        %parallel_loop3A_1039 = arith.addf %parallel_loop3A_951, %parallel_loop3A_1038 : vector<16xf32>
        %parallel_loop3A_1040 = arith.constant 48 : i32
        %parallel_loop3A_1041 = vector.broadcast %parallel_loop3A_1040 : i32 to vector<16xi32>
        %parallel_loop3A_1042 = arith.ori %and3A_282, %parallel_loop3A_1041 : vector<16xi32>
        %parallel_loop3A_1043 = arith.constant 0 : i32
        %parallel_loop3A_1044 = arith.constant 0 : i32
        %parallel_loop3A_1045 = tpu.memref_slice %arg8[%rem3A_151, %parallel_loop3A_1043, %parallel_loop3A_1044] : memref<2x400x64xf32, #tpu.memory_space<vmem>> -> memref<1x400x64xf32, #tpu.memory_space<vmem>>
        %parallel_loop3A_1046 = tpu.memref_squeeze %parallel_loop3A_1045 : memref<1x400x64xf32, #tpu.memory_space<vmem>> -> memref<400x64xf32, #tpu.memory_space<vmem>>
        %parallel_loop3A_1047 = tpu.vector_load_idx %parallel_loop3A_1046[%parallel_loop3A_380, %parallel_loop3A_1042] : memref<400x64xf32, #tpu.memory_space<vmem>>[vector<16xi32>, vector<16xi32>], vector<16xf32>,
        %parallel_loop3A_1048 = arith.addf %parallel_loop3A_960, %parallel_loop3A_1047 : vector<16xf32>
        %parallel_loop3A_1049 = arith.mulf %parallel_loop3A_1047, %parallel_loop3A_1047 : vector<16xf32>
        %parallel_loop3A_1050 = arith.addf %parallel_loop3A_962, %parallel_loop3A_1049 : vector<16xf32>
        %parallel_loop3A_1051 = arith.constant 48 : i32
        %parallel_loop3A_1052 = vector.broadcast %parallel_loop3A_1051 : i32 to vector<16xi32>
        %parallel_loop3A_1053 = arith.ori %and3A_288, %parallel_loop3A_1052 : vector<16xi32>
        %parallel_loop3A_1054 = arith.constant 0 : i32
        %parallel_loop3A_1055 = arith.constant 0 : i32
        %parallel_loop3A_1056 = tpu.memref_slice %arg8[%rem3A_151, %parallel_loop3A_1054, %parallel_loop3A_1055] : memref<2x400x64xf32, #tpu.memory_space<vmem>> -> memref<1x400x64xf32, #tpu.memory_space<vmem>>
        %parallel_loop3A_1057 = tpu.memref_squeeze %parallel_loop3A_1056 : memref<1x400x64xf32, #tpu.memory_space<vmem>> -> memref<400x64xf32, #tpu.memory_space<vmem>>
        %parallel_loop3A_1058 = tpu.vector_load_idx %parallel_loop3A_1057[%parallel_loop3A_380, %parallel_loop3A_1053] : memref<400x64xf32, #tpu.memory_space<vmem>>[vector<16xi32>, vector<16xi32>], vector<16xf32>,
        %parallel_loop3A_1059 = arith.addf %parallel_loop3A_971, %parallel_loop3A_1058 : vector<16xf32>
        %parallel_loop3A_1060 = arith.mulf %parallel_loop3A_1058, %parallel_loop3A_1058 : vector<16xf32>
        %parallel_loop3A_1061 = arith.addf %parallel_loop3A_973, %parallel_loop3A_1060 : vector<16xf32>
        %parallel_loop3A_1062 = arith.constant 48 : i32
        %parallel_loop3A_1063 = vector.broadcast %parallel_loop3A_1062 : i32 to vector<16xi32>
        %parallel_loop3A_1064 = arith.ori %and3A_294, %parallel_loop3A_1063 : vector<16xi32>
        %parallel_loop3A_1065 = arith.constant 0 : i32
        %parallel_loop3A_1066 = arith.constant 0 : i32
        %parallel_loop3A_1067 = tpu.memref_slice %arg8[%rem3A_151, %parallel_loop3A_1065, %parallel_loop3A_1066] : memref<2x400x64xf32, #tpu.memory_space<vmem>> -> memref<1x400x64xf32, #tpu.memory_space<vmem>>
        %parallel_loop3A_1068 = tpu.memref_squeeze %parallel_loop3A_1067 : memref<1x400x64xf32, #tpu.memory_space<vmem>> -> memref<400x64xf32, #tpu.memory_space<vmem>>
        %parallel_loop3A_1069 = tpu.vector_load_idx %parallel_loop3A_1068[%parallel_loop3A_380, %parallel_loop3A_1064] : memref<400x64xf32, #tpu.memory_space<vmem>>[vector<16xi32>, vector<16xi32>], vector<16xf32>,
        %parallel_loop3A_1070 = arith.addf %parallel_loop3A_982, %parallel_loop3A_1069 : vector<16xf32>
        %parallel_loop3A_1071 = arith.mulf %parallel_loop3A_1069, %parallel_loop3A_1069 : vector<16xf32>
        %parallel_loop3A_1072 = arith.addf %parallel_loop3A_984, %parallel_loop3A_1071 : vector<16xf32>
        %parallel_loop3A_1073 = arith.constant 48 : i32
        %parallel_loop3A_1074 = vector.broadcast %parallel_loop3A_1073 : i32 to vector<16xi32>
        %parallel_loop3A_1075 = arith.ori %and3A_300, %parallel_loop3A_1074 : vector<16xi32>
        %parallel_loop3A_1076 = arith.constant 0 : i32
        %parallel_loop3A_1077 = arith.constant 0 : i32
        %parallel_loop3A_1078 = tpu.memref_slice %arg8[%rem3A_151, %parallel_loop3A_1076, %parallel_loop3A_1077] : memref<2x400x64xf32, #tpu.memory_space<vmem>> -> memref<1x400x64xf32, #tpu.memory_space<vmem>>
        %parallel_loop3A_1079 = tpu.memref_squeeze %parallel_loop3A_1078 : memref<1x400x64xf32, #tpu.memory_space<vmem>> -> memref<400x64xf32, #tpu.memory_space<vmem>>
        %parallel_loop3A_1080 = tpu.vector_load_idx %parallel_loop3A_1079[%parallel_loop3A_380, %parallel_loop3A_1075] : memref<400x64xf32, #tpu.memory_space<vmem>>[vector<16xi32>, vector<16xi32>], vector<16xf32>,
        %parallel_loop3A_1081 = arith.addf %parallel_loop3A_993, %parallel_loop3A_1080 : vector<16xf32>
        %parallel_loop3A_1082 = arith.mulf %parallel_loop3A_1080, %parallel_loop3A_1080 : vector<16xf32>
        %parallel_loop3A_1083 = arith.addf %parallel_loop3A_995, %parallel_loop3A_1082 : vector<16xf32>
        %parallel_loop3A_1084 = arith.constant 48 : i32
        %parallel_loop3A_1085 = vector.broadcast %parallel_loop3A_1084 : i32 to vector<16xi32>
        %parallel_loop3A_1086 = arith.ori %and3A_306, %parallel_loop3A_1085 : vector<16xi32>
        %parallel_loop3A_1087 = arith.constant 0 : i32
        %parallel_loop3A_1088 = arith.constant 0 : i32
        %parallel_loop3A_1089 = tpu.memref_slice %arg8[%rem3A_151, %parallel_loop3A_1087, %parallel_loop3A_1088] : memref<2x400x64xf32, #tpu.memory_space<vmem>> -> memref<1x400x64xf32, #tpu.memory_space<vmem>>
        %parallel_loop3A_1090 = tpu.memref_squeeze %parallel_loop3A_1089 : memref<1x400x64xf32, #tpu.memory_space<vmem>> -> memref<400x64xf32, #tpu.memory_space<vmem>>
        %parallel_loop3A_1091 = tpu.vector_load_idx %parallel_loop3A_1090[%parallel_loop3A_380, %parallel_loop3A_1086] : memref<400x64xf32, #tpu.memory_space<vmem>>[vector<16xi32>, vector<16xi32>], vector<16xf32>,
        %parallel_loop3A_1092 = arith.addf %parallel_loop3A_1004, %parallel_loop3A_1091 : vector<16xf32>
        %parallel_loop3A_1093 = arith.mulf %parallel_loop3A_1091, %parallel_loop3A_1091 : vector<16xf32>
        %parallel_loop3A_1094 = arith.addf %parallel_loop3A_1006, %parallel_loop3A_1093 : vector<16xf32>
        %parallel_loop3A_1095 = arith.constant 48 : i32
        %parallel_loop3A_1096 = vector.broadcast %parallel_loop3A_1095 : i32 to vector<16xi32>
        %parallel_loop3A_1097 = arith.ori %and3A_312, %parallel_loop3A_1096 : vector<16xi32>
        %parallel_loop3A_1098 = arith.constant 0 : i32
        %parallel_loop3A_1099 = arith.constant 0 : i32
        %parallel_loop3A_1100 = tpu.memref_slice %arg8[%rem3A_151, %parallel_loop3A_1098, %parallel_loop3A_1099] : memref<2x400x64xf32, #tpu.memory_space<vmem>> -> memref<1x400x64xf32, #tpu.memory_space<vmem>>
        %parallel_loop3A_1101 = tpu.memref_squeeze %parallel_loop3A_1100 : memref<1x400x64xf32, #tpu.memory_space<vmem>> -> memref<400x64xf32, #tpu.memory_space<vmem>>
        %parallel_loop3A_1102 = tpu.vector_load_idx %parallel_loop3A_1101[%parallel_loop3A_380, %parallel_loop3A_1097] : memref<400x64xf32, #tpu.memory_space<vmem>>[vector<16xi32>, vector<16xi32>], vector<16xf32>,
        %parallel_loop3A_1103 = arith.addf %parallel_loop3A_1015, %parallel_loop3A_1102 : vector<16xf32>
        %parallel_loop3A_1104 = arith.mulf %parallel_loop3A_1102, %parallel_loop3A_1102 : vector<16xf32>
        %parallel_loop3A_1105 = arith.addf %parallel_loop3A_1017, %parallel_loop3A_1104 : vector<16xf32>
        %parallel_loop3A_1106 = arith.constant 48 : i32
        %parallel_loop3A_1107 = vector.broadcast %parallel_loop3A_1106 : i32 to vector<16xi32>
        %parallel_loop3A_1108 = arith.ori %and3A_318, %parallel_loop3A_1107 : vector<16xi32>
        %parallel_loop3A_1109 = arith.constant 0 : i32
        %parallel_loop3A_1110 = arith.constant 0 : i32
        %parallel_loop3A_1111 = tpu.memref_slice %arg8[%rem3A_151, %parallel_loop3A_1109, %parallel_loop3A_1110] : memref<2x400x64xf32, #tpu.memory_space<vmem>> -> memref<1x400x64xf32, #tpu.memory_space<vmem>>
        %parallel_loop3A_1112 = tpu.memref_squeeze %parallel_loop3A_1111 : memref<1x400x64xf32, #tpu.memory_space<vmem>> -> memref<400x64xf32, #tpu.memory_space<vmem>>
        %parallel_loop3A_1113 = tpu.vector_load_idx %parallel_loop3A_1112[%parallel_loop3A_380, %parallel_loop3A_1108] : memref<400x64xf32, #tpu.memory_space<vmem>>[vector<16xi32>, vector<16xi32>], vector<16xf32>,
        %parallel_loop3A_1114 = arith.addf %parallel_loop3A_1026, %parallel_loop3A_1113 : vector<16xf32>
        %parallel_loop3A_1115 = arith.mulf %parallel_loop3A_1113, %parallel_loop3A_1113 : vector<16xf32>
        %parallel_loop3A_1116 = arith.addf %parallel_loop3A_1028, %parallel_loop3A_1115 : vector<16xf32>
        %parallel_loop3A_1117 = arith.addf %parallel_loop3A_1037, %parallel_loop3A_1048 : vector<16xf32>
        %parallel_loop3A_1118 = arith.addf %parallel_loop3A_1059, %parallel_loop3A_1070 : vector<16xf32>
        %parallel_loop3A_1119 = arith.addf %parallel_loop3A_1081, %parallel_loop3A_1092 : vector<16xf32>
        %parallel_loop3A_1120 = arith.addf %parallel_loop3A_1103, %parallel_loop3A_1114 : vector<16xf32>
        %parallel_loop3A_1121 = arith.addf %parallel_loop3A_1039, %parallel_loop3A_1050 : vector<16xf32>
        %parallel_loop3A_1122 = arith.addf %parallel_loop3A_1061, %parallel_loop3A_1072 : vector<16xf32>
        %parallel_loop3A_1123 = arith.addf %parallel_loop3A_1083, %parallel_loop3A_1094 : vector<16xf32>
        %parallel_loop3A_1124 = arith.addf %parallel_loop3A_1105, %parallel_loop3A_1116 : vector<16xf32>
        %parallel_loop3A_1125 = arith.addf %parallel_loop3A_1117, %parallel_loop3A_1118 : vector<16xf32>
        %parallel_loop3A_1126 = arith.addf %parallel_loop3A_1119, %parallel_loop3A_1120 : vector<16xf32>
        %parallel_loop3A_1127 = arith.addf %parallel_loop3A_1121, %parallel_loop3A_1122 : vector<16xf32>
        %parallel_loop3A_1128 = arith.addf %parallel_loop3A_1123, %parallel_loop3A_1124 : vector<16xf32>
        %parallel_loop3A_1129 = arith.addf %parallel_loop3A_1125, %parallel_loop3A_1126 : vector<16xf32>
        %parallel_loop3A_1130 = arith.addf %parallel_loop3A_1127, %parallel_loop3A_1128 : vector<16xf32>
        %parallel_loop3A_1131 = arith.constant 1.562500e-02 : f32
        %parallel_loop3A_1132 = vector.broadcast %parallel_loop3A_1131 : f32 to vector<16xf32>
        %parallel_loop3A_1133 = arith.mulf %parallel_loop3A_1129, %parallel_loop3A_1132 : vector<16xf32>
        %parallel_loop3A_1134 = arith.constant 1.562500e-02 : f32
        %parallel_loop3A_1135 = vector.broadcast %parallel_loop3A_1134 : f32 to vector<16xf32>
        %parallel_loop3A_1136 = arith.mulf %parallel_loop3A_1130, %parallel_loop3A_1135 : vector<16xf32>
        %parallel_loop3A_1137 = arith.mulf %parallel_loop3A_1133, %parallel_loop3A_1133 : vector<16xf32>
        %parallel_loop3A_1138 = arith.subf %parallel_loop3A_1136, %parallel_loop3A_1137 : vector<16xf32>
        %parallel_loop3A_1139 = arith.constant 9.99999974E-6 : f32
        %parallel_loop3A_1140 = vector.broadcast %parallel_loop3A_1139 : f32 to vector<16xf32>
        %parallel_loop3A_1141 = arith.addf %parallel_loop3A_1138, %parallel_loop3A_1140 : vector<16xf32>
        %parallel_loop3A_1142 = vector.bitcast %parallel_loop3A_1141 : vector<16xf32> to vector<16xi32>
        %parallel_loop3A_1143 = arith.constant 1 : i32
        %parallel_loop3A_1144 = vector.broadcast %parallel_loop3A_1143 : i32 to vector<16xi32>
        %parallel_loop3A_1145 = arith.shrsi %parallel_loop3A_1142, %parallel_loop3A_1144 : vector<16xi32>
        %parallel_loop3A_1146 = arith.constant 1597463007 : i32
        %parallel_loop3A_1147 = vector.broadcast %parallel_loop3A_1146 : i32 to vector<16xi32>
        %parallel_loop3A_1148 = arith.subi %parallel_loop3A_1147, %parallel_loop3A_1145 : vector<16xi32>
        %parallel_loop3A_1149 = vector.bitcast %parallel_loop3A_1148 : vector<16xi32> to vector<16xf32>
        %parallel_loop3A_1150 = arith.constant 5.000000e-01 : f32
        %parallel_loop3A_1151 = vector.broadcast %parallel_loop3A_1150 : f32 to vector<16xf32>
        %parallel_loop3A_1152 = arith.mulf %parallel_loop3A_1151, %parallel_loop3A_1141 : vector<16xf32>
        %parallel_loop3A_1153 = arith.mulf %parallel_loop3A_1152, %parallel_loop3A_1149 : vector<16xf32>
        %parallel_loop3A_1154 = arith.mulf %parallel_loop3A_1153, %parallel_loop3A_1149 : vector<16xf32>
        %parallel_loop3A_1155 = arith.constant 1.500000e+00 : f32
        %parallel_loop3A_1156 = vector.broadcast %parallel_loop3A_1155 : f32 to vector<16xf32>
        %parallel_loop3A_1157 = arith.subf %parallel_loop3A_1156, %parallel_loop3A_1154 : vector<16xf32>
        %parallel_loop3A_1158 = arith.mulf %parallel_loop3A_1149, %parallel_loop3A_1157 : vector<16xf32>
        %parallel_loop3A_1159 = arith.constant 5.000000e-01 : f32
        %parallel_loop3A_1160 = vector.broadcast %parallel_loop3A_1159 : f32 to vector<16xf32>
        %parallel_loop3A_1161 = arith.mulf %parallel_loop3A_1160, %parallel_loop3A_1141 : vector<16xf32>
        %parallel_loop3A_1162 = arith.mulf %parallel_loop3A_1161, %parallel_loop3A_1158 : vector<16xf32>
        %parallel_loop3A_1163 = arith.mulf %parallel_loop3A_1162, %parallel_loop3A_1158 : vector<16xf32>
        %parallel_loop3A_1164 = arith.constant 1.500000e+00 : f32
        %parallel_loop3A_1165 = vector.broadcast %parallel_loop3A_1164 : f32 to vector<16xf32>
        %parallel_loop3A_1166 = arith.subf %parallel_loop3A_1165, %parallel_loop3A_1163 : vector<16xf32>
        %parallel_loop3A_1167 = arith.mulf %parallel_loop3A_1158, %parallel_loop3A_1166 : vector<16xf32>
        %parallel_loop3A_1168 = arith.constant 0 : i32
        %parallel_loop3A_1169 = vector.broadcast %parallel_loop3A_1168 : i32 to vector<16xi32>
        %parallel_loop3A_1170 = arith.constant 0 : i32
        %parallel_loop3A_1171 = vector.broadcast %parallel_loop3A_1170 : i32 to vector<16xi32>
        %parallel_loop3A_1172 = arith.cmpi slt, %parallel_loop3A_1169, %parallel_loop3A_1171 : vector<16xi32>
        %parallel_loop3A_1173 = arith.constant 16 : i32
        %parallel_loop3A_1174 = vector.broadcast %parallel_loop3A_1173 : i32 to vector<16xi32>
        %parallel_loop3A_1175 = arith.addi %parallel_loop3A_1169, %parallel_loop3A_1174 : vector<16xi32>
        %parallel_loop3A_1176 = arith.select %parallel_loop3A_1172, %parallel_loop3A_1175, %parallel_loop3A_1169 : vector<16xi1>, vector<16xi32>
        %parallel_loop3A_1177 = vector.shape_cast %parallel_loop3A_1176 : vector<16xi32> to vector<16x1xi32>
        %parallel_loop3A_1178 = vector.shape_cast %parallel_loop3A_1177 : vector<16x1xi32> to vector<16xi32>
        %parallel_loop3A_1179 = tpu.dynamic_gather %parallel_loop3A_1133[%parallel_loop3A_1178] in [0] : vector<16xf32>, vector<16xi32> -> vector<16xf32>
        %parallel_loop3A_1180 = arith.constant 0 : i32
        %parallel_loop3A_1181 = vector.broadcast %parallel_loop3A_1180 : i32 to vector<16xi32>
        %parallel_loop3A_1182 = arith.constant 0 : i32
        %parallel_loop3A_1183 = vector.broadcast %parallel_loop3A_1182 : i32 to vector<16xi32>
        %parallel_loop3A_1184 = arith.cmpi slt, %parallel_loop3A_1181, %parallel_loop3A_1183 : vector<16xi32>
        %parallel_loop3A_1185 = arith.constant 16 : i32
        %parallel_loop3A_1186 = vector.broadcast %parallel_loop3A_1185 : i32 to vector<16xi32>
        %parallel_loop3A_1187 = arith.addi %parallel_loop3A_1181, %parallel_loop3A_1186 : vector<16xi32>
        %parallel_loop3A_1188 = arith.select %parallel_loop3A_1184, %parallel_loop3A_1187, %parallel_loop3A_1181 : vector<16xi1>, vector<16xi32>
        %parallel_loop3A_1189 = vector.shape_cast %parallel_loop3A_1188 : vector<16xi32> to vector<16x1xi32>
        %parallel_loop3A_1190 = vector.shape_cast %parallel_loop3A_1189 : vector<16x1xi32> to vector<16xi32>
        %parallel_loop3A_1191 = tpu.dynamic_gather %parallel_loop3A_1167[%parallel_loop3A_1190] in [0] : vector<16xf32>, vector<16xi32> -> vector<16xf32>
        %parallel_loop3A_1192 = arith.constant 0 : i32
        %parallel_loop3A_1193 = arith.addi %parallel_loop3A_378, %parallel_loop3A_1192 : i32
        %parallel_loop3A_1194 = arith.constant 0 : i32
        %parallel_loop3A_1195 = arith.constant 0 : i32
        %parallel_loop3A_1196 = tpu.memref_slice %arg8[%rem3A_151, %parallel_loop3A_1194, %parallel_loop3A_1195] : memref<2x400x64xf32, #tpu.memory_space<vmem>> -> memref<1x400x64xf32, #tpu.memory_space<vmem>>
        %parallel_loop3A_1197 = tpu.memref_squeeze %parallel_loop3A_1196 : memref<1x400x64xf32, #tpu.memory_space<vmem>> -> memref<400x64xf32, #tpu.memory_space<vmem>>
        %parallel_loop3A_1198 = arith.index_cast %parallel_loop3A_1193 : i32 to index
        %parallel_loop3A_1199 = arith.constant 0 : index
        %parallel_loop3A_1200 = tpu.vector_load %parallel_loop3A_1197[%parallel_loop3A_1198, %parallel_loop3A_1199] {strides = array<i32>} : memref<400x64xf32, #tpu.memory_space<vmem>>, vector<16xf32>,
        %parallel_loop3A_1201 = arith.subf %parallel_loop3A_1200, %parallel_loop3A_1179 : vector<16xf32>
        %parallel_loop3A_1202 = arith.mulf %parallel_loop3A_1201, %parallel_loop3A_1191 : vector<16xf32>
        %parallel_loop3A_1203 = arith.mulf %parallel_loop3A_1202, %get3A_3 : vector<16xf32>
        %parallel_loop3A_1204 = arith.addf %parallel_loop3A_1203, %get3A_11 : vector<16xf32>
        %parallel_loop3A_1205 = arith.constant 0 : i32
        %parallel_loop3A_1206 = arith.addi %parallel_loop3A_378, %parallel_loop3A_1205 : i32
        %parallel_loop3A_1207 = arith.constant 0 : i32
        %parallel_loop3A_1208 = arith.constant 0 : i32
        %parallel_loop3A_1209 = tpu.memref_slice %arg8[%rem3A_151, %parallel_loop3A_1207, %parallel_loop3A_1208] : memref<2x400x64xf32, #tpu.memory_space<vmem>> -> memref<1x400x64xf32, #tpu.memory_space<vmem>>
        %parallel_loop3A_1210 = tpu.memref_squeeze %parallel_loop3A_1209 : memref<1x400x64xf32, #tpu.memory_space<vmem>> -> memref<400x64xf32, #tpu.memory_space<vmem>>
        %parallel_loop3A_1211 = arith.index_cast %parallel_loop3A_1206 : i32 to index
        %parallel_loop3A_1212 = arith.constant 0 : index
        %parallel_loop3A_1213 = tpu.vector_load %parallel_loop3A_1210[%parallel_loop3A_1211, %parallel_loop3A_1212] {strides = array<i32>} : memref<400x64xf32, #tpu.memory_space<vmem>>, vector<16xf32>,
        tpu.vector_store %parallel_loop3A_1210[%parallel_loop3A_1211, %parallel_loop3A_1212], %parallel_loop3A_1204 {strides = array<i32>} : memref<400x64xf32, #tpu.memory_space<vmem>>, vector<16xf32>,
        %parallel_loop3A_1214 = arith.constant 0 : i32
        %parallel_loop3A_1215 = arith.addi %parallel_loop3A_378, %parallel_loop3A_1214 : i32
        %parallel_loop3A_1216 = arith.constant 0 : i32
        %parallel_loop3A_1217 = arith.constant 0 : i32
        %parallel_loop3A_1218 = tpu.memref_slice %arg8[%rem3A_151, %parallel_loop3A_1216, %parallel_loop3A_1217] : memref<2x400x64xf32, #tpu.memory_space<vmem>> -> memref<1x400x64xf32, #tpu.memory_space<vmem>>
        %parallel_loop3A_1219 = tpu.memref_squeeze %parallel_loop3A_1218 : memref<1x400x64xf32, #tpu.memory_space<vmem>> -> memref<400x64xf32, #tpu.memory_space<vmem>>
        %parallel_loop3A_1220 = arith.index_cast %parallel_loop3A_1215 : i32 to index
        %parallel_loop3A_1221 = arith.constant 16 : index
        %parallel_loop3A_1222 = tpu.vector_load %parallel_loop3A_1219[%parallel_loop3A_1220, %parallel_loop3A_1221] {strides = array<i32>} : memref<400x64xf32, #tpu.memory_space<vmem>>, vector<16xf32>,
        %parallel_loop3A_1223 = arith.subf %parallel_loop3A_1222, %parallel_loop3A_1179 : vector<16xf32>
        %parallel_loop3A_1224 = arith.mulf %parallel_loop3A_1223, %parallel_loop3A_1191 : vector<16xf32>
        %parallel_loop3A_1225 = arith.mulf %parallel_loop3A_1224, %get3A_5 : vector<16xf32>
        %parallel_loop3A_1226 = arith.addf %parallel_loop3A_1225, %get3A_13 : vector<16xf32>
        %parallel_loop3A_1227 = arith.constant 0 : i32
        %parallel_loop3A_1228 = arith.addi %parallel_loop3A_378, %parallel_loop3A_1227 : i32
        %parallel_loop3A_1229 = arith.constant 0 : i32
        %parallel_loop3A_1230 = arith.constant 0 : i32
        %parallel_loop3A_1231 = tpu.memref_slice %arg8[%rem3A_151, %parallel_loop3A_1229, %parallel_loop3A_1230] : memref<2x400x64xf32, #tpu.memory_space<vmem>> -> memref<1x400x64xf32, #tpu.memory_space<vmem>>
        %parallel_loop3A_1232 = tpu.memref_squeeze %parallel_loop3A_1231 : memref<1x400x64xf32, #tpu.memory_space<vmem>> -> memref<400x64xf32, #tpu.memory_space<vmem>>
        %parallel_loop3A_1233 = arith.index_cast %parallel_loop3A_1228 : i32 to index
        %parallel_loop3A_1234 = arith.constant 16 : index
        %parallel_loop3A_1235 = tpu.vector_load %parallel_loop3A_1232[%parallel_loop3A_1233, %parallel_loop3A_1234] {strides = array<i32>} : memref<400x64xf32, #tpu.memory_space<vmem>>, vector<16xf32>,
        tpu.vector_store %parallel_loop3A_1232[%parallel_loop3A_1233, %parallel_loop3A_1234], %parallel_loop3A_1226 {strides = array<i32>} : memref<400x64xf32, #tpu.memory_space<vmem>>, vector<16xf32>,
        %parallel_loop3A_1236 = arith.constant 0 : i32
        %parallel_loop3A_1237 = arith.addi %parallel_loop3A_378, %parallel_loop3A_1236 : i32
        %parallel_loop3A_1238 = arith.constant 0 : i32
        %parallel_loop3A_1239 = arith.constant 0 : i32
        %parallel_loop3A_1240 = tpu.memref_slice %arg8[%rem3A_151, %parallel_loop3A_1238, %parallel_loop3A_1239] : memref<2x400x64xf32, #tpu.memory_space<vmem>> -> memref<1x400x64xf32, #tpu.memory_space<vmem>>
        %parallel_loop3A_1241 = tpu.memref_squeeze %parallel_loop3A_1240 : memref<1x400x64xf32, #tpu.memory_space<vmem>> -> memref<400x64xf32, #tpu.memory_space<vmem>>
        %parallel_loop3A_1242 = arith.index_cast %parallel_loop3A_1237 : i32 to index
        %parallel_loop3A_1243 = arith.constant 32 : index
        %parallel_loop3A_1244 = tpu.vector_load %parallel_loop3A_1241[%parallel_loop3A_1242, %parallel_loop3A_1243] {strides = array<i32>} : memref<400x64xf32, #tpu.memory_space<vmem>>, vector<16xf32>,
        %parallel_loop3A_1245 = arith.subf %parallel_loop3A_1244, %parallel_loop3A_1179 : vector<16xf32>
        %parallel_loop3A_1246 = arith.mulf %parallel_loop3A_1245, %parallel_loop3A_1191 : vector<16xf32>
        %parallel_loop3A_1247 = arith.mulf %parallel_loop3A_1246, %get3A_7 : vector<16xf32>
        %parallel_loop3A_1248 = arith.addf %parallel_loop3A_1247, %get3A_15 : vector<16xf32>
        %parallel_loop3A_1249 = arith.constant 0 : i32
        %parallel_loop3A_1250 = arith.addi %parallel_loop3A_378, %parallel_loop3A_1249 : i32
        %parallel_loop3A_1251 = arith.constant 0 : i32
        %parallel_loop3A_1252 = arith.constant 0 : i32
        %parallel_loop3A_1253 = tpu.memref_slice %arg8[%rem3A_151, %parallel_loop3A_1251, %parallel_loop3A_1252] : memref<2x400x64xf32, #tpu.memory_space<vmem>> -> memref<1x400x64xf32, #tpu.memory_space<vmem>>
        %parallel_loop3A_1254 = tpu.memref_squeeze %parallel_loop3A_1253 : memref<1x400x64xf32, #tpu.memory_space<vmem>> -> memref<400x64xf32, #tpu.memory_space<vmem>>
        %parallel_loop3A_1255 = arith.index_cast %parallel_loop3A_1250 : i32 to index
        %parallel_loop3A_1256 = arith.constant 32 : index
        %parallel_loop3A_1257 = tpu.vector_load %parallel_loop3A_1254[%parallel_loop3A_1255, %parallel_loop3A_1256] {strides = array<i32>} : memref<400x64xf32, #tpu.memory_space<vmem>>, vector<16xf32>,
        tpu.vector_store %parallel_loop3A_1254[%parallel_loop3A_1255, %parallel_loop3A_1256], %parallel_loop3A_1248 {strides = array<i32>} : memref<400x64xf32, #tpu.memory_space<vmem>>, vector<16xf32>,
        %parallel_loop3A_1258 = arith.constant 0 : i32
        %parallel_loop3A_1259 = arith.addi %parallel_loop3A_378, %parallel_loop3A_1258 : i32
        %parallel_loop3A_1260 = arith.constant 0 : i32
        %parallel_loop3A_1261 = arith.constant 0 : i32
        %parallel_loop3A_1262 = tpu.memref_slice %arg8[%rem3A_151, %parallel_loop3A_1260, %parallel_loop3A_1261] : memref<2x400x64xf32, #tpu.memory_space<vmem>> -> memref<1x400x64xf32, #tpu.memory_space<vmem>>
        %parallel_loop3A_1263 = tpu.memref_squeeze %parallel_loop3A_1262 : memref<1x400x64xf32, #tpu.memory_space<vmem>> -> memref<400x64xf32, #tpu.memory_space<vmem>>
        %parallel_loop3A_1264 = arith.index_cast %parallel_loop3A_1259 : i32 to index
        %parallel_loop3A_1265 = arith.constant 48 : index
        %parallel_loop3A_1266 = tpu.vector_load %parallel_loop3A_1263[%parallel_loop3A_1264, %parallel_loop3A_1265] {strides = array<i32>} : memref<400x64xf32, #tpu.memory_space<vmem>>, vector<16xf32>,
        %parallel_loop3A_1267 = arith.subf %parallel_loop3A_1266, %parallel_loop3A_1179 : vector<16xf32>
        %parallel_loop3A_1268 = arith.mulf %parallel_loop3A_1267, %parallel_loop3A_1191 : vector<16xf32>
        %parallel_loop3A_1269 = arith.mulf %parallel_loop3A_1268, %get3A_9 : vector<16xf32>
        %parallel_loop3A_1270 = arith.addf %parallel_loop3A_1269, %get3A_17 : vector<16xf32>
        %parallel_loop3A_1271 = arith.constant 0 : i32
        %parallel_loop3A_1272 = arith.addi %parallel_loop3A_378, %parallel_loop3A_1271 : i32
        %parallel_loop3A_1273 = arith.constant 0 : i32
        %parallel_loop3A_1274 = arith.constant 0 : i32
        %parallel_loop3A_1275 = tpu.memref_slice %arg8[%rem3A_151, %parallel_loop3A_1273, %parallel_loop3A_1274] : memref<2x400x64xf32, #tpu.memory_space<vmem>> -> memref<1x400x64xf32, #tpu.memory_space<vmem>>
        %parallel_loop3A_1276 = tpu.memref_squeeze %parallel_loop3A_1275 : memref<1x400x64xf32, #tpu.memory_space<vmem>> -> memref<400x64xf32, #tpu.memory_space<vmem>>
        %parallel_loop3A_1277 = arith.index_cast %parallel_loop3A_1272 : i32 to index
        %parallel_loop3A_1278 = arith.constant 48 : index
        %parallel_loop3A_1279 = tpu.vector_load %parallel_loop3A_1276[%parallel_loop3A_1277, %parallel_loop3A_1278] {strides = array<i32>} : memref<400x64xf32, #tpu.memory_space<vmem>>, vector<16xf32>,
        tpu.vector_store %parallel_loop3A_1276[%parallel_loop3A_1277, %parallel_loop3A_1278], %parallel_loop3A_1270 {strides = array<i32>} : memref<400x64xf32, #tpu.memory_space<vmem>>, vector<16xf32>,
        %parallel_loop3A_1280 = arith.constant 1 : i32
        %parallel_loop3A_1281 = vector.broadcast %parallel_loop3A_1280 : i32 to vector<16xi32>
        %parallel_loop3A_1282 = arith.constant 0 : i32
        %parallel_loop3A_1283 = vector.broadcast %parallel_loop3A_1282 : i32 to vector<16xi32>
        %parallel_loop3A_1284 = arith.cmpi slt, %parallel_loop3A_1281, %parallel_loop3A_1283 : vector<16xi32>
        %parallel_loop3A_1285 = arith.constant 16 : i32
        %parallel_loop3A_1286 = vector.broadcast %parallel_loop3A_1285 : i32 to vector<16xi32>
        %parallel_loop3A_1287 = arith.addi %parallel_loop3A_1281, %parallel_loop3A_1286 : vector<16xi32>
        %parallel_loop3A_1288 = arith.select %parallel_loop3A_1284, %parallel_loop3A_1287, %parallel_loop3A_1281 : vector<16xi1>, vector<16xi32>
        %parallel_loop3A_1289 = vector.shape_cast %parallel_loop3A_1288 : vector<16xi32> to vector<16x1xi32>
        %parallel_loop3A_1290 = vector.shape_cast %parallel_loop3A_1289 : vector<16x1xi32> to vector<16xi32>
        %parallel_loop3A_1291 = tpu.dynamic_gather %parallel_loop3A_1133[%parallel_loop3A_1290] in [0] : vector<16xf32>, vector<16xi32> -> vector<16xf32>
        %parallel_loop3A_1292 = arith.constant 1 : i32
        %parallel_loop3A_1293 = vector.broadcast %parallel_loop3A_1292 : i32 to vector<16xi32>
        %parallel_loop3A_1294 = arith.constant 0 : i32
        %parallel_loop3A_1295 = vector.broadcast %parallel_loop3A_1294 : i32 to vector<16xi32>
        %parallel_loop3A_1296 = arith.cmpi slt, %parallel_loop3A_1293, %parallel_loop3A_1295 : vector<16xi32>
        %parallel_loop3A_1297 = arith.constant 16 : i32
        %parallel_loop3A_1298 = vector.broadcast %parallel_loop3A_1297 : i32 to vector<16xi32>
        %parallel_loop3A_1299 = arith.addi %parallel_loop3A_1293, %parallel_loop3A_1298 : vector<16xi32>
        %parallel_loop3A_1300 = arith.select %parallel_loop3A_1296, %parallel_loop3A_1299, %parallel_loop3A_1293 : vector<16xi1>, vector<16xi32>
        %parallel_loop3A_1301 = vector.shape_cast %parallel_loop3A_1300 : vector<16xi32> to vector<16x1xi32>
        %parallel_loop3A_1302 = vector.shape_cast %parallel_loop3A_1301 : vector<16x1xi32> to vector<16xi32>
        %parallel_loop3A_1303 = tpu.dynamic_gather %parallel_loop3A_1167[%parallel_loop3A_1302] in [0] : vector<16xf32>, vector<16xi32> -> vector<16xf32>
        %parallel_loop3A_1304 = arith.constant 1 : i32
        %parallel_loop3A_1305 = arith.addi %parallel_loop3A_378, %parallel_loop3A_1304 : i32
        %parallel_loop3A_1306 = arith.constant 0 : i32
        %parallel_loop3A_1307 = arith.constant 0 : i32
        %parallel_loop3A_1308 = tpu.memref_slice %arg8[%rem3A_151, %parallel_loop3A_1306, %parallel_loop3A_1307] : memref<2x400x64xf32, #tpu.memory_space<vmem>> -> memref<1x400x64xf32, #tpu.memory_space<vmem>>
        %parallel_loop3A_1309 = tpu.memref_squeeze %parallel_loop3A_1308 : memref<1x400x64xf32, #tpu.memory_space<vmem>> -> memref<400x64xf32, #tpu.memory_space<vmem>>
        %parallel_loop3A_1310 = arith.index_cast %parallel_loop3A_1305 : i32 to index
        %parallel_loop3A_1311 = arith.constant 0 : index
        %parallel_loop3A_1312 = tpu.vector_load %parallel_loop3A_1309[%parallel_loop3A_1310, %parallel_loop3A_1311] {strides = array<i32>} : memref<400x64xf32, #tpu.memory_space<vmem>>, vector<16xf32>,
        %parallel_loop3A_1313 = arith.subf %parallel_loop3A_1312, %parallel_loop3A_1291 : vector<16xf32>
        %parallel_loop3A_1314 = arith.mulf %parallel_loop3A_1313, %parallel_loop3A_1303 : vector<16xf32>
        %parallel_loop3A_1315 = arith.mulf %parallel_loop3A_1314, %get3A_3 : vector<16xf32>
        %parallel_loop3A_1316 = arith.addf %parallel_loop3A_1315, %get3A_11 : vector<16xf32>
        %parallel_loop3A_1317 = arith.constant 1 : i32
        %parallel_loop3A_1318 = arith.addi %parallel_loop3A_378, %parallel_loop3A_1317 : i32
        %parallel_loop3A_1319 = arith.constant 0 : i32
        %parallel_loop3A_1320 = arith.constant 0 : i32
        %parallel_loop3A_1321 = tpu.memref_slice %arg8[%rem3A_151, %parallel_loop3A_1319, %parallel_loop3A_1320] : memref<2x400x64xf32, #tpu.memory_space<vmem>> -> memref<1x400x64xf32, #tpu.memory_space<vmem>>
        %parallel_loop3A_1322 = tpu.memref_squeeze %parallel_loop3A_1321 : memref<1x400x64xf32, #tpu.memory_space<vmem>> -> memref<400x64xf32, #tpu.memory_space<vmem>>
        %parallel_loop3A_1323 = arith.index_cast %parallel_loop3A_1318 : i32 to index
        %parallel_loop3A_1324 = arith.constant 0 : index
        %parallel_loop3A_1325 = tpu.vector_load %parallel_loop3A_1322[%parallel_loop3A_1323, %parallel_loop3A_1324] {strides = array<i32>} : memref<400x64xf32, #tpu.memory_space<vmem>>, vector<16xf32>,
        tpu.vector_store %parallel_loop3A_1322[%parallel_loop3A_1323, %parallel_loop3A_1324], %parallel_loop3A_1316 {strides = array<i32>} : memref<400x64xf32, #tpu.memory_space<vmem>>, vector<16xf32>,
        %parallel_loop3A_1326 = arith.constant 1 : i32
        %parallel_loop3A_1327 = arith.addi %parallel_loop3A_378, %parallel_loop3A_1326 : i32
        %parallel_loop3A_1328 = arith.constant 0 : i32
        %parallel_loop3A_1329 = arith.constant 0 : i32
        %parallel_loop3A_1330 = tpu.memref_slice %arg8[%rem3A_151, %parallel_loop3A_1328, %parallel_loop3A_1329] : memref<2x400x64xf32, #tpu.memory_space<vmem>> -> memref<1x400x64xf32, #tpu.memory_space<vmem>>
        %parallel_loop3A_1331 = tpu.memref_squeeze %parallel_loop3A_1330 : memref<1x400x64xf32, #tpu.memory_space<vmem>> -> memref<400x64xf32, #tpu.memory_space<vmem>>
        %parallel_loop3A_1332 = arith.index_cast %parallel_loop3A_1327 : i32 to index
        %parallel_loop3A_1333 = arith.constant 16 : index
        %parallel_loop3A_1334 = tpu.vector_load %parallel_loop3A_1331[%parallel_loop3A_1332, %parallel_loop3A_1333] {strides = array<i32>} : memref<400x64xf32, #tpu.memory_space<vmem>>, vector<16xf32>,
        %parallel_loop3A_1335 = arith.subf %parallel_loop3A_1334, %parallel_loop3A_1291 : vector<16xf32>
        %parallel_loop3A_1336 = arith.mulf %parallel_loop3A_1335, %parallel_loop3A_1303 : vector<16xf32>
        %parallel_loop3A_1337 = arith.mulf %parallel_loop3A_1336, %get3A_5 : vector<16xf32>
        %parallel_loop3A_1338 = arith.addf %parallel_loop3A_1337, %get3A_13 : vector<16xf32>
        %parallel_loop3A_1339 = arith.constant 1 : i32
        %parallel_loop3A_1340 = arith.addi %parallel_loop3A_378, %parallel_loop3A_1339 : i32
        %parallel_loop3A_1341 = arith.constant 0 : i32
        %parallel_loop3A_1342 = arith.constant 0 : i32
        %parallel_loop3A_1343 = tpu.memref_slice %arg8[%rem3A_151, %parallel_loop3A_1341, %parallel_loop3A_1342] : memref<2x400x64xf32, #tpu.memory_space<vmem>> -> memref<1x400x64xf32, #tpu.memory_space<vmem>>
        %parallel_loop3A_1344 = tpu.memref_squeeze %parallel_loop3A_1343 : memref<1x400x64xf32, #tpu.memory_space<vmem>> -> memref<400x64xf32, #tpu.memory_space<vmem>>
        %parallel_loop3A_1345 = arith.index_cast %parallel_loop3A_1340 : i32 to index
        %parallel_loop3A_1346 = arith.constant 16 : index
        %parallel_loop3A_1347 = tpu.vector_load %parallel_loop3A_1344[%parallel_loop3A_1345, %parallel_loop3A_1346] {strides = array<i32>} : memref<400x64xf32, #tpu.memory_space<vmem>>, vector<16xf32>,
        tpu.vector_store %parallel_loop3A_1344[%parallel_loop3A_1345, %parallel_loop3A_1346], %parallel_loop3A_1338 {strides = array<i32>} : memref<400x64xf32, #tpu.memory_space<vmem>>, vector<16xf32>,
        %parallel_loop3A_1348 = arith.constant 1 : i32
        %parallel_loop3A_1349 = arith.addi %parallel_loop3A_378, %parallel_loop3A_1348 : i32
        %parallel_loop3A_1350 = arith.constant 0 : i32
        %parallel_loop3A_1351 = arith.constant 0 : i32
        %parallel_loop3A_1352 = tpu.memref_slice %arg8[%rem3A_151, %parallel_loop3A_1350, %parallel_loop3A_1351] : memref<2x400x64xf32, #tpu.memory_space<vmem>> -> memref<1x400x64xf32, #tpu.memory_space<vmem>>
        %parallel_loop3A_1353 = tpu.memref_squeeze %parallel_loop3A_1352 : memref<1x400x64xf32, #tpu.memory_space<vmem>> -> memref<400x64xf32, #tpu.memory_space<vmem>>
        %parallel_loop3A_1354 = arith.index_cast %parallel_loop3A_1349 : i32 to index
        %parallel_loop3A_1355 = arith.constant 32 : index
        %parallel_loop3A_1356 = tpu.vector_load %parallel_loop3A_1353[%parallel_loop3A_1354, %parallel_loop3A_1355] {strides = array<i32>} : memref<400x64xf32, #tpu.memory_space<vmem>>, vector<16xf32>,
        %parallel_loop3A_1357 = arith.subf %parallel_loop3A_1356, %parallel_loop3A_1291 : vector<16xf32>
        %parallel_loop3A_1358 = arith.mulf %parallel_loop3A_1357, %parallel_loop3A_1303 : vector<16xf32>
        %parallel_loop3A_1359 = arith.mulf %parallel_loop3A_1358, %get3A_7 : vector<16xf32>
        %parallel_loop3A_1360 = arith.addf %parallel_loop3A_1359, %get3A_15 : vector<16xf32>
        %parallel_loop3A_1361 = arith.constant 1 : i32
        %parallel_loop3A_1362 = arith.addi %parallel_loop3A_378, %parallel_loop3A_1361 : i32
        %parallel_loop3A_1363 = arith.constant 0 : i32
        %parallel_loop3A_1364 = arith.constant 0 : i32
        %parallel_loop3A_1365 = tpu.memref_slice %arg8[%rem3A_151, %parallel_loop3A_1363, %parallel_loop3A_1364] : memref<2x400x64xf32, #tpu.memory_space<vmem>> -> memref<1x400x64xf32, #tpu.memory_space<vmem>>
        %parallel_loop3A_1366 = tpu.memref_squeeze %parallel_loop3A_1365 : memref<1x400x64xf32, #tpu.memory_space<vmem>> -> memref<400x64xf32, #tpu.memory_space<vmem>>
        %parallel_loop3A_1367 = arith.index_cast %parallel_loop3A_1362 : i32 to index
        %parallel_loop3A_1368 = arith.constant 32 : index
        %parallel_loop3A_1369 = tpu.vector_load %parallel_loop3A_1366[%parallel_loop3A_1367, %parallel_loop3A_1368] {strides = array<i32>} : memref<400x64xf32, #tpu.memory_space<vmem>>, vector<16xf32>,
        tpu.vector_store %parallel_loop3A_1366[%parallel_loop3A_1367, %parallel_loop3A_1368], %parallel_loop3A_1360 {strides = array<i32>} : memref<400x64xf32, #tpu.memory_space<vmem>>, vector<16xf32>,
        %parallel_loop3A_1370 = arith.constant 1 : i32
        %parallel_loop3A_1371 = arith.addi %parallel_loop3A_378, %parallel_loop3A_1370 : i32
        %parallel_loop3A_1372 = arith.constant 0 : i32
        %parallel_loop3A_1373 = arith.constant 0 : i32
        %parallel_loop3A_1374 = tpu.memref_slice %arg8[%rem3A_151, %parallel_loop3A_1372, %parallel_loop3A_1373] : memref<2x400x64xf32, #tpu.memory_space<vmem>> -> memref<1x400x64xf32, #tpu.memory_space<vmem>>
        %parallel_loop3A_1375 = tpu.memref_squeeze %parallel_loop3A_1374 : memref<1x400x64xf32, #tpu.memory_space<vmem>> -> memref<400x64xf32, #tpu.memory_space<vmem>>
        %parallel_loop3A_1376 = arith.index_cast %parallel_loop3A_1371 : i32 to index
        %parallel_loop3A_1377 = arith.constant 48 : index
        %parallel_loop3A_1378 = tpu.vector_load %parallel_loop3A_1375[%parallel_loop3A_1376, %parallel_loop3A_1377] {strides = array<i32>} : memref<400x64xf32, #tpu.memory_space<vmem>>, vector<16xf32>,
        %parallel_loop3A_1379 = arith.subf %parallel_loop3A_1378, %parallel_loop3A_1291 : vector<16xf32>
        %parallel_loop3A_1380 = arith.mulf %parallel_loop3A_1379, %parallel_loop3A_1303 : vector<16xf32>
        %parallel_loop3A_1381 = arith.mulf %parallel_loop3A_1380, %get3A_9 : vector<16xf32>
        %parallel_loop3A_1382 = arith.addf %parallel_loop3A_1381, %get3A_17 : vector<16xf32>
        %parallel_loop3A_1383 = arith.constant 1 : i32
        %parallel_loop3A_1384 = arith.addi %parallel_loop3A_378, %parallel_loop3A_1383 : i32
        %parallel_loop3A_1385 = arith.constant 0 : i32
        %parallel_loop3A_1386 = arith.constant 0 : i32
        %parallel_loop3A_1387 = tpu.memref_slice %arg8[%rem3A_151, %parallel_loop3A_1385, %parallel_loop3A_1386] : memref<2x400x64xf32, #tpu.memory_space<vmem>> -> memref<1x400x64xf32, #tpu.memory_space<vmem>>
        %parallel_loop3A_1388 = tpu.memref_squeeze %parallel_loop3A_1387 : memref<1x400x64xf32, #tpu.memory_space<vmem>> -> memref<400x64xf32, #tpu.memory_space<vmem>>
        %parallel_loop3A_1389 = arith.index_cast %parallel_loop3A_1384 : i32 to index
        %parallel_loop3A_1390 = arith.constant 48 : index
        %parallel_loop3A_1391 = tpu.vector_load %parallel_loop3A_1388[%parallel_loop3A_1389, %parallel_loop3A_1390] {strides = array<i32>} : memref<400x64xf32, #tpu.memory_space<vmem>>, vector<16xf32>,
        tpu.vector_store %parallel_loop3A_1388[%parallel_loop3A_1389, %parallel_loop3A_1390], %parallel_loop3A_1382 {strides = array<i32>} : memref<400x64xf32, #tpu.memory_space<vmem>>, vector<16xf32>,
        %parallel_loop3A_1392 = arith.constant 2 : i32
        %parallel_loop3A_1393 = vector.broadcast %parallel_loop3A_1392 : i32 to vector<16xi32>
        %parallel_loop3A_1394 = arith.constant 0 : i32
        %parallel_loop3A_1395 = vector.broadcast %parallel_loop3A_1394 : i32 to vector<16xi32>
        %parallel_loop3A_1396 = arith.cmpi slt, %parallel_loop3A_1393, %parallel_loop3A_1395 : vector<16xi32>
        %parallel_loop3A_1397 = arith.constant 16 : i32
        %parallel_loop3A_1398 = vector.broadcast %parallel_loop3A_1397 : i32 to vector<16xi32>
        %parallel_loop3A_1399 = arith.addi %parallel_loop3A_1393, %parallel_loop3A_1398 : vector<16xi32>
        %parallel_loop3A_1400 = arith.select %parallel_loop3A_1396, %parallel_loop3A_1399, %parallel_loop3A_1393 : vector<16xi1>, vector<16xi32>
        %parallel_loop3A_1401 = vector.shape_cast %parallel_loop3A_1400 : vector<16xi32> to vector<16x1xi32>
        %parallel_loop3A_1402 = vector.shape_cast %parallel_loop3A_1401 : vector<16x1xi32> to vector<16xi32>
        %parallel_loop3A_1403 = tpu.dynamic_gather %parallel_loop3A_1133[%parallel_loop3A_1402] in [0] : vector<16xf32>, vector<16xi32> -> vector<16xf32>
        %parallel_loop3A_1404 = arith.constant 2 : i32
        %parallel_loop3A_1405 = vector.broadcast %parallel_loop3A_1404 : i32 to vector<16xi32>
        %parallel_loop3A_1406 = arith.constant 0 : i32
        %parallel_loop3A_1407 = vector.broadcast %parallel_loop3A_1406 : i32 to vector<16xi32>
        %parallel_loop3A_1408 = arith.cmpi slt, %parallel_loop3A_1405, %parallel_loop3A_1407 : vector<16xi32>
        %parallel_loop3A_1409 = arith.constant 16 : i32
        %parallel_loop3A_1410 = vector.broadcast %parallel_loop3A_1409 : i32 to vector<16xi32>
        %parallel_loop3A_1411 = arith.addi %parallel_loop3A_1405, %parallel_loop3A_1410 : vector<16xi32>
        %parallel_loop3A_1412 = arith.select %parallel_loop3A_1408, %parallel_loop3A_1411, %parallel_loop3A_1405 : vector<16xi1>, vector<16xi32>
        %parallel_loop3A_1413 = vector.shape_cast %parallel_loop3A_1412 : vector<16xi32> to vector<16x1xi32>
        %parallel_loop3A_1414 = vector.shape_cast %parallel_loop3A_1413 : vector<16x1xi32> to vector<16xi32>
        %parallel_loop3A_1415 = tpu.dynamic_gather %parallel_loop3A_1167[%parallel_loop3A_1414] in [0] : vector<16xf32>, vector<16xi32> -> vector<16xf32>
        %parallel_loop3A_1416 = arith.constant 2 : i32
        %parallel_loop3A_1417 = arith.addi %parallel_loop3A_378, %parallel_loop3A_1416 : i32
        %parallel_loop3A_1418 = arith.constant 0 : i32
        %parallel_loop3A_1419 = arith.constant 0 : i32
        %parallel_loop3A_1420 = tpu.memref_slice %arg8[%rem3A_151, %parallel_loop3A_1418, %parallel_loop3A_1419] : memref<2x400x64xf32, #tpu.memory_space<vmem>> -> memref<1x400x64xf32, #tpu.memory_space<vmem>>
        %parallel_loop3A_1421 = tpu.memref_squeeze %parallel_loop3A_1420 : memref<1x400x64xf32, #tpu.memory_space<vmem>> -> memref<400x64xf32, #tpu.memory_space<vmem>>
        %parallel_loop3A_1422 = arith.index_cast %parallel_loop3A_1417 : i32 to index
        %parallel_loop3A_1423 = arith.constant 0 : index
        %parallel_loop3A_1424 = tpu.vector_load %parallel_loop3A_1421[%parallel_loop3A_1422, %parallel_loop3A_1423] {strides = array<i32>} : memref<400x64xf32, #tpu.memory_space<vmem>>, vector<16xf32>,
        %parallel_loop3A_1425 = arith.subf %parallel_loop3A_1424, %parallel_loop3A_1403 : vector<16xf32>
        %parallel_loop3A_1426 = arith.mulf %parallel_loop3A_1425, %parallel_loop3A_1415 : vector<16xf32>
        %parallel_loop3A_1427 = arith.mulf %parallel_loop3A_1426, %get3A_3 : vector<16xf32>
        %parallel_loop3A_1428 = arith.addf %parallel_loop3A_1427, %get3A_11 : vector<16xf32>
        %parallel_loop3A_1429 = arith.constant 2 : i32
        %parallel_loop3A_1430 = arith.addi %parallel_loop3A_378, %parallel_loop3A_1429 : i32
        %parallel_loop3A_1431 = arith.constant 0 : i32
        %parallel_loop3A_1432 = arith.constant 0 : i32
        %parallel_loop3A_1433 = tpu.memref_slice %arg8[%rem3A_151, %parallel_loop3A_1431, %parallel_loop3A_1432] : memref<2x400x64xf32, #tpu.memory_space<vmem>> -> memref<1x400x64xf32, #tpu.memory_space<vmem>>
        %parallel_loop3A_1434 = tpu.memref_squeeze %parallel_loop3A_1433 : memref<1x400x64xf32, #tpu.memory_space<vmem>> -> memref<400x64xf32, #tpu.memory_space<vmem>>
        %parallel_loop3A_1435 = arith.index_cast %parallel_loop3A_1430 : i32 to index
        %parallel_loop3A_1436 = arith.constant 0 : index
        %parallel_loop3A_1437 = tpu.vector_load %parallel_loop3A_1434[%parallel_loop3A_1435, %parallel_loop3A_1436] {strides = array<i32>} : memref<400x64xf32, #tpu.memory_space<vmem>>, vector<16xf32>,
        tpu.vector_store %parallel_loop3A_1434[%parallel_loop3A_1435, %parallel_loop3A_1436], %parallel_loop3A_1428 {strides = array<i32>} : memref<400x64xf32, #tpu.memory_space<vmem>>, vector<16xf32>,
        %parallel_loop3A_1438 = arith.constant 2 : i32
        %parallel_loop3A_1439 = arith.addi %parallel_loop3A_378, %parallel_loop3A_1438 : i32
        %parallel_loop3A_1440 = arith.constant 0 : i32
        %parallel_loop3A_1441 = arith.constant 0 : i32
        %parallel_loop3A_1442 = tpu.memref_slice %arg8[%rem3A_151, %parallel_loop3A_1440, %parallel_loop3A_1441] : memref<2x400x64xf32, #tpu.memory_space<vmem>> -> memref<1x400x64xf32, #tpu.memory_space<vmem>>
        %parallel_loop3A_1443 = tpu.memref_squeeze %parallel_loop3A_1442 : memref<1x400x64xf32, #tpu.memory_space<vmem>> -> memref<400x64xf32, #tpu.memory_space<vmem>>
        %parallel_loop3A_1444 = arith.index_cast %parallel_loop3A_1439 : i32 to index
        %parallel_loop3A_1445 = arith.constant 16 : index
        %parallel_loop3A_1446 = tpu.vector_load %parallel_loop3A_1443[%parallel_loop3A_1444, %parallel_loop3A_1445] {strides = array<i32>} : memref<400x64xf32, #tpu.memory_space<vmem>>, vector<16xf32>,
        %parallel_loop3A_1447 = arith.subf %parallel_loop3A_1446, %parallel_loop3A_1403 : vector<16xf32>
        %parallel_loop3A_1448 = arith.mulf %parallel_loop3A_1447, %parallel_loop3A_1415 : vector<16xf32>
        %parallel_loop3A_1449 = arith.mulf %parallel_loop3A_1448, %get3A_5 : vector<16xf32>
        %parallel_loop3A_1450 = arith.addf %parallel_loop3A_1449, %get3A_13 : vector<16xf32>
        %parallel_loop3A_1451 = arith.constant 2 : i32
        %parallel_loop3A_1452 = arith.addi %parallel_loop3A_378, %parallel_loop3A_1451 : i32
        %parallel_loop3A_1453 = arith.constant 0 : i32
        %parallel_loop3A_1454 = arith.constant 0 : i32
        %parallel_loop3A_1455 = tpu.memref_slice %arg8[%rem3A_151, %parallel_loop3A_1453, %parallel_loop3A_1454] : memref<2x400x64xf32, #tpu.memory_space<vmem>> -> memref<1x400x64xf32, #tpu.memory_space<vmem>>
        %parallel_loop3A_1456 = tpu.memref_squeeze %parallel_loop3A_1455 : memref<1x400x64xf32, #tpu.memory_space<vmem>> -> memref<400x64xf32, #tpu.memory_space<vmem>>
        %parallel_loop3A_1457 = arith.index_cast %parallel_loop3A_1452 : i32 to index
        %parallel_loop3A_1458 = arith.constant 16 : index
        %parallel_loop3A_1459 = tpu.vector_load %parallel_loop3A_1456[%parallel_loop3A_1457, %parallel_loop3A_1458] {strides = array<i32>} : memref<400x64xf32, #tpu.memory_space<vmem>>, vector<16xf32>,
        tpu.vector_store %parallel_loop3A_1456[%parallel_loop3A_1457, %parallel_loop3A_1458], %parallel_loop3A_1450 {strides = array<i32>} : memref<400x64xf32, #tpu.memory_space<vmem>>, vector<16xf32>,
        %parallel_loop3A_1460 = arith.constant 2 : i32
        %parallel_loop3A_1461 = arith.addi %parallel_loop3A_378, %parallel_loop3A_1460 : i32
        %parallel_loop3A_1462 = arith.constant 0 : i32
        %parallel_loop3A_1463 = arith.constant 0 : i32
        %parallel_loop3A_1464 = tpu.memref_slice %arg8[%rem3A_151, %parallel_loop3A_1462, %parallel_loop3A_1463] : memref<2x400x64xf32, #tpu.memory_space<vmem>> -> memref<1x400x64xf32, #tpu.memory_space<vmem>>
        %parallel_loop3A_1465 = tpu.memref_squeeze %parallel_loop3A_1464 : memref<1x400x64xf32, #tpu.memory_space<vmem>> -> memref<400x64xf32, #tpu.memory_space<vmem>>
        %parallel_loop3A_1466 = arith.index_cast %parallel_loop3A_1461 : i32 to index
        %parallel_loop3A_1467 = arith.constant 32 : index
        %parallel_loop3A_1468 = tpu.vector_load %parallel_loop3A_1465[%parallel_loop3A_1466, %parallel_loop3A_1467] {strides = array<i32>} : memref<400x64xf32, #tpu.memory_space<vmem>>, vector<16xf32>,
        %parallel_loop3A_1469 = arith.subf %parallel_loop3A_1468, %parallel_loop3A_1403 : vector<16xf32>
        %parallel_loop3A_1470 = arith.mulf %parallel_loop3A_1469, %parallel_loop3A_1415 : vector<16xf32>
        %parallel_loop3A_1471 = arith.mulf %parallel_loop3A_1470, %get3A_7 : vector<16xf32>
        %parallel_loop3A_1472 = arith.addf %parallel_loop3A_1471, %get3A_15 : vector<16xf32>
        %parallel_loop3A_1473 = arith.constant 2 : i32
        %parallel_loop3A_1474 = arith.addi %parallel_loop3A_378, %parallel_loop3A_1473 : i32
        %parallel_loop3A_1475 = arith.constant 0 : i32
        %parallel_loop3A_1476 = arith.constant 0 : i32
        %parallel_loop3A_1477 = tpu.memref_slice %arg8[%rem3A_151, %parallel_loop3A_1475, %parallel_loop3A_1476] : memref<2x400x64xf32, #tpu.memory_space<vmem>> -> memref<1x400x64xf32, #tpu.memory_space<vmem>>
        %parallel_loop3A_1478 = tpu.memref_squeeze %parallel_loop3A_1477 : memref<1x400x64xf32, #tpu.memory_space<vmem>> -> memref<400x64xf32, #tpu.memory_space<vmem>>
        %parallel_loop3A_1479 = arith.index_cast %parallel_loop3A_1474 : i32 to index
        %parallel_loop3A_1480 = arith.constant 32 : index
        %parallel_loop3A_1481 = tpu.vector_load %parallel_loop3A_1478[%parallel_loop3A_1479, %parallel_loop3A_1480] {strides = array<i32>} : memref<400x64xf32, #tpu.memory_space<vmem>>, vector<16xf32>,
        tpu.vector_store %parallel_loop3A_1478[%parallel_loop3A_1479, %parallel_loop3A_1480], %parallel_loop3A_1472 {strides = array<i32>} : memref<400x64xf32, #tpu.memory_space<vmem>>, vector<16xf32>,
        %parallel_loop3A_1482 = arith.constant 2 : i32
        %parallel_loop3A_1483 = arith.addi %parallel_loop3A_378, %parallel_loop3A_1482 : i32
        %parallel_loop3A_1484 = arith.constant 0 : i32
        %parallel_loop3A_1485 = arith.constant 0 : i32
        %parallel_loop3A_1486 = tpu.memref_slice %arg8[%rem3A_151, %parallel_loop3A_1484, %parallel_loop3A_1485] : memref<2x400x64xf32, #tpu.memory_space<vmem>> -> memref<1x400x64xf32, #tpu.memory_space<vmem>>
        %parallel_loop3A_1487 = tpu.memref_squeeze %parallel_loop3A_1486 : memref<1x400x64xf32, #tpu.memory_space<vmem>> -> memref<400x64xf32, #tpu.memory_space<vmem>>
        %parallel_loop3A_1488 = arith.index_cast %parallel_loop3A_1483 : i32 to index
        %parallel_loop3A_1489 = arith.constant 48 : index
        %parallel_loop3A_1490 = tpu.vector_load %parallel_loop3A_1487[%parallel_loop3A_1488, %parallel_loop3A_1489] {strides = array<i32>} : memref<400x64xf32, #tpu.memory_space<vmem>>, vector<16xf32>,
        %parallel_loop3A_1491 = arith.subf %parallel_loop3A_1490, %parallel_loop3A_1403 : vector<16xf32>
        %parallel_loop3A_1492 = arith.mulf %parallel_loop3A_1491, %parallel_loop3A_1415 : vector<16xf32>
        %parallel_loop3A_1493 = arith.mulf %parallel_loop3A_1492, %get3A_9 : vector<16xf32>
        %parallel_loop3A_1494 = arith.addf %parallel_loop3A_1493, %get3A_17 : vector<16xf32>
        %parallel_loop3A_1495 = arith.constant 2 : i32
        %parallel_loop3A_1496 = arith.addi %parallel_loop3A_378, %parallel_loop3A_1495 : i32
        %parallel_loop3A_1497 = arith.constant 0 : i32
        %parallel_loop3A_1498 = arith.constant 0 : i32
        %parallel_loop3A_1499 = tpu.memref_slice %arg8[%rem3A_151, %parallel_loop3A_1497, %parallel_loop3A_1498] : memref<2x400x64xf32, #tpu.memory_space<vmem>> -> memref<1x400x64xf32, #tpu.memory_space<vmem>>
        %parallel_loop3A_1500 = tpu.memref_squeeze %parallel_loop3A_1499 : memref<1x400x64xf32, #tpu.memory_space<vmem>> -> memref<400x64xf32, #tpu.memory_space<vmem>>
        %parallel_loop3A_1501 = arith.index_cast %parallel_loop3A_1496 : i32 to index
        %parallel_loop3A_1502 = arith.constant 48 : index
        %parallel_loop3A_1503 = tpu.vector_load %parallel_loop3A_1500[%parallel_loop3A_1501, %parallel_loop3A_1502] {strides = array<i32>} : memref<400x64xf32, #tpu.memory_space<vmem>>, vector<16xf32>,
        tpu.vector_store %parallel_loop3A_1500[%parallel_loop3A_1501, %parallel_loop3A_1502], %parallel_loop3A_1494 {strides = array<i32>} : memref<400x64xf32, #tpu.memory_space<vmem>>, vector<16xf32>,
        %parallel_loop3A_1504 = arith.constant 3 : i32
        %parallel_loop3A_1505 = vector.broadcast %parallel_loop3A_1504 : i32 to vector<16xi32>
        %parallel_loop3A_1506 = arith.constant 0 : i32
        %parallel_loop3A_1507 = vector.broadcast %parallel_loop3A_1506 : i32 to vector<16xi32>
        %parallel_loop3A_1508 = arith.cmpi slt, %parallel_loop3A_1505, %parallel_loop3A_1507 : vector<16xi32>
        %parallel_loop3A_1509 = arith.constant 16 : i32
        %parallel_loop3A_1510 = vector.broadcast %parallel_loop3A_1509 : i32 to vector<16xi32>
        %parallel_loop3A_1511 = arith.addi %parallel_loop3A_1505, %parallel_loop3A_1510 : vector<16xi32>
        %parallel_loop3A_1512 = arith.select %parallel_loop3A_1508, %parallel_loop3A_1511, %parallel_loop3A_1505 : vector<16xi1>, vector<16xi32>
        %parallel_loop3A_1513 = vector.shape_cast %parallel_loop3A_1512 : vector<16xi32> to vector<16x1xi32>
        %parallel_loop3A_1514 = vector.shape_cast %parallel_loop3A_1513 : vector<16x1xi32> to vector<16xi32>
        %parallel_loop3A_1515 = tpu.dynamic_gather %parallel_loop3A_1133[%parallel_loop3A_1514] in [0] : vector<16xf32>, vector<16xi32> -> vector<16xf32>
        %parallel_loop3A_1516 = arith.constant 3 : i32
        %parallel_loop3A_1517 = vector.broadcast %parallel_loop3A_1516 : i32 to vector<16xi32>
        %parallel_loop3A_1518 = arith.constant 0 : i32
        %parallel_loop3A_1519 = vector.broadcast %parallel_loop3A_1518 : i32 to vector<16xi32>
        %parallel_loop3A_1520 = arith.cmpi slt, %parallel_loop3A_1517, %parallel_loop3A_1519 : vector<16xi32>
        %parallel_loop3A_1521 = arith.constant 16 : i32
        %parallel_loop3A_1522 = vector.broadcast %parallel_loop3A_1521 : i32 to vector<16xi32>
        %parallel_loop3A_1523 = arith.addi %parallel_loop3A_1517, %parallel_loop3A_1522 : vector<16xi32>
        %parallel_loop3A_1524 = arith.select %parallel_loop3A_1520, %parallel_loop3A_1523, %parallel_loop3A_1517 : vector<16xi1>, vector<16xi32>
        %parallel_loop3A_1525 = vector.shape_cast %parallel_loop3A_1524 : vector<16xi32> to vector<16x1xi32>
        %parallel_loop3A_1526 = vector.shape_cast %parallel_loop3A_1525 : vector<16x1xi32> to vector<16xi32>
        %parallel_loop3A_1527 = tpu.dynamic_gather %parallel_loop3A_1167[%parallel_loop3A_1526] in [0] : vector<16xf32>, vector<16xi32> -> vector<16xf32>
        %parallel_loop3A_1528 = arith.constant 3 : i32
        %parallel_loop3A_1529 = arith.addi %parallel_loop3A_378, %parallel_loop3A_1528 : i32
        %parallel_loop3A_1530 = arith.constant 0 : i32
        %parallel_loop3A_1531 = arith.constant 0 : i32
        %parallel_loop3A_1532 = tpu.memref_slice %arg8[%rem3A_151, %parallel_loop3A_1530, %parallel_loop3A_1531] : memref<2x400x64xf32, #tpu.memory_space<vmem>> -> memref<1x400x64xf32, #tpu.memory_space<vmem>>
        %parallel_loop3A_1533 = tpu.memref_squeeze %parallel_loop3A_1532 : memref<1x400x64xf32, #tpu.memory_space<vmem>> -> memref<400x64xf32, #tpu.memory_space<vmem>>
        %parallel_loop3A_1534 = arith.index_cast %parallel_loop3A_1529 : i32 to index
        %parallel_loop3A_1535 = arith.constant 0 : index
        %parallel_loop3A_1536 = tpu.vector_load %parallel_loop3A_1533[%parallel_loop3A_1534, %parallel_loop3A_1535] {strides = array<i32>} : memref<400x64xf32, #tpu.memory_space<vmem>>, vector<16xf32>,
        %parallel_loop3A_1537 = arith.subf %parallel_loop3A_1536, %parallel_loop3A_1515 : vector<16xf32>
        %parallel_loop3A_1538 = arith.mulf %parallel_loop3A_1537, %parallel_loop3A_1527 : vector<16xf32>
        %parallel_loop3A_1539 = arith.mulf %parallel_loop3A_1538, %get3A_3 : vector<16xf32>
        %parallel_loop3A_1540 = arith.addf %parallel_loop3A_1539, %get3A_11 : vector<16xf32>
        %parallel_loop3A_1541 = arith.constant 3 : i32
        %parallel_loop3A_1542 = arith.addi %parallel_loop3A_378, %parallel_loop3A_1541 : i32
        %parallel_loop3A_1543 = arith.constant 0 : i32
        %parallel_loop3A_1544 = arith.constant 0 : i32
        %parallel_loop3A_1545 = tpu.memref_slice %arg8[%rem3A_151, %parallel_loop3A_1543, %parallel_loop3A_1544] : memref<2x400x64xf32, #tpu.memory_space<vmem>> -> memref<1x400x64xf32, #tpu.memory_space<vmem>>
        %parallel_loop3A_1546 = tpu.memref_squeeze %parallel_loop3A_1545 : memref<1x400x64xf32, #tpu.memory_space<vmem>> -> memref<400x64xf32, #tpu.memory_space<vmem>>
        %parallel_loop3A_1547 = arith.index_cast %parallel_loop3A_1542 : i32 to index
        %parallel_loop3A_1548 = arith.constant 0 : index
        %parallel_loop3A_1549 = tpu.vector_load %parallel_loop3A_1546[%parallel_loop3A_1547, %parallel_loop3A_1548] {strides = array<i32>} : memref<400x64xf32, #tpu.memory_space<vmem>>, vector<16xf32>,
        tpu.vector_store %parallel_loop3A_1546[%parallel_loop3A_1547, %parallel_loop3A_1548], %parallel_loop3A_1540 {strides = array<i32>} : memref<400x64xf32, #tpu.memory_space<vmem>>, vector<16xf32>,
        %parallel_loop3A_1550 = arith.constant 3 : i32
        %parallel_loop3A_1551 = arith.addi %parallel_loop3A_378, %parallel_loop3A_1550 : i32
        %parallel_loop3A_1552 = arith.constant 0 : i32
        %parallel_loop3A_1553 = arith.constant 0 : i32
        %parallel_loop3A_1554 = tpu.memref_slice %arg8[%rem3A_151, %parallel_loop3A_1552, %parallel_loop3A_1553] : memref<2x400x64xf32, #tpu.memory_space<vmem>> -> memref<1x400x64xf32, #tpu.memory_space<vmem>>
        %parallel_loop3A_1555 = tpu.memref_squeeze %parallel_loop3A_1554 : memref<1x400x64xf32, #tpu.memory_space<vmem>> -> memref<400x64xf32, #tpu.memory_space<vmem>>
        %parallel_loop3A_1556 = arith.index_cast %parallel_loop3A_1551 : i32 to index
        %parallel_loop3A_1557 = arith.constant 16 : index
        %parallel_loop3A_1558 = tpu.vector_load %parallel_loop3A_1555[%parallel_loop3A_1556, %parallel_loop3A_1557] {strides = array<i32>} : memref<400x64xf32, #tpu.memory_space<vmem>>, vector<16xf32>,
        %parallel_loop3A_1559 = arith.subf %parallel_loop3A_1558, %parallel_loop3A_1515 : vector<16xf32>
        %parallel_loop3A_1560 = arith.mulf %parallel_loop3A_1559, %parallel_loop3A_1527 : vector<16xf32>
        %parallel_loop3A_1561 = arith.mulf %parallel_loop3A_1560, %get3A_5 : vector<16xf32>
        %parallel_loop3A_1562 = arith.addf %parallel_loop3A_1561, %get3A_13 : vector<16xf32>
        %parallel_loop3A_1563 = arith.constant 3 : i32
        %parallel_loop3A_1564 = arith.addi %parallel_loop3A_378, %parallel_loop3A_1563 : i32
        %parallel_loop3A_1565 = arith.constant 0 : i32
        %parallel_loop3A_1566 = arith.constant 0 : i32
        %parallel_loop3A_1567 = tpu.memref_slice %arg8[%rem3A_151, %parallel_loop3A_1565, %parallel_loop3A_1566] : memref<2x400x64xf32, #tpu.memory_space<vmem>> -> memref<1x400x64xf32, #tpu.memory_space<vmem>>
        %parallel_loop3A_1568 = tpu.memref_squeeze %parallel_loop3A_1567 : memref<1x400x64xf32, #tpu.memory_space<vmem>> -> memref<400x64xf32, #tpu.memory_space<vmem>>
        %parallel_loop3A_1569 = arith.index_cast %parallel_loop3A_1564 : i32 to index
        %parallel_loop3A_1570 = arith.constant 16 : index
        %parallel_loop3A_1571 = tpu.vector_load %parallel_loop3A_1568[%parallel_loop3A_1569, %parallel_loop3A_1570] {strides = array<i32>} : memref<400x64xf32, #tpu.memory_space<vmem>>, vector<16xf32>,
        tpu.vector_store %parallel_loop3A_1568[%parallel_loop3A_1569, %parallel_loop3A_1570], %parallel_loop3A_1562 {strides = array<i32>} : memref<400x64xf32, #tpu.memory_space<vmem>>, vector<16xf32>,
        %parallel_loop3A_1572 = arith.constant 3 : i32
        %parallel_loop3A_1573 = arith.addi %parallel_loop3A_378, %parallel_loop3A_1572 : i32
        %parallel_loop3A_1574 = arith.constant 0 : i32
        %parallel_loop3A_1575 = arith.constant 0 : i32
        %parallel_loop3A_1576 = tpu.memref_slice %arg8[%rem3A_151, %parallel_loop3A_1574, %parallel_loop3A_1575] : memref<2x400x64xf32, #tpu.memory_space<vmem>> -> memref<1x400x64xf32, #tpu.memory_space<vmem>>
        %parallel_loop3A_1577 = tpu.memref_squeeze %parallel_loop3A_1576 : memref<1x400x64xf32, #tpu.memory_space<vmem>> -> memref<400x64xf32, #tpu.memory_space<vmem>>
        %parallel_loop3A_1578 = arith.index_cast %parallel_loop3A_1573 : i32 to index
        %parallel_loop3A_1579 = arith.constant 32 : index
        %parallel_loop3A_1580 = tpu.vector_load %parallel_loop3A_1577[%parallel_loop3A_1578, %parallel_loop3A_1579] {strides = array<i32>} : memref<400x64xf32, #tpu.memory_space<vmem>>, vector<16xf32>,
        %parallel_loop3A_1581 = arith.subf %parallel_loop3A_1580, %parallel_loop3A_1515 : vector<16xf32>
        %parallel_loop3A_1582 = arith.mulf %parallel_loop3A_1581, %parallel_loop3A_1527 : vector<16xf32>
        %parallel_loop3A_1583 = arith.mulf %parallel_loop3A_1582, %get3A_7 : vector<16xf32>
        %parallel_loop3A_1584 = arith.addf %parallel_loop3A_1583, %get3A_15 : vector<16xf32>
        %parallel_loop3A_1585 = arith.constant 3 : i32
        %parallel_loop3A_1586 = arith.addi %parallel_loop3A_378, %parallel_loop3A_1585 : i32
        %parallel_loop3A_1587 = arith.constant 0 : i32
        %parallel_loop3A_1588 = arith.constant 0 : i32
        %parallel_loop3A_1589 = tpu.memref_slice %arg8[%rem3A_151, %parallel_loop3A_1587, %parallel_loop3A_1588] : memref<2x400x64xf32, #tpu.memory_space<vmem>> -> memref<1x400x64xf32, #tpu.memory_space<vmem>>
        %parallel_loop3A_1590 = tpu.memref_squeeze %parallel_loop3A_1589 : memref<1x400x64xf32, #tpu.memory_space<vmem>> -> memref<400x64xf32, #tpu.memory_space<vmem>>
        %parallel_loop3A_1591 = arith.index_cast %parallel_loop3A_1586 : i32 to index
        %parallel_loop3A_1592 = arith.constant 32 : index
        %parallel_loop3A_1593 = tpu.vector_load %parallel_loop3A_1590[%parallel_loop3A_1591, %parallel_loop3A_1592] {strides = array<i32>} : memref<400x64xf32, #tpu.memory_space<vmem>>, vector<16xf32>,
        tpu.vector_store %parallel_loop3A_1590[%parallel_loop3A_1591, %parallel_loop3A_1592], %parallel_loop3A_1584 {strides = array<i32>} : memref<400x64xf32, #tpu.memory_space<vmem>>, vector<16xf32>,
        %parallel_loop3A_1594 = arith.constant 3 : i32
        %parallel_loop3A_1595 = arith.addi %parallel_loop3A_378, %parallel_loop3A_1594 : i32
        %parallel_loop3A_1596 = arith.constant 0 : i32
        %parallel_loop3A_1597 = arith.constant 0 : i32
        %parallel_loop3A_1598 = tpu.memref_slice %arg8[%rem3A_151, %parallel_loop3A_1596, %parallel_loop3A_1597] : memref<2x400x64xf32, #tpu.memory_space<vmem>> -> memref<1x400x64xf32, #tpu.memory_space<vmem>>
        %parallel_loop3A_1599 = tpu.memref_squeeze %parallel_loop3A_1598 : memref<1x400x64xf32, #tpu.memory_space<vmem>> -> memref<400x64xf32, #tpu.memory_space<vmem>>
        %parallel_loop3A_1600 = arith.index_cast %parallel_loop3A_1595 : i32 to index
        %parallel_loop3A_1601 = arith.constant 48 : index
        %parallel_loop3A_1602 = tpu.vector_load %parallel_loop3A_1599[%parallel_loop3A_1600, %parallel_loop3A_1601] {strides = array<i32>} : memref<400x64xf32, #tpu.memory_space<vmem>>, vector<16xf32>,
        %parallel_loop3A_1603 = arith.subf %parallel_loop3A_1602, %parallel_loop3A_1515 : vector<16xf32>
        %parallel_loop3A_1604 = arith.mulf %parallel_loop3A_1603, %parallel_loop3A_1527 : vector<16xf32>
        %parallel_loop3A_1605 = arith.mulf %parallel_loop3A_1604, %get3A_9 : vector<16xf32>
        %parallel_loop3A_1606 = arith.addf %parallel_loop3A_1605, %get3A_17 : vector<16xf32>
        %parallel_loop3A_1607 = arith.constant 3 : i32
        %parallel_loop3A_1608 = arith.addi %parallel_loop3A_378, %parallel_loop3A_1607 : i32
        %parallel_loop3A_1609 = arith.constant 0 : i32
        %parallel_loop3A_1610 = arith.constant 0 : i32
        %parallel_loop3A_1611 = tpu.memref_slice %arg8[%rem3A_151, %parallel_loop3A_1609, %parallel_loop3A_1610] : memref<2x400x64xf32, #tpu.memory_space<vmem>> -> memref<1x400x64xf32, #tpu.memory_space<vmem>>
        %parallel_loop3A_1612 = tpu.memref_squeeze %parallel_loop3A_1611 : memref<1x400x64xf32, #tpu.memory_space<vmem>> -> memref<400x64xf32, #tpu.memory_space<vmem>>
        %parallel_loop3A_1613 = arith.index_cast %parallel_loop3A_1608 : i32 to index
        %parallel_loop3A_1614 = arith.constant 48 : index
        %parallel_loop3A_1615 = tpu.vector_load %parallel_loop3A_1612[%parallel_loop3A_1613, %parallel_loop3A_1614] {strides = array<i32>} : memref<400x64xf32, #tpu.memory_space<vmem>>, vector<16xf32>,
        tpu.vector_store %parallel_loop3A_1612[%parallel_loop3A_1613, %parallel_loop3A_1614], %parallel_loop3A_1606 {strides = array<i32>} : memref<400x64xf32, #tpu.memory_space<vmem>>, vector<16xf32>,
        %parallel_loop3A_1616 = arith.constant 4 : i32
        %parallel_loop3A_1617 = vector.broadcast %parallel_loop3A_1616 : i32 to vector<16xi32>
        %parallel_loop3A_1618 = arith.constant 0 : i32
        %parallel_loop3A_1619 = vector.broadcast %parallel_loop3A_1618 : i32 to vector<16xi32>
        %parallel_loop3A_1620 = arith.cmpi slt, %parallel_loop3A_1617, %parallel_loop3A_1619 : vector<16xi32>
        %parallel_loop3A_1621 = arith.constant 16 : i32
        %parallel_loop3A_1622 = vector.broadcast %parallel_loop3A_1621 : i32 to vector<16xi32>
        %parallel_loop3A_1623 = arith.addi %parallel_loop3A_1617, %parallel_loop3A_1622 : vector<16xi32>
        %parallel_loop3A_1624 = arith.select %parallel_loop3A_1620, %parallel_loop3A_1623, %parallel_loop3A_1617 : vector<16xi1>, vector<16xi32>
        %parallel_loop3A_1625 = vector.shape_cast %parallel_loop3A_1624 : vector<16xi32> to vector<16x1xi32>
        %parallel_loop3A_1626 = vector.shape_cast %parallel_loop3A_1625 : vector<16x1xi32> to vector<16xi32>
        %parallel_loop3A_1627 = tpu.dynamic_gather %parallel_loop3A_1133[%parallel_loop3A_1626] in [0] : vector<16xf32>, vector<16xi32> -> vector<16xf32>
        %parallel_loop3A_1628 = arith.constant 4 : i32
        %parallel_loop3A_1629 = vector.broadcast %parallel_loop3A_1628 : i32 to vector<16xi32>
        %parallel_loop3A_1630 = arith.constant 0 : i32
        %parallel_loop3A_1631 = vector.broadcast %parallel_loop3A_1630 : i32 to vector<16xi32>
        %parallel_loop3A_1632 = arith.cmpi slt, %parallel_loop3A_1629, %parallel_loop3A_1631 : vector<16xi32>
        %parallel_loop3A_1633 = arith.constant 16 : i32
        %parallel_loop3A_1634 = vector.broadcast %parallel_loop3A_1633 : i32 to vector<16xi32>
        %parallel_loop3A_1635 = arith.addi %parallel_loop3A_1629, %parallel_loop3A_1634 : vector<16xi32>
        %parallel_loop3A_1636 = arith.select %parallel_loop3A_1632, %parallel_loop3A_1635, %parallel_loop3A_1629 : vector<16xi1>, vector<16xi32>
        %parallel_loop3A_1637 = vector.shape_cast %parallel_loop3A_1636 : vector<16xi32> to vector<16x1xi32>
        %parallel_loop3A_1638 = vector.shape_cast %parallel_loop3A_1637 : vector<16x1xi32> to vector<16xi32>
        %parallel_loop3A_1639 = tpu.dynamic_gather %parallel_loop3A_1167[%parallel_loop3A_1638] in [0] : vector<16xf32>, vector<16xi32> -> vector<16xf32>
        %parallel_loop3A_1640 = arith.constant 4 : i32
        %parallel_loop3A_1641 = arith.addi %parallel_loop3A_378, %parallel_loop3A_1640 : i32
        %parallel_loop3A_1642 = arith.constant 0 : i32
        %parallel_loop3A_1643 = arith.constant 0 : i32
        %parallel_loop3A_1644 = tpu.memref_slice %arg8[%rem3A_151, %parallel_loop3A_1642, %parallel_loop3A_1643] : memref<2x400x64xf32, #tpu.memory_space<vmem>> -> memref<1x400x64xf32, #tpu.memory_space<vmem>>
        %parallel_loop3A_1645 = tpu.memref_squeeze %parallel_loop3A_1644 : memref<1x400x64xf32, #tpu.memory_space<vmem>> -> memref<400x64xf32, #tpu.memory_space<vmem>>
        %parallel_loop3A_1646 = arith.index_cast %parallel_loop3A_1641 : i32 to index
        %parallel_loop3A_1647 = arith.constant 0 : index
        %parallel_loop3A_1648 = tpu.vector_load %parallel_loop3A_1645[%parallel_loop3A_1646, %parallel_loop3A_1647] {strides = array<i32>} : memref<400x64xf32, #tpu.memory_space<vmem>>, vector<16xf32>,
        %parallel_loop3A_1649 = arith.subf %parallel_loop3A_1648, %parallel_loop3A_1627 : vector<16xf32>
        %parallel_loop3A_1650 = arith.mulf %parallel_loop3A_1649, %parallel_loop3A_1639 : vector<16xf32>
        %parallel_loop3A_1651 = arith.mulf %parallel_loop3A_1650, %get3A_3 : vector<16xf32>
        %parallel_loop3A_1652 = arith.addf %parallel_loop3A_1651, %get3A_11 : vector<16xf32>
        %parallel_loop3A_1653 = arith.constant 4 : i32
        %parallel_loop3A_1654 = arith.addi %parallel_loop3A_378, %parallel_loop3A_1653 : i32
        %parallel_loop3A_1655 = arith.constant 0 : i32
        %parallel_loop3A_1656 = arith.constant 0 : i32
        %parallel_loop3A_1657 = tpu.memref_slice %arg8[%rem3A_151, %parallel_loop3A_1655, %parallel_loop3A_1656] : memref<2x400x64xf32, #tpu.memory_space<vmem>> -> memref<1x400x64xf32, #tpu.memory_space<vmem>>
        %parallel_loop3A_1658 = tpu.memref_squeeze %parallel_loop3A_1657 : memref<1x400x64xf32, #tpu.memory_space<vmem>> -> memref<400x64xf32, #tpu.memory_space<vmem>>
        %parallel_loop3A_1659 = arith.index_cast %parallel_loop3A_1654 : i32 to index
        %parallel_loop3A_1660 = arith.constant 0 : index
        %parallel_loop3A_1661 = tpu.vector_load %parallel_loop3A_1658[%parallel_loop3A_1659, %parallel_loop3A_1660] {strides = array<i32>} : memref<400x64xf32, #tpu.memory_space<vmem>>, vector<16xf32>,
        tpu.vector_store %parallel_loop3A_1658[%parallel_loop3A_1659, %parallel_loop3A_1660], %parallel_loop3A_1652 {strides = array<i32>} : memref<400x64xf32, #tpu.memory_space<vmem>>, vector<16xf32>,
        %parallel_loop3A_1662 = arith.constant 4 : i32
        %parallel_loop3A_1663 = arith.addi %parallel_loop3A_378, %parallel_loop3A_1662 : i32
        %parallel_loop3A_1664 = arith.constant 0 : i32
        %parallel_loop3A_1665 = arith.constant 0 : i32
        %parallel_loop3A_1666 = tpu.memref_slice %arg8[%rem3A_151, %parallel_loop3A_1664, %parallel_loop3A_1665] : memref<2x400x64xf32, #tpu.memory_space<vmem>> -> memref<1x400x64xf32, #tpu.memory_space<vmem>>
        %parallel_loop3A_1667 = tpu.memref_squeeze %parallel_loop3A_1666 : memref<1x400x64xf32, #tpu.memory_space<vmem>> -> memref<400x64xf32, #tpu.memory_space<vmem>>
        %parallel_loop3A_1668 = arith.index_cast %parallel_loop3A_1663 : i32 to index
        %parallel_loop3A_1669 = arith.constant 16 : index
        %parallel_loop3A_1670 = tpu.vector_load %parallel_loop3A_1667[%parallel_loop3A_1668, %parallel_loop3A_1669] {strides = array<i32>} : memref<400x64xf32, #tpu.memory_space<vmem>>, vector<16xf32>,
        %parallel_loop3A_1671 = arith.subf %parallel_loop3A_1670, %parallel_loop3A_1627 : vector<16xf32>
        %parallel_loop3A_1672 = arith.mulf %parallel_loop3A_1671, %parallel_loop3A_1639 : vector<16xf32>
        %parallel_loop3A_1673 = arith.mulf %parallel_loop3A_1672, %get3A_5 : vector<16xf32>
        %parallel_loop3A_1674 = arith.addf %parallel_loop3A_1673, %get3A_13 : vector<16xf32>
        %parallel_loop3A_1675 = arith.constant 4 : i32
        %parallel_loop3A_1676 = arith.addi %parallel_loop3A_378, %parallel_loop3A_1675 : i32
        %parallel_loop3A_1677 = arith.constant 0 : i32
        %parallel_loop3A_1678 = arith.constant 0 : i32
        %parallel_loop3A_1679 = tpu.memref_slice %arg8[%rem3A_151, %parallel_loop3A_1677, %parallel_loop3A_1678] : memref<2x400x64xf32, #tpu.memory_space<vmem>> -> memref<1x400x64xf32, #tpu.memory_space<vmem>>
        %parallel_loop3A_1680 = tpu.memref_squeeze %parallel_loop3A_1679 : memref<1x400x64xf32, #tpu.memory_space<vmem>> -> memref<400x64xf32, #tpu.memory_space<vmem>>
        %parallel_loop3A_1681 = arith.index_cast %parallel_loop3A_1676 : i32 to index
        %parallel_loop3A_1682 = arith.constant 16 : index
        %parallel_loop3A_1683 = tpu.vector_load %parallel_loop3A_1680[%parallel_loop3A_1681, %parallel_loop3A_1682] {strides = array<i32>} : memref<400x64xf32, #tpu.memory_space<vmem>>, vector<16xf32>,
        tpu.vector_store %parallel_loop3A_1680[%parallel_loop3A_1681, %parallel_loop3A_1682], %parallel_loop3A_1674 {strides = array<i32>} : memref<400x64xf32, #tpu.memory_space<vmem>>, vector<16xf32>,
        %parallel_loop3A_1684 = arith.constant 4 : i32
        %parallel_loop3A_1685 = arith.addi %parallel_loop3A_378, %parallel_loop3A_1684 : i32
        %parallel_loop3A_1686 = arith.constant 0 : i32
        %parallel_loop3A_1687 = arith.constant 0 : i32
        %parallel_loop3A_1688 = tpu.memref_slice %arg8[%rem3A_151, %parallel_loop3A_1686, %parallel_loop3A_1687] : memref<2x400x64xf32, #tpu.memory_space<vmem>> -> memref<1x400x64xf32, #tpu.memory_space<vmem>>
        %parallel_loop3A_1689 = tpu.memref_squeeze %parallel_loop3A_1688 : memref<1x400x64xf32, #tpu.memory_space<vmem>> -> memref<400x64xf32, #tpu.memory_space<vmem>>
        %parallel_loop3A_1690 = arith.index_cast %parallel_loop3A_1685 : i32 to index
        %parallel_loop3A_1691 = arith.constant 32 : index
        %parallel_loop3A_1692 = tpu.vector_load %parallel_loop3A_1689[%parallel_loop3A_1690, %parallel_loop3A_1691] {strides = array<i32>} : memref<400x64xf32, #tpu.memory_space<vmem>>, vector<16xf32>,
        %parallel_loop3A_1693 = arith.subf %parallel_loop3A_1692, %parallel_loop3A_1627 : vector<16xf32>
        %parallel_loop3A_1694 = arith.mulf %parallel_loop3A_1693, %parallel_loop3A_1639 : vector<16xf32>
        %parallel_loop3A_1695 = arith.mulf %parallel_loop3A_1694, %get3A_7 : vector<16xf32>
        %parallel_loop3A_1696 = arith.addf %parallel_loop3A_1695, %get3A_15 : vector<16xf32>
        %parallel_loop3A_1697 = arith.constant 4 : i32
        %parallel_loop3A_1698 = arith.addi %parallel_loop3A_378, %parallel_loop3A_1697 : i32
        %parallel_loop3A_1699 = arith.constant 0 : i32
        %parallel_loop3A_1700 = arith.constant 0 : i32
        %parallel_loop3A_1701 = tpu.memref_slice %arg8[%rem3A_151, %parallel_loop3A_1699, %parallel_loop3A_1700] : memref<2x400x64xf32, #tpu.memory_space<vmem>> -> memref<1x400x64xf32, #tpu.memory_space<vmem>>
        %parallel_loop3A_1702 = tpu.memref_squeeze %parallel_loop3A_1701 : memref<1x400x64xf32, #tpu.memory_space<vmem>> -> memref<400x64xf32, #tpu.memory_space<vmem>>
        %parallel_loop3A_1703 = arith.index_cast %parallel_loop3A_1698 : i32 to index
        %parallel_loop3A_1704 = arith.constant 32 : index
        %parallel_loop3A_1705 = tpu.vector_load %parallel_loop3A_1702[%parallel_loop3A_1703, %parallel_loop3A_1704] {strides = array<i32>} : memref<400x64xf32, #tpu.memory_space<vmem>>, vector<16xf32>,
        tpu.vector_store %parallel_loop3A_1702[%parallel_loop3A_1703, %parallel_loop3A_1704], %parallel_loop3A_1696 {strides = array<i32>} : memref<400x64xf32, #tpu.memory_space<vmem>>, vector<16xf32>,
        %parallel_loop3A_1706 = arith.constant 4 : i32
        %parallel_loop3A_1707 = arith.addi %parallel_loop3A_378, %parallel_loop3A_1706 : i32
        %parallel_loop3A_1708 = arith.constant 0 : i32
        %parallel_loop3A_1709 = arith.constant 0 : i32
        %parallel_loop3A_1710 = tpu.memref_slice %arg8[%rem3A_151, %parallel_loop3A_1708, %parallel_loop3A_1709] : memref<2x400x64xf32, #tpu.memory_space<vmem>> -> memref<1x400x64xf32, #tpu.memory_space<vmem>>
        %parallel_loop3A_1711 = tpu.memref_squeeze %parallel_loop3A_1710 : memref<1x400x64xf32, #tpu.memory_space<vmem>> -> memref<400x64xf32, #tpu.memory_space<vmem>>
        %parallel_loop3A_1712 = arith.index_cast %parallel_loop3A_1707 : i32 to index
        %parallel_loop3A_1713 = arith.constant 48 : index
        %parallel_loop3A_1714 = tpu.vector_load %parallel_loop3A_1711[%parallel_loop3A_1712, %parallel_loop3A_1713] {strides = array<i32>} : memref<400x64xf32, #tpu.memory_space<vmem>>, vector<16xf32>,
        %parallel_loop3A_1715 = arith.subf %parallel_loop3A_1714, %parallel_loop3A_1627 : vector<16xf32>
        %parallel_loop3A_1716 = arith.mulf %parallel_loop3A_1715, %parallel_loop3A_1639 : vector<16xf32>
        %parallel_loop3A_1717 = arith.mulf %parallel_loop3A_1716, %get3A_9 : vector<16xf32>
        %parallel_loop3A_1718 = arith.addf %parallel_loop3A_1717, %get3A_17 : vector<16xf32>
        %parallel_loop3A_1719 = arith.constant 4 : i32
        %parallel_loop3A_1720 = arith.addi %parallel_loop3A_378, %parallel_loop3A_1719 : i32
        %parallel_loop3A_1721 = arith.constant 0 : i32
        %parallel_loop3A_1722 = arith.constant 0 : i32
        %parallel_loop3A_1723 = tpu.memref_slice %arg8[%rem3A_151, %parallel_loop3A_1721, %parallel_loop3A_1722] : memref<2x400x64xf32, #tpu.memory_space<vmem>> -> memref<1x400x64xf32, #tpu.memory_space<vmem>>
        %parallel_loop3A_1724 = tpu.memref_squeeze %parallel_loop3A_1723 : memref<1x400x64xf32, #tpu.memory_space<vmem>> -> memref<400x64xf32, #tpu.memory_space<vmem>>
        %parallel_loop3A_1725 = arith.index_cast %parallel_loop3A_1720 : i32 to index
        %parallel_loop3A_1726 = arith.constant 48 : index
        %parallel_loop3A_1727 = tpu.vector_load %parallel_loop3A_1724[%parallel_loop3A_1725, %parallel_loop3A_1726] {strides = array<i32>} : memref<400x64xf32, #tpu.memory_space<vmem>>, vector<16xf32>,
        tpu.vector_store %parallel_loop3A_1724[%parallel_loop3A_1725, %parallel_loop3A_1726], %parallel_loop3A_1718 {strides = array<i32>} : memref<400x64xf32, #tpu.memory_space<vmem>>, vector<16xf32>,
        %parallel_loop3A_1728 = arith.constant 5 : i32
        %parallel_loop3A_1729 = vector.broadcast %parallel_loop3A_1728 : i32 to vector<16xi32>
        %parallel_loop3A_1730 = arith.constant 0 : i32
        %parallel_loop3A_1731 = vector.broadcast %parallel_loop3A_1730 : i32 to vector<16xi32>
        %parallel_loop3A_1732 = arith.cmpi slt, %parallel_loop3A_1729, %parallel_loop3A_1731 : vector<16xi32>
        %parallel_loop3A_1733 = arith.constant 16 : i32
        %parallel_loop3A_1734 = vector.broadcast %parallel_loop3A_1733 : i32 to vector<16xi32>
        %parallel_loop3A_1735 = arith.addi %parallel_loop3A_1729, %parallel_loop3A_1734 : vector<16xi32>
        %parallel_loop3A_1736 = arith.select %parallel_loop3A_1732, %parallel_loop3A_1735, %parallel_loop3A_1729 : vector<16xi1>, vector<16xi32>
        %parallel_loop3A_1737 = vector.shape_cast %parallel_loop3A_1736 : vector<16xi32> to vector<16x1xi32>
        %parallel_loop3A_1738 = vector.shape_cast %parallel_loop3A_1737 : vector<16x1xi32> to vector<16xi32>
        %parallel_loop3A_1739 = tpu.dynamic_gather %parallel_loop3A_1133[%parallel_loop3A_1738] in [0] : vector<16xf32>, vector<16xi32> -> vector<16xf32>
        %parallel_loop3A_1740 = arith.constant 5 : i32
        %parallel_loop3A_1741 = vector.broadcast %parallel_loop3A_1740 : i32 to vector<16xi32>
        %parallel_loop3A_1742 = arith.constant 0 : i32
        %parallel_loop3A_1743 = vector.broadcast %parallel_loop3A_1742 : i32 to vector<16xi32>
        %parallel_loop3A_1744 = arith.cmpi slt, %parallel_loop3A_1741, %parallel_loop3A_1743 : vector<16xi32>
        %parallel_loop3A_1745 = arith.constant 16 : i32
        %parallel_loop3A_1746 = vector.broadcast %parallel_loop3A_1745 : i32 to vector<16xi32>
        %parallel_loop3A_1747 = arith.addi %parallel_loop3A_1741, %parallel_loop3A_1746 : vector<16xi32>
        %parallel_loop3A_1748 = arith.select %parallel_loop3A_1744, %parallel_loop3A_1747, %parallel_loop3A_1741 : vector<16xi1>, vector<16xi32>
        %parallel_loop3A_1749 = vector.shape_cast %parallel_loop3A_1748 : vector<16xi32> to vector<16x1xi32>
        %parallel_loop3A_1750 = vector.shape_cast %parallel_loop3A_1749 : vector<16x1xi32> to vector<16xi32>
        %parallel_loop3A_1751 = tpu.dynamic_gather %parallel_loop3A_1167[%parallel_loop3A_1750] in [0] : vector<16xf32>, vector<16xi32> -> vector<16xf32>
        %parallel_loop3A_1752 = arith.constant 5 : i32
        %parallel_loop3A_1753 = arith.addi %parallel_loop3A_378, %parallel_loop3A_1752 : i32
        %parallel_loop3A_1754 = arith.constant 0 : i32
        %parallel_loop3A_1755 = arith.constant 0 : i32
        %parallel_loop3A_1756 = tpu.memref_slice %arg8[%rem3A_151, %parallel_loop3A_1754, %parallel_loop3A_1755] : memref<2x400x64xf32, #tpu.memory_space<vmem>> -> memref<1x400x64xf32, #tpu.memory_space<vmem>>
        %parallel_loop3A_1757 = tpu.memref_squeeze %parallel_loop3A_1756 : memref<1x400x64xf32, #tpu.memory_space<vmem>> -> memref<400x64xf32, #tpu.memory_space<vmem>>
        %parallel_loop3A_1758 = arith.index_cast %parallel_loop3A_1753 : i32 to index
        %parallel_loop3A_1759 = arith.constant 0 : index
        %parallel_loop3A_1760 = tpu.vector_load %parallel_loop3A_1757[%parallel_loop3A_1758, %parallel_loop3A_1759] {strides = array<i32>} : memref<400x64xf32, #tpu.memory_space<vmem>>, vector<16xf32>,
        %parallel_loop3A_1761 = arith.subf %parallel_loop3A_1760, %parallel_loop3A_1739 : vector<16xf32>
        %parallel_loop3A_1762 = arith.mulf %parallel_loop3A_1761, %parallel_loop3A_1751 : vector<16xf32>
        %parallel_loop3A_1763 = arith.mulf %parallel_loop3A_1762, %get3A_3 : vector<16xf32>
        %parallel_loop3A_1764 = arith.addf %parallel_loop3A_1763, %get3A_11 : vector<16xf32>
        %parallel_loop3A_1765 = arith.constant 5 : i32
        %parallel_loop3A_1766 = arith.addi %parallel_loop3A_378, %parallel_loop3A_1765 : i32
        %parallel_loop3A_1767 = arith.constant 0 : i32
        %parallel_loop3A_1768 = arith.constant 0 : i32
        %parallel_loop3A_1769 = tpu.memref_slice %arg8[%rem3A_151, %parallel_loop3A_1767, %parallel_loop3A_1768] : memref<2x400x64xf32, #tpu.memory_space<vmem>> -> memref<1x400x64xf32, #tpu.memory_space<vmem>>
        %parallel_loop3A_1770 = tpu.memref_squeeze %parallel_loop3A_1769 : memref<1x400x64xf32, #tpu.memory_space<vmem>> -> memref<400x64xf32, #tpu.memory_space<vmem>>
        %parallel_loop3A_1771 = arith.index_cast %parallel_loop3A_1766 : i32 to index
        %parallel_loop3A_1772 = arith.constant 0 : index
        %parallel_loop3A_1773 = tpu.vector_load %parallel_loop3A_1770[%parallel_loop3A_1771, %parallel_loop3A_1772] {strides = array<i32>} : memref<400x64xf32, #tpu.memory_space<vmem>>, vector<16xf32>,
        tpu.vector_store %parallel_loop3A_1770[%parallel_loop3A_1771, %parallel_loop3A_1772], %parallel_loop3A_1764 {strides = array<i32>} : memref<400x64xf32, #tpu.memory_space<vmem>>, vector<16xf32>,
        %parallel_loop3A_1774 = arith.constant 5 : i32
        %parallel_loop3A_1775 = arith.addi %parallel_loop3A_378, %parallel_loop3A_1774 : i32
        %parallel_loop3A_1776 = arith.constant 0 : i32
        %parallel_loop3A_1777 = arith.constant 0 : i32
        %parallel_loop3A_1778 = tpu.memref_slice %arg8[%rem3A_151, %parallel_loop3A_1776, %parallel_loop3A_1777] : memref<2x400x64xf32, #tpu.memory_space<vmem>> -> memref<1x400x64xf32, #tpu.memory_space<vmem>>
        %parallel_loop3A_1779 = tpu.memref_squeeze %parallel_loop3A_1778 : memref<1x400x64xf32, #tpu.memory_space<vmem>> -> memref<400x64xf32, #tpu.memory_space<vmem>>
        %parallel_loop3A_1780 = arith.index_cast %parallel_loop3A_1775 : i32 to index
        %parallel_loop3A_1781 = arith.constant 16 : index
        %parallel_loop3A_1782 = tpu.vector_load %parallel_loop3A_1779[%parallel_loop3A_1780, %parallel_loop3A_1781] {strides = array<i32>} : memref<400x64xf32, #tpu.memory_space<vmem>>, vector<16xf32>,
        %parallel_loop3A_1783 = arith.subf %parallel_loop3A_1782, %parallel_loop3A_1739 : vector<16xf32>
        %parallel_loop3A_1784 = arith.mulf %parallel_loop3A_1783, %parallel_loop3A_1751 : vector<16xf32>
        %parallel_loop3A_1785 = arith.mulf %parallel_loop3A_1784, %get3A_5 : vector<16xf32>
        %parallel_loop3A_1786 = arith.addf %parallel_loop3A_1785, %get3A_13 : vector<16xf32>
        %parallel_loop3A_1787 = arith.constant 5 : i32
        %parallel_loop3A_1788 = arith.addi %parallel_loop3A_378, %parallel_loop3A_1787 : i32
        %parallel_loop3A_1789 = arith.constant 0 : i32
        %parallel_loop3A_1790 = arith.constant 0 : i32
        %parallel_loop3A_1791 = tpu.memref_slice %arg8[%rem3A_151, %parallel_loop3A_1789, %parallel_loop3A_1790] : memref<2x400x64xf32, #tpu.memory_space<vmem>> -> memref<1x400x64xf32, #tpu.memory_space<vmem>>
        %parallel_loop3A_1792 = tpu.memref_squeeze %parallel_loop3A_1791 : memref<1x400x64xf32, #tpu.memory_space<vmem>> -> memref<400x64xf32, #tpu.memory_space<vmem>>
        %parallel_loop3A_1793 = arith.index_cast %parallel_loop3A_1788 : i32 to index
        %parallel_loop3A_1794 = arith.constant 16 : index
        %parallel_loop3A_1795 = tpu.vector_load %parallel_loop3A_1792[%parallel_loop3A_1793, %parallel_loop3A_1794] {strides = array<i32>} : memref<400x64xf32, #tpu.memory_space<vmem>>, vector<16xf32>,
        tpu.vector_store %parallel_loop3A_1792[%parallel_loop3A_1793, %parallel_loop3A_1794], %parallel_loop3A_1786 {strides = array<i32>} : memref<400x64xf32, #tpu.memory_space<vmem>>, vector<16xf32>,
        %parallel_loop3A_1796 = arith.constant 5 : i32
        %parallel_loop3A_1797 = arith.addi %parallel_loop3A_378, %parallel_loop3A_1796 : i32
        %parallel_loop3A_1798 = arith.constant 0 : i32
        %parallel_loop3A_1799 = arith.constant 0 : i32
        %parallel_loop3A_1800 = tpu.memref_slice %arg8[%rem3A_151, %parallel_loop3A_1798, %parallel_loop3A_1799] : memref<2x400x64xf32, #tpu.memory_space<vmem>> -> memref<1x400x64xf32, #tpu.memory_space<vmem>>
        %parallel_loop3A_1801 = tpu.memref_squeeze %parallel_loop3A_1800 : memref<1x400x64xf32, #tpu.memory_space<vmem>> -> memref<400x64xf32, #tpu.memory_space<vmem>>
        %parallel_loop3A_1802 = arith.index_cast %parallel_loop3A_1797 : i32 to index
        %parallel_loop3A_1803 = arith.constant 32 : index
        %parallel_loop3A_1804 = tpu.vector_load %parallel_loop3A_1801[%parallel_loop3A_1802, %parallel_loop3A_1803] {strides = array<i32>} : memref<400x64xf32, #tpu.memory_space<vmem>>, vector<16xf32>,
        %parallel_loop3A_1805 = arith.subf %parallel_loop3A_1804, %parallel_loop3A_1739 : vector<16xf32>
        %parallel_loop3A_1806 = arith.mulf %parallel_loop3A_1805, %parallel_loop3A_1751 : vector<16xf32>
        %parallel_loop3A_1807 = arith.mulf %parallel_loop3A_1806, %get3A_7 : vector<16xf32>
        %parallel_loop3A_1808 = arith.addf %parallel_loop3A_1807, %get3A_15 : vector<16xf32>
        %parallel_loop3A_1809 = arith.constant 5 : i32
        %parallel_loop3A_1810 = arith.addi %parallel_loop3A_378, %parallel_loop3A_1809 : i32
        %parallel_loop3A_1811 = arith.constant 0 : i32
        %parallel_loop3A_1812 = arith.constant 0 : i32
        %parallel_loop3A_1813 = tpu.memref_slice %arg8[%rem3A_151, %parallel_loop3A_1811, %parallel_loop3A_1812] : memref<2x400x64xf32, #tpu.memory_space<vmem>> -> memref<1x400x64xf32, #tpu.memory_space<vmem>>
        %parallel_loop3A_1814 = tpu.memref_squeeze %parallel_loop3A_1813 : memref<1x400x64xf32, #tpu.memory_space<vmem>> -> memref<400x64xf32, #tpu.memory_space<vmem>>
        %parallel_loop3A_1815 = arith.index_cast %parallel_loop3A_1810 : i32 to index
        %parallel_loop3A_1816 = arith.constant 32 : index
        %parallel_loop3A_1817 = tpu.vector_load %parallel_loop3A_1814[%parallel_loop3A_1815, %parallel_loop3A_1816] {strides = array<i32>} : memref<400x64xf32, #tpu.memory_space<vmem>>, vector<16xf32>,
        tpu.vector_store %parallel_loop3A_1814[%parallel_loop3A_1815, %parallel_loop3A_1816], %parallel_loop3A_1808 {strides = array<i32>} : memref<400x64xf32, #tpu.memory_space<vmem>>, vector<16xf32>,
        %parallel_loop3A_1818 = arith.constant 5 : i32
        %parallel_loop3A_1819 = arith.addi %parallel_loop3A_378, %parallel_loop3A_1818 : i32
        %parallel_loop3A_1820 = arith.constant 0 : i32
        %parallel_loop3A_1821 = arith.constant 0 : i32
        %parallel_loop3A_1822 = tpu.memref_slice %arg8[%rem3A_151, %parallel_loop3A_1820, %parallel_loop3A_1821] : memref<2x400x64xf32, #tpu.memory_space<vmem>> -> memref<1x400x64xf32, #tpu.memory_space<vmem>>
        %parallel_loop3A_1823 = tpu.memref_squeeze %parallel_loop3A_1822 : memref<1x400x64xf32, #tpu.memory_space<vmem>> -> memref<400x64xf32, #tpu.memory_space<vmem>>
        %parallel_loop3A_1824 = arith.index_cast %parallel_loop3A_1819 : i32 to index
        %parallel_loop3A_1825 = arith.constant 48 : index
        %parallel_loop3A_1826 = tpu.vector_load %parallel_loop3A_1823[%parallel_loop3A_1824, %parallel_loop3A_1825] {strides = array<i32>} : memref<400x64xf32, #tpu.memory_space<vmem>>, vector<16xf32>,
        %parallel_loop3A_1827 = arith.subf %parallel_loop3A_1826, %parallel_loop3A_1739 : vector<16xf32>
        %parallel_loop3A_1828 = arith.mulf %parallel_loop3A_1827, %parallel_loop3A_1751 : vector<16xf32>
        %parallel_loop3A_1829 = arith.mulf %parallel_loop3A_1828, %get3A_9 : vector<16xf32>
        %parallel_loop3A_1830 = arith.addf %parallel_loop3A_1829, %get3A_17 : vector<16xf32>
        %parallel_loop3A_1831 = arith.constant 5 : i32
        %parallel_loop3A_1832 = arith.addi %parallel_loop3A_378, %parallel_loop3A_1831 : i32
        %parallel_loop3A_1833 = arith.constant 0 : i32
        %parallel_loop3A_1834 = arith.constant 0 : i32
        %parallel_loop3A_1835 = tpu.memref_slice %arg8[%rem3A_151, %parallel_loop3A_1833, %parallel_loop3A_1834] : memref<2x400x64xf32, #tpu.memory_space<vmem>> -> memref<1x400x64xf32, #tpu.memory_space<vmem>>
        %parallel_loop3A_1836 = tpu.memref_squeeze %parallel_loop3A_1835 : memref<1x400x64xf32, #tpu.memory_space<vmem>> -> memref<400x64xf32, #tpu.memory_space<vmem>>
        %parallel_loop3A_1837 = arith.index_cast %parallel_loop3A_1832 : i32 to index
        %parallel_loop3A_1838 = arith.constant 48 : index
        %parallel_loop3A_1839 = tpu.vector_load %parallel_loop3A_1836[%parallel_loop3A_1837, %parallel_loop3A_1838] {strides = array<i32>} : memref<400x64xf32, #tpu.memory_space<vmem>>, vector<16xf32>,
        tpu.vector_store %parallel_loop3A_1836[%parallel_loop3A_1837, %parallel_loop3A_1838], %parallel_loop3A_1830 {strides = array<i32>} : memref<400x64xf32, #tpu.memory_space<vmem>>, vector<16xf32>,
        %parallel_loop3A_1840 = arith.constant 6 : i32
        %parallel_loop3A_1841 = vector.broadcast %parallel_loop3A_1840 : i32 to vector<16xi32>
        %parallel_loop3A_1842 = arith.constant 0 : i32
        %parallel_loop3A_1843 = vector.broadcast %parallel_loop3A_1842 : i32 to vector<16xi32>
        %parallel_loop3A_1844 = arith.cmpi slt, %parallel_loop3A_1841, %parallel_loop3A_1843 : vector<16xi32>
        %parallel_loop3A_1845 = arith.constant 16 : i32
        %parallel_loop3A_1846 = vector.broadcast %parallel_loop3A_1845 : i32 to vector<16xi32>
        %parallel_loop3A_1847 = arith.addi %parallel_loop3A_1841, %parallel_loop3A_1846 : vector<16xi32>
        %parallel_loop3A_1848 = arith.select %parallel_loop3A_1844, %parallel_loop3A_1847, %parallel_loop3A_1841 : vector<16xi1>, vector<16xi32>
        %parallel_loop3A_1849 = vector.shape_cast %parallel_loop3A_1848 : vector<16xi32> to vector<16x1xi32>
        %parallel_loop3A_1850 = vector.shape_cast %parallel_loop3A_1849 : vector<16x1xi32> to vector<16xi32>
        %parallel_loop3A_1851 = tpu.dynamic_gather %parallel_loop3A_1133[%parallel_loop3A_1850] in [0] : vector<16xf32>, vector<16xi32> -> vector<16xf32>
        %parallel_loop3A_1852 = arith.constant 6 : i32
        %parallel_loop3A_1853 = vector.broadcast %parallel_loop3A_1852 : i32 to vector<16xi32>
        %parallel_loop3A_1854 = arith.constant 0 : i32
        %parallel_loop3A_1855 = vector.broadcast %parallel_loop3A_1854 : i32 to vector<16xi32>
        %parallel_loop3A_1856 = arith.cmpi slt, %parallel_loop3A_1853, %parallel_loop3A_1855 : vector<16xi32>
        %parallel_loop3A_1857 = arith.constant 16 : i32
        %parallel_loop3A_1858 = vector.broadcast %parallel_loop3A_1857 : i32 to vector<16xi32>
        %parallel_loop3A_1859 = arith.addi %parallel_loop3A_1853, %parallel_loop3A_1858 : vector<16xi32>
        %parallel_loop3A_1860 = arith.select %parallel_loop3A_1856, %parallel_loop3A_1859, %parallel_loop3A_1853 : vector<16xi1>, vector<16xi32>
        %parallel_loop3A_1861 = vector.shape_cast %parallel_loop3A_1860 : vector<16xi32> to vector<16x1xi32>
        %parallel_loop3A_1862 = vector.shape_cast %parallel_loop3A_1861 : vector<16x1xi32> to vector<16xi32>
        %parallel_loop3A_1863 = tpu.dynamic_gather %parallel_loop3A_1167[%parallel_loop3A_1862] in [0] : vector<16xf32>, vector<16xi32> -> vector<16xf32>
        %parallel_loop3A_1864 = arith.constant 6 : i32
        %parallel_loop3A_1865 = arith.addi %parallel_loop3A_378, %parallel_loop3A_1864 : i32
        %parallel_loop3A_1866 = arith.constant 0 : i32
        %parallel_loop3A_1867 = arith.constant 0 : i32
        %parallel_loop3A_1868 = tpu.memref_slice %arg8[%rem3A_151, %parallel_loop3A_1866, %parallel_loop3A_1867] : memref<2x400x64xf32, #tpu.memory_space<vmem>> -> memref<1x400x64xf32, #tpu.memory_space<vmem>>
        %parallel_loop3A_1869 = tpu.memref_squeeze %parallel_loop3A_1868 : memref<1x400x64xf32, #tpu.memory_space<vmem>> -> memref<400x64xf32, #tpu.memory_space<vmem>>
        %parallel_loop3A_1870 = arith.index_cast %parallel_loop3A_1865 : i32 to index
        %parallel_loop3A_1871 = arith.constant 0 : index
        %parallel_loop3A_1872 = tpu.vector_load %parallel_loop3A_1869[%parallel_loop3A_1870, %parallel_loop3A_1871] {strides = array<i32>} : memref<400x64xf32, #tpu.memory_space<vmem>>, vector<16xf32>,
        %parallel_loop3A_1873 = arith.subf %parallel_loop3A_1872, %parallel_loop3A_1851 : vector<16xf32>
        %parallel_loop3A_1874 = arith.mulf %parallel_loop3A_1873, %parallel_loop3A_1863 : vector<16xf32>
        %parallel_loop3A_1875 = arith.mulf %parallel_loop3A_1874, %get3A_3 : vector<16xf32>
        %parallel_loop3A_1876 = arith.addf %parallel_loop3A_1875, %get3A_11 : vector<16xf32>
        %parallel_loop3A_1877 = arith.constant 6 : i32
        %parallel_loop3A_1878 = arith.addi %parallel_loop3A_378, %parallel_loop3A_1877 : i32
        %parallel_loop3A_1879 = arith.constant 0 : i32
        %parallel_loop3A_1880 = arith.constant 0 : i32
        %parallel_loop3A_1881 = tpu.memref_slice %arg8[%rem3A_151, %parallel_loop3A_1879, %parallel_loop3A_1880] : memref<2x400x64xf32, #tpu.memory_space<vmem>> -> memref<1x400x64xf32, #tpu.memory_space<vmem>>
        %parallel_loop3A_1882 = tpu.memref_squeeze %parallel_loop3A_1881 : memref<1x400x64xf32, #tpu.memory_space<vmem>> -> memref<400x64xf32, #tpu.memory_space<vmem>>
        %parallel_loop3A_1883 = arith.index_cast %parallel_loop3A_1878 : i32 to index
        %parallel_loop3A_1884 = arith.constant 0 : index
        %parallel_loop3A_1885 = tpu.vector_load %parallel_loop3A_1882[%parallel_loop3A_1883, %parallel_loop3A_1884] {strides = array<i32>} : memref<400x64xf32, #tpu.memory_space<vmem>>, vector<16xf32>,
        tpu.vector_store %parallel_loop3A_1882[%parallel_loop3A_1883, %parallel_loop3A_1884], %parallel_loop3A_1876 {strides = array<i32>} : memref<400x64xf32, #tpu.memory_space<vmem>>, vector<16xf32>,
        %parallel_loop3A_1886 = arith.constant 6 : i32
        %parallel_loop3A_1887 = arith.addi %parallel_loop3A_378, %parallel_loop3A_1886 : i32
        %parallel_loop3A_1888 = arith.constant 0 : i32
        %parallel_loop3A_1889 = arith.constant 0 : i32
        %parallel_loop3A_1890 = tpu.memref_slice %arg8[%rem3A_151, %parallel_loop3A_1888, %parallel_loop3A_1889] : memref<2x400x64xf32, #tpu.memory_space<vmem>> -> memref<1x400x64xf32, #tpu.memory_space<vmem>>
        %parallel_loop3A_1891 = tpu.memref_squeeze %parallel_loop3A_1890 : memref<1x400x64xf32, #tpu.memory_space<vmem>> -> memref<400x64xf32, #tpu.memory_space<vmem>>
        %parallel_loop3A_1892 = arith.index_cast %parallel_loop3A_1887 : i32 to index
        %parallel_loop3A_1893 = arith.constant 16 : index
        %parallel_loop3A_1894 = tpu.vector_load %parallel_loop3A_1891[%parallel_loop3A_1892, %parallel_loop3A_1893] {strides = array<i32>} : memref<400x64xf32, #tpu.memory_space<vmem>>, vector<16xf32>,
        %parallel_loop3A_1895 = arith.subf %parallel_loop3A_1894, %parallel_loop3A_1851 : vector<16xf32>
        %parallel_loop3A_1896 = arith.mulf %parallel_loop3A_1895, %parallel_loop3A_1863 : vector<16xf32>
        %parallel_loop3A_1897 = arith.mulf %parallel_loop3A_1896, %get3A_5 : vector<16xf32>
        %parallel_loop3A_1898 = arith.addf %parallel_loop3A_1897, %get3A_13 : vector<16xf32>
        %parallel_loop3A_1899 = arith.constant 6 : i32
        %parallel_loop3A_1900 = arith.addi %parallel_loop3A_378, %parallel_loop3A_1899 : i32
        %parallel_loop3A_1901 = arith.constant 0 : i32
        %parallel_loop3A_1902 = arith.constant 0 : i32
        %parallel_loop3A_1903 = tpu.memref_slice %arg8[%rem3A_151, %parallel_loop3A_1901, %parallel_loop3A_1902] : memref<2x400x64xf32, #tpu.memory_space<vmem>> -> memref<1x400x64xf32, #tpu.memory_space<vmem>>
        %parallel_loop3A_1904 = tpu.memref_squeeze %parallel_loop3A_1903 : memref<1x400x64xf32, #tpu.memory_space<vmem>> -> memref<400x64xf32, #tpu.memory_space<vmem>>
        %parallel_loop3A_1905 = arith.index_cast %parallel_loop3A_1900 : i32 to index
        %parallel_loop3A_1906 = arith.constant 16 : index
        %parallel_loop3A_1907 = tpu.vector_load %parallel_loop3A_1904[%parallel_loop3A_1905, %parallel_loop3A_1906] {strides = array<i32>} : memref<400x64xf32, #tpu.memory_space<vmem>>, vector<16xf32>,
        tpu.vector_store %parallel_loop3A_1904[%parallel_loop3A_1905, %parallel_loop3A_1906], %parallel_loop3A_1898 {strides = array<i32>} : memref<400x64xf32, #tpu.memory_space<vmem>>, vector<16xf32>,
        %parallel_loop3A_1908 = arith.constant 6 : i32
        %parallel_loop3A_1909 = arith.addi %parallel_loop3A_378, %parallel_loop3A_1908 : i32
        %parallel_loop3A_1910 = arith.constant 0 : i32
        %parallel_loop3A_1911 = arith.constant 0 : i32
        %parallel_loop3A_1912 = tpu.memref_slice %arg8[%rem3A_151, %parallel_loop3A_1910, %parallel_loop3A_1911] : memref<2x400x64xf32, #tpu.memory_space<vmem>> -> memref<1x400x64xf32, #tpu.memory_space<vmem>>
        %parallel_loop3A_1913 = tpu.memref_squeeze %parallel_loop3A_1912 : memref<1x400x64xf32, #tpu.memory_space<vmem>> -> memref<400x64xf32, #tpu.memory_space<vmem>>
        %parallel_loop3A_1914 = arith.index_cast %parallel_loop3A_1909 : i32 to index
        %parallel_loop3A_1915 = arith.constant 32 : index
        %parallel_loop3A_1916 = tpu.vector_load %parallel_loop3A_1913[%parallel_loop3A_1914, %parallel_loop3A_1915] {strides = array<i32>} : memref<400x64xf32, #tpu.memory_space<vmem>>, vector<16xf32>,
        %parallel_loop3A_1917 = arith.subf %parallel_loop3A_1916, %parallel_loop3A_1851 : vector<16xf32>
        %parallel_loop3A_1918 = arith.mulf %parallel_loop3A_1917, %parallel_loop3A_1863 : vector<16xf32>
        %parallel_loop3A_1919 = arith.mulf %parallel_loop3A_1918, %get3A_7 : vector<16xf32>
        %parallel_loop3A_1920 = arith.addf %parallel_loop3A_1919, %get3A_15 : vector<16xf32>
        %parallel_loop3A_1921 = arith.constant 6 : i32
        %parallel_loop3A_1922 = arith.addi %parallel_loop3A_378, %parallel_loop3A_1921 : i32
        %parallel_loop3A_1923 = arith.constant 0 : i32
        %parallel_loop3A_1924 = arith.constant 0 : i32
        %parallel_loop3A_1925 = tpu.memref_slice %arg8[%rem3A_151, %parallel_loop3A_1923, %parallel_loop3A_1924] : memref<2x400x64xf32, #tpu.memory_space<vmem>> -> memref<1x400x64xf32, #tpu.memory_space<vmem>>
        %parallel_loop3A_1926 = tpu.memref_squeeze %parallel_loop3A_1925 : memref<1x400x64xf32, #tpu.memory_space<vmem>> -> memref<400x64xf32, #tpu.memory_space<vmem>>
        %parallel_loop3A_1927 = arith.index_cast %parallel_loop3A_1922 : i32 to index
        %parallel_loop3A_1928 = arith.constant 32 : index
        %parallel_loop3A_1929 = tpu.vector_load %parallel_loop3A_1926[%parallel_loop3A_1927, %parallel_loop3A_1928] {strides = array<i32>} : memref<400x64xf32, #tpu.memory_space<vmem>>, vector<16xf32>,
        tpu.vector_store %parallel_loop3A_1926[%parallel_loop3A_1927, %parallel_loop3A_1928], %parallel_loop3A_1920 {strides = array<i32>} : memref<400x64xf32, #tpu.memory_space<vmem>>, vector<16xf32>,
        %parallel_loop3A_1930 = arith.constant 6 : i32
        %parallel_loop3A_1931 = arith.addi %parallel_loop3A_378, %parallel_loop3A_1930 : i32
        %parallel_loop3A_1932 = arith.constant 0 : i32
        %parallel_loop3A_1933 = arith.constant 0 : i32
        %parallel_loop3A_1934 = tpu.memref_slice %arg8[%rem3A_151, %parallel_loop3A_1932, %parallel_loop3A_1933] : memref<2x400x64xf32, #tpu.memory_space<vmem>> -> memref<1x400x64xf32, #tpu.memory_space<vmem>>
        %parallel_loop3A_1935 = tpu.memref_squeeze %parallel_loop3A_1934 : memref<1x400x64xf32, #tpu.memory_space<vmem>> -> memref<400x64xf32, #tpu.memory_space<vmem>>
        %parallel_loop3A_1936 = arith.index_cast %parallel_loop3A_1931 : i32 to index
        %parallel_loop3A_1937 = arith.constant 48 : index
        %parallel_loop3A_1938 = tpu.vector_load %parallel_loop3A_1935[%parallel_loop3A_1936, %parallel_loop3A_1937] {strides = array<i32>} : memref<400x64xf32, #tpu.memory_space<vmem>>, vector<16xf32>,
        %parallel_loop3A_1939 = arith.subf %parallel_loop3A_1938, %parallel_loop3A_1851 : vector<16xf32>
        %parallel_loop3A_1940 = arith.mulf %parallel_loop3A_1939, %parallel_loop3A_1863 : vector<16xf32>
        %parallel_loop3A_1941 = arith.mulf %parallel_loop3A_1940, %get3A_9 : vector<16xf32>
        %parallel_loop3A_1942 = arith.addf %parallel_loop3A_1941, %get3A_17 : vector<16xf32>
        %parallel_loop3A_1943 = arith.constant 6 : i32
        %parallel_loop3A_1944 = arith.addi %parallel_loop3A_378, %parallel_loop3A_1943 : i32
        %parallel_loop3A_1945 = arith.constant 0 : i32
        %parallel_loop3A_1946 = arith.constant 0 : i32
        %parallel_loop3A_1947 = tpu.memref_slice %arg8[%rem3A_151, %parallel_loop3A_1945, %parallel_loop3A_1946] : memref<2x400x64xf32, #tpu.memory_space<vmem>> -> memref<1x400x64xf32, #tpu.memory_space<vmem>>
        %parallel_loop3A_1948 = tpu.memref_squeeze %parallel_loop3A_1947 : memref<1x400x64xf32, #tpu.memory_space<vmem>> -> memref<400x64xf32, #tpu.memory_space<vmem>>
        %parallel_loop3A_1949 = arith.index_cast %parallel_loop3A_1944 : i32 to index
        %parallel_loop3A_1950 = arith.constant 48 : index
        %parallel_loop3A_1951 = tpu.vector_load %parallel_loop3A_1948[%parallel_loop3A_1949, %parallel_loop3A_1950] {strides = array<i32>} : memref<400x64xf32, #tpu.memory_space<vmem>>, vector<16xf32>,
        tpu.vector_store %parallel_loop3A_1948[%parallel_loop3A_1949, %parallel_loop3A_1950], %parallel_loop3A_1942 {strides = array<i32>} : memref<400x64xf32, #tpu.memory_space<vmem>>, vector<16xf32>,
        %parallel_loop3A_1952 = arith.constant 7 : i32
        %parallel_loop3A_1953 = vector.broadcast %parallel_loop3A_1952 : i32 to vector<16xi32>
        %parallel_loop3A_1954 = arith.constant 0 : i32
        %parallel_loop3A_1955 = vector.broadcast %parallel_loop3A_1954 : i32 to vector<16xi32>
        %parallel_loop3A_1956 = arith.cmpi slt, %parallel_loop3A_1953, %parallel_loop3A_1955 : vector<16xi32>
        %parallel_loop3A_1957 = arith.constant 16 : i32
        %parallel_loop3A_1958 = vector.broadcast %parallel_loop3A_1957 : i32 to vector<16xi32>
        %parallel_loop3A_1959 = arith.addi %parallel_loop3A_1953, %parallel_loop3A_1958 : vector<16xi32>
        %parallel_loop3A_1960 = arith.select %parallel_loop3A_1956, %parallel_loop3A_1959, %parallel_loop3A_1953 : vector<16xi1>, vector<16xi32>
        %parallel_loop3A_1961 = vector.shape_cast %parallel_loop3A_1960 : vector<16xi32> to vector<16x1xi32>
        %parallel_loop3A_1962 = vector.shape_cast %parallel_loop3A_1961 : vector<16x1xi32> to vector<16xi32>
        %parallel_loop3A_1963 = tpu.dynamic_gather %parallel_loop3A_1133[%parallel_loop3A_1962] in [0] : vector<16xf32>, vector<16xi32> -> vector<16xf32>
        %parallel_loop3A_1964 = arith.constant 7 : i32
        %parallel_loop3A_1965 = vector.broadcast %parallel_loop3A_1964 : i32 to vector<16xi32>
        %parallel_loop3A_1966 = arith.constant 0 : i32
        %parallel_loop3A_1967 = vector.broadcast %parallel_loop3A_1966 : i32 to vector<16xi32>
        %parallel_loop3A_1968 = arith.cmpi slt, %parallel_loop3A_1965, %parallel_loop3A_1967 : vector<16xi32>
        %parallel_loop3A_1969 = arith.constant 16 : i32
        %parallel_loop3A_1970 = vector.broadcast %parallel_loop3A_1969 : i32 to vector<16xi32>
        %parallel_loop3A_1971 = arith.addi %parallel_loop3A_1965, %parallel_loop3A_1970 : vector<16xi32>
        %parallel_loop3A_1972 = arith.select %parallel_loop3A_1968, %parallel_loop3A_1971, %parallel_loop3A_1965 : vector<16xi1>, vector<16xi32>
        %parallel_loop3A_1973 = vector.shape_cast %parallel_loop3A_1972 : vector<16xi32> to vector<16x1xi32>
        %parallel_loop3A_1974 = vector.shape_cast %parallel_loop3A_1973 : vector<16x1xi32> to vector<16xi32>
        %parallel_loop3A_1975 = tpu.dynamic_gather %parallel_loop3A_1167[%parallel_loop3A_1974] in [0] : vector<16xf32>, vector<16xi32> -> vector<16xf32>
        %parallel_loop3A_1976 = arith.constant 7 : i32
        %parallel_loop3A_1977 = arith.addi %parallel_loop3A_378, %parallel_loop3A_1976 : i32
        %parallel_loop3A_1978 = arith.constant 0 : i32
        %parallel_loop3A_1979 = arith.constant 0 : i32
        %parallel_loop3A_1980 = tpu.memref_slice %arg8[%rem3A_151, %parallel_loop3A_1978, %parallel_loop3A_1979] : memref<2x400x64xf32, #tpu.memory_space<vmem>> -> memref<1x400x64xf32, #tpu.memory_space<vmem>>
        %parallel_loop3A_1981 = tpu.memref_squeeze %parallel_loop3A_1980 : memref<1x400x64xf32, #tpu.memory_space<vmem>> -> memref<400x64xf32, #tpu.memory_space<vmem>>
        %parallel_loop3A_1982 = arith.index_cast %parallel_loop3A_1977 : i32 to index
        %parallel_loop3A_1983 = arith.constant 0 : index
        %parallel_loop3A_1984 = tpu.vector_load %parallel_loop3A_1981[%parallel_loop3A_1982, %parallel_loop3A_1983] {strides = array<i32>} : memref<400x64xf32, #tpu.memory_space<vmem>>, vector<16xf32>,
        %parallel_loop3A_1985 = arith.subf %parallel_loop3A_1984, %parallel_loop3A_1963 : vector<16xf32>
        %parallel_loop3A_1986 = arith.mulf %parallel_loop3A_1985, %parallel_loop3A_1975 : vector<16xf32>
        %parallel_loop3A_1987 = arith.mulf %parallel_loop3A_1986, %get3A_3 : vector<16xf32>
        %parallel_loop3A_1988 = arith.addf %parallel_loop3A_1987, %get3A_11 : vector<16xf32>
        %parallel_loop3A_1989 = arith.constant 7 : i32
        %parallel_loop3A_1990 = arith.addi %parallel_loop3A_378, %parallel_loop3A_1989 : i32
        %parallel_loop3A_1991 = arith.constant 0 : i32
        %parallel_loop3A_1992 = arith.constant 0 : i32
        %parallel_loop3A_1993 = tpu.memref_slice %arg8[%rem3A_151, %parallel_loop3A_1991, %parallel_loop3A_1992] : memref<2x400x64xf32, #tpu.memory_space<vmem>> -> memref<1x400x64xf32, #tpu.memory_space<vmem>>
        %parallel_loop3A_1994 = tpu.memref_squeeze %parallel_loop3A_1993 : memref<1x400x64xf32, #tpu.memory_space<vmem>> -> memref<400x64xf32, #tpu.memory_space<vmem>>
        %parallel_loop3A_1995 = arith.index_cast %parallel_loop3A_1990 : i32 to index
        %parallel_loop3A_1996 = arith.constant 0 : index
        %parallel_loop3A_1997 = tpu.vector_load %parallel_loop3A_1994[%parallel_loop3A_1995, %parallel_loop3A_1996] {strides = array<i32>} : memref<400x64xf32, #tpu.memory_space<vmem>>, vector<16xf32>,
        tpu.vector_store %parallel_loop3A_1994[%parallel_loop3A_1995, %parallel_loop3A_1996], %parallel_loop3A_1988 {strides = array<i32>} : memref<400x64xf32, #tpu.memory_space<vmem>>, vector<16xf32>,
        %parallel_loop3A_1998 = arith.constant 7 : i32
        %parallel_loop3A_1999 = arith.addi %parallel_loop3A_378, %parallel_loop3A_1998 : i32
        %parallel_loop3A_2000 = arith.constant 0 : i32
        %parallel_loop3A_2001 = arith.constant 0 : i32
        %parallel_loop3A_2002 = tpu.memref_slice %arg8[%rem3A_151, %parallel_loop3A_2000, %parallel_loop3A_2001] : memref<2x400x64xf32, #tpu.memory_space<vmem>> -> memref<1x400x64xf32, #tpu.memory_space<vmem>>
        %parallel_loop3A_2003 = tpu.memref_squeeze %parallel_loop3A_2002 : memref<1x400x64xf32, #tpu.memory_space<vmem>> -> memref<400x64xf32, #tpu.memory_space<vmem>>
        %parallel_loop3A_2004 = arith.index_cast %parallel_loop3A_1999 : i32 to index
        %parallel_loop3A_2005 = arith.constant 16 : index
        %parallel_loop3A_2006 = tpu.vector_load %parallel_loop3A_2003[%parallel_loop3A_2004, %parallel_loop3A_2005] {strides = array<i32>} : memref<400x64xf32, #tpu.memory_space<vmem>>, vector<16xf32>,
        %parallel_loop3A_2007 = arith.subf %parallel_loop3A_2006, %parallel_loop3A_1963 : vector<16xf32>
        %parallel_loop3A_2008 = arith.mulf %parallel_loop3A_2007, %parallel_loop3A_1975 : vector<16xf32>
        %parallel_loop3A_2009 = arith.mulf %parallel_loop3A_2008, %get3A_5 : vector<16xf32>
        %parallel_loop3A_2010 = arith.addf %parallel_loop3A_2009, %get3A_13 : vector<16xf32>
        %parallel_loop3A_2011 = arith.constant 7 : i32
        %parallel_loop3A_2012 = arith.addi %parallel_loop3A_378, %parallel_loop3A_2011 : i32
        %parallel_loop3A_2013 = arith.constant 0 : i32
        %parallel_loop3A_2014 = arith.constant 0 : i32
        %parallel_loop3A_2015 = tpu.memref_slice %arg8[%rem3A_151, %parallel_loop3A_2013, %parallel_loop3A_2014] : memref<2x400x64xf32, #tpu.memory_space<vmem>> -> memref<1x400x64xf32, #tpu.memory_space<vmem>>
        %parallel_loop3A_2016 = tpu.memref_squeeze %parallel_loop3A_2015 : memref<1x400x64xf32, #tpu.memory_space<vmem>> -> memref<400x64xf32, #tpu.memory_space<vmem>>
        %parallel_loop3A_2017 = arith.index_cast %parallel_loop3A_2012 : i32 to index
        %parallel_loop3A_2018 = arith.constant 16 : index
        %parallel_loop3A_2019 = tpu.vector_load %parallel_loop3A_2016[%parallel_loop3A_2017, %parallel_loop3A_2018] {strides = array<i32>} : memref<400x64xf32, #tpu.memory_space<vmem>>, vector<16xf32>,
        tpu.vector_store %parallel_loop3A_2016[%parallel_loop3A_2017, %parallel_loop3A_2018], %parallel_loop3A_2010 {strides = array<i32>} : memref<400x64xf32, #tpu.memory_space<vmem>>, vector<16xf32>,
        %parallel_loop3A_2020 = arith.constant 7 : i32
        %parallel_loop3A_2021 = arith.addi %parallel_loop3A_378, %parallel_loop3A_2020 : i32
        %parallel_loop3A_2022 = arith.constant 0 : i32
        %parallel_loop3A_2023 = arith.constant 0 : i32
        %parallel_loop3A_2024 = tpu.memref_slice %arg8[%rem3A_151, %parallel_loop3A_2022, %parallel_loop3A_2023] : memref<2x400x64xf32, #tpu.memory_space<vmem>> -> memref<1x400x64xf32, #tpu.memory_space<vmem>>
        %parallel_loop3A_2025 = tpu.memref_squeeze %parallel_loop3A_2024 : memref<1x400x64xf32, #tpu.memory_space<vmem>> -> memref<400x64xf32, #tpu.memory_space<vmem>>
        %parallel_loop3A_2026 = arith.index_cast %parallel_loop3A_2021 : i32 to index
        %parallel_loop3A_2027 = arith.constant 32 : index
        %parallel_loop3A_2028 = tpu.vector_load %parallel_loop3A_2025[%parallel_loop3A_2026, %parallel_loop3A_2027] {strides = array<i32>} : memref<400x64xf32, #tpu.memory_space<vmem>>, vector<16xf32>,
        %parallel_loop3A_2029 = arith.subf %parallel_loop3A_2028, %parallel_loop3A_1963 : vector<16xf32>
        %parallel_loop3A_2030 = arith.mulf %parallel_loop3A_2029, %parallel_loop3A_1975 : vector<16xf32>
        %parallel_loop3A_2031 = arith.mulf %parallel_loop3A_2030, %get3A_7 : vector<16xf32>
        %parallel_loop3A_2032 = arith.addf %parallel_loop3A_2031, %get3A_15 : vector<16xf32>
        %parallel_loop3A_2033 = arith.constant 7 : i32
        %parallel_loop3A_2034 = arith.addi %parallel_loop3A_378, %parallel_loop3A_2033 : i32
        %parallel_loop3A_2035 = arith.constant 0 : i32
        %parallel_loop3A_2036 = arith.constant 0 : i32
        %parallel_loop3A_2037 = tpu.memref_slice %arg8[%rem3A_151, %parallel_loop3A_2035, %parallel_loop3A_2036] : memref<2x400x64xf32, #tpu.memory_space<vmem>> -> memref<1x400x64xf32, #tpu.memory_space<vmem>>
        %parallel_loop3A_2038 = tpu.memref_squeeze %parallel_loop3A_2037 : memref<1x400x64xf32, #tpu.memory_space<vmem>> -> memref<400x64xf32, #tpu.memory_space<vmem>>
        %parallel_loop3A_2039 = arith.index_cast %parallel_loop3A_2034 : i32 to index
        %parallel_loop3A_2040 = arith.constant 32 : index
        %parallel_loop3A_2041 = tpu.vector_load %parallel_loop3A_2038[%parallel_loop3A_2039, %parallel_loop3A_2040] {strides = array<i32>} : memref<400x64xf32, #tpu.memory_space<vmem>>, vector<16xf32>,
        tpu.vector_store %parallel_loop3A_2038[%parallel_loop3A_2039, %parallel_loop3A_2040], %parallel_loop3A_2032 {strides = array<i32>} : memref<400x64xf32, #tpu.memory_space<vmem>>, vector<16xf32>,
        %parallel_loop3A_2042 = arith.constant 7 : i32
        %parallel_loop3A_2043 = arith.addi %parallel_loop3A_378, %parallel_loop3A_2042 : i32
        %parallel_loop3A_2044 = arith.constant 0 : i32
        %parallel_loop3A_2045 = arith.constant 0 : i32
        %parallel_loop3A_2046 = tpu.memref_slice %arg8[%rem3A_151, %parallel_loop3A_2044, %parallel_loop3A_2045] : memref<2x400x64xf32, #tpu.memory_space<vmem>> -> memref<1x400x64xf32, #tpu.memory_space<vmem>>
        %parallel_loop3A_2047 = tpu.memref_squeeze %parallel_loop3A_2046 : memref<1x400x64xf32, #tpu.memory_space<vmem>> -> memref<400x64xf32, #tpu.memory_space<vmem>>
        %parallel_loop3A_2048 = arith.index_cast %parallel_loop3A_2043 : i32 to index
        %parallel_loop3A_2049 = arith.constant 48 : index
        %parallel_loop3A_2050 = tpu.vector_load %parallel_loop3A_2047[%parallel_loop3A_2048, %parallel_loop3A_2049] {strides = array<i32>} : memref<400x64xf32, #tpu.memory_space<vmem>>, vector<16xf32>,
        %parallel_loop3A_2051 = arith.subf %parallel_loop3A_2050, %parallel_loop3A_1963 : vector<16xf32>
        %parallel_loop3A_2052 = arith.mulf %parallel_loop3A_2051, %parallel_loop3A_1975 : vector<16xf32>
        %parallel_loop3A_2053 = arith.mulf %parallel_loop3A_2052, %get3A_9 : vector<16xf32>
        %parallel_loop3A_2054 = arith.addf %parallel_loop3A_2053, %get3A_17 : vector<16xf32>
        %parallel_loop3A_2055 = arith.constant 7 : i32
        %parallel_loop3A_2056 = arith.addi %parallel_loop3A_378, %parallel_loop3A_2055 : i32
        %parallel_loop3A_2057 = arith.constant 0 : i32
        %parallel_loop3A_2058 = arith.constant 0 : i32
        %parallel_loop3A_2059 = tpu.memref_slice %arg8[%rem3A_151, %parallel_loop3A_2057, %parallel_loop3A_2058] : memref<2x400x64xf32, #tpu.memory_space<vmem>> -> memref<1x400x64xf32, #tpu.memory_space<vmem>>
        %parallel_loop3A_2060 = tpu.memref_squeeze %parallel_loop3A_2059 : memref<1x400x64xf32, #tpu.memory_space<vmem>> -> memref<400x64xf32, #tpu.memory_space<vmem>>
        %parallel_loop3A_2061 = arith.index_cast %parallel_loop3A_2056 : i32 to index
        %parallel_loop3A_2062 = arith.constant 48 : index
        %parallel_loop3A_2063 = tpu.vector_load %parallel_loop3A_2060[%parallel_loop3A_2061, %parallel_loop3A_2062] {strides = array<i32>} : memref<400x64xf32, #tpu.memory_space<vmem>>, vector<16xf32>,
        tpu.vector_store %parallel_loop3A_2060[%parallel_loop3A_2061, %parallel_loop3A_2062], %parallel_loop3A_2054 {strides = array<i32>} : memref<400x64xf32, #tpu.memory_space<vmem>>, vector<16xf32>,
        %parallel_loop3A_2064 = arith.constant 8 : i32
        %parallel_loop3A_2065 = vector.broadcast %parallel_loop3A_2064 : i32 to vector<16xi32>
        %parallel_loop3A_2066 = arith.constant 0 : i32
        %parallel_loop3A_2067 = vector.broadcast %parallel_loop3A_2066 : i32 to vector<16xi32>
        %parallel_loop3A_2068 = arith.cmpi slt, %parallel_loop3A_2065, %parallel_loop3A_2067 : vector<16xi32>
        %parallel_loop3A_2069 = arith.constant 16 : i32
        %parallel_loop3A_2070 = vector.broadcast %parallel_loop3A_2069 : i32 to vector<16xi32>
        %parallel_loop3A_2071 = arith.addi %parallel_loop3A_2065, %parallel_loop3A_2070 : vector<16xi32>
        %parallel_loop3A_2072 = arith.select %parallel_loop3A_2068, %parallel_loop3A_2071, %parallel_loop3A_2065 : vector<16xi1>, vector<16xi32>
        %parallel_loop3A_2073 = vector.shape_cast %parallel_loop3A_2072 : vector<16xi32> to vector<16x1xi32>
        %parallel_loop3A_2074 = vector.shape_cast %parallel_loop3A_2073 : vector<16x1xi32> to vector<16xi32>
        %parallel_loop3A_2075 = tpu.dynamic_gather %parallel_loop3A_1133[%parallel_loop3A_2074] in [0] : vector<16xf32>, vector<16xi32> -> vector<16xf32>
        %parallel_loop3A_2076 = arith.constant 8 : i32
        %parallel_loop3A_2077 = vector.broadcast %parallel_loop3A_2076 : i32 to vector<16xi32>
        %parallel_loop3A_2078 = arith.constant 0 : i32
        %parallel_loop3A_2079 = vector.broadcast %parallel_loop3A_2078 : i32 to vector<16xi32>
        %parallel_loop3A_2080 = arith.cmpi slt, %parallel_loop3A_2077, %parallel_loop3A_2079 : vector<16xi32>
        %parallel_loop3A_2081 = arith.constant 16 : i32
        %parallel_loop3A_2082 = vector.broadcast %parallel_loop3A_2081 : i32 to vector<16xi32>
        %parallel_loop3A_2083 = arith.addi %parallel_loop3A_2077, %parallel_loop3A_2082 : vector<16xi32>
        %parallel_loop3A_2084 = arith.select %parallel_loop3A_2080, %parallel_loop3A_2083, %parallel_loop3A_2077 : vector<16xi1>, vector<16xi32>
        %parallel_loop3A_2085 = vector.shape_cast %parallel_loop3A_2084 : vector<16xi32> to vector<16x1xi32>
        %parallel_loop3A_2086 = vector.shape_cast %parallel_loop3A_2085 : vector<16x1xi32> to vector<16xi32>
        %parallel_loop3A_2087 = tpu.dynamic_gather %parallel_loop3A_1167[%parallel_loop3A_2086] in [0] : vector<16xf32>, vector<16xi32> -> vector<16xf32>
        %parallel_loop3A_2088 = arith.constant 8 : i32
        %parallel_loop3A_2089 = arith.addi %parallel_loop3A_378, %parallel_loop3A_2088 : i32
        %parallel_loop3A_2090 = arith.constant 0 : i32
        %parallel_loop3A_2091 = arith.constant 0 : i32
        %parallel_loop3A_2092 = tpu.memref_slice %arg8[%rem3A_151, %parallel_loop3A_2090, %parallel_loop3A_2091] : memref<2x400x64xf32, #tpu.memory_space<vmem>> -> memref<1x400x64xf32, #tpu.memory_space<vmem>>
        %parallel_loop3A_2093 = tpu.memref_squeeze %parallel_loop3A_2092 : memref<1x400x64xf32, #tpu.memory_space<vmem>> -> memref<400x64xf32, #tpu.memory_space<vmem>>
        %parallel_loop3A_2094 = arith.index_cast %parallel_loop3A_2089 : i32 to index
        %parallel_loop3A_2095 = arith.constant 0 : index
        %parallel_loop3A_2096 = tpu.vector_load %parallel_loop3A_2093[%parallel_loop3A_2094, %parallel_loop3A_2095] {strides = array<i32>} : memref<400x64xf32, #tpu.memory_space<vmem>>, vector<16xf32>,
        %parallel_loop3A_2097 = arith.subf %parallel_loop3A_2096, %parallel_loop3A_2075 : vector<16xf32>
        %parallel_loop3A_2098 = arith.mulf %parallel_loop3A_2097, %parallel_loop3A_2087 : vector<16xf32>
        %parallel_loop3A_2099 = arith.mulf %parallel_loop3A_2098, %get3A_3 : vector<16xf32>
        %parallel_loop3A_2100 = arith.addf %parallel_loop3A_2099, %get3A_11 : vector<16xf32>
        %parallel_loop3A_2101 = arith.constant 8 : i32
        %parallel_loop3A_2102 = arith.addi %parallel_loop3A_378, %parallel_loop3A_2101 : i32
        %parallel_loop3A_2103 = arith.constant 0 : i32
        %parallel_loop3A_2104 = arith.constant 0 : i32
        %parallel_loop3A_2105 = tpu.memref_slice %arg8[%rem3A_151, %parallel_loop3A_2103, %parallel_loop3A_2104] : memref<2x400x64xf32, #tpu.memory_space<vmem>> -> memref<1x400x64xf32, #tpu.memory_space<vmem>>
        %parallel_loop3A_2106 = tpu.memref_squeeze %parallel_loop3A_2105 : memref<1x400x64xf32, #tpu.memory_space<vmem>> -> memref<400x64xf32, #tpu.memory_space<vmem>>
        %parallel_loop3A_2107 = arith.index_cast %parallel_loop3A_2102 : i32 to index
        %parallel_loop3A_2108 = arith.constant 0 : index
        %parallel_loop3A_2109 = tpu.vector_load %parallel_loop3A_2106[%parallel_loop3A_2107, %parallel_loop3A_2108] {strides = array<i32>} : memref<400x64xf32, #tpu.memory_space<vmem>>, vector<16xf32>,
        tpu.vector_store %parallel_loop3A_2106[%parallel_loop3A_2107, %parallel_loop3A_2108], %parallel_loop3A_2100 {strides = array<i32>} : memref<400x64xf32, #tpu.memory_space<vmem>>, vector<16xf32>,
        %parallel_loop3A_2110 = arith.constant 8 : i32
        %parallel_loop3A_2111 = arith.addi %parallel_loop3A_378, %parallel_loop3A_2110 : i32
        %parallel_loop3A_2112 = arith.constant 0 : i32
        %parallel_loop3A_2113 = arith.constant 0 : i32
        %parallel_loop3A_2114 = tpu.memref_slice %arg8[%rem3A_151, %parallel_loop3A_2112, %parallel_loop3A_2113] : memref<2x400x64xf32, #tpu.memory_space<vmem>> -> memref<1x400x64xf32, #tpu.memory_space<vmem>>
        %parallel_loop3A_2115 = tpu.memref_squeeze %parallel_loop3A_2114 : memref<1x400x64xf32, #tpu.memory_space<vmem>> -> memref<400x64xf32, #tpu.memory_space<vmem>>
        %parallel_loop3A_2116 = arith.index_cast %parallel_loop3A_2111 : i32 to index
        %parallel_loop3A_2117 = arith.constant 16 : index
        %parallel_loop3A_2118 = tpu.vector_load %parallel_loop3A_2115[%parallel_loop3A_2116, %parallel_loop3A_2117] {strides = array<i32>} : memref<400x64xf32, #tpu.memory_space<vmem>>, vector<16xf32>,
        %parallel_loop3A_2119 = arith.subf %parallel_loop3A_2118, %parallel_loop3A_2075 : vector<16xf32>
        %parallel_loop3A_2120 = arith.mulf %parallel_loop3A_2119, %parallel_loop3A_2087 : vector<16xf32>
        %parallel_loop3A_2121 = arith.mulf %parallel_loop3A_2120, %get3A_5 : vector<16xf32>
        %parallel_loop3A_2122 = arith.addf %parallel_loop3A_2121, %get3A_13 : vector<16xf32>
        %parallel_loop3A_2123 = arith.constant 8 : i32
        %parallel_loop3A_2124 = arith.addi %parallel_loop3A_378, %parallel_loop3A_2123 : i32
        %parallel_loop3A_2125 = arith.constant 0 : i32
        %parallel_loop3A_2126 = arith.constant 0 : i32
        %parallel_loop3A_2127 = tpu.memref_slice %arg8[%rem3A_151, %parallel_loop3A_2125, %parallel_loop3A_2126] : memref<2x400x64xf32, #tpu.memory_space<vmem>> -> memref<1x400x64xf32, #tpu.memory_space<vmem>>
        %parallel_loop3A_2128 = tpu.memref_squeeze %parallel_loop3A_2127 : memref<1x400x64xf32, #tpu.memory_space<vmem>> -> memref<400x64xf32, #tpu.memory_space<vmem>>
        %parallel_loop3A_2129 = arith.index_cast %parallel_loop3A_2124 : i32 to index
        %parallel_loop3A_2130 = arith.constant 16 : index
        %parallel_loop3A_2131 = tpu.vector_load %parallel_loop3A_2128[%parallel_loop3A_2129, %parallel_loop3A_2130] {strides = array<i32>} : memref<400x64xf32, #tpu.memory_space<vmem>>, vector<16xf32>,
        tpu.vector_store %parallel_loop3A_2128[%parallel_loop3A_2129, %parallel_loop3A_2130], %parallel_loop3A_2122 {strides = array<i32>} : memref<400x64xf32, #tpu.memory_space<vmem>>, vector<16xf32>,
        %parallel_loop3A_2132 = arith.constant 8 : i32
        %parallel_loop3A_2133 = arith.addi %parallel_loop3A_378, %parallel_loop3A_2132 : i32
        %parallel_loop3A_2134 = arith.constant 0 : i32
        %parallel_loop3A_2135 = arith.constant 0 : i32
        %parallel_loop3A_2136 = tpu.memref_slice %arg8[%rem3A_151, %parallel_loop3A_2134, %parallel_loop3A_2135] : memref<2x400x64xf32, #tpu.memory_space<vmem>> -> memref<1x400x64xf32, #tpu.memory_space<vmem>>
        %parallel_loop3A_2137 = tpu.memref_squeeze %parallel_loop3A_2136 : memref<1x400x64xf32, #tpu.memory_space<vmem>> -> memref<400x64xf32, #tpu.memory_space<vmem>>
        %parallel_loop3A_2138 = arith.index_cast %parallel_loop3A_2133 : i32 to index
        %parallel_loop3A_2139 = arith.constant 32 : index
        %parallel_loop3A_2140 = tpu.vector_load %parallel_loop3A_2137[%parallel_loop3A_2138, %parallel_loop3A_2139] {strides = array<i32>} : memref<400x64xf32, #tpu.memory_space<vmem>>, vector<16xf32>,
        %parallel_loop3A_2141 = arith.subf %parallel_loop3A_2140, %parallel_loop3A_2075 : vector<16xf32>
        %parallel_loop3A_2142 = arith.mulf %parallel_loop3A_2141, %parallel_loop3A_2087 : vector<16xf32>
        %parallel_loop3A_2143 = arith.mulf %parallel_loop3A_2142, %get3A_7 : vector<16xf32>
        %parallel_loop3A_2144 = arith.addf %parallel_loop3A_2143, %get3A_15 : vector<16xf32>
        %parallel_loop3A_2145 = arith.constant 8 : i32
        %parallel_loop3A_2146 = arith.addi %parallel_loop3A_378, %parallel_loop3A_2145 : i32
        %parallel_loop3A_2147 = arith.constant 0 : i32
        %parallel_loop3A_2148 = arith.constant 0 : i32
        %parallel_loop3A_2149 = tpu.memref_slice %arg8[%rem3A_151, %parallel_loop3A_2147, %parallel_loop3A_2148] : memref<2x400x64xf32, #tpu.memory_space<vmem>> -> memref<1x400x64xf32, #tpu.memory_space<vmem>>
        %parallel_loop3A_2150 = tpu.memref_squeeze %parallel_loop3A_2149 : memref<1x400x64xf32, #tpu.memory_space<vmem>> -> memref<400x64xf32, #tpu.memory_space<vmem>>
        %parallel_loop3A_2151 = arith.index_cast %parallel_loop3A_2146 : i32 to index
        %parallel_loop3A_2152 = arith.constant 32 : index
        %parallel_loop3A_2153 = tpu.vector_load %parallel_loop3A_2150[%parallel_loop3A_2151, %parallel_loop3A_2152] {strides = array<i32>} : memref<400x64xf32, #tpu.memory_space<vmem>>, vector<16xf32>,
        tpu.vector_store %parallel_loop3A_2150[%parallel_loop3A_2151, %parallel_loop3A_2152], %parallel_loop3A_2144 {strides = array<i32>} : memref<400x64xf32, #tpu.memory_space<vmem>>, vector<16xf32>,
        %parallel_loop3A_2154 = arith.constant 8 : i32
        %parallel_loop3A_2155 = arith.addi %parallel_loop3A_378, %parallel_loop3A_2154 : i32
        %parallel_loop3A_2156 = arith.constant 0 : i32
        %parallel_loop3A_2157 = arith.constant 0 : i32
        %parallel_loop3A_2158 = tpu.memref_slice %arg8[%rem3A_151, %parallel_loop3A_2156, %parallel_loop3A_2157] : memref<2x400x64xf32, #tpu.memory_space<vmem>> -> memref<1x400x64xf32, #tpu.memory_space<vmem>>
        %parallel_loop3A_2159 = tpu.memref_squeeze %parallel_loop3A_2158 : memref<1x400x64xf32, #tpu.memory_space<vmem>> -> memref<400x64xf32, #tpu.memory_space<vmem>>
        %parallel_loop3A_2160 = arith.index_cast %parallel_loop3A_2155 : i32 to index
        %parallel_loop3A_2161 = arith.constant 48 : index
        %parallel_loop3A_2162 = tpu.vector_load %parallel_loop3A_2159[%parallel_loop3A_2160, %parallel_loop3A_2161] {strides = array<i32>} : memref<400x64xf32, #tpu.memory_space<vmem>>, vector<16xf32>,
        %parallel_loop3A_2163 = arith.subf %parallel_loop3A_2162, %parallel_loop3A_2075 : vector<16xf32>
        %parallel_loop3A_2164 = arith.mulf %parallel_loop3A_2163, %parallel_loop3A_2087 : vector<16xf32>
        %parallel_loop3A_2165 = arith.mulf %parallel_loop3A_2164, %get3A_9 : vector<16xf32>
        %parallel_loop3A_2166 = arith.addf %parallel_loop3A_2165, %get3A_17 : vector<16xf32>
        %parallel_loop3A_2167 = arith.constant 8 : i32
        %parallel_loop3A_2168 = arith.addi %parallel_loop3A_378, %parallel_loop3A_2167 : i32
        %parallel_loop3A_2169 = arith.constant 0 : i32
        %parallel_loop3A_2170 = arith.constant 0 : i32
        %parallel_loop3A_2171 = tpu.memref_slice %arg8[%rem3A_151, %parallel_loop3A_2169, %parallel_loop3A_2170] : memref<2x400x64xf32, #tpu.memory_space<vmem>> -> memref<1x400x64xf32, #tpu.memory_space<vmem>>
        %parallel_loop3A_2172 = tpu.memref_squeeze %parallel_loop3A_2171 : memref<1x400x64xf32, #tpu.memory_space<vmem>> -> memref<400x64xf32, #tpu.memory_space<vmem>>
        %parallel_loop3A_2173 = arith.index_cast %parallel_loop3A_2168 : i32 to index
        %parallel_loop3A_2174 = arith.constant 48 : index
        %parallel_loop3A_2175 = tpu.vector_load %parallel_loop3A_2172[%parallel_loop3A_2173, %parallel_loop3A_2174] {strides = array<i32>} : memref<400x64xf32, #tpu.memory_space<vmem>>, vector<16xf32>,
        tpu.vector_store %parallel_loop3A_2172[%parallel_loop3A_2173, %parallel_loop3A_2174], %parallel_loop3A_2166 {strides = array<i32>} : memref<400x64xf32, #tpu.memory_space<vmem>>, vector<16xf32>,
        %parallel_loop3A_2176 = arith.constant 9 : i32
        %parallel_loop3A_2177 = vector.broadcast %parallel_loop3A_2176 : i32 to vector<16xi32>
        %parallel_loop3A_2178 = arith.constant 0 : i32
        %parallel_loop3A_2179 = vector.broadcast %parallel_loop3A_2178 : i32 to vector<16xi32>
        %parallel_loop3A_2180 = arith.cmpi slt, %parallel_loop3A_2177, %parallel_loop3A_2179 : vector<16xi32>
        %parallel_loop3A_2181 = arith.constant 16 : i32
        %parallel_loop3A_2182 = vector.broadcast %parallel_loop3A_2181 : i32 to vector<16xi32>
        %parallel_loop3A_2183 = arith.addi %parallel_loop3A_2177, %parallel_loop3A_2182 : vector<16xi32>
        %parallel_loop3A_2184 = arith.select %parallel_loop3A_2180, %parallel_loop3A_2183, %parallel_loop3A_2177 : vector<16xi1>, vector<16xi32>
        %parallel_loop3A_2185 = vector.shape_cast %parallel_loop3A_2184 : vector<16xi32> to vector<16x1xi32>
        %parallel_loop3A_2186 = vector.shape_cast %parallel_loop3A_2185 : vector<16x1xi32> to vector<16xi32>
        %parallel_loop3A_2187 = tpu.dynamic_gather %parallel_loop3A_1133[%parallel_loop3A_2186] in [0] : vector<16xf32>, vector<16xi32> -> vector<16xf32>
        %parallel_loop3A_2188 = arith.constant 9 : i32
        %parallel_loop3A_2189 = vector.broadcast %parallel_loop3A_2188 : i32 to vector<16xi32>
        %parallel_loop3A_2190 = arith.constant 0 : i32
        %parallel_loop3A_2191 = vector.broadcast %parallel_loop3A_2190 : i32 to vector<16xi32>
        %parallel_loop3A_2192 = arith.cmpi slt, %parallel_loop3A_2189, %parallel_loop3A_2191 : vector<16xi32>
        %parallel_loop3A_2193 = arith.constant 16 : i32
        %parallel_loop3A_2194 = vector.broadcast %parallel_loop3A_2193 : i32 to vector<16xi32>
        %parallel_loop3A_2195 = arith.addi %parallel_loop3A_2189, %parallel_loop3A_2194 : vector<16xi32>
        %parallel_loop3A_2196 = arith.select %parallel_loop3A_2192, %parallel_loop3A_2195, %parallel_loop3A_2189 : vector<16xi1>, vector<16xi32>
        %parallel_loop3A_2197 = vector.shape_cast %parallel_loop3A_2196 : vector<16xi32> to vector<16x1xi32>
        %parallel_loop3A_2198 = vector.shape_cast %parallel_loop3A_2197 : vector<16x1xi32> to vector<16xi32>
        %parallel_loop3A_2199 = tpu.dynamic_gather %parallel_loop3A_1167[%parallel_loop3A_2198] in [0] : vector<16xf32>, vector<16xi32> -> vector<16xf32>
        %parallel_loop3A_2200 = arith.constant 9 : i32
        %parallel_loop3A_2201 = arith.addi %parallel_loop3A_378, %parallel_loop3A_2200 : i32
        %parallel_loop3A_2202 = arith.constant 0 : i32
        %parallel_loop3A_2203 = arith.constant 0 : i32
        %parallel_loop3A_2204 = tpu.memref_slice %arg8[%rem3A_151, %parallel_loop3A_2202, %parallel_loop3A_2203] : memref<2x400x64xf32, #tpu.memory_space<vmem>> -> memref<1x400x64xf32, #tpu.memory_space<vmem>>
        %parallel_loop3A_2205 = tpu.memref_squeeze %parallel_loop3A_2204 : memref<1x400x64xf32, #tpu.memory_space<vmem>> -> memref<400x64xf32, #tpu.memory_space<vmem>>
        %parallel_loop3A_2206 = arith.index_cast %parallel_loop3A_2201 : i32 to index
        %parallel_loop3A_2207 = arith.constant 0 : index
        %parallel_loop3A_2208 = tpu.vector_load %parallel_loop3A_2205[%parallel_loop3A_2206, %parallel_loop3A_2207] {strides = array<i32>} : memref<400x64xf32, #tpu.memory_space<vmem>>, vector<16xf32>,
        %parallel_loop3A_2209 = arith.subf %parallel_loop3A_2208, %parallel_loop3A_2187 : vector<16xf32>
        %parallel_loop3A_2210 = arith.mulf %parallel_loop3A_2209, %parallel_loop3A_2199 : vector<16xf32>
        %parallel_loop3A_2211 = arith.mulf %parallel_loop3A_2210, %get3A_3 : vector<16xf32>
        %parallel_loop3A_2212 = arith.addf %parallel_loop3A_2211, %get3A_11 : vector<16xf32>
        %parallel_loop3A_2213 = arith.constant 9 : i32
        %parallel_loop3A_2214 = arith.addi %parallel_loop3A_378, %parallel_loop3A_2213 : i32
        %parallel_loop3A_2215 = arith.constant 0 : i32
        %parallel_loop3A_2216 = arith.constant 0 : i32
        %parallel_loop3A_2217 = tpu.memref_slice %arg8[%rem3A_151, %parallel_loop3A_2215, %parallel_loop3A_2216] : memref<2x400x64xf32, #tpu.memory_space<vmem>> -> memref<1x400x64xf32, #tpu.memory_space<vmem>>
        %parallel_loop3A_2218 = tpu.memref_squeeze %parallel_loop3A_2217 : memref<1x400x64xf32, #tpu.memory_space<vmem>> -> memref<400x64xf32, #tpu.memory_space<vmem>>
        %parallel_loop3A_2219 = arith.index_cast %parallel_loop3A_2214 : i32 to index
        %parallel_loop3A_2220 = arith.constant 0 : index
        %parallel_loop3A_2221 = tpu.vector_load %parallel_loop3A_2218[%parallel_loop3A_2219, %parallel_loop3A_2220] {strides = array<i32>} : memref<400x64xf32, #tpu.memory_space<vmem>>, vector<16xf32>,
        tpu.vector_store %parallel_loop3A_2218[%parallel_loop3A_2219, %parallel_loop3A_2220], %parallel_loop3A_2212 {strides = array<i32>} : memref<400x64xf32, #tpu.memory_space<vmem>>, vector<16xf32>,
        %parallel_loop3A_2222 = arith.constant 9 : i32
        %parallel_loop3A_2223 = arith.addi %parallel_loop3A_378, %parallel_loop3A_2222 : i32
        %parallel_loop3A_2224 = arith.constant 0 : i32
        %parallel_loop3A_2225 = arith.constant 0 : i32
        %parallel_loop3A_2226 = tpu.memref_slice %arg8[%rem3A_151, %parallel_loop3A_2224, %parallel_loop3A_2225] : memref<2x400x64xf32, #tpu.memory_space<vmem>> -> memref<1x400x64xf32, #tpu.memory_space<vmem>>
        %parallel_loop3A_2227 = tpu.memref_squeeze %parallel_loop3A_2226 : memref<1x400x64xf32, #tpu.memory_space<vmem>> -> memref<400x64xf32, #tpu.memory_space<vmem>>
        %parallel_loop3A_2228 = arith.index_cast %parallel_loop3A_2223 : i32 to index
        %parallel_loop3A_2229 = arith.constant 16 : index
        %parallel_loop3A_2230 = tpu.vector_load %parallel_loop3A_2227[%parallel_loop3A_2228, %parallel_loop3A_2229] {strides = array<i32>} : memref<400x64xf32, #tpu.memory_space<vmem>>, vector<16xf32>,
        %parallel_loop3A_2231 = arith.subf %parallel_loop3A_2230, %parallel_loop3A_2187 : vector<16xf32>
        %parallel_loop3A_2232 = arith.mulf %parallel_loop3A_2231, %parallel_loop3A_2199 : vector<16xf32>
        %parallel_loop3A_2233 = arith.mulf %parallel_loop3A_2232, %get3A_5 : vector<16xf32>
        %parallel_loop3A_2234 = arith.addf %parallel_loop3A_2233, %get3A_13 : vector<16xf32>
        %parallel_loop3A_2235 = arith.constant 9 : i32
        %parallel_loop3A_2236 = arith.addi %parallel_loop3A_378, %parallel_loop3A_2235 : i32
        %parallel_loop3A_2237 = arith.constant 0 : i32
        %parallel_loop3A_2238 = arith.constant 0 : i32
        %parallel_loop3A_2239 = tpu.memref_slice %arg8[%rem3A_151, %parallel_loop3A_2237, %parallel_loop3A_2238] : memref<2x400x64xf32, #tpu.memory_space<vmem>> -> memref<1x400x64xf32, #tpu.memory_space<vmem>>
        %parallel_loop3A_2240 = tpu.memref_squeeze %parallel_loop3A_2239 : memref<1x400x64xf32, #tpu.memory_space<vmem>> -> memref<400x64xf32, #tpu.memory_space<vmem>>
        %parallel_loop3A_2241 = arith.index_cast %parallel_loop3A_2236 : i32 to index
        %parallel_loop3A_2242 = arith.constant 16 : index
        %parallel_loop3A_2243 = tpu.vector_load %parallel_loop3A_2240[%parallel_loop3A_2241, %parallel_loop3A_2242] {strides = array<i32>} : memref<400x64xf32, #tpu.memory_space<vmem>>, vector<16xf32>,
        tpu.vector_store %parallel_loop3A_2240[%parallel_loop3A_2241, %parallel_loop3A_2242], %parallel_loop3A_2234 {strides = array<i32>} : memref<400x64xf32, #tpu.memory_space<vmem>>, vector<16xf32>,
        %parallel_loop3A_2244 = arith.constant 9 : i32
        %parallel_loop3A_2245 = arith.addi %parallel_loop3A_378, %parallel_loop3A_2244 : i32
        %parallel_loop3A_2246 = arith.constant 0 : i32
        %parallel_loop3A_2247 = arith.constant 0 : i32
        %parallel_loop3A_2248 = tpu.memref_slice %arg8[%rem3A_151, %parallel_loop3A_2246, %parallel_loop3A_2247] : memref<2x400x64xf32, #tpu.memory_space<vmem>> -> memref<1x400x64xf32, #tpu.memory_space<vmem>>
        %parallel_loop3A_2249 = tpu.memref_squeeze %parallel_loop3A_2248 : memref<1x400x64xf32, #tpu.memory_space<vmem>> -> memref<400x64xf32, #tpu.memory_space<vmem>>
        %parallel_loop3A_2250 = arith.index_cast %parallel_loop3A_2245 : i32 to index
        %parallel_loop3A_2251 = arith.constant 32 : index
        %parallel_loop3A_2252 = tpu.vector_load %parallel_loop3A_2249[%parallel_loop3A_2250, %parallel_loop3A_2251] {strides = array<i32>} : memref<400x64xf32, #tpu.memory_space<vmem>>, vector<16xf32>,
        %parallel_loop3A_2253 = arith.subf %parallel_loop3A_2252, %parallel_loop3A_2187 : vector<16xf32>
        %parallel_loop3A_2254 = arith.mulf %parallel_loop3A_2253, %parallel_loop3A_2199 : vector<16xf32>
        %parallel_loop3A_2255 = arith.mulf %parallel_loop3A_2254, %get3A_7 : vector<16xf32>
        %parallel_loop3A_2256 = arith.addf %parallel_loop3A_2255, %get3A_15 : vector<16xf32>
        %parallel_loop3A_2257 = arith.constant 9 : i32
        %parallel_loop3A_2258 = arith.addi %parallel_loop3A_378, %parallel_loop3A_2257 : i32
        %parallel_loop3A_2259 = arith.constant 0 : i32
        %parallel_loop3A_2260 = arith.constant 0 : i32
        %parallel_loop3A_2261 = tpu.memref_slice %arg8[%rem3A_151, %parallel_loop3A_2259, %parallel_loop3A_2260] : memref<2x400x64xf32, #tpu.memory_space<vmem>> -> memref<1x400x64xf32, #tpu.memory_space<vmem>>
        %parallel_loop3A_2262 = tpu.memref_squeeze %parallel_loop3A_2261 : memref<1x400x64xf32, #tpu.memory_space<vmem>> -> memref<400x64xf32, #tpu.memory_space<vmem>>
        %parallel_loop3A_2263 = arith.index_cast %parallel_loop3A_2258 : i32 to index
        %parallel_loop3A_2264 = arith.constant 32 : index
        %parallel_loop3A_2265 = tpu.vector_load %parallel_loop3A_2262[%parallel_loop3A_2263, %parallel_loop3A_2264] {strides = array<i32>} : memref<400x64xf32, #tpu.memory_space<vmem>>, vector<16xf32>,
        tpu.vector_store %parallel_loop3A_2262[%parallel_loop3A_2263, %parallel_loop3A_2264], %parallel_loop3A_2256 {strides = array<i32>} : memref<400x64xf32, #tpu.memory_space<vmem>>, vector<16xf32>,
        %parallel_loop3A_2266 = arith.constant 9 : i32
        %parallel_loop3A_2267 = arith.addi %parallel_loop3A_378, %parallel_loop3A_2266 : i32
        %parallel_loop3A_2268 = arith.constant 0 : i32
        %parallel_loop3A_2269 = arith.constant 0 : i32
        %parallel_loop3A_2270 = tpu.memref_slice %arg8[%rem3A_151, %parallel_loop3A_2268, %parallel_loop3A_2269] : memref<2x400x64xf32, #tpu.memory_space<vmem>> -> memref<1x400x64xf32, #tpu.memory_space<vmem>>
        %parallel_loop3A_2271 = tpu.memref_squeeze %parallel_loop3A_2270 : memref<1x400x64xf32, #tpu.memory_space<vmem>> -> memref<400x64xf32, #tpu.memory_space<vmem>>
        %parallel_loop3A_2272 = arith.index_cast %parallel_loop3A_2267 : i32 to index
        %parallel_loop3A_2273 = arith.constant 48 : index
        %parallel_loop3A_2274 = tpu.vector_load %parallel_loop3A_2271[%parallel_loop3A_2272, %parallel_loop3A_2273] {strides = array<i32>} : memref<400x64xf32, #tpu.memory_space<vmem>>, vector<16xf32>,
        %parallel_loop3A_2275 = arith.subf %parallel_loop3A_2274, %parallel_loop3A_2187 : vector<16xf32>
        %parallel_loop3A_2276 = arith.mulf %parallel_loop3A_2275, %parallel_loop3A_2199 : vector<16xf32>
        %parallel_loop3A_2277 = arith.mulf %parallel_loop3A_2276, %get3A_9 : vector<16xf32>
        %parallel_loop3A_2278 = arith.addf %parallel_loop3A_2277, %get3A_17 : vector<16xf32>
        %parallel_loop3A_2279 = arith.constant 9 : i32
        %parallel_loop3A_2280 = arith.addi %parallel_loop3A_378, %parallel_loop3A_2279 : i32
        %parallel_loop3A_2281 = arith.constant 0 : i32
        %parallel_loop3A_2282 = arith.constant 0 : i32
        %parallel_loop3A_2283 = tpu.memref_slice %arg8[%rem3A_151, %parallel_loop3A_2281, %parallel_loop3A_2282] : memref<2x400x64xf32, #tpu.memory_space<vmem>> -> memref<1x400x64xf32, #tpu.memory_space<vmem>>
        %parallel_loop3A_2284 = tpu.memref_squeeze %parallel_loop3A_2283 : memref<1x400x64xf32, #tpu.memory_space<vmem>> -> memref<400x64xf32, #tpu.memory_space<vmem>>
        %parallel_loop3A_2285 = arith.index_cast %parallel_loop3A_2280 : i32 to index
        %parallel_loop3A_2286 = arith.constant 48 : index
        %parallel_loop3A_2287 = tpu.vector_load %parallel_loop3A_2284[%parallel_loop3A_2285, %parallel_loop3A_2286] {strides = array<i32>} : memref<400x64xf32, #tpu.memory_space<vmem>>, vector<16xf32>,
        tpu.vector_store %parallel_loop3A_2284[%parallel_loop3A_2285, %parallel_loop3A_2286], %parallel_loop3A_2278 {strides = array<i32>} : memref<400x64xf32, #tpu.memory_space<vmem>>, vector<16xf32>,
        %parallel_loop3A_2288 = arith.constant 10 : i32
        %parallel_loop3A_2289 = vector.broadcast %parallel_loop3A_2288 : i32 to vector<16xi32>
        %parallel_loop3A_2290 = arith.constant 0 : i32
        %parallel_loop3A_2291 = vector.broadcast %parallel_loop3A_2290 : i32 to vector<16xi32>
        %parallel_loop3A_2292 = arith.cmpi slt, %parallel_loop3A_2289, %parallel_loop3A_2291 : vector<16xi32>
        %parallel_loop3A_2293 = arith.constant 16 : i32
        %parallel_loop3A_2294 = vector.broadcast %parallel_loop3A_2293 : i32 to vector<16xi32>
        %parallel_loop3A_2295 = arith.addi %parallel_loop3A_2289, %parallel_loop3A_2294 : vector<16xi32>
        %parallel_loop3A_2296 = arith.select %parallel_loop3A_2292, %parallel_loop3A_2295, %parallel_loop3A_2289 : vector<16xi1>, vector<16xi32>
        %parallel_loop3A_2297 = vector.shape_cast %parallel_loop3A_2296 : vector<16xi32> to vector<16x1xi32>
        %parallel_loop3A_2298 = vector.shape_cast %parallel_loop3A_2297 : vector<16x1xi32> to vector<16xi32>
        %parallel_loop3A_2299 = tpu.dynamic_gather %parallel_loop3A_1133[%parallel_loop3A_2298] in [0] : vector<16xf32>, vector<16xi32> -> vector<16xf32>
        %parallel_loop3A_2300 = arith.constant 10 : i32
        %parallel_loop3A_2301 = vector.broadcast %parallel_loop3A_2300 : i32 to vector<16xi32>
        %parallel_loop3A_2302 = arith.constant 0 : i32
        %parallel_loop3A_2303 = vector.broadcast %parallel_loop3A_2302 : i32 to vector<16xi32>
        %parallel_loop3A_2304 = arith.cmpi slt, %parallel_loop3A_2301, %parallel_loop3A_2303 : vector<16xi32>
        %parallel_loop3A_2305 = arith.constant 16 : i32
        %parallel_loop3A_2306 = vector.broadcast %parallel_loop3A_2305 : i32 to vector<16xi32>
        %parallel_loop3A_2307 = arith.addi %parallel_loop3A_2301, %parallel_loop3A_2306 : vector<16xi32>
        %parallel_loop3A_2308 = arith.select %parallel_loop3A_2304, %parallel_loop3A_2307, %parallel_loop3A_2301 : vector<16xi1>, vector<16xi32>
        %parallel_loop3A_2309 = vector.shape_cast %parallel_loop3A_2308 : vector<16xi32> to vector<16x1xi32>
        %parallel_loop3A_2310 = vector.shape_cast %parallel_loop3A_2309 : vector<16x1xi32> to vector<16xi32>
        %parallel_loop3A_2311 = tpu.dynamic_gather %parallel_loop3A_1167[%parallel_loop3A_2310] in [0] : vector<16xf32>, vector<16xi32> -> vector<16xf32>
        %parallel_loop3A_2312 = arith.constant 10 : i32
        %parallel_loop3A_2313 = arith.addi %parallel_loop3A_378, %parallel_loop3A_2312 : i32
        %parallel_loop3A_2314 = arith.constant 0 : i32
        %parallel_loop3A_2315 = arith.constant 0 : i32
        %parallel_loop3A_2316 = tpu.memref_slice %arg8[%rem3A_151, %parallel_loop3A_2314, %parallel_loop3A_2315] : memref<2x400x64xf32, #tpu.memory_space<vmem>> -> memref<1x400x64xf32, #tpu.memory_space<vmem>>
        %parallel_loop3A_2317 = tpu.memref_squeeze %parallel_loop3A_2316 : memref<1x400x64xf32, #tpu.memory_space<vmem>> -> memref<400x64xf32, #tpu.memory_space<vmem>>
        %parallel_loop3A_2318 = arith.index_cast %parallel_loop3A_2313 : i32 to index
        %parallel_loop3A_2319 = arith.constant 0 : index
        %parallel_loop3A_2320 = tpu.vector_load %parallel_loop3A_2317[%parallel_loop3A_2318, %parallel_loop3A_2319] {strides = array<i32>} : memref<400x64xf32, #tpu.memory_space<vmem>>, vector<16xf32>,
        %parallel_loop3A_2321 = arith.subf %parallel_loop3A_2320, %parallel_loop3A_2299 : vector<16xf32>
        %parallel_loop3A_2322 = arith.mulf %parallel_loop3A_2321, %parallel_loop3A_2311 : vector<16xf32>
        %parallel_loop3A_2323 = arith.mulf %parallel_loop3A_2322, %get3A_3 : vector<16xf32>
        %parallel_loop3A_2324 = arith.addf %parallel_loop3A_2323, %get3A_11 : vector<16xf32>
        %parallel_loop3A_2325 = arith.constant 10 : i32
        %parallel_loop3A_2326 = arith.addi %parallel_loop3A_378, %parallel_loop3A_2325 : i32
        %parallel_loop3A_2327 = arith.constant 0 : i32
        %parallel_loop3A_2328 = arith.constant 0 : i32
        %parallel_loop3A_2329 = tpu.memref_slice %arg8[%rem3A_151, %parallel_loop3A_2327, %parallel_loop3A_2328] : memref<2x400x64xf32, #tpu.memory_space<vmem>> -> memref<1x400x64xf32, #tpu.memory_space<vmem>>
        %parallel_loop3A_2330 = tpu.memref_squeeze %parallel_loop3A_2329 : memref<1x400x64xf32, #tpu.memory_space<vmem>> -> memref<400x64xf32, #tpu.memory_space<vmem>>
        %parallel_loop3A_2331 = arith.index_cast %parallel_loop3A_2326 : i32 to index
        %parallel_loop3A_2332 = arith.constant 0 : index
        %parallel_loop3A_2333 = tpu.vector_load %parallel_loop3A_2330[%parallel_loop3A_2331, %parallel_loop3A_2332] {strides = array<i32>} : memref<400x64xf32, #tpu.memory_space<vmem>>, vector<16xf32>,
        tpu.vector_store %parallel_loop3A_2330[%parallel_loop3A_2331, %parallel_loop3A_2332], %parallel_loop3A_2324 {strides = array<i32>} : memref<400x64xf32, #tpu.memory_space<vmem>>, vector<16xf32>,
        %parallel_loop3A_2334 = arith.constant 10 : i32
        %parallel_loop3A_2335 = arith.addi %parallel_loop3A_378, %parallel_loop3A_2334 : i32
        %parallel_loop3A_2336 = arith.constant 0 : i32
        %parallel_loop3A_2337 = arith.constant 0 : i32
        %parallel_loop3A_2338 = tpu.memref_slice %arg8[%rem3A_151, %parallel_loop3A_2336, %parallel_loop3A_2337] : memref<2x400x64xf32, #tpu.memory_space<vmem>> -> memref<1x400x64xf32, #tpu.memory_space<vmem>>
        %parallel_loop3A_2339 = tpu.memref_squeeze %parallel_loop3A_2338 : memref<1x400x64xf32, #tpu.memory_space<vmem>> -> memref<400x64xf32, #tpu.memory_space<vmem>>
        %parallel_loop3A_2340 = arith.index_cast %parallel_loop3A_2335 : i32 to index
        %parallel_loop3A_2341 = arith.constant 16 : index
        %parallel_loop3A_2342 = tpu.vector_load %parallel_loop3A_2339[%parallel_loop3A_2340, %parallel_loop3A_2341] {strides = array<i32>} : memref<400x64xf32, #tpu.memory_space<vmem>>, vector<16xf32>,
        %parallel_loop3A_2343 = arith.subf %parallel_loop3A_2342, %parallel_loop3A_2299 : vector<16xf32>
        %parallel_loop3A_2344 = arith.mulf %parallel_loop3A_2343, %parallel_loop3A_2311 : vector<16xf32>
        %parallel_loop3A_2345 = arith.mulf %parallel_loop3A_2344, %get3A_5 : vector<16xf32>
        %parallel_loop3A_2346 = arith.addf %parallel_loop3A_2345, %get3A_13 : vector<16xf32>
        %parallel_loop3A_2347 = arith.constant 10 : i32
        %parallel_loop3A_2348 = arith.addi %parallel_loop3A_378, %parallel_loop3A_2347 : i32
        %parallel_loop3A_2349 = arith.constant 0 : i32
        %parallel_loop3A_2350 = arith.constant 0 : i32
        %parallel_loop3A_2351 = tpu.memref_slice %arg8[%rem3A_151, %parallel_loop3A_2349, %parallel_loop3A_2350] : memref<2x400x64xf32, #tpu.memory_space<vmem>> -> memref<1x400x64xf32, #tpu.memory_space<vmem>>
        %parallel_loop3A_2352 = tpu.memref_squeeze %parallel_loop3A_2351 : memref<1x400x64xf32, #tpu.memory_space<vmem>> -> memref<400x64xf32, #tpu.memory_space<vmem>>
        %parallel_loop3A_2353 = arith.index_cast %parallel_loop3A_2348 : i32 to index
        %parallel_loop3A_2354 = arith.constant 16 : index
        %parallel_loop3A_2355 = tpu.vector_load %parallel_loop3A_2352[%parallel_loop3A_2353, %parallel_loop3A_2354] {strides = array<i32>} : memref<400x64xf32, #tpu.memory_space<vmem>>, vector<16xf32>,
        tpu.vector_store %parallel_loop3A_2352[%parallel_loop3A_2353, %parallel_loop3A_2354], %parallel_loop3A_2346 {strides = array<i32>} : memref<400x64xf32, #tpu.memory_space<vmem>>, vector<16xf32>,
        %parallel_loop3A_2356 = arith.constant 10 : i32
        %parallel_loop3A_2357 = arith.addi %parallel_loop3A_378, %parallel_loop3A_2356 : i32
        %parallel_loop3A_2358 = arith.constant 0 : i32
        %parallel_loop3A_2359 = arith.constant 0 : i32
        %parallel_loop3A_2360 = tpu.memref_slice %arg8[%rem3A_151, %parallel_loop3A_2358, %parallel_loop3A_2359] : memref<2x400x64xf32, #tpu.memory_space<vmem>> -> memref<1x400x64xf32, #tpu.memory_space<vmem>>
        %parallel_loop3A_2361 = tpu.memref_squeeze %parallel_loop3A_2360 : memref<1x400x64xf32, #tpu.memory_space<vmem>> -> memref<400x64xf32, #tpu.memory_space<vmem>>
        %parallel_loop3A_2362 = arith.index_cast %parallel_loop3A_2357 : i32 to index
        %parallel_loop3A_2363 = arith.constant 32 : index
        %parallel_loop3A_2364 = tpu.vector_load %parallel_loop3A_2361[%parallel_loop3A_2362, %parallel_loop3A_2363] {strides = array<i32>} : memref<400x64xf32, #tpu.memory_space<vmem>>, vector<16xf32>,
        %parallel_loop3A_2365 = arith.subf %parallel_loop3A_2364, %parallel_loop3A_2299 : vector<16xf32>
        %parallel_loop3A_2366 = arith.mulf %parallel_loop3A_2365, %parallel_loop3A_2311 : vector<16xf32>
        %parallel_loop3A_2367 = arith.mulf %parallel_loop3A_2366, %get3A_7 : vector<16xf32>
        %parallel_loop3A_2368 = arith.addf %parallel_loop3A_2367, %get3A_15 : vector<16xf32>
        %parallel_loop3A_2369 = arith.constant 10 : i32
        %parallel_loop3A_2370 = arith.addi %parallel_loop3A_378, %parallel_loop3A_2369 : i32
        %parallel_loop3A_2371 = arith.constant 0 : i32
        %parallel_loop3A_2372 = arith.constant 0 : i32
        %parallel_loop3A_2373 = tpu.memref_slice %arg8[%rem3A_151, %parallel_loop3A_2371, %parallel_loop3A_2372] : memref<2x400x64xf32, #tpu.memory_space<vmem>> -> memref<1x400x64xf32, #tpu.memory_space<vmem>>
        %parallel_loop3A_2374 = tpu.memref_squeeze %parallel_loop3A_2373 : memref<1x400x64xf32, #tpu.memory_space<vmem>> -> memref<400x64xf32, #tpu.memory_space<vmem>>
        %parallel_loop3A_2375 = arith.index_cast %parallel_loop3A_2370 : i32 to index
        %parallel_loop3A_2376 = arith.constant 32 : index
        %parallel_loop3A_2377 = tpu.vector_load %parallel_loop3A_2374[%parallel_loop3A_2375, %parallel_loop3A_2376] {strides = array<i32>} : memref<400x64xf32, #tpu.memory_space<vmem>>, vector<16xf32>,
        tpu.vector_store %parallel_loop3A_2374[%parallel_loop3A_2375, %parallel_loop3A_2376], %parallel_loop3A_2368 {strides = array<i32>} : memref<400x64xf32, #tpu.memory_space<vmem>>, vector<16xf32>,
        %parallel_loop3A_2378 = arith.constant 10 : i32
        %parallel_loop3A_2379 = arith.addi %parallel_loop3A_378, %parallel_loop3A_2378 : i32
        %parallel_loop3A_2380 = arith.constant 0 : i32
        %parallel_loop3A_2381 = arith.constant 0 : i32
        %parallel_loop3A_2382 = tpu.memref_slice %arg8[%rem3A_151, %parallel_loop3A_2380, %parallel_loop3A_2381] : memref<2x400x64xf32, #tpu.memory_space<vmem>> -> memref<1x400x64xf32, #tpu.memory_space<vmem>>
        %parallel_loop3A_2383 = tpu.memref_squeeze %parallel_loop3A_2382 : memref<1x400x64xf32, #tpu.memory_space<vmem>> -> memref<400x64xf32, #tpu.memory_space<vmem>>
        %parallel_loop3A_2384 = arith.index_cast %parallel_loop3A_2379 : i32 to index
        %parallel_loop3A_2385 = arith.constant 48 : index
        %parallel_loop3A_2386 = tpu.vector_load %parallel_loop3A_2383[%parallel_loop3A_2384, %parallel_loop3A_2385] {strides = array<i32>} : memref<400x64xf32, #tpu.memory_space<vmem>>, vector<16xf32>,
        %parallel_loop3A_2387 = arith.subf %parallel_loop3A_2386, %parallel_loop3A_2299 : vector<16xf32>
        %parallel_loop3A_2388 = arith.mulf %parallel_loop3A_2387, %parallel_loop3A_2311 : vector<16xf32>
        %parallel_loop3A_2389 = arith.mulf %parallel_loop3A_2388, %get3A_9 : vector<16xf32>
        %parallel_loop3A_2390 = arith.addf %parallel_loop3A_2389, %get3A_17 : vector<16xf32>
        %parallel_loop3A_2391 = arith.constant 10 : i32
        %parallel_loop3A_2392 = arith.addi %parallel_loop3A_378, %parallel_loop3A_2391 : i32
        %parallel_loop3A_2393 = arith.constant 0 : i32
        %parallel_loop3A_2394 = arith.constant 0 : i32
        %parallel_loop3A_2395 = tpu.memref_slice %arg8[%rem3A_151, %parallel_loop3A_2393, %parallel_loop3A_2394] : memref<2x400x64xf32, #tpu.memory_space<vmem>> -> memref<1x400x64xf32, #tpu.memory_space<vmem>>
        %parallel_loop3A_2396 = tpu.memref_squeeze %parallel_loop3A_2395 : memref<1x400x64xf32, #tpu.memory_space<vmem>> -> memref<400x64xf32, #tpu.memory_space<vmem>>
        %parallel_loop3A_2397 = arith.index_cast %parallel_loop3A_2392 : i32 to index
        %parallel_loop3A_2398 = arith.constant 48 : index
        %parallel_loop3A_2399 = tpu.vector_load %parallel_loop3A_2396[%parallel_loop3A_2397, %parallel_loop3A_2398] {strides = array<i32>} : memref<400x64xf32, #tpu.memory_space<vmem>>, vector<16xf32>,
        tpu.vector_store %parallel_loop3A_2396[%parallel_loop3A_2397, %parallel_loop3A_2398], %parallel_loop3A_2390 {strides = array<i32>} : memref<400x64xf32, #tpu.memory_space<vmem>>, vector<16xf32>,
        %parallel_loop3A_2400 = arith.constant 11 : i32
        %parallel_loop3A_2401 = vector.broadcast %parallel_loop3A_2400 : i32 to vector<16xi32>
        %parallel_loop3A_2402 = arith.constant 0 : i32
        %parallel_loop3A_2403 = vector.broadcast %parallel_loop3A_2402 : i32 to vector<16xi32>
        %parallel_loop3A_2404 = arith.cmpi slt, %parallel_loop3A_2401, %parallel_loop3A_2403 : vector<16xi32>
        %parallel_loop3A_2405 = arith.constant 16 : i32
        %parallel_loop3A_2406 = vector.broadcast %parallel_loop3A_2405 : i32 to vector<16xi32>
        %parallel_loop3A_2407 = arith.addi %parallel_loop3A_2401, %parallel_loop3A_2406 : vector<16xi32>
        %parallel_loop3A_2408 = arith.select %parallel_loop3A_2404, %parallel_loop3A_2407, %parallel_loop3A_2401 : vector<16xi1>, vector<16xi32>
        %parallel_loop3A_2409 = vector.shape_cast %parallel_loop3A_2408 : vector<16xi32> to vector<16x1xi32>
        %parallel_loop3A_2410 = vector.shape_cast %parallel_loop3A_2409 : vector<16x1xi32> to vector<16xi32>
        %parallel_loop3A_2411 = tpu.dynamic_gather %parallel_loop3A_1133[%parallel_loop3A_2410] in [0] : vector<16xf32>, vector<16xi32> -> vector<16xf32>
        %parallel_loop3A_2412 = arith.constant 11 : i32
        %parallel_loop3A_2413 = vector.broadcast %parallel_loop3A_2412 : i32 to vector<16xi32>
        %parallel_loop3A_2414 = arith.constant 0 : i32
        %parallel_loop3A_2415 = vector.broadcast %parallel_loop3A_2414 : i32 to vector<16xi32>
        %parallel_loop3A_2416 = arith.cmpi slt, %parallel_loop3A_2413, %parallel_loop3A_2415 : vector<16xi32>
        %parallel_loop3A_2417 = arith.constant 16 : i32
        %parallel_loop3A_2418 = vector.broadcast %parallel_loop3A_2417 : i32 to vector<16xi32>
        %parallel_loop3A_2419 = arith.addi %parallel_loop3A_2413, %parallel_loop3A_2418 : vector<16xi32>
        %parallel_loop3A_2420 = arith.select %parallel_loop3A_2416, %parallel_loop3A_2419, %parallel_loop3A_2413 : vector<16xi1>, vector<16xi32>
        %parallel_loop3A_2421 = vector.shape_cast %parallel_loop3A_2420 : vector<16xi32> to vector<16x1xi32>
        %parallel_loop3A_2422 = vector.shape_cast %parallel_loop3A_2421 : vector<16x1xi32> to vector<16xi32>
        %parallel_loop3A_2423 = tpu.dynamic_gather %parallel_loop3A_1167[%parallel_loop3A_2422] in [0] : vector<16xf32>, vector<16xi32> -> vector<16xf32>
        %parallel_loop3A_2424 = arith.constant 11 : i32
        %parallel_loop3A_2425 = arith.addi %parallel_loop3A_378, %parallel_loop3A_2424 : i32
        %parallel_loop3A_2426 = arith.constant 0 : i32
        %parallel_loop3A_2427 = arith.constant 0 : i32
        %parallel_loop3A_2428 = tpu.memref_slice %arg8[%rem3A_151, %parallel_loop3A_2426, %parallel_loop3A_2427] : memref<2x400x64xf32, #tpu.memory_space<vmem>> -> memref<1x400x64xf32, #tpu.memory_space<vmem>>
        %parallel_loop3A_2429 = tpu.memref_squeeze %parallel_loop3A_2428 : memref<1x400x64xf32, #tpu.memory_space<vmem>> -> memref<400x64xf32, #tpu.memory_space<vmem>>
        %parallel_loop3A_2430 = arith.index_cast %parallel_loop3A_2425 : i32 to index
        %parallel_loop3A_2431 = arith.constant 0 : index
        %parallel_loop3A_2432 = tpu.vector_load %parallel_loop3A_2429[%parallel_loop3A_2430, %parallel_loop3A_2431] {strides = array<i32>} : memref<400x64xf32, #tpu.memory_space<vmem>>, vector<16xf32>,
        %parallel_loop3A_2433 = arith.subf %parallel_loop3A_2432, %parallel_loop3A_2411 : vector<16xf32>
        %parallel_loop3A_2434 = arith.mulf %parallel_loop3A_2433, %parallel_loop3A_2423 : vector<16xf32>
        %parallel_loop3A_2435 = arith.mulf %parallel_loop3A_2434, %get3A_3 : vector<16xf32>
        %parallel_loop3A_2436 = arith.addf %parallel_loop3A_2435, %get3A_11 : vector<16xf32>
        %parallel_loop3A_2437 = arith.constant 11 : i32
        %parallel_loop3A_2438 = arith.addi %parallel_loop3A_378, %parallel_loop3A_2437 : i32
        %parallel_loop3A_2439 = arith.constant 0 : i32
        %parallel_loop3A_2440 = arith.constant 0 : i32
        %parallel_loop3A_2441 = tpu.memref_slice %arg8[%rem3A_151, %parallel_loop3A_2439, %parallel_loop3A_2440] : memref<2x400x64xf32, #tpu.memory_space<vmem>> -> memref<1x400x64xf32, #tpu.memory_space<vmem>>
        %parallel_loop3A_2442 = tpu.memref_squeeze %parallel_loop3A_2441 : memref<1x400x64xf32, #tpu.memory_space<vmem>> -> memref<400x64xf32, #tpu.memory_space<vmem>>
        %parallel_loop3A_2443 = arith.index_cast %parallel_loop3A_2438 : i32 to index
        %parallel_loop3A_2444 = arith.constant 0 : index
        %parallel_loop3A_2445 = tpu.vector_load %parallel_loop3A_2442[%parallel_loop3A_2443, %parallel_loop3A_2444] {strides = array<i32>} : memref<400x64xf32, #tpu.memory_space<vmem>>, vector<16xf32>,
        tpu.vector_store %parallel_loop3A_2442[%parallel_loop3A_2443, %parallel_loop3A_2444], %parallel_loop3A_2436 {strides = array<i32>} : memref<400x64xf32, #tpu.memory_space<vmem>>, vector<16xf32>,
        %parallel_loop3A_2446 = arith.constant 11 : i32
        %parallel_loop3A_2447 = arith.addi %parallel_loop3A_378, %parallel_loop3A_2446 : i32
        %parallel_loop3A_2448 = arith.constant 0 : i32
        %parallel_loop3A_2449 = arith.constant 0 : i32
        %parallel_loop3A_2450 = tpu.memref_slice %arg8[%rem3A_151, %parallel_loop3A_2448, %parallel_loop3A_2449] : memref<2x400x64xf32, #tpu.memory_space<vmem>> -> memref<1x400x64xf32, #tpu.memory_space<vmem>>
        %parallel_loop3A_2451 = tpu.memref_squeeze %parallel_loop3A_2450 : memref<1x400x64xf32, #tpu.memory_space<vmem>> -> memref<400x64xf32, #tpu.memory_space<vmem>>
        %parallel_loop3A_2452 = arith.index_cast %parallel_loop3A_2447 : i32 to index
        %parallel_loop3A_2453 = arith.constant 16 : index
        %parallel_loop3A_2454 = tpu.vector_load %parallel_loop3A_2451[%parallel_loop3A_2452, %parallel_loop3A_2453] {strides = array<i32>} : memref<400x64xf32, #tpu.memory_space<vmem>>, vector<16xf32>,
        %parallel_loop3A_2455 = arith.subf %parallel_loop3A_2454, %parallel_loop3A_2411 : vector<16xf32>
        %parallel_loop3A_2456 = arith.mulf %parallel_loop3A_2455, %parallel_loop3A_2423 : vector<16xf32>
        %parallel_loop3A_2457 = arith.mulf %parallel_loop3A_2456, %get3A_5 : vector<16xf32>
        %parallel_loop3A_2458 = arith.addf %parallel_loop3A_2457, %get3A_13 : vector<16xf32>
        %parallel_loop3A_2459 = arith.constant 11 : i32
        %parallel_loop3A_2460 = arith.addi %parallel_loop3A_378, %parallel_loop3A_2459 : i32
        %parallel_loop3A_2461 = arith.constant 0 : i32
        %parallel_loop3A_2462 = arith.constant 0 : i32
        %parallel_loop3A_2463 = tpu.memref_slice %arg8[%rem3A_151, %parallel_loop3A_2461, %parallel_loop3A_2462] : memref<2x400x64xf32, #tpu.memory_space<vmem>> -> memref<1x400x64xf32, #tpu.memory_space<vmem>>
        %parallel_loop3A_2464 = tpu.memref_squeeze %parallel_loop3A_2463 : memref<1x400x64xf32, #tpu.memory_space<vmem>> -> memref<400x64xf32, #tpu.memory_space<vmem>>
        %parallel_loop3A_2465 = arith.index_cast %parallel_loop3A_2460 : i32 to index
        %parallel_loop3A_2466 = arith.constant 16 : index
        %parallel_loop3A_2467 = tpu.vector_load %parallel_loop3A_2464[%parallel_loop3A_2465, %parallel_loop3A_2466] {strides = array<i32>} : memref<400x64xf32, #tpu.memory_space<vmem>>, vector<16xf32>,
        tpu.vector_store %parallel_loop3A_2464[%parallel_loop3A_2465, %parallel_loop3A_2466], %parallel_loop3A_2458 {strides = array<i32>} : memref<400x64xf32, #tpu.memory_space<vmem>>, vector<16xf32>,
        %parallel_loop3A_2468 = arith.constant 11 : i32
        %parallel_loop3A_2469 = arith.addi %parallel_loop3A_378, %parallel_loop3A_2468 : i32
        %parallel_loop3A_2470 = arith.constant 0 : i32
        %parallel_loop3A_2471 = arith.constant 0 : i32
        %parallel_loop3A_2472 = tpu.memref_slice %arg8[%rem3A_151, %parallel_loop3A_2470, %parallel_loop3A_2471] : memref<2x400x64xf32, #tpu.memory_space<vmem>> -> memref<1x400x64xf32, #tpu.memory_space<vmem>>
        %parallel_loop3A_2473 = tpu.memref_squeeze %parallel_loop3A_2472 : memref<1x400x64xf32, #tpu.memory_space<vmem>> -> memref<400x64xf32, #tpu.memory_space<vmem>>
        %parallel_loop3A_2474 = arith.index_cast %parallel_loop3A_2469 : i32 to index
        %parallel_loop3A_2475 = arith.constant 32 : index
        %parallel_loop3A_2476 = tpu.vector_load %parallel_loop3A_2473[%parallel_loop3A_2474, %parallel_loop3A_2475] {strides = array<i32>} : memref<400x64xf32, #tpu.memory_space<vmem>>, vector<16xf32>,
        %parallel_loop3A_2477 = arith.subf %parallel_loop3A_2476, %parallel_loop3A_2411 : vector<16xf32>
        %parallel_loop3A_2478 = arith.mulf %parallel_loop3A_2477, %parallel_loop3A_2423 : vector<16xf32>
        %parallel_loop3A_2479 = arith.mulf %parallel_loop3A_2478, %get3A_7 : vector<16xf32>
        %parallel_loop3A_2480 = arith.addf %parallel_loop3A_2479, %get3A_15 : vector<16xf32>
        %parallel_loop3A_2481 = arith.constant 11 : i32
        %parallel_loop3A_2482 = arith.addi %parallel_loop3A_378, %parallel_loop3A_2481 : i32
        %parallel_loop3A_2483 = arith.constant 0 : i32
        %parallel_loop3A_2484 = arith.constant 0 : i32
        %parallel_loop3A_2485 = tpu.memref_slice %arg8[%rem3A_151, %parallel_loop3A_2483, %parallel_loop3A_2484] : memref<2x400x64xf32, #tpu.memory_space<vmem>> -> memref<1x400x64xf32, #tpu.memory_space<vmem>>
        %parallel_loop3A_2486 = tpu.memref_squeeze %parallel_loop3A_2485 : memref<1x400x64xf32, #tpu.memory_space<vmem>> -> memref<400x64xf32, #tpu.memory_space<vmem>>
        %parallel_loop3A_2487 = arith.index_cast %parallel_loop3A_2482 : i32 to index
        %parallel_loop3A_2488 = arith.constant 32 : index
        %parallel_loop3A_2489 = tpu.vector_load %parallel_loop3A_2486[%parallel_loop3A_2487, %parallel_loop3A_2488] {strides = array<i32>} : memref<400x64xf32, #tpu.memory_space<vmem>>, vector<16xf32>,
        tpu.vector_store %parallel_loop3A_2486[%parallel_loop3A_2487, %parallel_loop3A_2488], %parallel_loop3A_2480 {strides = array<i32>} : memref<400x64xf32, #tpu.memory_space<vmem>>, vector<16xf32>,
        %parallel_loop3A_2490 = arith.constant 11 : i32
        %parallel_loop3A_2491 = arith.addi %parallel_loop3A_378, %parallel_loop3A_2490 : i32
        %parallel_loop3A_2492 = arith.constant 0 : i32
        %parallel_loop3A_2493 = arith.constant 0 : i32
        %parallel_loop3A_2494 = tpu.memref_slice %arg8[%rem3A_151, %parallel_loop3A_2492, %parallel_loop3A_2493] : memref<2x400x64xf32, #tpu.memory_space<vmem>> -> memref<1x400x64xf32, #tpu.memory_space<vmem>>
        %parallel_loop3A_2495 = tpu.memref_squeeze %parallel_loop3A_2494 : memref<1x400x64xf32, #tpu.memory_space<vmem>> -> memref<400x64xf32, #tpu.memory_space<vmem>>
        %parallel_loop3A_2496 = arith.index_cast %parallel_loop3A_2491 : i32 to index
        %parallel_loop3A_2497 = arith.constant 48 : index
        %parallel_loop3A_2498 = tpu.vector_load %parallel_loop3A_2495[%parallel_loop3A_2496, %parallel_loop3A_2497] {strides = array<i32>} : memref<400x64xf32, #tpu.memory_space<vmem>>, vector<16xf32>,
        %parallel_loop3A_2499 = arith.subf %parallel_loop3A_2498, %parallel_loop3A_2411 : vector<16xf32>
        %parallel_loop3A_2500 = arith.mulf %parallel_loop3A_2499, %parallel_loop3A_2423 : vector<16xf32>
        %parallel_loop3A_2501 = arith.mulf %parallel_loop3A_2500, %get3A_9 : vector<16xf32>
        %parallel_loop3A_2502 = arith.addf %parallel_loop3A_2501, %get3A_17 : vector<16xf32>
        %parallel_loop3A_2503 = arith.constant 11 : i32
        %parallel_loop3A_2504 = arith.addi %parallel_loop3A_378, %parallel_loop3A_2503 : i32
        %parallel_loop3A_2505 = arith.constant 0 : i32
        %parallel_loop3A_2506 = arith.constant 0 : i32
        %parallel_loop3A_2507 = tpu.memref_slice %arg8[%rem3A_151, %parallel_loop3A_2505, %parallel_loop3A_2506] : memref<2x400x64xf32, #tpu.memory_space<vmem>> -> memref<1x400x64xf32, #tpu.memory_space<vmem>>
        %parallel_loop3A_2508 = tpu.memref_squeeze %parallel_loop3A_2507 : memref<1x400x64xf32, #tpu.memory_space<vmem>> -> memref<400x64xf32, #tpu.memory_space<vmem>>
        %parallel_loop3A_2509 = arith.index_cast %parallel_loop3A_2504 : i32 to index
        %parallel_loop3A_2510 = arith.constant 48 : index
        %parallel_loop3A_2511 = tpu.vector_load %parallel_loop3A_2508[%parallel_loop3A_2509, %parallel_loop3A_2510] {strides = array<i32>} : memref<400x64xf32, #tpu.memory_space<vmem>>, vector<16xf32>,
        tpu.vector_store %parallel_loop3A_2508[%parallel_loop3A_2509, %parallel_loop3A_2510], %parallel_loop3A_2502 {strides = array<i32>} : memref<400x64xf32, #tpu.memory_space<vmem>>, vector<16xf32>,
        %parallel_loop3A_2512 = arith.constant 12 : i32
        %parallel_loop3A_2513 = vector.broadcast %parallel_loop3A_2512 : i32 to vector<16xi32>
        %parallel_loop3A_2514 = arith.constant 0 : i32
        %parallel_loop3A_2515 = vector.broadcast %parallel_loop3A_2514 : i32 to vector<16xi32>
        %parallel_loop3A_2516 = arith.cmpi slt, %parallel_loop3A_2513, %parallel_loop3A_2515 : vector<16xi32>
        %parallel_loop3A_2517 = arith.constant 16 : i32
        %parallel_loop3A_2518 = vector.broadcast %parallel_loop3A_2517 : i32 to vector<16xi32>
        %parallel_loop3A_2519 = arith.addi %parallel_loop3A_2513, %parallel_loop3A_2518 : vector<16xi32>
        %parallel_loop3A_2520 = arith.select %parallel_loop3A_2516, %parallel_loop3A_2519, %parallel_loop3A_2513 : vector<16xi1>, vector<16xi32>
        %parallel_loop3A_2521 = vector.shape_cast %parallel_loop3A_2520 : vector<16xi32> to vector<16x1xi32>
        %parallel_loop3A_2522 = vector.shape_cast %parallel_loop3A_2521 : vector<16x1xi32> to vector<16xi32>
        %parallel_loop3A_2523 = tpu.dynamic_gather %parallel_loop3A_1133[%parallel_loop3A_2522] in [0] : vector<16xf32>, vector<16xi32> -> vector<16xf32>
        %parallel_loop3A_2524 = arith.constant 12 : i32
        %parallel_loop3A_2525 = vector.broadcast %parallel_loop3A_2524 : i32 to vector<16xi32>
        %parallel_loop3A_2526 = arith.constant 0 : i32
        %parallel_loop3A_2527 = vector.broadcast %parallel_loop3A_2526 : i32 to vector<16xi32>
        %parallel_loop3A_2528 = arith.cmpi slt, %parallel_loop3A_2525, %parallel_loop3A_2527 : vector<16xi32>
        %parallel_loop3A_2529 = arith.constant 16 : i32
        %parallel_loop3A_2530 = vector.broadcast %parallel_loop3A_2529 : i32 to vector<16xi32>
        %parallel_loop3A_2531 = arith.addi %parallel_loop3A_2525, %parallel_loop3A_2530 : vector<16xi32>
        %parallel_loop3A_2532 = arith.select %parallel_loop3A_2528, %parallel_loop3A_2531, %parallel_loop3A_2525 : vector<16xi1>, vector<16xi32>
        %parallel_loop3A_2533 = vector.shape_cast %parallel_loop3A_2532 : vector<16xi32> to vector<16x1xi32>
        %parallel_loop3A_2534 = vector.shape_cast %parallel_loop3A_2533 : vector<16x1xi32> to vector<16xi32>
        %parallel_loop3A_2535 = tpu.dynamic_gather %parallel_loop3A_1167[%parallel_loop3A_2534] in [0] : vector<16xf32>, vector<16xi32> -> vector<16xf32>
        %parallel_loop3A_2536 = arith.constant 12 : i32
        %parallel_loop3A_2537 = arith.addi %parallel_loop3A_378, %parallel_loop3A_2536 : i32
        %parallel_loop3A_2538 = arith.constant 0 : i32
        %parallel_loop3A_2539 = arith.constant 0 : i32
        %parallel_loop3A_2540 = tpu.memref_slice %arg8[%rem3A_151, %parallel_loop3A_2538, %parallel_loop3A_2539] : memref<2x400x64xf32, #tpu.memory_space<vmem>> -> memref<1x400x64xf32, #tpu.memory_space<vmem>>
        %parallel_loop3A_2541 = tpu.memref_squeeze %parallel_loop3A_2540 : memref<1x400x64xf32, #tpu.memory_space<vmem>> -> memref<400x64xf32, #tpu.memory_space<vmem>>
        %parallel_loop3A_2542 = arith.index_cast %parallel_loop3A_2537 : i32 to index
        %parallel_loop3A_2543 = arith.constant 0 : index
        %parallel_loop3A_2544 = tpu.vector_load %parallel_loop3A_2541[%parallel_loop3A_2542, %parallel_loop3A_2543] {strides = array<i32>} : memref<400x64xf32, #tpu.memory_space<vmem>>, vector<16xf32>,
        %parallel_loop3A_2545 = arith.subf %parallel_loop3A_2544, %parallel_loop3A_2523 : vector<16xf32>
        %parallel_loop3A_2546 = arith.mulf %parallel_loop3A_2545, %parallel_loop3A_2535 : vector<16xf32>
        %parallel_loop3A_2547 = arith.mulf %parallel_loop3A_2546, %get3A_3 : vector<16xf32>
        %parallel_loop3A_2548 = arith.addf %parallel_loop3A_2547, %get3A_11 : vector<16xf32>
        %parallel_loop3A_2549 = arith.constant 12 : i32
        %parallel_loop3A_2550 = arith.addi %parallel_loop3A_378, %parallel_loop3A_2549 : i32
        %parallel_loop3A_2551 = arith.constant 0 : i32
        %parallel_loop3A_2552 = arith.constant 0 : i32
        %parallel_loop3A_2553 = tpu.memref_slice %arg8[%rem3A_151, %parallel_loop3A_2551, %parallel_loop3A_2552] : memref<2x400x64xf32, #tpu.memory_space<vmem>> -> memref<1x400x64xf32, #tpu.memory_space<vmem>>
        %parallel_loop3A_2554 = tpu.memref_squeeze %parallel_loop3A_2553 : memref<1x400x64xf32, #tpu.memory_space<vmem>> -> memref<400x64xf32, #tpu.memory_space<vmem>>
        %parallel_loop3A_2555 = arith.index_cast %parallel_loop3A_2550 : i32 to index
        %parallel_loop3A_2556 = arith.constant 0 : index
        %parallel_loop3A_2557 = tpu.vector_load %parallel_loop3A_2554[%parallel_loop3A_2555, %parallel_loop3A_2556] {strides = array<i32>} : memref<400x64xf32, #tpu.memory_space<vmem>>, vector<16xf32>,
        tpu.vector_store %parallel_loop3A_2554[%parallel_loop3A_2555, %parallel_loop3A_2556], %parallel_loop3A_2548 {strides = array<i32>} : memref<400x64xf32, #tpu.memory_space<vmem>>, vector<16xf32>,
        %parallel_loop3A_2558 = arith.constant 12 : i32
        %parallel_loop3A_2559 = arith.addi %parallel_loop3A_378, %parallel_loop3A_2558 : i32
        %parallel_loop3A_2560 = arith.constant 0 : i32
        %parallel_loop3A_2561 = arith.constant 0 : i32
        %parallel_loop3A_2562 = tpu.memref_slice %arg8[%rem3A_151, %parallel_loop3A_2560, %parallel_loop3A_2561] : memref<2x400x64xf32, #tpu.memory_space<vmem>> -> memref<1x400x64xf32, #tpu.memory_space<vmem>>
        %parallel_loop3A_2563 = tpu.memref_squeeze %parallel_loop3A_2562 : memref<1x400x64xf32, #tpu.memory_space<vmem>> -> memref<400x64xf32, #tpu.memory_space<vmem>>
        %parallel_loop3A_2564 = arith.index_cast %parallel_loop3A_2559 : i32 to index
        %parallel_loop3A_2565 = arith.constant 16 : index
        %parallel_loop3A_2566 = tpu.vector_load %parallel_loop3A_2563[%parallel_loop3A_2564, %parallel_loop3A_2565] {strides = array<i32>} : memref<400x64xf32, #tpu.memory_space<vmem>>, vector<16xf32>,
        %parallel_loop3A_2567 = arith.subf %parallel_loop3A_2566, %parallel_loop3A_2523 : vector<16xf32>
        %parallel_loop3A_2568 = arith.mulf %parallel_loop3A_2567, %parallel_loop3A_2535 : vector<16xf32>
        %parallel_loop3A_2569 = arith.mulf %parallel_loop3A_2568, %get3A_5 : vector<16xf32>
        %parallel_loop3A_2570 = arith.addf %parallel_loop3A_2569, %get3A_13 : vector<16xf32>
        %parallel_loop3A_2571 = arith.constant 12 : i32
        %parallel_loop3A_2572 = arith.addi %parallel_loop3A_378, %parallel_loop3A_2571 : i32
        %parallel_loop3A_2573 = arith.constant 0 : i32
        %parallel_loop3A_2574 = arith.constant 0 : i32
        %parallel_loop3A_2575 = tpu.memref_slice %arg8[%rem3A_151, %parallel_loop3A_2573, %parallel_loop3A_2574] : memref<2x400x64xf32, #tpu.memory_space<vmem>> -> memref<1x400x64xf32, #tpu.memory_space<vmem>>
        %parallel_loop3A_2576 = tpu.memref_squeeze %parallel_loop3A_2575 : memref<1x400x64xf32, #tpu.memory_space<vmem>> -> memref<400x64xf32, #tpu.memory_space<vmem>>
        %parallel_loop3A_2577 = arith.index_cast %parallel_loop3A_2572 : i32 to index
        %parallel_loop3A_2578 = arith.constant 16 : index
        %parallel_loop3A_2579 = tpu.vector_load %parallel_loop3A_2576[%parallel_loop3A_2577, %parallel_loop3A_2578] {strides = array<i32>} : memref<400x64xf32, #tpu.memory_space<vmem>>, vector<16xf32>,
        tpu.vector_store %parallel_loop3A_2576[%parallel_loop3A_2577, %parallel_loop3A_2578], %parallel_loop3A_2570 {strides = array<i32>} : memref<400x64xf32, #tpu.memory_space<vmem>>, vector<16xf32>,
        %parallel_loop3A_2580 = arith.constant 12 : i32
        %parallel_loop3A_2581 = arith.addi %parallel_loop3A_378, %parallel_loop3A_2580 : i32
        %parallel_loop3A_2582 = arith.constant 0 : i32
        %parallel_loop3A_2583 = arith.constant 0 : i32
        %parallel_loop3A_2584 = tpu.memref_slice %arg8[%rem3A_151, %parallel_loop3A_2582, %parallel_loop3A_2583] : memref<2x400x64xf32, #tpu.memory_space<vmem>> -> memref<1x400x64xf32, #tpu.memory_space<vmem>>
        %parallel_loop3A_2585 = tpu.memref_squeeze %parallel_loop3A_2584 : memref<1x400x64xf32, #tpu.memory_space<vmem>> -> memref<400x64xf32, #tpu.memory_space<vmem>>
        %parallel_loop3A_2586 = arith.index_cast %parallel_loop3A_2581 : i32 to index
        %parallel_loop3A_2587 = arith.constant 32 : index
        %parallel_loop3A_2588 = tpu.vector_load %parallel_loop3A_2585[%parallel_loop3A_2586, %parallel_loop3A_2587] {strides = array<i32>} : memref<400x64xf32, #tpu.memory_space<vmem>>, vector<16xf32>,
        %parallel_loop3A_2589 = arith.subf %parallel_loop3A_2588, %parallel_loop3A_2523 : vector<16xf32>
        %parallel_loop3A_2590 = arith.mulf %parallel_loop3A_2589, %parallel_loop3A_2535 : vector<16xf32>
        %parallel_loop3A_2591 = arith.mulf %parallel_loop3A_2590, %get3A_7 : vector<16xf32>
        %parallel_loop3A_2592 = arith.addf %parallel_loop3A_2591, %get3A_15 : vector<16xf32>
        %parallel_loop3A_2593 = arith.constant 12 : i32
        %parallel_loop3A_2594 = arith.addi %parallel_loop3A_378, %parallel_loop3A_2593 : i32
        %parallel_loop3A_2595 = arith.constant 0 : i32
        %parallel_loop3A_2596 = arith.constant 0 : i32
        %parallel_loop3A_2597 = tpu.memref_slice %arg8[%rem3A_151, %parallel_loop3A_2595, %parallel_loop3A_2596] : memref<2x400x64xf32, #tpu.memory_space<vmem>> -> memref<1x400x64xf32, #tpu.memory_space<vmem>>
        %parallel_loop3A_2598 = tpu.memref_squeeze %parallel_loop3A_2597 : memref<1x400x64xf32, #tpu.memory_space<vmem>> -> memref<400x64xf32, #tpu.memory_space<vmem>>
        %parallel_loop3A_2599 = arith.index_cast %parallel_loop3A_2594 : i32 to index
        %parallel_loop3A_2600 = arith.constant 32 : index
        %parallel_loop3A_2601 = tpu.vector_load %parallel_loop3A_2598[%parallel_loop3A_2599, %parallel_loop3A_2600] {strides = array<i32>} : memref<400x64xf32, #tpu.memory_space<vmem>>, vector<16xf32>,
        tpu.vector_store %parallel_loop3A_2598[%parallel_loop3A_2599, %parallel_loop3A_2600], %parallel_loop3A_2592 {strides = array<i32>} : memref<400x64xf32, #tpu.memory_space<vmem>>, vector<16xf32>,
        %parallel_loop3A_2602 = arith.constant 12 : i32
        %parallel_loop3A_2603 = arith.addi %parallel_loop3A_378, %parallel_loop3A_2602 : i32
        %parallel_loop3A_2604 = arith.constant 0 : i32
        %parallel_loop3A_2605 = arith.constant 0 : i32
        %parallel_loop3A_2606 = tpu.memref_slice %arg8[%rem3A_151, %parallel_loop3A_2604, %parallel_loop3A_2605] : memref<2x400x64xf32, #tpu.memory_space<vmem>> -> memref<1x400x64xf32, #tpu.memory_space<vmem>>
        %parallel_loop3A_2607 = tpu.memref_squeeze %parallel_loop3A_2606 : memref<1x400x64xf32, #tpu.memory_space<vmem>> -> memref<400x64xf32, #tpu.memory_space<vmem>>
        %parallel_loop3A_2608 = arith.index_cast %parallel_loop3A_2603 : i32 to index
        %parallel_loop3A_2609 = arith.constant 48 : index
        %parallel_loop3A_2610 = tpu.vector_load %parallel_loop3A_2607[%parallel_loop3A_2608, %parallel_loop3A_2609] {strides = array<i32>} : memref<400x64xf32, #tpu.memory_space<vmem>>, vector<16xf32>,
        %parallel_loop3A_2611 = arith.subf %parallel_loop3A_2610, %parallel_loop3A_2523 : vector<16xf32>
        %parallel_loop3A_2612 = arith.mulf %parallel_loop3A_2611, %parallel_loop3A_2535 : vector<16xf32>
        %parallel_loop3A_2613 = arith.mulf %parallel_loop3A_2612, %get3A_9 : vector<16xf32>
        %parallel_loop3A_2614 = arith.addf %parallel_loop3A_2613, %get3A_17 : vector<16xf32>
        %parallel_loop3A_2615 = arith.constant 12 : i32
        %parallel_loop3A_2616 = arith.addi %parallel_loop3A_378, %parallel_loop3A_2615 : i32
        %parallel_loop3A_2617 = arith.constant 0 : i32
        %parallel_loop3A_2618 = arith.constant 0 : i32
        %parallel_loop3A_2619 = tpu.memref_slice %arg8[%rem3A_151, %parallel_loop3A_2617, %parallel_loop3A_2618] : memref<2x400x64xf32, #tpu.memory_space<vmem>> -> memref<1x400x64xf32, #tpu.memory_space<vmem>>
        %parallel_loop3A_2620 = tpu.memref_squeeze %parallel_loop3A_2619 : memref<1x400x64xf32, #tpu.memory_space<vmem>> -> memref<400x64xf32, #tpu.memory_space<vmem>>
        %parallel_loop3A_2621 = arith.index_cast %parallel_loop3A_2616 : i32 to index
        %parallel_loop3A_2622 = arith.constant 48 : index
        %parallel_loop3A_2623 = tpu.vector_load %parallel_loop3A_2620[%parallel_loop3A_2621, %parallel_loop3A_2622] {strides = array<i32>} : memref<400x64xf32, #tpu.memory_space<vmem>>, vector<16xf32>,
        tpu.vector_store %parallel_loop3A_2620[%parallel_loop3A_2621, %parallel_loop3A_2622], %parallel_loop3A_2614 {strides = array<i32>} : memref<400x64xf32, #tpu.memory_space<vmem>>, vector<16xf32>,
        %parallel_loop3A_2624 = arith.constant 13 : i32
        %parallel_loop3A_2625 = vector.broadcast %parallel_loop3A_2624 : i32 to vector<16xi32>
        %parallel_loop3A_2626 = arith.constant 0 : i32
        %parallel_loop3A_2627 = vector.broadcast %parallel_loop3A_2626 : i32 to vector<16xi32>
        %parallel_loop3A_2628 = arith.cmpi slt, %parallel_loop3A_2625, %parallel_loop3A_2627 : vector<16xi32>
        %parallel_loop3A_2629 = arith.constant 16 : i32
        %parallel_loop3A_2630 = vector.broadcast %parallel_loop3A_2629 : i32 to vector<16xi32>
        %parallel_loop3A_2631 = arith.addi %parallel_loop3A_2625, %parallel_loop3A_2630 : vector<16xi32>
        %parallel_loop3A_2632 = arith.select %parallel_loop3A_2628, %parallel_loop3A_2631, %parallel_loop3A_2625 : vector<16xi1>, vector<16xi32>
        %parallel_loop3A_2633 = vector.shape_cast %parallel_loop3A_2632 : vector<16xi32> to vector<16x1xi32>
        %parallel_loop3A_2634 = vector.shape_cast %parallel_loop3A_2633 : vector<16x1xi32> to vector<16xi32>
        %parallel_loop3A_2635 = tpu.dynamic_gather %parallel_loop3A_1133[%parallel_loop3A_2634] in [0] : vector<16xf32>, vector<16xi32> -> vector<16xf32>
        %parallel_loop3A_2636 = arith.constant 13 : i32
        %parallel_loop3A_2637 = vector.broadcast %parallel_loop3A_2636 : i32 to vector<16xi32>
        %parallel_loop3A_2638 = arith.constant 0 : i32
        %parallel_loop3A_2639 = vector.broadcast %parallel_loop3A_2638 : i32 to vector<16xi32>
        %parallel_loop3A_2640 = arith.cmpi slt, %parallel_loop3A_2637, %parallel_loop3A_2639 : vector<16xi32>
        %parallel_loop3A_2641 = arith.constant 16 : i32
        %parallel_loop3A_2642 = vector.broadcast %parallel_loop3A_2641 : i32 to vector<16xi32>
        %parallel_loop3A_2643 = arith.addi %parallel_loop3A_2637, %parallel_loop3A_2642 : vector<16xi32>
        %parallel_loop3A_2644 = arith.select %parallel_loop3A_2640, %parallel_loop3A_2643, %parallel_loop3A_2637 : vector<16xi1>, vector<16xi32>
        %parallel_loop3A_2645 = vector.shape_cast %parallel_loop3A_2644 : vector<16xi32> to vector<16x1xi32>
        %parallel_loop3A_2646 = vector.shape_cast %parallel_loop3A_2645 : vector<16x1xi32> to vector<16xi32>
        %parallel_loop3A_2647 = tpu.dynamic_gather %parallel_loop3A_1167[%parallel_loop3A_2646] in [0] : vector<16xf32>, vector<16xi32> -> vector<16xf32>
        %parallel_loop3A_2648 = arith.constant 13 : i32
        %parallel_loop3A_2649 = arith.addi %parallel_loop3A_378, %parallel_loop3A_2648 : i32
        %parallel_loop3A_2650 = arith.constant 0 : i32
        %parallel_loop3A_2651 = arith.constant 0 : i32
        %parallel_loop3A_2652 = tpu.memref_slice %arg8[%rem3A_151, %parallel_loop3A_2650, %parallel_loop3A_2651] : memref<2x400x64xf32, #tpu.memory_space<vmem>> -> memref<1x400x64xf32, #tpu.memory_space<vmem>>
        %parallel_loop3A_2653 = tpu.memref_squeeze %parallel_loop3A_2652 : memref<1x400x64xf32, #tpu.memory_space<vmem>> -> memref<400x64xf32, #tpu.memory_space<vmem>>
        %parallel_loop3A_2654 = arith.index_cast %parallel_loop3A_2649 : i32 to index
        %parallel_loop3A_2655 = arith.constant 0 : index
        %parallel_loop3A_2656 = tpu.vector_load %parallel_loop3A_2653[%parallel_loop3A_2654, %parallel_loop3A_2655] {strides = array<i32>} : memref<400x64xf32, #tpu.memory_space<vmem>>, vector<16xf32>,
        %parallel_loop3A_2657 = arith.subf %parallel_loop3A_2656, %parallel_loop3A_2635 : vector<16xf32>
        %parallel_loop3A_2658 = arith.mulf %parallel_loop3A_2657, %parallel_loop3A_2647 : vector<16xf32>
        %parallel_loop3A_2659 = arith.mulf %parallel_loop3A_2658, %get3A_3 : vector<16xf32>
        %parallel_loop3A_2660 = arith.addf %parallel_loop3A_2659, %get3A_11 : vector<16xf32>
        %parallel_loop3A_2661 = arith.constant 13 : i32
        %parallel_loop3A_2662 = arith.addi %parallel_loop3A_378, %parallel_loop3A_2661 : i32
        %parallel_loop3A_2663 = arith.constant 0 : i32
        %parallel_loop3A_2664 = arith.constant 0 : i32
        %parallel_loop3A_2665 = tpu.memref_slice %arg8[%rem3A_151, %parallel_loop3A_2663, %parallel_loop3A_2664] : memref<2x400x64xf32, #tpu.memory_space<vmem>> -> memref<1x400x64xf32, #tpu.memory_space<vmem>>
        %parallel_loop3A_2666 = tpu.memref_squeeze %parallel_loop3A_2665 : memref<1x400x64xf32, #tpu.memory_space<vmem>> -> memref<400x64xf32, #tpu.memory_space<vmem>>
        %parallel_loop3A_2667 = arith.index_cast %parallel_loop3A_2662 : i32 to index
        %parallel_loop3A_2668 = arith.constant 0 : index
        %parallel_loop3A_2669 = tpu.vector_load %parallel_loop3A_2666[%parallel_loop3A_2667, %parallel_loop3A_2668] {strides = array<i32>} : memref<400x64xf32, #tpu.memory_space<vmem>>, vector<16xf32>,
        tpu.vector_store %parallel_loop3A_2666[%parallel_loop3A_2667, %parallel_loop3A_2668], %parallel_loop3A_2660 {strides = array<i32>} : memref<400x64xf32, #tpu.memory_space<vmem>>, vector<16xf32>,
        %parallel_loop3A_2670 = arith.constant 13 : i32
        %parallel_loop3A_2671 = arith.addi %parallel_loop3A_378, %parallel_loop3A_2670 : i32
        %parallel_loop3A_2672 = arith.constant 0 : i32
        %parallel_loop3A_2673 = arith.constant 0 : i32
        %parallel_loop3A_2674 = tpu.memref_slice %arg8[%rem3A_151, %parallel_loop3A_2672, %parallel_loop3A_2673] : memref<2x400x64xf32, #tpu.memory_space<vmem>> -> memref<1x400x64xf32, #tpu.memory_space<vmem>>
        %parallel_loop3A_2675 = tpu.memref_squeeze %parallel_loop3A_2674 : memref<1x400x64xf32, #tpu.memory_space<vmem>> -> memref<400x64xf32, #tpu.memory_space<vmem>>
        %parallel_loop3A_2676 = arith.index_cast %parallel_loop3A_2671 : i32 to index
        %parallel_loop3A_2677 = arith.constant 16 : index
        %parallel_loop3A_2678 = tpu.vector_load %parallel_loop3A_2675[%parallel_loop3A_2676, %parallel_loop3A_2677] {strides = array<i32>} : memref<400x64xf32, #tpu.memory_space<vmem>>, vector<16xf32>,
        %parallel_loop3A_2679 = arith.subf %parallel_loop3A_2678, %parallel_loop3A_2635 : vector<16xf32>
        %parallel_loop3A_2680 = arith.mulf %parallel_loop3A_2679, %parallel_loop3A_2647 : vector<16xf32>
        %parallel_loop3A_2681 = arith.mulf %parallel_loop3A_2680, %get3A_5 : vector<16xf32>
        %parallel_loop3A_2682 = arith.addf %parallel_loop3A_2681, %get3A_13 : vector<16xf32>
        %parallel_loop3A_2683 = arith.constant 13 : i32
        %parallel_loop3A_2684 = arith.addi %parallel_loop3A_378, %parallel_loop3A_2683 : i32
        %parallel_loop3A_2685 = arith.constant 0 : i32
        %parallel_loop3A_2686 = arith.constant 0 : i32
        %parallel_loop3A_2687 = tpu.memref_slice %arg8[%rem3A_151, %parallel_loop3A_2685, %parallel_loop3A_2686] : memref<2x400x64xf32, #tpu.memory_space<vmem>> -> memref<1x400x64xf32, #tpu.memory_space<vmem>>
        %parallel_loop3A_2688 = tpu.memref_squeeze %parallel_loop3A_2687 : memref<1x400x64xf32, #tpu.memory_space<vmem>> -> memref<400x64xf32, #tpu.memory_space<vmem>>
        %parallel_loop3A_2689 = arith.index_cast %parallel_loop3A_2684 : i32 to index
        %parallel_loop3A_2690 = arith.constant 16 : index
        %parallel_loop3A_2691 = tpu.vector_load %parallel_loop3A_2688[%parallel_loop3A_2689, %parallel_loop3A_2690] {strides = array<i32>} : memref<400x64xf32, #tpu.memory_space<vmem>>, vector<16xf32>,
        tpu.vector_store %parallel_loop3A_2688[%parallel_loop3A_2689, %parallel_loop3A_2690], %parallel_loop3A_2682 {strides = array<i32>} : memref<400x64xf32, #tpu.memory_space<vmem>>, vector<16xf32>,
        %parallel_loop3A_2692 = arith.constant 13 : i32
        %parallel_loop3A_2693 = arith.addi %parallel_loop3A_378, %parallel_loop3A_2692 : i32
        %parallel_loop3A_2694 = arith.constant 0 : i32
        %parallel_loop3A_2695 = arith.constant 0 : i32
        %parallel_loop3A_2696 = tpu.memref_slice %arg8[%rem3A_151, %parallel_loop3A_2694, %parallel_loop3A_2695] : memref<2x400x64xf32, #tpu.memory_space<vmem>> -> memref<1x400x64xf32, #tpu.memory_space<vmem>>
        %parallel_loop3A_2697 = tpu.memref_squeeze %parallel_loop3A_2696 : memref<1x400x64xf32, #tpu.memory_space<vmem>> -> memref<400x64xf32, #tpu.memory_space<vmem>>
        %parallel_loop3A_2698 = arith.index_cast %parallel_loop3A_2693 : i32 to index
        %parallel_loop3A_2699 = arith.constant 32 : index
        %parallel_loop3A_2700 = tpu.vector_load %parallel_loop3A_2697[%parallel_loop3A_2698, %parallel_loop3A_2699] {strides = array<i32>} : memref<400x64xf32, #tpu.memory_space<vmem>>, vector<16xf32>,
        %parallel_loop3A_2701 = arith.subf %parallel_loop3A_2700, %parallel_loop3A_2635 : vector<16xf32>
        %parallel_loop3A_2702 = arith.mulf %parallel_loop3A_2701, %parallel_loop3A_2647 : vector<16xf32>
        %parallel_loop3A_2703 = arith.mulf %parallel_loop3A_2702, %get3A_7 : vector<16xf32>
        %parallel_loop3A_2704 = arith.addf %parallel_loop3A_2703, %get3A_15 : vector<16xf32>
        %parallel_loop3A_2705 = arith.constant 13 : i32
        %parallel_loop3A_2706 = arith.addi %parallel_loop3A_378, %parallel_loop3A_2705 : i32
        %parallel_loop3A_2707 = arith.constant 0 : i32
        %parallel_loop3A_2708 = arith.constant 0 : i32
        %parallel_loop3A_2709 = tpu.memref_slice %arg8[%rem3A_151, %parallel_loop3A_2707, %parallel_loop3A_2708] : memref<2x400x64xf32, #tpu.memory_space<vmem>> -> memref<1x400x64xf32, #tpu.memory_space<vmem>>
        %parallel_loop3A_2710 = tpu.memref_squeeze %parallel_loop3A_2709 : memref<1x400x64xf32, #tpu.memory_space<vmem>> -> memref<400x64xf32, #tpu.memory_space<vmem>>
        %parallel_loop3A_2711 = arith.index_cast %parallel_loop3A_2706 : i32 to index
        %parallel_loop3A_2712 = arith.constant 32 : index
        %parallel_loop3A_2713 = tpu.vector_load %parallel_loop3A_2710[%parallel_loop3A_2711, %parallel_loop3A_2712] {strides = array<i32>} : memref<400x64xf32, #tpu.memory_space<vmem>>, vector<16xf32>,
        tpu.vector_store %parallel_loop3A_2710[%parallel_loop3A_2711, %parallel_loop3A_2712], %parallel_loop3A_2704 {strides = array<i32>} : memref<400x64xf32, #tpu.memory_space<vmem>>, vector<16xf32>,
        %parallel_loop3A_2714 = arith.constant 13 : i32
        %parallel_loop3A_2715 = arith.addi %parallel_loop3A_378, %parallel_loop3A_2714 : i32
        %parallel_loop3A_2716 = arith.constant 0 : i32
        %parallel_loop3A_2717 = arith.constant 0 : i32
        %parallel_loop3A_2718 = tpu.memref_slice %arg8[%rem3A_151, %parallel_loop3A_2716, %parallel_loop3A_2717] : memref<2x400x64xf32, #tpu.memory_space<vmem>> -> memref<1x400x64xf32, #tpu.memory_space<vmem>>
        %parallel_loop3A_2719 = tpu.memref_squeeze %parallel_loop3A_2718 : memref<1x400x64xf32, #tpu.memory_space<vmem>> -> memref<400x64xf32, #tpu.memory_space<vmem>>
        %parallel_loop3A_2720 = arith.index_cast %parallel_loop3A_2715 : i32 to index
        %parallel_loop3A_2721 = arith.constant 48 : index
        %parallel_loop3A_2722 = tpu.vector_load %parallel_loop3A_2719[%parallel_loop3A_2720, %parallel_loop3A_2721] {strides = array<i32>} : memref<400x64xf32, #tpu.memory_space<vmem>>, vector<16xf32>,
        %parallel_loop3A_2723 = arith.subf %parallel_loop3A_2722, %parallel_loop3A_2635 : vector<16xf32>
        %parallel_loop3A_2724 = arith.mulf %parallel_loop3A_2723, %parallel_loop3A_2647 : vector<16xf32>
        %parallel_loop3A_2725 = arith.mulf %parallel_loop3A_2724, %get3A_9 : vector<16xf32>
        %parallel_loop3A_2726 = arith.addf %parallel_loop3A_2725, %get3A_17 : vector<16xf32>
        %parallel_loop3A_2727 = arith.constant 13 : i32
        %parallel_loop3A_2728 = arith.addi %parallel_loop3A_378, %parallel_loop3A_2727 : i32
        %parallel_loop3A_2729 = arith.constant 0 : i32
        %parallel_loop3A_2730 = arith.constant 0 : i32
        %parallel_loop3A_2731 = tpu.memref_slice %arg8[%rem3A_151, %parallel_loop3A_2729, %parallel_loop3A_2730] : memref<2x400x64xf32, #tpu.memory_space<vmem>> -> memref<1x400x64xf32, #tpu.memory_space<vmem>>
        %parallel_loop3A_2732 = tpu.memref_squeeze %parallel_loop3A_2731 : memref<1x400x64xf32, #tpu.memory_space<vmem>> -> memref<400x64xf32, #tpu.memory_space<vmem>>
        %parallel_loop3A_2733 = arith.index_cast %parallel_loop3A_2728 : i32 to index
        %parallel_loop3A_2734 = arith.constant 48 : index
        %parallel_loop3A_2735 = tpu.vector_load %parallel_loop3A_2732[%parallel_loop3A_2733, %parallel_loop3A_2734] {strides = array<i32>} : memref<400x64xf32, #tpu.memory_space<vmem>>, vector<16xf32>,
        tpu.vector_store %parallel_loop3A_2732[%parallel_loop3A_2733, %parallel_loop3A_2734], %parallel_loop3A_2726 {strides = array<i32>} : memref<400x64xf32, #tpu.memory_space<vmem>>, vector<16xf32>,
        %parallel_loop3A_2736 = arith.constant 14 : i32
        %parallel_loop3A_2737 = vector.broadcast %parallel_loop3A_2736 : i32 to vector<16xi32>
        %parallel_loop3A_2738 = arith.constant 0 : i32
        %parallel_loop3A_2739 = vector.broadcast %parallel_loop3A_2738 : i32 to vector<16xi32>
        %parallel_loop3A_2740 = arith.cmpi slt, %parallel_loop3A_2737, %parallel_loop3A_2739 : vector<16xi32>
        %parallel_loop3A_2741 = arith.constant 16 : i32
        %parallel_loop3A_2742 = vector.broadcast %parallel_loop3A_2741 : i32 to vector<16xi32>
        %parallel_loop3A_2743 = arith.addi %parallel_loop3A_2737, %parallel_loop3A_2742 : vector<16xi32>
        %parallel_loop3A_2744 = arith.select %parallel_loop3A_2740, %parallel_loop3A_2743, %parallel_loop3A_2737 : vector<16xi1>, vector<16xi32>
        %parallel_loop3A_2745 = vector.shape_cast %parallel_loop3A_2744 : vector<16xi32> to vector<16x1xi32>
        %parallel_loop3A_2746 = vector.shape_cast %parallel_loop3A_2745 : vector<16x1xi32> to vector<16xi32>
        %parallel_loop3A_2747 = tpu.dynamic_gather %parallel_loop3A_1133[%parallel_loop3A_2746] in [0] : vector<16xf32>, vector<16xi32> -> vector<16xf32>
        %parallel_loop3A_2748 = arith.constant 14 : i32
        %parallel_loop3A_2749 = vector.broadcast %parallel_loop3A_2748 : i32 to vector<16xi32>
        %parallel_loop3A_2750 = arith.constant 0 : i32
        %parallel_loop3A_2751 = vector.broadcast %parallel_loop3A_2750 : i32 to vector<16xi32>
        %parallel_loop3A_2752 = arith.cmpi slt, %parallel_loop3A_2749, %parallel_loop3A_2751 : vector<16xi32>
        %parallel_loop3A_2753 = arith.constant 16 : i32
        %parallel_loop3A_2754 = vector.broadcast %parallel_loop3A_2753 : i32 to vector<16xi32>
        %parallel_loop3A_2755 = arith.addi %parallel_loop3A_2749, %parallel_loop3A_2754 : vector<16xi32>
        %parallel_loop3A_2756 = arith.select %parallel_loop3A_2752, %parallel_loop3A_2755, %parallel_loop3A_2749 : vector<16xi1>, vector<16xi32>
        %parallel_loop3A_2757 = vector.shape_cast %parallel_loop3A_2756 : vector<16xi32> to vector<16x1xi32>
        %parallel_loop3A_2758 = vector.shape_cast %parallel_loop3A_2757 : vector<16x1xi32> to vector<16xi32>
        %parallel_loop3A_2759 = tpu.dynamic_gather %parallel_loop3A_1167[%parallel_loop3A_2758] in [0] : vector<16xf32>, vector<16xi32> -> vector<16xf32>
        %parallel_loop3A_2760 = arith.constant 14 : i32
        %parallel_loop3A_2761 = arith.addi %parallel_loop3A_378, %parallel_loop3A_2760 : i32
        %parallel_loop3A_2762 = arith.constant 0 : i32
        %parallel_loop3A_2763 = arith.constant 0 : i32
        %parallel_loop3A_2764 = tpu.memref_slice %arg8[%rem3A_151, %parallel_loop3A_2762, %parallel_loop3A_2763] : memref<2x400x64xf32, #tpu.memory_space<vmem>> -> memref<1x400x64xf32, #tpu.memory_space<vmem>>
        %parallel_loop3A_2765 = tpu.memref_squeeze %parallel_loop3A_2764 : memref<1x400x64xf32, #tpu.memory_space<vmem>> -> memref<400x64xf32, #tpu.memory_space<vmem>>
        %parallel_loop3A_2766 = arith.index_cast %parallel_loop3A_2761 : i32 to index
        %parallel_loop3A_2767 = arith.constant 0 : index
        %parallel_loop3A_2768 = tpu.vector_load %parallel_loop3A_2765[%parallel_loop3A_2766, %parallel_loop3A_2767] {strides = array<i32>} : memref<400x64xf32, #tpu.memory_space<vmem>>, vector<16xf32>,
        %parallel_loop3A_2769 = arith.subf %parallel_loop3A_2768, %parallel_loop3A_2747 : vector<16xf32>
        %parallel_loop3A_2770 = arith.mulf %parallel_loop3A_2769, %parallel_loop3A_2759 : vector<16xf32>
        %parallel_loop3A_2771 = arith.mulf %parallel_loop3A_2770, %get3A_3 : vector<16xf32>
        %parallel_loop3A_2772 = arith.addf %parallel_loop3A_2771, %get3A_11 : vector<16xf32>
        %parallel_loop3A_2773 = arith.constant 14 : i32
        %parallel_loop3A_2774 = arith.addi %parallel_loop3A_378, %parallel_loop3A_2773 : i32
        %parallel_loop3A_2775 = arith.constant 0 : i32
        %parallel_loop3A_2776 = arith.constant 0 : i32
        %parallel_loop3A_2777 = tpu.memref_slice %arg8[%rem3A_151, %parallel_loop3A_2775, %parallel_loop3A_2776] : memref<2x400x64xf32, #tpu.memory_space<vmem>> -> memref<1x400x64xf32, #tpu.memory_space<vmem>>
        %parallel_loop3A_2778 = tpu.memref_squeeze %parallel_loop3A_2777 : memref<1x400x64xf32, #tpu.memory_space<vmem>> -> memref<400x64xf32, #tpu.memory_space<vmem>>
        %parallel_loop3A_2779 = arith.index_cast %parallel_loop3A_2774 : i32 to index
        %parallel_loop3A_2780 = arith.constant 0 : index
        %parallel_loop3A_2781 = tpu.vector_load %parallel_loop3A_2778[%parallel_loop3A_2779, %parallel_loop3A_2780] {strides = array<i32>} : memref<400x64xf32, #tpu.memory_space<vmem>>, vector<16xf32>,
        tpu.vector_store %parallel_loop3A_2778[%parallel_loop3A_2779, %parallel_loop3A_2780], %parallel_loop3A_2772 {strides = array<i32>} : memref<400x64xf32, #tpu.memory_space<vmem>>, vector<16xf32>,
        %parallel_loop3A_2782 = arith.constant 14 : i32
        %parallel_loop3A_2783 = arith.addi %parallel_loop3A_378, %parallel_loop3A_2782 : i32
        %parallel_loop3A_2784 = arith.constant 0 : i32
        %parallel_loop3A_2785 = arith.constant 0 : i32
        %parallel_loop3A_2786 = tpu.memref_slice %arg8[%rem3A_151, %parallel_loop3A_2784, %parallel_loop3A_2785] : memref<2x400x64xf32, #tpu.memory_space<vmem>> -> memref<1x400x64xf32, #tpu.memory_space<vmem>>
        %parallel_loop3A_2787 = tpu.memref_squeeze %parallel_loop3A_2786 : memref<1x400x64xf32, #tpu.memory_space<vmem>> -> memref<400x64xf32, #tpu.memory_space<vmem>>
        %parallel_loop3A_2788 = arith.index_cast %parallel_loop3A_2783 : i32 to index
        %parallel_loop3A_2789 = arith.constant 16 : index
        %parallel_loop3A_2790 = tpu.vector_load %parallel_loop3A_2787[%parallel_loop3A_2788, %parallel_loop3A_2789] {strides = array<i32>} : memref<400x64xf32, #tpu.memory_space<vmem>>, vector<16xf32>,
        %parallel_loop3A_2791 = arith.subf %parallel_loop3A_2790, %parallel_loop3A_2747 : vector<16xf32>
        %parallel_loop3A_2792 = arith.mulf %parallel_loop3A_2791, %parallel_loop3A_2759 : vector<16xf32>
        %parallel_loop3A_2793 = arith.mulf %parallel_loop3A_2792, %get3A_5 : vector<16xf32>
        %parallel_loop3A_2794 = arith.addf %parallel_loop3A_2793, %get3A_13 : vector<16xf32>
        %parallel_loop3A_2795 = arith.constant 14 : i32
        %parallel_loop3A_2796 = arith.addi %parallel_loop3A_378, %parallel_loop3A_2795 : i32
        %parallel_loop3A_2797 = arith.constant 0 : i32
        %parallel_loop3A_2798 = arith.constant 0 : i32
        %parallel_loop3A_2799 = tpu.memref_slice %arg8[%rem3A_151, %parallel_loop3A_2797, %parallel_loop3A_2798] : memref<2x400x64xf32, #tpu.memory_space<vmem>> -> memref<1x400x64xf32, #tpu.memory_space<vmem>>
        %parallel_loop3A_2800 = tpu.memref_squeeze %parallel_loop3A_2799 : memref<1x400x64xf32, #tpu.memory_space<vmem>> -> memref<400x64xf32, #tpu.memory_space<vmem>>
        %parallel_loop3A_2801 = arith.index_cast %parallel_loop3A_2796 : i32 to index
        %parallel_loop3A_2802 = arith.constant 16 : index
        %parallel_loop3A_2803 = tpu.vector_load %parallel_loop3A_2800[%parallel_loop3A_2801, %parallel_loop3A_2802] {strides = array<i32>} : memref<400x64xf32, #tpu.memory_space<vmem>>, vector<16xf32>,
        tpu.vector_store %parallel_loop3A_2800[%parallel_loop3A_2801, %parallel_loop3A_2802], %parallel_loop3A_2794 {strides = array<i32>} : memref<400x64xf32, #tpu.memory_space<vmem>>, vector<16xf32>,
        %parallel_loop3A_2804 = arith.constant 14 : i32
        %parallel_loop3A_2805 = arith.addi %parallel_loop3A_378, %parallel_loop3A_2804 : i32
        %parallel_loop3A_2806 = arith.constant 0 : i32
        %parallel_loop3A_2807 = arith.constant 0 : i32
        %parallel_loop3A_2808 = tpu.memref_slice %arg8[%rem3A_151, %parallel_loop3A_2806, %parallel_loop3A_2807] : memref<2x400x64xf32, #tpu.memory_space<vmem>> -> memref<1x400x64xf32, #tpu.memory_space<vmem>>
        %parallel_loop3A_2809 = tpu.memref_squeeze %parallel_loop3A_2808 : memref<1x400x64xf32, #tpu.memory_space<vmem>> -> memref<400x64xf32, #tpu.memory_space<vmem>>
        %parallel_loop3A_2810 = arith.index_cast %parallel_loop3A_2805 : i32 to index
        %parallel_loop3A_2811 = arith.constant 32 : index
        %parallel_loop3A_2812 = tpu.vector_load %parallel_loop3A_2809[%parallel_loop3A_2810, %parallel_loop3A_2811] {strides = array<i32>} : memref<400x64xf32, #tpu.memory_space<vmem>>, vector<16xf32>,
        %parallel_loop3A_2813 = arith.subf %parallel_loop3A_2812, %parallel_loop3A_2747 : vector<16xf32>
        %parallel_loop3A_2814 = arith.mulf %parallel_loop3A_2813, %parallel_loop3A_2759 : vector<16xf32>
        %parallel_loop3A_2815 = arith.mulf %parallel_loop3A_2814, %get3A_7 : vector<16xf32>
        %parallel_loop3A_2816 = arith.addf %parallel_loop3A_2815, %get3A_15 : vector<16xf32>
        %parallel_loop3A_2817 = arith.constant 14 : i32
        %parallel_loop3A_2818 = arith.addi %parallel_loop3A_378, %parallel_loop3A_2817 : i32
        %parallel_loop3A_2819 = arith.constant 0 : i32
        %parallel_loop3A_2820 = arith.constant 0 : i32
        %parallel_loop3A_2821 = tpu.memref_slice %arg8[%rem3A_151, %parallel_loop3A_2819, %parallel_loop3A_2820] : memref<2x400x64xf32, #tpu.memory_space<vmem>> -> memref<1x400x64xf32, #tpu.memory_space<vmem>>
        %parallel_loop3A_2822 = tpu.memref_squeeze %parallel_loop3A_2821 : memref<1x400x64xf32, #tpu.memory_space<vmem>> -> memref<400x64xf32, #tpu.memory_space<vmem>>
        %parallel_loop3A_2823 = arith.index_cast %parallel_loop3A_2818 : i32 to index
        %parallel_loop3A_2824 = arith.constant 32 : index
        %parallel_loop3A_2825 = tpu.vector_load %parallel_loop3A_2822[%parallel_loop3A_2823, %parallel_loop3A_2824] {strides = array<i32>} : memref<400x64xf32, #tpu.memory_space<vmem>>, vector<16xf32>,
        tpu.vector_store %parallel_loop3A_2822[%parallel_loop3A_2823, %parallel_loop3A_2824], %parallel_loop3A_2816 {strides = array<i32>} : memref<400x64xf32, #tpu.memory_space<vmem>>, vector<16xf32>,
        %parallel_loop3A_2826 = arith.constant 14 : i32
        %parallel_loop3A_2827 = arith.addi %parallel_loop3A_378, %parallel_loop3A_2826 : i32
        %parallel_loop3A_2828 = arith.constant 0 : i32
        %parallel_loop3A_2829 = arith.constant 0 : i32
        %parallel_loop3A_2830 = tpu.memref_slice %arg8[%rem3A_151, %parallel_loop3A_2828, %parallel_loop3A_2829] : memref<2x400x64xf32, #tpu.memory_space<vmem>> -> memref<1x400x64xf32, #tpu.memory_space<vmem>>
        %parallel_loop3A_2831 = tpu.memref_squeeze %parallel_loop3A_2830 : memref<1x400x64xf32, #tpu.memory_space<vmem>> -> memref<400x64xf32, #tpu.memory_space<vmem>>
        %parallel_loop3A_2832 = arith.index_cast %parallel_loop3A_2827 : i32 to index
        %parallel_loop3A_2833 = arith.constant 48 : index
        %parallel_loop3A_2834 = tpu.vector_load %parallel_loop3A_2831[%parallel_loop3A_2832, %parallel_loop3A_2833] {strides = array<i32>} : memref<400x64xf32, #tpu.memory_space<vmem>>, vector<16xf32>,
        %parallel_loop3A_2835 = arith.subf %parallel_loop3A_2834, %parallel_loop3A_2747 : vector<16xf32>
        %parallel_loop3A_2836 = arith.mulf %parallel_loop3A_2835, %parallel_loop3A_2759 : vector<16xf32>
        %parallel_loop3A_2837 = arith.mulf %parallel_loop3A_2836, %get3A_9 : vector<16xf32>
        %parallel_loop3A_2838 = arith.addf %parallel_loop3A_2837, %get3A_17 : vector<16xf32>
        %parallel_loop3A_2839 = arith.constant 14 : i32
        %parallel_loop3A_2840 = arith.addi %parallel_loop3A_378, %parallel_loop3A_2839 : i32
        %parallel_loop3A_2841 = arith.constant 0 : i32
        %parallel_loop3A_2842 = arith.constant 0 : i32
        %parallel_loop3A_2843 = tpu.memref_slice %arg8[%rem3A_151, %parallel_loop3A_2841, %parallel_loop3A_2842] : memref<2x400x64xf32, #tpu.memory_space<vmem>> -> memref<1x400x64xf32, #tpu.memory_space<vmem>>
        %parallel_loop3A_2844 = tpu.memref_squeeze %parallel_loop3A_2843 : memref<1x400x64xf32, #tpu.memory_space<vmem>> -> memref<400x64xf32, #tpu.memory_space<vmem>>
        %parallel_loop3A_2845 = arith.index_cast %parallel_loop3A_2840 : i32 to index
        %parallel_loop3A_2846 = arith.constant 48 : index
        %parallel_loop3A_2847 = tpu.vector_load %parallel_loop3A_2844[%parallel_loop3A_2845, %parallel_loop3A_2846] {strides = array<i32>} : memref<400x64xf32, #tpu.memory_space<vmem>>, vector<16xf32>,
        tpu.vector_store %parallel_loop3A_2844[%parallel_loop3A_2845, %parallel_loop3A_2846], %parallel_loop3A_2838 {strides = array<i32>} : memref<400x64xf32, #tpu.memory_space<vmem>>, vector<16xf32>,
        %parallel_loop3A_2848 = arith.constant 15 : i32
        %parallel_loop3A_2849 = vector.broadcast %parallel_loop3A_2848 : i32 to vector<16xi32>
        %parallel_loop3A_2850 = arith.constant 0 : i32
        %parallel_loop3A_2851 = vector.broadcast %parallel_loop3A_2850 : i32 to vector<16xi32>
        %parallel_loop3A_2852 = arith.cmpi slt, %parallel_loop3A_2849, %parallel_loop3A_2851 : vector<16xi32>
        %parallel_loop3A_2853 = arith.constant 16 : i32
        %parallel_loop3A_2854 = vector.broadcast %parallel_loop3A_2853 : i32 to vector<16xi32>
        %parallel_loop3A_2855 = arith.addi %parallel_loop3A_2849, %parallel_loop3A_2854 : vector<16xi32>
        %parallel_loop3A_2856 = arith.select %parallel_loop3A_2852, %parallel_loop3A_2855, %parallel_loop3A_2849 : vector<16xi1>, vector<16xi32>
        %parallel_loop3A_2857 = vector.shape_cast %parallel_loop3A_2856 : vector<16xi32> to vector<16x1xi32>
        %parallel_loop3A_2858 = vector.shape_cast %parallel_loop3A_2857 : vector<16x1xi32> to vector<16xi32>
        %parallel_loop3A_2859 = tpu.dynamic_gather %parallel_loop3A_1133[%parallel_loop3A_2858] in [0] : vector<16xf32>, vector<16xi32> -> vector<16xf32>
        %parallel_loop3A_2860 = arith.constant 15 : i32
        %parallel_loop3A_2861 = vector.broadcast %parallel_loop3A_2860 : i32 to vector<16xi32>
        %parallel_loop3A_2862 = arith.constant 0 : i32
        %parallel_loop3A_2863 = vector.broadcast %parallel_loop3A_2862 : i32 to vector<16xi32>
        %parallel_loop3A_2864 = arith.cmpi slt, %parallel_loop3A_2861, %parallel_loop3A_2863 : vector<16xi32>
        %parallel_loop3A_2865 = arith.constant 16 : i32
        %parallel_loop3A_2866 = vector.broadcast %parallel_loop3A_2865 : i32 to vector<16xi32>
        %parallel_loop3A_2867 = arith.addi %parallel_loop3A_2861, %parallel_loop3A_2866 : vector<16xi32>
        %parallel_loop3A_2868 = arith.select %parallel_loop3A_2864, %parallel_loop3A_2867, %parallel_loop3A_2861 : vector<16xi1>, vector<16xi32>
        %parallel_loop3A_2869 = vector.shape_cast %parallel_loop3A_2868 : vector<16xi32> to vector<16x1xi32>
        %parallel_loop3A_2870 = vector.shape_cast %parallel_loop3A_2869 : vector<16x1xi32> to vector<16xi32>
        %parallel_loop3A_2871 = tpu.dynamic_gather %parallel_loop3A_1167[%parallel_loop3A_2870] in [0] : vector<16xf32>, vector<16xi32> -> vector<16xf32>
        %parallel_loop3A_2872 = arith.constant 15 : i32
        %parallel_loop3A_2873 = arith.addi %parallel_loop3A_378, %parallel_loop3A_2872 : i32
        %parallel_loop3A_2874 = arith.constant 0 : i32
        %parallel_loop3A_2875 = arith.constant 0 : i32
        %parallel_loop3A_2876 = tpu.memref_slice %arg8[%rem3A_151, %parallel_loop3A_2874, %parallel_loop3A_2875] : memref<2x400x64xf32, #tpu.memory_space<vmem>> -> memref<1x400x64xf32, #tpu.memory_space<vmem>>
        %parallel_loop3A_2877 = tpu.memref_squeeze %parallel_loop3A_2876 : memref<1x400x64xf32, #tpu.memory_space<vmem>> -> memref<400x64xf32, #tpu.memory_space<vmem>>
        %parallel_loop3A_2878 = arith.index_cast %parallel_loop3A_2873 : i32 to index
        %parallel_loop3A_2879 = arith.constant 0 : index
        %parallel_loop3A_2880 = tpu.vector_load %parallel_loop3A_2877[%parallel_loop3A_2878, %parallel_loop3A_2879] {strides = array<i32>} : memref<400x64xf32, #tpu.memory_space<vmem>>, vector<16xf32>,
        %parallel_loop3A_2881 = arith.subf %parallel_loop3A_2880, %parallel_loop3A_2859 : vector<16xf32>
        %parallel_loop3A_2882 = arith.mulf %parallel_loop3A_2881, %parallel_loop3A_2871 : vector<16xf32>
        %parallel_loop3A_2883 = arith.mulf %parallel_loop3A_2882, %get3A_3 : vector<16xf32>
        %parallel_loop3A_2884 = arith.addf %parallel_loop3A_2883, %get3A_11 : vector<16xf32>
        %parallel_loop3A_2885 = arith.constant 15 : i32
        %parallel_loop3A_2886 = arith.addi %parallel_loop3A_378, %parallel_loop3A_2885 : i32
        %parallel_loop3A_2887 = arith.constant 0 : i32
        %parallel_loop3A_2888 = arith.constant 0 : i32
        %parallel_loop3A_2889 = tpu.memref_slice %arg8[%rem3A_151, %parallel_loop3A_2887, %parallel_loop3A_2888] : memref<2x400x64xf32, #tpu.memory_space<vmem>> -> memref<1x400x64xf32, #tpu.memory_space<vmem>>
        %parallel_loop3A_2890 = tpu.memref_squeeze %parallel_loop3A_2889 : memref<1x400x64xf32, #tpu.memory_space<vmem>> -> memref<400x64xf32, #tpu.memory_space<vmem>>
        %parallel_loop3A_2891 = arith.index_cast %parallel_loop3A_2886 : i32 to index
        %parallel_loop3A_2892 = arith.constant 0 : index
        %parallel_loop3A_2893 = tpu.vector_load %parallel_loop3A_2890[%parallel_loop3A_2891, %parallel_loop3A_2892] {strides = array<i32>} : memref<400x64xf32, #tpu.memory_space<vmem>>, vector<16xf32>,
        tpu.vector_store %parallel_loop3A_2890[%parallel_loop3A_2891, %parallel_loop3A_2892], %parallel_loop3A_2884 {strides = array<i32>} : memref<400x64xf32, #tpu.memory_space<vmem>>, vector<16xf32>,
        %parallel_loop3A_2894 = arith.constant 15 : i32
        %parallel_loop3A_2895 = arith.addi %parallel_loop3A_378, %parallel_loop3A_2894 : i32
        %parallel_loop3A_2896 = arith.constant 0 : i32
        %parallel_loop3A_2897 = arith.constant 0 : i32
        %parallel_loop3A_2898 = tpu.memref_slice %arg8[%rem3A_151, %parallel_loop3A_2896, %parallel_loop3A_2897] : memref<2x400x64xf32, #tpu.memory_space<vmem>> -> memref<1x400x64xf32, #tpu.memory_space<vmem>>
        %parallel_loop3A_2899 = tpu.memref_squeeze %parallel_loop3A_2898 : memref<1x400x64xf32, #tpu.memory_space<vmem>> -> memref<400x64xf32, #tpu.memory_space<vmem>>
        %parallel_loop3A_2900 = arith.index_cast %parallel_loop3A_2895 : i32 to index
        %parallel_loop3A_2901 = arith.constant 16 : index
        %parallel_loop3A_2902 = tpu.vector_load %parallel_loop3A_2899[%parallel_loop3A_2900, %parallel_loop3A_2901] {strides = array<i32>} : memref<400x64xf32, #tpu.memory_space<vmem>>, vector<16xf32>,
        %parallel_loop3A_2903 = arith.subf %parallel_loop3A_2902, %parallel_loop3A_2859 : vector<16xf32>
        %parallel_loop3A_2904 = arith.mulf %parallel_loop3A_2903, %parallel_loop3A_2871 : vector<16xf32>
        %parallel_loop3A_2905 = arith.mulf %parallel_loop3A_2904, %get3A_5 : vector<16xf32>
        %parallel_loop3A_2906 = arith.addf %parallel_loop3A_2905, %get3A_13 : vector<16xf32>
        %parallel_loop3A_2907 = arith.constant 15 : i32
        %parallel_loop3A_2908 = arith.addi %parallel_loop3A_378, %parallel_loop3A_2907 : i32
        %parallel_loop3A_2909 = arith.constant 0 : i32
        %parallel_loop3A_2910 = arith.constant 0 : i32
        %parallel_loop3A_2911 = tpu.memref_slice %arg8[%rem3A_151, %parallel_loop3A_2909, %parallel_loop3A_2910] : memref<2x400x64xf32, #tpu.memory_space<vmem>> -> memref<1x400x64xf32, #tpu.memory_space<vmem>>
        %parallel_loop3A_2912 = tpu.memref_squeeze %parallel_loop3A_2911 : memref<1x400x64xf32, #tpu.memory_space<vmem>> -> memref<400x64xf32, #tpu.memory_space<vmem>>
        %parallel_loop3A_2913 = arith.index_cast %parallel_loop3A_2908 : i32 to index
        %parallel_loop3A_2914 = arith.constant 16 : index
        %parallel_loop3A_2915 = tpu.vector_load %parallel_loop3A_2912[%parallel_loop3A_2913, %parallel_loop3A_2914] {strides = array<i32>} : memref<400x64xf32, #tpu.memory_space<vmem>>, vector<16xf32>,
        tpu.vector_store %parallel_loop3A_2912[%parallel_loop3A_2913, %parallel_loop3A_2914], %parallel_loop3A_2906 {strides = array<i32>} : memref<400x64xf32, #tpu.memory_space<vmem>>, vector<16xf32>,
        %parallel_loop3A_2916 = arith.constant 15 : i32
        %parallel_loop3A_2917 = arith.addi %parallel_loop3A_378, %parallel_loop3A_2916 : i32
        %parallel_loop3A_2918 = arith.constant 0 : i32
        %parallel_loop3A_2919 = arith.constant 0 : i32
        %parallel_loop3A_2920 = tpu.memref_slice %arg8[%rem3A_151, %parallel_loop3A_2918, %parallel_loop3A_2919] : memref<2x400x64xf32, #tpu.memory_space<vmem>> -> memref<1x400x64xf32, #tpu.memory_space<vmem>>
        %parallel_loop3A_2921 = tpu.memref_squeeze %parallel_loop3A_2920 : memref<1x400x64xf32, #tpu.memory_space<vmem>> -> memref<400x64xf32, #tpu.memory_space<vmem>>
        %parallel_loop3A_2922 = arith.index_cast %parallel_loop3A_2917 : i32 to index
        %parallel_loop3A_2923 = arith.constant 32 : index
        %parallel_loop3A_2924 = tpu.vector_load %parallel_loop3A_2921[%parallel_loop3A_2922, %parallel_loop3A_2923] {strides = array<i32>} : memref<400x64xf32, #tpu.memory_space<vmem>>, vector<16xf32>,
        %parallel_loop3A_2925 = arith.subf %parallel_loop3A_2924, %parallel_loop3A_2859 : vector<16xf32>
        %parallel_loop3A_2926 = arith.mulf %parallel_loop3A_2925, %parallel_loop3A_2871 : vector<16xf32>
        %parallel_loop3A_2927 = arith.mulf %parallel_loop3A_2926, %get3A_7 : vector<16xf32>
        %parallel_loop3A_2928 = arith.addf %parallel_loop3A_2927, %get3A_15 : vector<16xf32>
        %parallel_loop3A_2929 = arith.constant 15 : i32
        %parallel_loop3A_2930 = arith.addi %parallel_loop3A_378, %parallel_loop3A_2929 : i32
        %parallel_loop3A_2931 = arith.constant 0 : i32
        %parallel_loop3A_2932 = arith.constant 0 : i32
        %parallel_loop3A_2933 = tpu.memref_slice %arg8[%rem3A_151, %parallel_loop3A_2931, %parallel_loop3A_2932] : memref<2x400x64xf32, #tpu.memory_space<vmem>> -> memref<1x400x64xf32, #tpu.memory_space<vmem>>
        %parallel_loop3A_2934 = tpu.memref_squeeze %parallel_loop3A_2933 : memref<1x400x64xf32, #tpu.memory_space<vmem>> -> memref<400x64xf32, #tpu.memory_space<vmem>>
        %parallel_loop3A_2935 = arith.index_cast %parallel_loop3A_2930 : i32 to index
        %parallel_loop3A_2936 = arith.constant 32 : index
        %parallel_loop3A_2937 = tpu.vector_load %parallel_loop3A_2934[%parallel_loop3A_2935, %parallel_loop3A_2936] {strides = array<i32>} : memref<400x64xf32, #tpu.memory_space<vmem>>, vector<16xf32>,
        tpu.vector_store %parallel_loop3A_2934[%parallel_loop3A_2935, %parallel_loop3A_2936], %parallel_loop3A_2928 {strides = array<i32>} : memref<400x64xf32, #tpu.memory_space<vmem>>, vector<16xf32>,
        %parallel_loop3A_2938 = arith.constant 15 : i32
        %parallel_loop3A_2939 = arith.addi %parallel_loop3A_378, %parallel_loop3A_2938 : i32
        %parallel_loop3A_2940 = arith.constant 0 : i32
        %parallel_loop3A_2941 = arith.constant 0 : i32
        %parallel_loop3A_2942 = tpu.memref_slice %arg8[%rem3A_151, %parallel_loop3A_2940, %parallel_loop3A_2941] : memref<2x400x64xf32, #tpu.memory_space<vmem>> -> memref<1x400x64xf32, #tpu.memory_space<vmem>>
        %parallel_loop3A_2943 = tpu.memref_squeeze %parallel_loop3A_2942 : memref<1x400x64xf32, #tpu.memory_space<vmem>> -> memref<400x64xf32, #tpu.memory_space<vmem>>
        %parallel_loop3A_2944 = arith.index_cast %parallel_loop3A_2939 : i32 to index
        %parallel_loop3A_2945 = arith.constant 48 : index
        %parallel_loop3A_2946 = tpu.vector_load %parallel_loop3A_2943[%parallel_loop3A_2944, %parallel_loop3A_2945] {strides = array<i32>} : memref<400x64xf32, #tpu.memory_space<vmem>>, vector<16xf32>,
        %parallel_loop3A_2947 = arith.subf %parallel_loop3A_2946, %parallel_loop3A_2859 : vector<16xf32>
        %parallel_loop3A_2948 = arith.mulf %parallel_loop3A_2947, %parallel_loop3A_2871 : vector<16xf32>
        %parallel_loop3A_2949 = arith.mulf %parallel_loop3A_2948, %get3A_9 : vector<16xf32>
        %parallel_loop3A_2950 = arith.addf %parallel_loop3A_2949, %get3A_17 : vector<16xf32>
        %parallel_loop3A_2951 = arith.constant 15 : i32
        %parallel_loop3A_2952 = arith.addi %parallel_loop3A_378, %parallel_loop3A_2951 : i32
        %parallel_loop3A_2953 = arith.constant 0 : i32
        %parallel_loop3A_2954 = arith.constant 0 : i32
        %parallel_loop3A_2955 = tpu.memref_slice %arg8[%rem3A_151, %parallel_loop3A_2953, %parallel_loop3A_2954] : memref<2x400x64xf32, #tpu.memory_space<vmem>> -> memref<1x400x64xf32, #tpu.memory_space<vmem>>
        %parallel_loop3A_2956 = tpu.memref_squeeze %parallel_loop3A_2955 : memref<1x400x64xf32, #tpu.memory_space<vmem>> -> memref<400x64xf32, #tpu.memory_space<vmem>>
        %parallel_loop3A_2957 = arith.index_cast %parallel_loop3A_2952 : i32 to index
        %parallel_loop3A_2958 = arith.constant 48 : index
        %parallel_loop3A_2959 = tpu.vector_load %parallel_loop3A_2956[%parallel_loop3A_2957, %parallel_loop3A_2958] {strides = array<i32>} : memref<400x64xf32, #tpu.memory_space<vmem>>, vector<16xf32>,
        tpu.vector_store %parallel_loop3A_2956[%parallel_loop3A_2957, %parallel_loop3A_2958], %parallel_loop3A_2950 {strides = array<i32>} : memref<400x64xf32, #tpu.memory_space<vmem>>, vector<16xf32>,
      } {sc.loop_unroll_factor = 1 : i64, sc.parallel_access}
      %mul3A_321 = arith.constant 2 : i32
      %mul3A_322 = arith.muli %scan3A_148, %mul3A_321 : i32
      %add3A_323 = arith.addi %mul3A_2, %mul3A_322 : i32
      %add3A_324 = arith.constant 0 : i32
      %add3A_325 = arith.addi %add3A_323, %add3A_324 : i32
      %mul3A_326 = arith.constant 2 : i32
      %mul3A_327 = arith.muli %scan3A_148, %mul3A_326 : i32
      %add3A_328 = arith.addi %mul3A_2, %mul3A_327 : i32
      %add3A_329 = arith.constant 1 : i32
      %add3A_330 = arith.addi %add3A_328, %add3A_329 : i32
      %dma_start3A_331 = arith.constant 0 : i32
      %dma_start3A_332 = arith.constant 0 : i32
      %dma_start3A_333 = tpu.memref_slice %arg8[%rem3A_151, %dma_start3A_331, %dma_start3A_332] : memref<2x400x64xf32, #tpu.memory_space<vmem>> -> memref<1x400x64xf32, #tpu.memory_space<vmem>>
      %dma_start3A_334 = tpu.memref_squeeze %dma_start3A_333 : memref<1x400x64xf32, #tpu.memory_space<vmem>> -> memref<400x64xf32, #tpu.memory_space<vmem>>
      %dma_start3A_335 = arith.constant 0 : i32
      %dma_start3A_336 = arith.constant 0 : i32
      %dma_start3A_337 = tpu.memref_slice %dma_start3A_334[%dma_start3A_335, %dma_start3A_336] : memref<400x64xf32, #tpu.memory_space<vmem>> -> memref<200x64xf32, #tpu.memory_space<vmem>>
      %dma_start3A_338 = arith.constant 0 : i32
      %dma_start3A_339 = arith.constant 0 : i32
      %dma_start3A_340 = tpu.memref_slice %arg6[%add3A_325, %dma_start3A_338, %dma_start3A_339] : memref<4096x200x64xf32, #tpu.memory_space<hbm>> -> memref<1x200x64xf32, #tpu.memory_space<hbm>>
      %dma_start3A_341 = tpu.memref_squeeze %dma_start3A_340 : memref<1x200x64xf32, #tpu.memory_space<hbm>> -> memref<200x64xf32, #tpu.memory_space<hbm>>
      %dma_start3A_342 = arith.constant 0 : i32
      %dma_start3A_343 = arith.constant 0 : i32
      %dma_start3A_344 = tpu.memref_slice %arg6[%add3A_325, %dma_start3A_342, %dma_start3A_343] : memref<4096x200x64xf32, #tpu.memory_space<hbm>> -> memref<1x200x64xf32, #tpu.memory_space<hbm>>
      %dma_start3A_345 = tpu.memref_squeeze %dma_start3A_344 : memref<1x200x64xf32, #tpu.memory_space<hbm>> -> memref<200x64xf32, #tpu.memory_space<hbm>>
      %dma_start3A_346 = arith.constant 0 : i32
      %dma_start3A_347 = arith.constant 0 : i32
      %dma_start3A_348 = tpu.memref_slice %arg8[%rem3A_151, %dma_start3A_346, %dma_start3A_347] : memref<2x400x64xf32, #tpu.memory_space<vmem>> -> memref<1x400x64xf32, #tpu.memory_space<vmem>>
      %dma_start3A_349 = tpu.memref_squeeze %dma_start3A_348 : memref<1x400x64xf32, #tpu.memory_space<vmem>> -> memref<400x64xf32, #tpu.memory_space<vmem>>
      %dma_start3A_350 = arith.constant 0 : i32
      %dma_start3A_351 = arith.constant 0 : i32
      %dma_start3A_352 = tpu.memref_slice %dma_start3A_349[%dma_start3A_350, %dma_start3A_351] : memref<400x64xf32, #tpu.memory_space<vmem>> -> memref<200x64xf32, #tpu.memory_space<vmem>>
      tpu.enqueue_dma source(%dma_start3A_352 : memref<200x64xf32, #tpu.memory_space<vmem>>) target(%dma_start3A_345 : memref<200x64xf32, #tpu.memory_space<hbm>>) target_semaphore(%arg12 : memref<!tpu.dma_semaphore, #tpu.memory_space<semaphore_mem>>)
      %dma_start3A_353 = arith.constant 0 : i32
      %dma_start3A_354 = arith.constant 0 : i32
      %dma_start3A_355 = tpu.memref_slice %arg8[%rem3A_151, %dma_start3A_353, %dma_start3A_354] : memref<2x400x64xf32, #tpu.memory_space<vmem>> -> memref<1x400x64xf32, #tpu.memory_space<vmem>>
      %dma_start3A_356 = tpu.memref_squeeze %dma_start3A_355 : memref<1x400x64xf32, #tpu.memory_space<vmem>> -> memref<400x64xf32, #tpu.memory_space<vmem>>
      %dma_start3A_357 = arith.constant 200 : i32
      %dma_start3A_358 = arith.constant 0 : i32
      %dma_start3A_359 = tpu.memref_slice %dma_start3A_356[%dma_start3A_357, %dma_start3A_358] : memref<400x64xf32, #tpu.memory_space<vmem>> -> memref<200x64xf32, #tpu.memory_space<vmem>>
      %dma_start3A_360 = arith.constant 0 : i32
      %dma_start3A_361 = arith.constant 0 : i32
      %dma_start3A_362 = tpu.memref_slice %arg6[%add3A_330, %dma_start3A_360, %dma_start3A_361] : memref<4096x200x64xf32, #tpu.memory_space<hbm>> -> memref<1x200x64xf32, #tpu.memory_space<hbm>>
      %dma_start3A_363 = tpu.memref_squeeze %dma_start3A_362 : memref<1x200x64xf32, #tpu.memory_space<hbm>> -> memref<200x64xf32, #tpu.memory_space<hbm>>
      %dma_start3A_364 = arith.constant 0 : i32
      %dma_start3A_365 = arith.constant 0 : i32
      %dma_start3A_366 = tpu.memref_slice %arg6[%add3A_330, %dma_start3A_364, %dma_start3A_365] : memref<4096x200x64xf32, #tpu.memory_space<hbm>> -> memref<1x200x64xf32, #tpu.memory_space<hbm>>
      %dma_start3A_367 = tpu.memref_squeeze %dma_start3A_366 : memref<1x200x64xf32, #tpu.memory_space<hbm>> -> memref<200x64xf32, #tpu.memory_space<hbm>>
      %dma_start3A_368 = arith.constant 0 : i32
      %dma_start3A_369 = arith.constant 0 : i32
      %dma_start3A_370 = tpu.memref_slice %arg8[%rem3A_151, %dma_start3A_368, %dma_start3A_369] : memref<2x400x64xf32, #tpu.memory_space<vmem>> -> memref<1x400x64xf32, #tpu.memory_space<vmem>>
      %dma_start3A_371 = tpu.memref_squeeze %dma_start3A_370 : memref<1x400x64xf32, #tpu.memory_space<vmem>> -> memref<400x64xf32, #tpu.memory_space<vmem>>
      %dma_start3A_372 = arith.constant 200 : i32
      %dma_start3A_373 = arith.constant 0 : i32
      %dma_start3A_374 = tpu.memref_slice %dma_start3A_371[%dma_start3A_372, %dma_start3A_373] : memref<400x64xf32, #tpu.memory_space<vmem>> -> memref<200x64xf32, #tpu.memory_space<vmem>>
      tpu.enqueue_dma source(%dma_start3A_374 : memref<200x64xf32, #tpu.memory_space<vmem>>) target(%dma_start3A_367 : memref<200x64xf32, #tpu.memory_space<hbm>>) target_semaphore(%arg12 : memref<!tpu.dma_semaphore, #tpu.memory_space<semaphore_mem>>)
      %scan3A_375 = arith.constant 0 : i32
      scf.yield %scan3A_375 : i32
    }
    %scan3A_94 = arith.constant 64 : i32
    %rem3A = arith.constant 63 : i32
    %rem3A_95 = arith.constant 2 : i32
    %rem3A_96 = arith.remsi %rem3A, %rem3A_95 : i32
    %add3A_97 = arith.constant 126 : i32
    %add3A_98 = arith.addi %mul3A_2, %add3A_97 : i32
    %add3A_99 = arith.constant 0 : i32
    %add3A_100 = arith.addi %add3A_98, %add3A_99 : i32
    %add3A_101 = arith.constant 126 : i32
    %add3A_102 = arith.addi %mul3A_2, %add3A_101 : i32
    %add3A_103 = arith.constant 1 : i32
    %add3A_104 = arith.addi %add3A_102, %add3A_103 : i32
    %dma_wait3A = arith.constant 0 : i32
    %dma_wait3A_105 = arith.constant 0 : i32
    %dma_wait3A_106 = tpu.memref_slice %arg8[%rem3A_96, %dma_wait3A, %dma_wait3A_105] : memref<2x400x64xf32, #tpu.memory_space<vmem>> -> memref<1x400x64xf32, #tpu.memory_space<vmem>>
    %dma_wait3A_107 = tpu.memref_squeeze %dma_wait3A_106 : memref<1x400x64xf32, #tpu.memory_space<vmem>> -> memref<400x64xf32, #tpu.memory_space<vmem>>
    %dma_wait3A_108 = arith.constant 0 : i32
    %dma_wait3A_109 = arith.constant 0 : i32
    %dma_wait3A_110 = tpu.memref_slice %dma_wait3A_107[%dma_wait3A_108, %dma_wait3A_109] : memref<400x64xf32, #tpu.memory_space<vmem>> -> memref<200x64xf32, #tpu.memory_space<vmem>>
    %dma_wait3A_111 = arith.constant 0 : i32
    %dma_wait3A_112 = arith.constant 0 : i32
    %dma_wait3A_113 = tpu.memref_slice %arg6[%add3A_100, %dma_wait3A_111, %dma_wait3A_112] : memref<4096x200x64xf32, #tpu.memory_space<hbm>> -> memref<1x200x64xf32, #tpu.memory_space<hbm>>
    %dma_wait3A_114 = tpu.memref_squeeze %dma_wait3A_113 : memref<1x200x64xf32, #tpu.memory_space<hbm>> -> memref<200x64xf32, #tpu.memory_space<hbm>>
    %dma_wait3A_115 = arith.constant 0 : i32
    %dma_wait3A_116 = arith.constant 0 : i32
    %dma_wait3A_117 = tpu.memref_slice %arg6[%add3A_100, %dma_wait3A_115, %dma_wait3A_116] : memref<4096x200x64xf32, #tpu.memory_space<hbm>> -> memref<1x200x64xf32, #tpu.memory_space<hbm>>
    %dma_wait3A_118 = tpu.memref_squeeze %dma_wait3A_117 : memref<1x200x64xf32, #tpu.memory_space<hbm>> -> memref<200x64xf32, #tpu.memory_space<hbm>>
    %dma_wait3A_119 = arith.constant 0 : i32
    %dma_wait3A_120 = arith.constant 0 : i32
    %dma_wait3A_121 = tpu.memref_slice %arg8[%rem3A_96, %dma_wait3A_119, %dma_wait3A_120] : memref<2x400x64xf32, #tpu.memory_space<vmem>> -> memref<1x400x64xf32, #tpu.memory_space<vmem>>
    %dma_wait3A_122 = tpu.memref_squeeze %dma_wait3A_121 : memref<1x400x64xf32, #tpu.memory_space<vmem>> -> memref<400x64xf32, #tpu.memory_space<vmem>>
    %dma_wait3A_123 = arith.constant 0 : i32
    %dma_wait3A_124 = arith.constant 0 : i32
    %dma_wait3A_125 = tpu.memref_slice %dma_wait3A_122[%dma_wait3A_123, %dma_wait3A_124] : memref<400x64xf32, #tpu.memory_space<vmem>> -> memref<200x64xf32, #tpu.memory_space<vmem>>
    tpu.wait_dma2 semaphore(%arg12 : memref<!tpu.dma_semaphore, #tpu.memory_space<semaphore_mem>>) src(%dma_wait3A_125 : memref<200x64xf32, #tpu.memory_space<vmem>>) dst(%dma_wait3A_118 : memref<200x64xf32, #tpu.memory_space<hbm>>)
    %dma_wait3A_126 = arith.constant 0 : i32
    %dma_wait3A_127 = arith.constant 0 : i32
    %dma_wait3A_128 = tpu.memref_slice %arg8[%rem3A_96, %dma_wait3A_126, %dma_wait3A_127] : memref<2x400x64xf32, #tpu.memory_space<vmem>> -> memref<1x400x64xf32, #tpu.memory_space<vmem>>
    %dma_wait3A_129 = tpu.memref_squeeze %dma_wait3A_128 : memref<1x400x64xf32, #tpu.memory_space<vmem>> -> memref<400x64xf32, #tpu.memory_space<vmem>>
    %dma_wait3A_130 = arith.constant 200 : i32
    %dma_wait3A_131 = arith.constant 0 : i32
    %dma_wait3A_132 = tpu.memref_slice %dma_wait3A_129[%dma_wait3A_130, %dma_wait3A_131] : memref<400x64xf32, #tpu.memory_space<vmem>> -> memref<200x64xf32, #tpu.memory_space<vmem>>
    %dma_wait3A_133 = arith.constant 0 : i32
    %dma_wait3A_134 = arith.constant 0 : i32
    %dma_wait3A_135 = tpu.memref_slice %arg6[%add3A_104, %dma_wait3A_133, %dma_wait3A_134] : memref<4096x200x64xf32, #tpu.memory_space<hbm>> -> memref<1x200x64xf32, #tpu.memory_space<hbm>>
    %dma_wait3A_136 = tpu.memref_squeeze %dma_wait3A_135 : memref<1x200x64xf32, #tpu.memory_space<hbm>> -> memref<200x64xf32, #tpu.memory_space<hbm>>
    %dma_wait3A_137 = arith.constant 0 : i32
    %dma_wait3A_138 = arith.constant 0 : i32
    %dma_wait3A_139 = tpu.memref_slice %arg6[%add3A_104, %dma_wait3A_137, %dma_wait3A_138] : memref<4096x200x64xf32, #tpu.memory_space<hbm>> -> memref<1x200x64xf32, #tpu.memory_space<hbm>>
    %dma_wait3A_140 = tpu.memref_squeeze %dma_wait3A_139 : memref<1x200x64xf32, #tpu.memory_space<hbm>> -> memref<200x64xf32, #tpu.memory_space<hbm>>
    %dma_wait3A_141 = arith.constant 0 : i32
    %dma_wait3A_142 = arith.constant 0 : i32
    %dma_wait3A_143 = tpu.memref_slice %arg8[%rem3A_96, %dma_wait3A_141, %dma_wait3A_142] : memref<2x400x64xf32, #tpu.memory_space<vmem>> -> memref<1x400x64xf32, #tpu.memory_space<vmem>>
    %dma_wait3A_144 = tpu.memref_squeeze %dma_wait3A_143 : memref<1x400x64xf32, #tpu.memory_space<vmem>> -> memref<400x64xf32, #tpu.memory_space<vmem>>
    %dma_wait3A_145 = arith.constant 200 : i32
    %dma_wait3A_146 = arith.constant 0 : i32
    %dma_wait3A_147 = tpu.memref_slice %dma_wait3A_144[%dma_wait3A_145, %dma_wait3A_146] : memref<400x64xf32, #tpu.memory_space<vmem>> -> memref<200x64xf32, #tpu.memory_space<vmem>>
    tpu.wait_dma2 semaphore(%arg12 : memref<!tpu.dma_semaphore, #tpu.memory_space<semaphore_mem>>) src(%dma_wait3A_147 : memref<200x64xf32, #tpu.memory_space<vmem>>) dst(%dma_wait3A_140 : memref<200x64xf32, #tpu.memory_space<hbm>>)
    return
  }
}

</mosaic_0001>

<sc_bundles>
// kernel: kernel.3.cloned.1.call-start
scs
__scs_entry_jumppad:
0x0: {  	(pc) =	sbr.rel $0x88, $3  }
0x1: {  	(tag) =	ssettag $0x0;
	lr =	simm.s32 $0x1  }
0x2: {  	[smem:$0x3F9D] =	sst lr;
	_ =	strace $0xD0000000  }
0x3: {  	_ = 	snop  }
0x4: {  	_ = 	snop  }
0x5: {  	_ = 	snop  }
0x6: {  	_ = 	snop  }
0x7: {  	_ = 	snop  }
__scs_overlays_trampoline_lowered:
0x8: {  	[smem:$0x3FAC] =	sst s0  }
0x9: {  	[smem:$0x3FAD] =	sst s1  }
0xa: {  	[smem:$0x3FAE] =	sst s2  }
0xb: {  	[smem:$0x3FAF] =	sst s3  }
0xc: {  	[smem:$0x3FB0] =	sst s4  }
0xd: {  	[smem:$0x3FB1] =	sst s5  }
0xe: {  	[smem:$0x3FB2] =	sst s6  }
0xf: {  	[smem:$0x3FB3] =	sst s7  }
0x10: {  	[smem:$0x3FB4] =	sst s8  }
0x11: {  	[smem:$0x3FB5] =	sst s9;
	s0 =	simm.s32 @!p0 $0x0  }
0x12: {  	s1 =	sld [smem:$0x3F9B];
	s0 =	simm.s32 @p0 $0x1  }
0x13: {  	[smem:$0x3FB6] =	sst s0;
	s0 =	simm.s32 @!p1 $0x0  }
0x14: {  	s2 =	sld [smem:$0x3F9A];
	s0 =	simm.s32 @p1 $0x1  }
0x15: {  	[smem:$0x3FB7] =	sst s0;
	s0 =	simm.s32 @!p2 $0x0  }
0x16: {  	s3 =	sld [smem:$0x3FDB];
	s0 =	simm.s32 @p2 $0x1  }
0x17: {  	s4 =	simm.s32 $0x1BF5;
	[smem:$0x3FB9] =	sst s0  }
0x18: {  	s0 =	sld [smem:$0x3F9C];
	_ =	swait.ge [sflag:s4], $0x0  }
0x19: {  	s7 =	sld [smem:$0x3F9D]  }
0x1a: {  	s8 =	sadd.s32 $0xFFFFE003, lr  }
0x1b: {  	s9 =	sadd.s32 $0xFFFFFEF7, lr;
	s5 =	simm.s32 $0xFFFFFFFF;
	p2 =	slt.u32 s8, $0xFFFFF086  }
0x1c: {  	p1 =	slt.u32 s9, $0xF7A;
	s5 =	simm.s32 @!p2 $0x0  }
0x1d: {  	s5 =	simm.s32 @p1 $0x1;
	p0 =	seq.s32 s7, s2  }
0x1e: {  	s7 =	smul.u32 @!p0 $0xF7A, s2;
	p2 =	seq.s32 @!p0 s5, $0x0  }
0x1f: {  	s9 =	smul.u32 $0xF7A, s1;
	s8 =	simm.s32 @!p0 $0x1BF5;
	p2 =	por !p2, p0  }
0x20: {  	[sflag:s8] =	ssyncset.s32 @!p0 $0xFFFFF086;
	s6 =	sadd.s32 @!p0 s3, s7;
	s7 =	simm.s32 @!p0 $0x108  }
0x21: {  	s3 =	sadd.s32 s3, s9;
	s6 =	sadd.s32 @!p0 $0x88, s6;
	s7 =	simm.s32 @p2 $0x1082  }
0x22: {  	[simem:s7], [sflag:s8] =	dma.local @!p0 [hbm:s6], $0xF7A  }
0x23: {  	s9 =	sor.u32 $0xD0000000, s2;
	s6 =	simm.s32 $0x108;
	_ =	swait.ge @!p0 [sflag:s8], $0x0  }
0x24: {  	s3 =	sadd.s32 $0x88, s3;
	s6 =	simm.s32 @!p1 $0x1082;
	[sflag:s4] =	ssyncset.s32 $0xFFFFF086  }
0x25: {  	[simem:s6], [sflag:s4] =	dma.local [hbm:s3], $0xF7A  }
0x26: {  	[smem:$0x3F9D] =	sst s1;
	(tag) =	ssettag s2;
	_ =	strace s9  }
0x27: {  	s1 =	sld [smem:$0x3FAD]  }
0x28: {  	s2 =	sld [smem:$0x3FAE]  }
0x29: {  	s4 =	sld [smem:$0x3FB0]  }
0x2a: {  	p0 =	seq.s32 s5, $0x0;
	s5 =	sld [smem:$0x3FB1]  }
0x2b: {  	s6 =	sld [smem:$0x3FB2]  }
0x2c: {  	s7 =	sld [smem:$0x3FB3]  }
0x2d: {  	s3 =	simm.s32 $0x108;
	s8 =	sld [smem:$0x3FB4]  }
0x2e: {  	s3 =	simm.s32 @!p0 $0x1082;
	s9 =	sld [smem:$0x3FB5]  }
0x2f: {  	lr =	sadd.s32 s0, s3;
	s0 =	sld [smem:$0x3FAC]  }
0x30: {  	s3 =	sld [smem:$0x3FAF]  }
0x31: {  	[smem:$0x3FB8] =	sst s10  }
0x32: {  	s10 =	sld [smem:$0x3FB6];
	_ =	sdelay $0x3  }
0x33: {  	p0 =	seq.s32 s10, $0x1;
	s10 =	sld [smem:$0x3FB8];
	_ =	sdelay $0x3  }
0x34: {  	[smem:$0x3FB8] =	sst s10  }
0x35: {  	s10 =	sld [smem:$0x3FB7];
	_ =	sdelay $0x3  }
0x36: {  	p1 =	seq.s32 s10, $0x1;
	s10 =	sld [smem:$0x3FB8];
	_ =	sdelay $0x3  }
0x37: {  	[smem:$0x3FB8] =	sst s10  }
0x38: {  	s10 =	sld [smem:$0x3FB9]  }
0x39: {  	_ = 	snop;
	(pc) =	sbr.ind lr, $3  }
0x3a: {  	_ = 	snop  }
0x3b: {  	_ = 	snop  }
0x3c: {  	p2 =	seq.s32 s10, $0x1;
	s10 =	sld [smem:$0x3FB8]  }
0x3d: {  	_ =	shalt  }
0x3e: {  	_ =	shalt  }
0x3f: {  	_ =	shalt  }
0x40: {  	_ =	shalt  }
0x41: {  	_ =	shalt  }
0x42: {  	_ =	shalt  }
0x43: {  	_ =	shalt  }
0x44: {  	_ =	shalt  }
0x45: {  	_ =	shalt  }
0x46: {  	_ =	shalt  }
0x47: {  	_ =	shalt  }
0x48: {  	_ =	shalt  }
0x49: {  	_ =	shalt  }
0x4a: {  	_ =	shalt  }
0x4b: {  	_ =	shalt  }
0x4c: {  	_ =	shalt  }
0x4d: {  	_ =	shalt  }
0x4e: {  	_ =	shalt  }
0x4f: {  	_ =	shalt  }
0x50: {  	_ =	shalt  }
0x51: {  	_ =	shalt  }
0x52: {  	_ =	shalt  }
0x53: {  	_ =	shalt  }
0x54: {  	_ =	shalt  }
0x55: {  	_ =	shalt  }
0x56: {  	_ =	shalt  }
0x57: {  	_ =	shalt  }
0x58: {  	_ =	shalt  }
0x59: {  	_ =	shalt  }
0x5a: {  	_ =	shalt  }
0x5b: {  	_ =	shalt  }
0x5c: {  	_ =	shalt  }
0x5d: {  	_ =	shalt  }
0x5e: {  	_ =	shalt  }
0x5f: {  	_ =	shalt  }
0x60: {  	_ =	shalt  }
0x61: {  	_ =	shalt  }
0x62: {  	_ =	shalt  }
0x63: {  	_ =	shalt  }
0x64: {  	_ =	shalt  }
0x65: {  	_ =	shalt  }
0x66: {  	_ =	shalt  }
0x67: {  	_ =	shalt  }
0x68: {  	_ =	shalt  }
0x69: {  	_ =	shalt  }
0x6a: {  	_ =	shalt  }
0x6b: {  	_ =	shalt  }
0x6c: {  	_ =	shalt  }
0x6d: {  	_ =	shalt  }
0x6e: {  	_ =	shalt  }
0x6f: {  	_ =	shalt  }
0x70: {  	_ =	shalt  }
0x71: {  	_ =	shalt  }
0x72: {  	_ =	shalt  }
0x73: {  	_ =	shalt  }
0x74: {  	_ =	shalt  }
0x75: {  	_ =	shalt  }
0x76: {  	_ =	shalt  }
0x77: {  	_ =	shalt  }
0x78: {  	_ =	shalt  }
0x79: {  	_ =	shalt  }
0x7a: {  	_ =	shalt  }
0x7b: {  	_ =	shalt  }
0x7c: {  	_ =	shalt  }
0x7d: {  	_ =	shalt  }
0x7e: {  	_ =	shalt  }
0x7f: {  	_ =	shalt  }
0x80: {  	_ =	shalt  }
0x81: {  	_ =	shalt  }
0x82: {  	_ =	shalt  }
0x83: {  	_ =	shalt  }
0x84: {  	_ =	shalt  }
0x85: {  	_ =	shalt  }
0x86: {  	_ =	shalt  }
0x87: {  	_ =	shalt  }
.Lfunc_end0:
.L_simem_size_0:
called_computation.1_lowered:
.L_overlay_start_0:
0x88: {  	s2 =	sld [smem:$0x3FD9]  }
0x89: {  	s3 =	sld [smem:$0x3FFE];
	_ =	sdelay $0x1  }
0x8a: {  	s1 =	srdreg.scid  }
0x8b: {  	s0 =	sand.u32 $0x1, s1  }
0x8c: {  	s17 =	sshll.u32 s0, $0xA;
	s2 =	sadd.s32 s3, s2  }
0x8d: {  	s2 =	sadd.s32 s2, s17  }
0x8e: {  	[smem:$0x3FC4] =	sst s2  }
0x8f: {  	_ = 	snop  }
0x90: {  	s2 =	sld [smem:$0x3FC7]  }
0x91: {  	s18 =	sld [smem:$0x3FC6]  }
0x92: {  	s4 =	sld [smem:$0x3FD0];
	(tm) =	ssettm $0x1  }
0x93: {  	s5 =	sld [smem:$0x3FFB];
	_ =	sdelay $0x3  }
0x94: {  	_ =	strace s5  }
0x95: {  	s5 =	sld [smem:$0x3FFC];
	_ =	sdelay $0x3  }
0x96: {  	_ =	strace s5  }
0x97: {  	s5 =	sld [smem:$0x3FFD];
	_ =	sdelay $0x3  }
0x98: {  	_ =	strace s5  }
0x99: {  	_ =	strace $0x8FFFFFFF  }
0x9a: {  	s19 =	sld [smem:$0x3FDB];
	_ =	sdelay $0x1  }
0x9b: {  	s6 =	simm.s32 $_scs_section_size  }
0x9c: {  	s7 =	simm.s32 $_size__tile_overlayer_lowered;
	s8 =	simm.s32 $_tile_overlayer_lowered  }
0x9d: {  	s22 =	simm.s32 $0x1BFF;
	s21 =	sshll.u32 s8, $0x1;
	s5 =	sadd.s32 s6, s19  }
0x9e: {  	s9 =	simm.s32 $0x0;
	s20 =	sshll.u32 s7, $0x1;
	s7 =	sadd.s32 s21, s5  }
0x9f: {  	[timem:s9], [sflag:s22] =	dma.local [hbm:s7], s20  }
0xa0: {  	_ =	swait.ge [sflag:s22], s20  }
0xa1: {  	s6 =	ssub.s32 $0x0, s20;
	[sflag:s22] =	ssyncset.done $0x0  }
0xa2: {  	[sflag:s22] =	ssyncadd.s32 s6;
	_ =	sdelay $0x1  }
0xa3: {  	s23 =	simm.s32 $0x1B8B  }
0xa4: {  	_ =	swait.ge [sflag:s23], $0x1  }
0xa5: {  	[sflag:s23] =	ssyncset.done $0x0  }
0xa6: {  	s25 =	simm.s32 $0x1B8E;
	s24 =	sld [smem:$0x3FFE];
	[sflag:s23] =	ssyncadd.s32 $0xFFFFFFFF  }
0xa7: {  	s26 =	simm.s32 $execute0_lowered;
	[smem:$0x3FD2] =	sst s25  }
0xa8: {  	s7 =	sshll.u32 s26, $0x1;
	_ =	strace $0x80000046;
	[dreg:$0x1] =	wrdreg $0xFFFFFFFF  }
0xa9: {  	s28 =	simm.s32 $_size_execute0_lowered;
	s5 =	sadd.s32 s5, s7;
	[dreg:$0x0] =	wrdreg $0x0  }
0xaa: {  	s7 =	sshll.u32 s28, $0x1;
	[dreg:$0x2] =	wrdreg s5  }
0xab: {  	[dreg:$0x3] =	wrdreg s7  }
0xac: {  	[dreg:$0x4] =	wrdreg $0xC0  }
0xad: {  	_ =	task [dreg:s9], $0x5FFFF  }
0xae: {  	[dreg:$0x1] =	wrdreg $0xFFFFFFFF  }
0xaf: {  	[dreg:$0x0] =	wrdreg $0x60  }
0xb0: {  	[dreg:$0x2] =	wrdreg s24  }
0xb1: {  	[dreg:$0x3] =	wrdreg s2  }
0xb2: {  	[dreg:$0x4] =	wrdreg s18  }
0xb3: {  	[dreg:$0x5] =	wrdreg s4  }
0xb4: {  	[dreg:$0x6] =	wrdreg $0x9  }
0xb5: {  	_ =	task.clear_ibuf [dreg:s9], $0x7FFFF;
	_ =	strace $0x90000046  }
0xb6: {  	s29 =	simm.s32 $0x9;
	_ =	strace $0x80000048  }
0xb7: {  	_ =	swait.ge [sflag:s29], $0x1  }
0xb8: {  	[sflag:s29] =	ssyncadd.s32 $0xFFFFFFFF  }
0xb9: {  	_ =	strace $0x90000048  }
0xba: {  	_ =	sfence  }
0xbb: {  	s30 =	sld [smem:$0x0];
	_ =	sdelay $0x2  }
0xbc: {  	s31 =	sshll.u32 s1, $0xD;
	s1 =	sshrl.u32 s1, $0x2  }
0xbd: {  	s3 =	sand.u32 $0x4000, s31;
	s1 =	sadd.s32 s1, s30  }
0xbe: {  	s0 =	sor.u32 s3, s0;
	s1 =	sshll.u32 s1, $0x11  }
0xbf: {  	s0 =	sor.u32 s1, s0  }
0xc0: {  	s0 =	sadd.s32 $0x8F2B, s0  }
0xc1: {  	[sflag:s0] =	ssyncadd.remote.s32 $0x1  }
0xc2: {  	_ =	sfence.sel $0xFFFF  }
0xc3: {  	[dreg:$0x0] =	wrdreg $0xFFFFFFFF;
	(pc) =	sbr.abs _section_cstart, $3  }
0xc4: {  	[dreg:$0x1] =	wrdreg $0xFFFFFFFF  }
0xc5: {  	_ =	task.clear_ibuf [dreg:s9], $0x2FFFF;
	_ =	strace $0x9FFFFFFF  }
0xc6: {  	(tm) =	ssettm $0x7FFFFFFF  }
0xc7: {  	_ =	shalt  }
tec
execute0_lowered:
.L_overlay_start_1:
0x0: {  	(tag) =	ssettag $0x1  }
0x1: {  	v0 =	vimm.s32 $0xFEDCBA9  }
0x2: {  	v1 =	vimm.s32 $0x87654321;
	v2 =	vimm.s32 $0x10FEDCBA;
	v3 =	vimm.s32 $0x98765432  }
0x3: {  	v4 =	vimm.s32 $0x210FEDCB;
	v5 =	vimm.s32 $0xA9876543;
	v7 =	vimm.s32 $0x3210FEDC  }
0x4: {  	v8 =	vimm.s32 $0xBA987654;
	v9 =	vimm.s32 $0x43210FED;
	v10 =	vimm.s32 $0xCBA98765  }
0x5: {  	v53 =	vimm.s32 $0x543210FE;
	v13 =	vimm.s32 $0xDCBA9876;
	v14 =	vimm.s32 $0x6543210F  }
0x6: {  	v15 =	vimm.s32 $0xEDCBA987;
	v16 =	vimm.s32 $0xFEDCBA98;
	v17 =	vimm.s32 $0x76543210  }
0x7: {  	v32 =	vimm.s32 $0x15141312;
	v33 =	vimm.s32 $0x19181716;
	v34 =	vimm.s32 $0x1E1D1C1B  }
0x8: {  	v35 =	vimm.s32 $0x1211101F;
	v40 =	vimm.s32 $0x16151413;
	v41 =	vimm.s32 $0x1A191817  }
0x9: {  	v42 =	vimm.s32 $0x1F1E1D1C;
	v43 =	vimm.s32 $0x13121110;
	v44 =	vimm.s32 $0x17161514  }
0xa: {  	v47 =	vimm.s32 $0x1B1A1918;
	v48 =	vimm.s32 $0x2C2B2A29;
	v0 =	vunpack.c.l.s4.s8 v0  }
0xb: {  	v1 =	vunpack.c.l.s4.s8 v1;
	v2 =	vunpack.c.l.s4.s8 v2;
	v3 =	vunpack.c.l.s4.s8 v3  }
0xc: {  	v4 =	vunpack.c.l.s4.s8 v4;
	v5 =	vunpack.c.l.s4.s8 v5;
	v7 =	vunpack.c.l.s4.s8 v7  }
0xd: {  	v8 =	vunpack.c.l.s4.s8 v8;
	v9 =	vunpack.c.l.s4.s8 v9;
	v10 =	vunpack.c.l.s4.s8 v10  }
0xe: {  	v13 =	vunpack.c.l.s4.s8 v13;
	v14 =	vunpack.c.l.s4.s8 v14;
	v15 =	vunpack.c.l.s4.s8 v15  }
0xf: {  	v16 =	vunpack.c.l.s4.s8 v16;
	v17 =	vunpack.c.l.s4.s8 v17;
	v45 =	vunpack.c.0.s8.s32 v43  }
0x10: {  	v46 =	vunpack.c.0.s8.s32 v44;
	v44 =	vimm.s32 $0x2F2E2D2C;
	v0 =	vunpack.c.0.s8.s32 v0  }
0x11: {  	v1 =	vunpack.c.0.s8.s32 v1;
	v2 =	vunpack.c.0.s8.s32 v2;
	v3 =	vunpack.c.0.s8.s32 v3  }
0x12: {  	v4 =	vunpack.c.0.s8.s32 v4;
	v5 =	vunpack.c.0.s8.s32 v5;
	v7 =	vunpack.c.0.s8.s32 v7  }
0x13: {  	v8 =	vunpack.c.0.s8.s32 v8;
	v49 =	vunpack.c.0.s8.s32 v9;
	v50 =	vunpack.c.0.s8.s32 v10  }
0x14: {  	v13 =	vunpack.c.0.s8.s32 v13;
	v14 =	vunpack.c.0.s8.s32 v14;
	v15 =	vunpack.c.0.s8.s32 v15  }
0x15: {  	v16 =	vunpack.c.0.s8.s32 v16;
	v17 =	vunpack.c.0.s8.s32 v17;
	v6 =	vcombine.low v1, v0  }
0x16: {  	v9 =	vimm.s32 $0x1C1B1A19;
	v11 =	vcombine.low v3, v2;
	v12 =	vcombine.low v5, v4  }
0x17: {  	v10 =	vimm.s32 $0x101F1E1D;
	v51 =	vcombine.low v8, v7;
	v52 =	vcombine.low v50, v49  }
0x18: {  	[tilespmem:$0x1FB70] =	vst v45;
	v45 =	vimm.s32 $0x23222120;
	v55 =	vcombine.low v15, v14;
	v0 =	vcombine.low v0, v1  }
0x19: {  	[tilespmem:$0x1FB80] =	vst v46;
	v46 =	vunpack.c.0.s8.s32 v44;
	v56 =	vcombine.low v2, v3;
	v57 =	vcombine.low v4, v5  }
0x1a: {  	v16 =	vand.u32 $0xF, v16;
	v58 =	vcombine.low v7, v8;
	v62 =	vcombine.low v49, v50  }
0x1b: {  	v8 =	vcombine.low v14, v15;
	v3 =	vunpack.c.0.s8.s32 v9;
	v4 =	vunpack.c.0.s8.s32 v10  }
0x1c: {  	v14 =	vimm.s32 $0x11101F1E;
	v9 =	vunpack.c.0.s8.s32 v32;
	v50 =	vunpack.c.0.s8.s32 v48  }
0x1d: {  	v10 =	vunpack.c.0.s8.s32 v33;
	v49 =	vimm.s32 $0x202F2E2D;
	[tilespmem:$0x1FC60] =	vst v46;
	v59 =	vcombine.low v16, v17  }
0x1e: {  	v36 =	vand.u32 $0xF, v6;
	v39 =	vand.u32 $0xF, v11;
	v19 =	vand.u32 $0xF, v51;
	[tilespmem:$0x1FBA0] =	vst v50  }
0x1f: {  	v21 =	vand.u32 $0xF, v55;
	v61 =	vand.u32 $0xF, v0;
	v0 =	vunpack.c.0.s8.s32 v42;
	[tilespmem:$0x1FDA0] =	vst v3  }
0x20: {  	v37 =	vand.u32 $0xF, v57;
	v51 =	vunpack.c.0.s8.s32 v49;
	v55 =	vimm.s32 $0x2D2C2B2A;
	[tilespmem:$0x1FDB0] =	vst v4  }
0x21: {  	v15 =	vand.u32 $0xF, v62;
	v62 =	vimm.s32 $0x25242322;
	v57 =	vunpack.c.0.s8.s32 v55;
	[tilespmem:$0x1FB60] =	vst v0  }
0x22: {  	v18 =	vand.u32 $0xF, v12;
	v11 =	vimm.s32 $0x14131211;
	v32 =	vunpack.c.0.s8.s32 v62;
	[tilespmem:$0x1FBB0] =	vst v51  }
0x23: {  	v12 =	vunpack.c.l.s4.s8 v53;
	v20 =	vand.u32 $0xF, v52;
	v5 =	vunpack.c.0.s8.s32 v11;
	[tilespmem:$0x1FBE0] =	vst v57  }
0x24: {  	v26 =	vand.u32 $0xF, v58;
	v23 =	vand.u32 $0xF, v8;
	v0 =	vunpack.c.0.s8.s32 v47;
	[tilespmem:$0x1FC00] =	vst v32  }
0x25: {  	v8 =	vunpack.c.0.s8.s32 v14;
	v49 =	vimm.s32 $0x2B2A2928;
	v47 =	vunpack.c.0.s8.s32 v45;
	[tilespmem:$0x1FDC0] =	vst v5  }
0x26: {  	v14 =	vunpack.c.0.s8.s32 v41;
	v55 =	vimm.s32 $0x34333231;
	v51 =	vunpack.c.0.s8.s32 v49;
	[tilespmem:$0x1FB90] =	vst v0  }
0x27: {  	v52 =	vimm.s32 $0x24232221;
	v12 =	vunpack.c.0.s8.s32 v12;
	v57 =	vunpack.c.0.s8.s32 v55;
	[tilespmem:$0x1FC70] =	vst v47  }
0x28: {  	v50 =	vimm.s32 $0x3C3B3A39;
	v45 =	vimm.s32 $0x3A393837;
	v0 =	vunpack.c.0.s8.s32 v52;
	[tilespmem:$0x1FC90] =	vst v51  }
0x29: {  	v54 =	vcombine.low v13, v12;
	v63 =	vcombine.low v12, v13;
	v52 =	vunpack.c.0.s8.s32 v50;
	[tilespmem:$0x1FCC0] =	vst v57  }
0x2a: {  	v12 =	vimm.s32 $0x18171615;
	v13 =	vimm.s32 $0x1D1C1B1A;
	v47 =	vunpack.c.0.s8.s32 v45;
	[tilespmem:$0x1FBC0] =	vst v0  }
0x2b: {  	v58 =	vimm.s32 $0x21202F2E;
	v6 =	vunpack.c.0.s8.s32 v12;
	v7 =	vunpack.c.0.s8.s32 v13;
	[tilespmem:$0x1FCA0] =	vst v52  }
0x2c: {  	v12 =	vunpack.c.0.s8.s32 v35;
	v35 =	vimm.s32 $0x2221202F;
	v0 =	vunpack.c.0.s8.s32 v58;
	[tilespmem:$0x1FD50] =	vst v47  }
0x2d: {  	v13 =	vunpack.c.0.s8.s32 v40;
	v40 =	vimm.s32 $0x26252423;
	v41 =	vunpack.c.0.s8.s32 v35;
	[tilespmem:$0x1FDD0] =	vst v6  }
0x2e: {  	v53 =	vand.u32 $0xF, v56;
	v50 =	vimm.s32 $0x37363534;
	v42 =	vunpack.c.0.s8.s32 v40;
	[tilespmem:$0x1FBF0] =	vst v0  }
0x2f: {  	v60 =	vand.u32 $0xF, v54;
	v54 =	vimm.s32 $0x28272625;
	v52 =	vunpack.c.0.s8.s32 v50;
	[tilespmem:$0x1FC30] =	vst v41  }
0x30: {  	v17 =	vand.u32 $0xF, v63;
	v63 =	vimm.s32 $0x29282726;
	v56 =	vunpack.c.0.s8.s32 v54;
	[tilespmem:$0x1FC40] =	vst v42  }
0x31: {  	v11 =	vunpack.c.0.s8.s32 v34;
	v34 =	vimm.s32 $0x2E2D2C2B;
	v33 =	vunpack.c.0.s8.s32 v63;
	[tilespmem:$0x1FD80] =	vst v52  }
0x32: {  	v32 =	vimm.s32 $0x35343332;
	v0 =	vunpack.c.0.s8.s32 v34;
	[tilespmem:$0x1FBD0] =	vst v56  }
0x33: {  	v43 =	vimm.s32 $0x2A292827;
	v34 =	vunpack.c.0.s8.s32 v32;
	[tilespmem:$0x1FC10] =	vst v33  }
0x34: {  	v40 =	vimm.s32 $0x3E3D3C3B;
	[tilespmem:$0x1FC20] =	vst v0;
	v0 =	vunpack.c.0.s8.s32 v43  }
0x35: {  	v48 =	vimm.s32 $0x27262524;
	v42 =	vunpack.c.0.s8.s32 v40;
	[tilespmem:$0x1FD00] =	vst v34  }
0x36: {  	v63 =	vimm.s32 $0x31303F3E;
	[tilespmem:$0x1FC50] =	vst v0;
	v0 =	vunpack.c.0.s8.s32 v48  }
0x37: {  	v54 =	vimm.s32 $0x303F3E3D;
	v33 =	vunpack.c.0.s8.s32 v63;
	[tilespmem:$0x1FD20] =	vst v42  }
0x38: {  	v56 =	vimm.s32 $0x38373635;
	[tilespmem:$0x1FC80] =	vst v0;
	v0 =	vunpack.c.0.s8.s32 v54  }
0x39: {  	v62 =	vimm.s32 $0x3D3C3B3A;
	v58 =	vunpack.c.0.s8.s32 v56;
	[tilespmem:$0x1FCF0] =	vst v33  }
0x3a: {  	v41 =	vimm.s32 $0x3231303F;
	[tilespmem:$0x1FCB0] =	vst v0;
	v0 =	vunpack.c.0.s8.s32 v62  }
0x3b: {  	v35 =	vimm.s32 $0x39383736;
	v43 =	vunpack.c.0.s8.s32 v41;
	[tilespmem:$0x1FCD0] =	vst v58  }
0x3c: {  	v46 =	vimm.s32 $0x3F3E3D3C;
	[tilespmem:$0x1FCE0] =	vst v0;
	v0 =	vunpack.c.0.s8.s32 v35  }
0x3d: {  	v44 =	vimm.s32 $0x36353433;
	[tilespmem:$0x1FD30] =	vst v43;
	v48 =	vunpack.c.0.s8.s32 v46  }
0x3e: {  	v51 =	vimm.s32 $0x3B3A3938;
	[tilespmem:$0x1FD10] =	vst v0;
	v0 =	vunpack.c.0.s8.s32 v44  }
0x3f: {  	s2 =	rddreg [dreg:$0x0];
	v49 =	vimm.s32 $0x33323130;
	[tilespmem:$0x1FD60] =	vst v48;
	v54 =	vunpack.c.0.s8.s32 v51  }
0x40: {  	s0 =	rddreg [dreg:$0x1];
	[tilespmem:$0x1FD40] =	vst v0;
	v0 =	vunpack.c.0.s8.s32 v49  }
0x41: {  	vm0 =	vcmask $0x1F10;
	s1 =	rddreg [dreg:$0x2];
	s5 =	simm.s32 $0x0;
	[tilespmem:$0x1FD90] =	vst v54  }
0x42: {  	[smem:$0x7FF] =	sst s5;
	v55 =	vsel vm0, v4, v3;
	[tilespmem:$0x1FD70] =	vst v0  }
0x43: {  	s3 =	rddreg [dreg:$0x3];
	v56 =	vsel vm0, v6, v5;
	_ =	strace $0x80000047;
	[tilespmem:$0x1FDE0] =	vst v55  }
0x44: {  	[tilespmem:$0x1FDF0] =	vst v56  }
0x45: {  	[tilespmem:$0x1FE00] =	vst v7  }
0x46: {  	[tilespmem:$0x1FE10] =	vst v8  }
0x47: {  	[tilespmem:$0x1FE20] =	vst v9  }
0x48: {  	[tilespmem:$0x1FE30] =	vst v10  }
0x49: {  	[tilespmem:$0x1FE40] =	vst v11  }
0x4a: {  	[tilespmem:$0x1FE50] =	vst v12  }
0x4b: {  	[tilespmem:$0x1FE60] =	vst v13  }
0x4c: {  	v57 =	vsel vm0, v8, v7;
	[tilespmem:$0x1FE70] =	vst v14  }
0x4d: {  	v58 =	vsel vm0, v10, v9;
	[tilespmem:$0x1FE80] =	vst v57  }
0x4e: {  	v38 =	vlaneseq.u32;
	v62 =	vsel vm0, v12, v11;
	[tilespmem:$0x1FE90] =	vst v58  }
0x4f: {  	v22 =	vmul.u32 $0x40, v38;
	v63 =	vsel vm0, v14, v13;
	[tilespmem:$0x1FEA0] =	vst v62  }
0x50: {  	[tilespmem:$0x1FEB0] =	vst v63  }
0x51: {  	[tilespmem:$0x1FEC0] =	vst v22  }
0x52: {  	v25 =	vcombine.low v56, v55;
	[tilespmem:$0x1FED0] =	vst v21  }
0x53: {  	[tilespmem:$0x1FEE0] =	vst v23  }
0x54: {  	v27 =	vor.u32 $0x10, v38;
	v28 =	vcombine.low v58, v57;
	[tilespmem:$0x1FEF0] =	vst v25  }
0x55: {  	v32 =	vcombine.low v63, v62;
	[tilespmem:$0x1FF00] =	vst v27  }
0x56: {  	[tilespmem:$0x1FF10] =	vst v28  }
0x57: {  	[tilespmem:$0x1FF20] =	vst v32  }
0x58: {  	[tilespmem:$0x1FF30] =	vst v61  }
0x59: {  	[tilespmem:$0x1FF40] =	vst v53  }
0x5a: {  	[tilespmem:$0x1FF50] =	vst v37  }
0x5b: {  	s6 =	srdreg.scid;
	[tilespmem:$0x1FF60] =	vst v26  }
0x5c: {  	s4 =	stileid.u32;
	s11 =	simm.s32 $0xCB20;
	s12 =	simm.s32 $0x3;
	[tilespmem:$0x1FF70] =	vst v15  }
0x5d: {  	s13 =	simm.s32 $0xCB60;
	s14 =	simm.s32 $0x60;
	s15 =	simm.s32 $0x320;
	[tilespmem:$0x1FF80] =	vst v17  }
0x5e: {  	s16 =	simm.s32 $0x68;
	s17 =	simm.s32 $0x1B20;
	s18 =	simm.s32 $0xC8;
	[tilespmem:$0x1FF90] =	vst v36  }
0x5f: {  	s19 =	simm.s32 $0x3520;
	s20 =	simm.s32 $0x128;
	s21 =	simm.s32 $0x4D20;
	[tilespmem:$0x1FFA0] =	vst v39  }
0x60: {  	s22 =	simm.s32 $0x1;
	s6 =	sand.u32 $0x1, s6;
	s7 =	sshll.u32 s4, $0x1;
	[tilespmem:$0x1FFB0] =	vst v18  }
0x61: {  	s23 =	simm.s32 $0x2;
	s8 =	sor.u32 s6, s7;
	s9 =	ssub.s32 $0x2, s6;
	[tilespmem:$0x1FFC0] =	vst v19  }
0x62: {  	s24 =	simm.s32 $0x0;
	s10 =	smul.u32 $0xC80, s8;
	s31 =	sshrl.u32 s9, $0x1;
	[tilespmem:$0x1FFD0] =	vst v20  }
0x63: {  	s6 =	sadd.s32 $0xA00, s2;
	s7 =	sadd.s32 $0xF42E00, s2;
	s2 =	ssub.s32 s9, s31;
	[tilespmem:$0x1FFE0] =	vst v60  }
0x64: {  	s8 =	sshll.u32 s8, $0x7;
	s9 =	sadd.s32 s6, s10;
	s10 =	smax.u32 s2, $0x1;
	[tilespmem:$0x1FFF0] =	vst v59  }
.LBB2_1:
0x65: {  	[tilespmem:s11], [sflag:$0x3] =	stream.linear.gather [hbm4b:s0+s5], $0x40, $0x38;
	[tilespmem:$0xCBA0] =	vst v63  }
0x66: {  	_ =	swait.ge [sflag:s12], $0x40  }
0x67: {  	[sflag:s12] =	ssyncset.done $0x0  }
0x68: {  	[sflag:s12] =	ssyncadd.s32 $0xFFFFFFC0  }
0x69: {  	[tilespmem:s13], [sflag:$0x3] =	stream.linear.gather [hbm4b:s1+s5], $0x40, $0x38;
	[tilespmem:$0xCBA0] =	vst v63  }
0x6a: {  	_ =	swait.ge [sflag:s12], $0x40  }
0x6b: {  	[sflag:s12] =	ssyncset.done $0x0  }
0x6c: {  	[sflag:s12] =	ssyncadd.s32 $0xFFFFFFC0  }
0x6d: {  	v0 =	vld [tilespmem:$0xCB20]  }
0x6e: {  	v1 =	vld [tilespmem:$0xCB30]  }
0x6f: {  	v2 =	vld [tilespmem:$0xCB40]  }
0x70: {  	v3 =	vld [tilespmem:$0xCB50]  }
0x71: {  	v44 =	vld [tilespmem:$0xCB60]  }
0x72: {  	v4 =	vld [tilespmem:$0xCB70]  }
0x73: {  	v5 =	vld [tilespmem:$0xCB80]  }
0x74: {  	v6 =	vld [tilespmem:$0xCB90];
	[tilespmem:s5], [sflag:$0x3] =	stream.linear.gather [hbm4b:s9+s5], $0x190, $0x38  }
0x75: {  	_ =	swait.ge [sflag:s12], $0x190  }
0x76: {  	[sflag:s12] =	ssyncset.done $0x0  }
0x77: {  	[sflag:s12] =	ssyncadd.s32 $0xFFFFFE70  }
0x78: {  	[tilespmem:s15], [sflag:$0x1] =	stream.indirect.gather [hbm4b:s7+s14], $0x40, s5, s14, $0xb8;
	[tilespmem:$0xCBA0] =	vst v63  }
0x79: {  	[tilespmem:$0x1FAE0] =	vst v0  }
0x7a: {  	[tilespmem:$0x1FAF0] =	vst v1  }
0x7b: {  	[tilespmem:$0x1FB00] =	vst v2  }
0x7c: {  	[tilespmem:$0x1FB10] =	vst v3  }
0x7d: {  	[tilespmem:$0x1FB20] =	vst v44  }
0x7e: {  	[tilespmem:$0x1FB30] =	vst v4  }
0x7f: {  	[tilespmem:s17], [sflag:$0x1] =	stream.indirect.gather [hbm4b:s7+s16], $0x40, s14, s16, $0xb8;
	[tilespmem:$0xCBA0] =	vst v63  }
0x80: {  	[tilespmem:$0x1FB40] =	vst v5  }
0x81: {  	[tilespmem:s19], [sflag:$0x1] =	stream.indirect.gather [hbm4b:s7+s14], $0x40, s18, s14, $0xb8;
	[tilespmem:$0xCBA0] =	vst v63  }
0x82: {  	s25 =	simm.s32 $0x0;
	[tilespmem:$0x1FB50] =	vst v6  }
0x83: {  	[tilespmem:s21], [sflag:$0x1] =	stream.indirect.gather [hbm4b:s7+s16], $0x40, s20, s16, $0xb8;
	[tilespmem:$0xCBA0] =	vst v63  }
.LBB2_2:
0x84: {  	_ =	swait.ge [sflag:s22], $0x1800  }
0x85: {  	[sflag:s22] =	ssyncset.done $0x0  }
0x86: {  	[sflag:s22] =	ssyncadd.s32 $0xFFFFE800  }
0x87: {  	_ =	swait.ge [sflag:s22], $0x1A00  }
0x88: {  	[sflag:s22] =	ssyncset.done $0x0  }
0x89: {  	[sflag:s22] =	ssyncadd.s32 $0xFFFFE600  }
0x8a: {  	_ =	swait.ge [sflag:s22], $0x1800  }
0x8b: {  	[sflag:s22] =	ssyncset.done $0x0  }
0x8c: {  	[sflag:s22] =	ssyncadd.s32 $0xFFFFE800  }
0x8d: {  	_ =	swait.ge [sflag:s22], $0x1A00  }
0x8e: {  	p0 =	seq.s32 s25, $0x0;
	[sflag:s22] =	ssyncset.done $0x0  }
0x8f: {  	s2 =	simm.s32 @!p0 $0x2;
	[sflag:s22] =	ssyncadd.s32 $0xFFFFE600  }
0x90: {  	_ =	swait.ge @!p0 [sflag:s2], $0x3200  }
0x91: {  	p1 =	seq.s32 @!p0 s25, $0x3F;
	[sflag:s2] =	ssyncset.done @!p0 $0x0  }
0x92: {  	s26 =	sadd.s32 $0x1, s25;
	p1 =	por p0, !p1;
	[sflag:s2] =	ssyncadd.s32 @!p0 $0xFFFFCE00  }
0x93: {  	s28 =	sshll.u32 @p1 s26, $0x1;
	_ =	swait.ge @!p0 [sflag:s2], $0x3200  }
0x94: {  	s28 =	sadd.s32 @p1 s8, s28;
	[sflag:s2] =	ssyncset.done @!p0 $0x0  }
0x95: {  	s28 =	smul.u32 @p1 $0x19, s28;
	[sflag:s2] =	ssyncadd.s32 @!p0 $0xFFFFCE00;
	s2 =	sand.u32 @p1 $0x1, s26  }
0x96: {  	s29 =	smul.u32 @p1 $0x640, s2;
	_ =	sdelay $0x1  }
0x97: {  	s28 =	sadd.s32 @p1 s6, s28;
	s29 =	sshrl.u32 @p1 s29, $0x2  }
0x98: {  	[tilespmem:s29], [sflag:$0x3] =	stream.linear.gather @p1 [hbm4b:s28+s5], $0x190, $0x38;
	[tilespmem:$0xCBA0] =	vst v63  }
0x99: {  	_ =	swait.ge @p1 [sflag:s12], $0x190  }
0x9a: {  	v11 =	vld [tilespmem:$0x1FCA0]  }
0x9b: {  	v10 =	vld [tilespmem:$0x1FCB0]  }
0x9c: {  	v9 =	vld [tilespmem:$0x1FD70]  }
0x9d: {  	v14 =	vld [tilespmem:$0x1FD80]  }
0x9e: {  	v8 =	vld [tilespmem:$0x1FD60]  }
0x9f: {  	v15 =	vld [tilespmem:$0x1FD90]  }
0xa0: {  	v12 =	vld [tilespmem:$0x1FCC0]  }
0xa1: {  	v13 =	vld [tilespmem:$0x1FCD0]  }
0xa2: {  	v4 =	vld [tilespmem:$0x1FCE0]  }
0xa3: {  	v5 =	vld [tilespmem:$0x1FCF0]  }
0xa4: {  	v6 =	vld [tilespmem:$0x1FD00]  }
0xa5: {  	v62 =	vld [tilespmem:$0x1FD10]  }
0xa6: {  	v63 =	vld [tilespmem:$0x1FD20]  }
0xa7: {  	v7 =	vld [tilespmem:$0x1FD30]  }
0xa8: {  	v16 =	vld [tilespmem:$0x1FD40]  }
0xa9: {  	v33 =	vld [tilespmem:$0x1FD50]  }
0xaa: {  	v56 =	vld [tilespmem:$0x1FC70]  }
0xab: {  	v57 =	vld [tilespmem:$0x1FC80]  }
0xac: {  	v47 =	vld [tilespmem:$0x1FBA0]  }
0xad: {  	v45 =	vld [tilespmem:$0x1FBB0]  }
0xae: {  	s2 =	smul.u32 @p1 $0x19000, s2;
	v44 =	vld [tilespmem:$0x1FBC0]  }
0xaf: {  	v30 =	vmov v19;
	v19 =	vld [tilespmem:$0x1FDE0]  }
0xb0: {  	v31 =	vmov v20;
	s2 =	sshrl.u32 @p1 s2, $0x2;
	[sflag:s12] =	ssyncset.done @p1 $0x0;
	v20 =	vld [tilespmem:$0x1FDF0]  }
0xb1: {  	s28 =	sor.u32 @p1 $0x320, s2;
	v46 =	vld [tilespmem:$0x1FBD0];
	[sflag:s12] =	ssyncadd.s32 @p1 $0xFFFFFE70  }
0xb2: {  	v55 =	vld [tilespmem:$0x1FC60];
	[tilespmem:s28], [sflag:$0x1] =	stream.indirect.gather @p1 [hbm4b:s7+s14], $0x40, s29, s14, $0xb8  }
0xb3: {  	s30 =	sadd.s32 @p1 $0x60, s29;
	v58 =	vld [tilespmem:$0x1FC90];
	s28 =	sadd.s32 @p1 $0x1B20, s2  }
0xb4: {  	v52 =	vld [tilespmem:$0x1FBE0];
	[tilespmem:s28], [sflag:$0x1] =	stream.indirect.gather @p1 [hbm4b:s7+s16], $0x40, s30, s16, $0xb8  }
0xb5: {  	v49 =	vld [tilespmem:$0x1FBF0];
	s28 =	sadd.s32 @p1 $0x3520, s2;
	s30 =	sadd.s32 @p1 $0xC8, s29;
	v4 =	vsel vm0, v5, v4;
	v5 =	vsel vm0, v62, v6;
	v62 =	vcombine.low v19, v20  }
0xb6: {  	v48 =	vld [tilespmem:$0x1FC00];
	v0 =	vsel vm0, v14, v9;
	v2 =	vsel vm0, v8, v15;
	[tilespmem:s28], [sflag:$0x1] =	stream.indirect.gather @p1 [hbm4b:s7+s14], $0x40, s30, s14, $0xb8  }
0xb7: {  	v24 =	vld [tilespmem:$0x1FE90];
	s2 =	sadd.s32 @p1 $0x4D20, s2;
	v1 =	vsel vm0, v10, v11;
	v3 =	vsel vm0, v13, v12;
	s28 =	sadd.s32 @p1 $0x128, s29;
	v0 =	vcombine.low v2, v0;
	[tilespmem:$0x1F1D0] =	vst v62  }
0xb8: {  	v29 =	vmov v18;
	v20 =	vld [tilespmem:$0x1FE80];
	v35 =	vcombine.low v1, v3;
	[tilespmem:s2], [sflag:$0x1] =	stream.indirect.gather @p1 [hbm4b:s7+s16], $0x40, s28, s16, $0xb8  }
0xb9: {  	v50 =	vld [tilespmem:$0x1FC10];
	v6 =	vsel vm0, v7, v63;
	v7 =	vsel vm0, v33, v16;
	v40 =	vcombine.low v4, v5;
	[tilespmem:$0x1F930] =	vst v0  }
0xba: {  	v18 =	vld [tilespmem:$0x1FC20];
	v8 =	vsel vm0, v9, v8;
	v9 =	vsel vm0, v15, v14;
	v42 =	vcombine.low v6, v7;
	[tilespmem:$0x1F960] =	vst v35  }
0xbb: {  	v51 =	vld [tilespmem:$0x1FC40];
	v43 =	vcombine.low v8, v9;
	[tilespmem:$0x1F980] =	vst v40  }
0xbc: {  	v26 =	vld [tilespmem:$0x1FEB0];
	v10 =	vsel vm0, v12, v10;
	v11 =	vsel vm0, v11, v13;
	v1 =	vcombine.low v3, v1;
	s2 =	simm.s32 $0x0;
	[tilespmem:$0x1F9B0] =	vst v42  }
0xbd: {  	v63 =	vld [tilespmem:$0x1FC30];
	[tilespmem:$0x1F9D0] =	vst v43;
	v35 =	vcombine.low v7, v6;
	v41 =	vcombine.low v20, v24;
	v20 =	vmov s2  }
0xbe: {  	[tilespmem:$0x1FA40] =	vst v1;
	v40 =	vcombine.low v11, v10;
	v42 =	vld [tilespmem:$0x1FB60];
	v34 =	vshll.u32 v20, $0x6  }
0xbf: {  	v24 =	vld [tilespmem:$0x1FEA0];
	[tilespmem:$0x1FA60] =	vst v35;
	v20 =	vcombine.low v10, v11;
	v0 =	vor.u32 v22, v34  }
0xc0: {  	v12 =	vsel vm0, v57, v56;
	[tilespmem:$0x1FA80] =	vst v40;
	v33 =	vor.u32 v38, v0;
	v38 =	vld [tilespmem:$0x1FB70]  }
0xc1: {  	v13 =	vsel vm0, v45, v47;
	v15 =	vsel vm0, v55, v58;
	v34 =	vcombine.low v5, v4;
	[tilespmem:$0x1F9F0] =	vst v20;
	v20 =	vld [tilespmem:$0x1FB80]  }
0xc2: {  	v19 =	vld [tilespmem:$0x1FC50];
	[tilespmem:$0x1F1E0] =	vst v41;
	v2 =	vor.u32 v59, v0;
	v3 =	vor.u32 v36, v0;
	v36 =	vcombine.low v9, v8  }
0xc3: {  	v14 =	vsel vm0, v46, v44;
	v16 =	vsel vm0, v49, v52;
	v43 =	vld [tilespmem:$0x1FB90];
	s2 =	sand.u32 $0x1, s25;
	v59 =	vcombine.low v15, v12;
	[tilespmem:$0x1FA50] =	vst v34  }
0xc4: {  	v17 =	vsel vm0, v50, v48;
	s28 =	simm.s32 $0x6400;
	v18 =	vsel vm0, v63, v18;
	p0 =	seq.s32 s2, $0x1;
	v54 =	vcombine.low v24, v26;
	[tilespmem:$0x1FA70] =	vst v36  }
0xc5: {  	v35 =	vcombine.low v13, v14;
	s28 =	simm.s32 @!p0 $0x0;
	v12 =	vor.u32 v60, v0;
	v15 =	vld [tilespmem:$0x1FDB0];
	v60 =	vmov v22;
	[tilespmem:$0x1F7E0] =	vst v59  }
0xc6: {  	s29 =	sor.u32 $0x320, s28;
	v22 =	vld [tilespmem:$0x1FDD0];
	[tilespmem:$0x1F1F0] =	vst v54;
	v4 =	vsel vm0, v20, v38;
	v8 =	vsel vm0, v38, v42;
	v38 =	vcombine.low v16, v17  }
0xc7: {  	v19 =	vsel vm0, v19, v51;
	v5 =	vor.u32 v39, v0;
	v36 =	vld.idx.msk [tilespmem:v2+s29+$0x0], $0xffff;
	[tilespmem:$0x1F810] =	vst v35  }
0xc8: {  	v6 =	vsel vm0, v42, v43;
	v11 =	vsel vm0, v43, v20;
	v43 =	vcombine.low v18, v19;
	v20 =	vld [tilespmem:$0x1FDC0];
	[tilespmem:$0x1F840] =	vst v38  }
0xc9: {  	v33 =	vld.idx.msk [tilespmem:v33+s29+$0x0], $0xffff  }
0xca: {  	v7 =	vor.u32 v29, v0;
	[tilespmem:$0x1F880] =	vst v43;
	v43 =	vcombine.low v14, v13;
	v13 =	vld [tilespmem:$0x1FE10]  }
0xcb: {  	v14 =	vld [tilespmem:$0x1FE20]  }
0xcc: {  	v3 =	vld.idx.msk [tilespmem:v3+s29+$0x0], $0xffff  }
0xcd: {  	v5 =	vld.idx.msk [tilespmem:v5+s29+$0x0], $0xffff  }
0xce: {  	v15 =	vsel vm0, v20, v15;
	v20 =	vld [tilespmem:$0x1FDA0];
	[tilespmem:$0x1F250] =	vst v43  }
0xcf: {  	v35 =	vld.idx.msk [tilespmem:v7+s29+$0x0], $0xffff  }
0xd0: {  	v42 =	vcombine.low v17, v16;
	v17 =	vld [tilespmem:$0x1FE00]  }
0xd1: {  	v13 =	vsel vm0, v14, v13;
	v14 =	vor.u32 v61, v0;
	v61 =	vcombine.low v19, v18;
	v18 =	vld [tilespmem:$0x1FE30];
	_ =	sdelay $0x2  }
0xd2: {  	v9 =	vor.u32 v30, v0;
	v24 =	vld [tilespmem:$0x1FE70]  }
0xd3: {  	v39 =	vor.u32 v31, v0;
	v19 =	vld [tilespmem:$0x1FE60]  }
0xd4: {  	v17 =	vsel vm0, v17, v18;
	v18 =	vld [tilespmem:$0x1FE50]  }
0xd5: {  	v16 =	vor.u32 v53, v0;
	[tilespmem:$0x1F260] =	vst v42;
	v53 =	vld [tilespmem:$0x1FF60]  }
0xd6: {  	v20 =	vsel vm0, v20, v22;
	[tilespmem:$0x1F270] =	vst v61;
	v22 =	vld [tilespmem:$0x1FE40]  }
0xd7: {  	v21 =	vor.u32 v21, v0;
	v7 =	vcombine.low v6, v4;
	v9 =	vld.idx.msk [tilespmem:v9+s29+$0x0], $0xffff  }
0xd8: {  	v10 =	vld.idx.msk [tilespmem:v39+s29+$0x0], $0xffff;
	v38 =	vcombine.low v15, v20  }
0xd9: {  	[tilespmem:$0x1F1C0] =	vst v7;
	v18 =	vsel vm0, v19, v18;
	v19 =	vor.u32 v37, v0;
	v37 =	vcombine.low v8, v11  }
0xda: {  	v6 =	vor.u32 v53, v0;
	v34 =	vld.idx.msk [tilespmem:v12+s29+$0x0], $0xffff;
	[tilespmem:$0x1F210] =	vst v38;
	v53 =	vcombine.low v13, v17  }
0xdb: {  	v29 =	vcombine.low v11, v8;
	v4 =	vld [tilespmem:$0x1FF70];
	v22 =	vsel vm0, v22, v24;
	[tilespmem:$0x1F200] =	vst v37  }
0xdc: {  	v39 =	vcombine.low v18, v22;
	v12 =	vld.idx.msk [tilespmem:v21+s29+$0x0], $0xffff;
	[tilespmem:$0x1F220] =	vst v53  }
0xdd: {  	v26 =	vlaneseq.u32;
	v1 =	vcombine.low v20, v15;
	[tilespmem:$0x1F180] =	vst v29  }
0xde: {  	v62 =	vor.u32 v62, v0;
	v40 =	vor.u32 $0x20, v26;
	v8 =	vld.idx.msk [tilespmem:v14+s29+$0x0], $0xffff;
	[tilespmem:$0x1F230] =	vst v39  }
0xdf: {  	v15 =	vor.u32 v23, v0;
	v23 =	vor.u32 v28, v0;
	v2 =	vcombine.low v17, v13;
	v11 =	vld [tilespmem:$0x1FF80];
	[tilespmem:$0x1F190] =	vst v1  }
0xe0: {  	v21 =	vor.u32 v4, v0;
	v4 =	vcombine.low v22, v18;
	v14 =	vld.idx.msk [tilespmem:v16+s29+$0x0], $0xffff;
	[tilespmem:$0x1F240] =	vst v40  }
0xe1: {  	v26 =	vor.u32 v32, v0;
	v28 =	vmul.f32 v36, v36;
	v17 =	vmul.f32 v33, v33;
	[tilespmem:$0x1F1A0] =	vst v2  }
0xe2: {  	v20 =	vmul.f32 v5, v5;
	v5 =	vadd.f32 $0.0e+00, v5;
	v24 =	vmul.f32 v9, v9;
	[tilespmem:$0x1F1B0] =	vst v4  }
0xe3: {  	v17 =	vadd.f32 v28, v17;
	v9 =	vadd.f32 $0.0e+00, v9;
	v18 =	vmul.f32 v3, v3;
	v13 =	vld.idx.msk [tilespmem:v19+s29+$0x0], $0xffff  }
0xe4: {  	v22 =	vmul.f32 v35, v35;
	v29 =	vor.u32 v29, v0;
	v3 =	vadd.f32 $0.0e+00, v3;
	v6 =	vld.idx.msk [tilespmem:v6+s29+$0x0], $0xffff  }
0xe5: {  	v11 =	vor.u32 v11, v0;
	v16 =	vor.u32 v27, v0;
	v27 =	vmul.f32 v34, v34;
	v23 =	vld.idx.msk [tilespmem:v23+s29+$0x0], $0xffff  }
0xe6: {  	v19 =	vor.u32 v25, v0;
	v25 =	vmul.f32 v10, v10;
	v15 =	vld.idx.msk [tilespmem:v15+s29+$0x0], $0xffff;
	v10 =	vadd.f32 $0.0e+00, v10  }
0xe7: {  	v21 =	vld.idx.msk [tilespmem:v21+s29+$0x0], $0xffff;
	v30 =	vmul.f32 v8, v8;
	v3 =	vadd.f32 v8, v3;
	v31 =	vmul.f32 v14, v14  }
0xe8: {  	v26 =	vld.idx.msk [tilespmem:v26+s29+$0x0], $0xffff;
	v5 =	vadd.f32 v14, v5;
	v14 =	vor.u32 v41, v0;
	v32 =	vmul.f32 v13, v13  }
0xe9: {  	v28 =	vmul.f32 v6, v6;
	v18 =	vadd.f32 v30, v18;
	v6 =	vadd.f32 v6, v9  }
0xea: {  	v11 =	vld.idx.msk [tilespmem:v11+s29+$0x0], $0xffff;
	v41 =	vmul.f32 v23, v23;
	v20 =	vadd.f32 v31, v20;
	v31 =	vmul.f32 v12, v12  }
0xeb: {  	v12 =	vadd.f32 $0.0e+00, v12;
	v5 =	vadd.f32 v23, v5;
	v23 =	vor.u32 v53, v0  }
0xec: {  	v30 =	vmul.f32 v21, v21;
	v22 =	vadd.f32 v32, v22;
	v24 =	vadd.f32 v28, v24  }
0xed: {  	v28 =	vmul.f32 v15, v15;
	v12 =	vadd.f32 v15, v12;
	v15 =	vmul.f32 v26, v26  }
0xee: {  	v19 =	vld.idx.msk [tilespmem:v19+s29+$0x0], $0xffff;
	v25 =	vadd.f32 v30, v25;
	v30 =	vor.u32 v1, v0;
	v1 =	vadd.f32 $0.0e+00, v33  }
0xef: {  	v29 =	vld.idx.msk [tilespmem:v29+s29+$0x0], $0xffff;
	v32 =	vmul.f32 v11, v11;
	v28 =	vadd.f32 v28, v31;
	v31 =	vor.u32 v4, v0  }
0xf0: {  	v16 =	vld.idx.msk [tilespmem:v16+s29+$0x0], $0xffff;
	v33 =	vor.u32 v7, v0;
	v1 =	vadd.f32 v36, v1;
	v36 =	vadd.f32 $0.0e+00, v35  }
0xf1: {  	v15 =	vadd.f32 v15, v22;
	v22 =	vsel vm0, v56, v55;
	v55 =	vld [tilespmem:$0x1FC50];
	v27 =	vadd.f32 v32, v27  }
0xf2: {  	v32 =	vor.u32 v2, v0;
	v7 =	vadd.f32 v13, v36;
	v13 =	vor.u32 v54, v0;
	v54 =	vld [tilespmem:$0x1FC20]  }
0xf3: {  	v10 =	vadd.f32 v21, v10;
	v21 =	vmul.f32 v19, v19;
	v2 =	vadd.f32 $0.0e+00, v34;
	v30 =	vld.idx.msk [tilespmem:v30+s29+$0x0], $0xffff  }
0xf4: {  	v6 =	vadd.f32 v29, v6;
	v3 =	vadd.f32 v19, v3;
	v19 =	vsel vm0, v47, v46;
	v31 =	vld.idx.msk [tilespmem:v31+s29+$0x0], $0xffff  }
0xf5: {  	v18 =	vadd.f32 v21, v18;
	v36 =	vmul.f32 v16, v16;
	v4 =	vadd.f32 v11, v2;
	v2 =	vld.idx.msk [tilespmem:v33+s29+$0x0], $0xffff  }
0xf6: {  	v8 =	vld.idx.msk [tilespmem:v62+s29+$0x0], $0xffff;
	v34 =	vor.u32 v42, v0;
	v11 =	vadd.f32 v41, v20;
	v1 =	vadd.f32 v16, v1  }
0xf7: {  	v16 =	vor.u32 v38, v0;
	v9 =	vadd.f32 v36, v17;
	v17 =	vmul.f32 v29, v29;
	v32 =	vld.idx.msk [tilespmem:v32+s29+$0x0], $0xffff  }
0xf8: {  	v33 =	vsel vm0, v51, v63;
	v7 =	vadd.f32 v26, v7;
	v26 =	vor.u32 v39, v0  }
0xf9: {  	v17 =	vadd.f32 v17, v24;
	v35 =	vsel vm0, v54, v55;
	v21 =	vmul.f32 v30, v30  }
0xfa: {  	v24 =	vmul.f32 v31, v31;
	v29 =	vmul.f32 v2, v2;
	v10 =	vadd.f32 v30, v10  }
0xfb: {  	v13 =	vld.idx.msk [tilespmem:v13+s29+$0x0], $0xffff;
	v30 =	vmul.f32 v8, v8;
	v12 =	vadd.f32 v31, v12;
	v31 =	vsel vm0, v48, v49  }
0xfc: {  	v20 =	vmul.f32 v32, v32;
	v24 =	vadd.f32 v24, v28;
	v28 =	vor.u32 v37, v0  }
0xfd: {  	v14 =	vld.idx.msk [tilespmem:v14+s29+$0x0], $0xffff;
	v21 =	vadd.f32 v21, v25;
	v25 =	vsel vm0, v58, v57;
	v4 =	vadd.f32 v32, v4  }
0xfe: {  	v23 =	vld.idx.msk [tilespmem:v23+s29+$0x0], $0xffff;
	v9 =	vadd.f32 v29, v9;
	v18 =	vadd.f32 v30, v18;
	v30 =	vor.u32 v40, v0  }
0xff: {  	v16 =	vld.idx.msk [tilespmem:v16+s29+$0x0], $0xffff;
	v53 =	vcombine.low v25, v22;
	v20 =	vadd.f32 v20, v27;
	v27 =	vsel vm0, v44, v45  }
0x100: {  	v26 =	vld.idx.msk [tilespmem:v26+s29+$0x0], $0xffff;
	v32 =	vsel vm0, v52, v50;
	v29 =	vmul.f32 v13, v13;
	v56 =	vcombine.low v19, v27  }
0x101: {  	v57 =	vor.u32 v61, v0;
	v58 =	vcombine.low v32, v31;
	v28 =	vld.idx.msk [tilespmem:v28+s29+$0x0], $0xffff;
	[tilespmem:$0x1F280] =	vst v53  }
0x102: {  	v61 =	vcombine.low v35, v33;
	v15 =	vadd.f32 v29, v15;
	v29 =	vor.u32 v43, v0;
	[tilespmem:$0x1F2B0] =	vst v56  }
0x103: {  	[tilespmem:$0x1F2C0] =	vst v58  }
0x104: {  	v62 =	vor.u32 v53, v0;
	[tilespmem:$0x1F2E0] =	vst v61  }
0x105: {  	v53 =	vcombine.low v22, v25;
	v30 =	vld.idx.msk [tilespmem:v30+s29+$0x0], $0xffff  }
0x106: {  	v54 =	vcombine.low v27, v19;
	v43 =	vmul.f32 v26, v26;
	v63 =	vor.u32 v56, v0;
	v34 =	vld.idx.msk [tilespmem:v34+s29+$0x0], $0xffff  }
0x107: {  	v1 =	vadd.f32 v2, v1;
	v52 =	vor.u32 v61, v0;
	v29 =	vld.idx.msk [tilespmem:v29+s29+$0x0], $0xffff;
	[tilespmem:$0x1F8B0] =	vst v53  }
0x108: {  	v32 =	vcombine.low v31, v32;
	v22 =	vadd.f32 v43, v24;
	v24 =	vld.idx.msk [tilespmem:v57+s29+$0x0], $0xffff;
	[tilespmem:$0x1F8E0] =	vst v54  }
0x109: {  	v33 =	vcombine.low v33, v35;
	v40 =	vmul.f32 v16, v16;
	v10 =	vadd.f32 v16, v10;
	v56 =	vld.idx.msk [tilespmem:v62+s29+$0x0], $0xffff  }
0x10a: {  	v41 =	vor.u32 v58, v0;
	[tilespmem:$0x1F910] =	vst v32;
	v16 =	vmul.f32 v30, v30;
	v1 =	vadd.f32 v30, v1;
	v30 =	vld [tilespmem:$0x1FD00]  }
0x10b: {  	v55 =	vadd.f32 v8, v3;
	v57 =	vld.idx.msk [tilespmem:v63+s29+$0x0], $0xffff;
	[tilespmem:$0x1F950] =	vst v33  }
0x10c: {  	v47 =	vmul.f32 v14, v14;
	v5 =	vadd.f32 v14, v5;
	v42 =	vmul.f32 v23, v23;
	v14 =	vld.idx.msk [tilespmem:v52+s29+$0x0], $0xffff  }
0x10d: {  	v4 =	vadd.f32 v23, v4;
	v23 =	vmul.f32 v29, v29;
	v2 =	vadd.f32 v29, v55;
	v29 =	vld [tilespmem:$0x1FCF0]  }
0x10e: {  	v27 =	vld [tilespmem:$0x1F880]  }
0x10f: {  	v7 =	vadd.f32 v13, v7;
	v13 =	vld.idx.msk [tilespmem:v41+s29+$0x0], $0xffff  }
0x110: {  	v9 =	vadd.f32 v16, v9;
	v16 =	vld [tilespmem:$0x1F810]  }
0x111: {  	v18 =	vadd.f32 v23, v18;
	v23 =	vld [tilespmem:$0x1F840];
	v31 =	vmul.f32 v14, v14  }
0x112: {  	v29 =	vsel vm0, v30, v29;
	v30 =	vld [tilespmem:$0x1FCE0]  }
0x113: {  	v19 =	vor.u32 v59, v0;
	v22 =	vadd.f32 v31, v22;
	v31 =	vld [tilespmem:$0x1FD10]  }
0x114: {  	v27 =	vor.u32 v27, v0  }
0x115: {  	v20 =	vadd.f32 v42, v20;
	v39 =	vmul.f32 v28, v28;
	v16 =	vor.u32 v16, v0  }
0x116: {  	v6 =	vadd.f32 v28, v6;
	v28 =	vmul.f32 v13, v13;
	v23 =	vor.u32 v23, v0  }
0x117: {  	v12 =	vadd.f32 v26, v12  }
0x118: {  	v19 =	vld.idx.msk [tilespmem:v19+s29+$0x0], $0xffff;
	v20 =	vadd.f32 v28, v20;
	v28 =	vor.u32 v32, v0;
	v30 =	vsel vm0, v30, v31  }
0x119: {  	v26 =	vmul.f32 v24, v24;
	v7 =	vadd.f32 v24, v7;
	v24 =	vld.idx.msk [tilespmem:v27+s29+$0x0], $0xffff;
	v58 =	vcombine.low v29, v30  }
0x11a: {  	v16 =	vld.idx.msk [tilespmem:v16+s29+$0x0], $0xffff;
	v59 =	vcombine.low v30, v29  }
0x11b: {  	v11 =	vadd.f32 v47, v11;
	v25 =	vmul.f32 v34, v34;
	v23 =	vld.idx.msk [tilespmem:v23+s29+$0x0], $0xffff;
	[tilespmem:$0x1FA10] =	vst v58  }
0x11c: {  	v17 =	vadd.f32 v39, v17;
	v29 =	vld [tilespmem:$0x1FD40];
	[tilespmem:$0x1FAA0] =	vst v59  }
0x11d: {  	v11 =	vadd.f32 v25, v11;
	v25 =	vmul.f32 v56, v56;
	v12 =	vadd.f32 v14, v12;
	v14 =	vld.idx.msk [tilespmem:v28+s29+$0x0], $0xffff  }
0x11e: {  	v21 =	vadd.f32 v40, v21;
	v15 =	vadd.f32 v26, v15;
	v26 =	vmul.f32 v57, v57;
	v28 =	vld [tilespmem:$0x1FD30]  }
0x11f: {  	v17 =	vadd.f32 v25, v17;
	v25 =	vor.u32 v53, v0  }
0x120: {  	v21 =	vadd.f32 v26, v21;
	v26 =	vor.u32 v54, v0  }
0x121: {  	v47 =	vld [tilespmem:$0x1FA80];
	v31 =	vor.u32 v33, v0  }
0x122: {  	v40 =	vlaneseq.u32;
	v30 =	vld [tilespmem:$0x1FD50]  }
0x123: {  	v27 =	vor.u32 $0x30, v40;
	v28 =	vsel vm0, v29, v28;
	v29 =	vld [tilespmem:$0x1FD20]  }
0x124: {  	v4 =	vadd.f32 v13, v4;
	v13 =	vmul.f32 v19, v19;
	v62 =	vld.idx.msk [tilespmem:v25+s29+$0x0], $0xffff;
	v25 =	vmul.f32 v16, v16  }
0x125: {  	v63 =	vld.idx.msk [tilespmem:v26+s29+$0x0], $0xffff;
	[tilespmem:$0x1F9A0] =	vst v27;
	v26 =	vmul.f32 v23, v23  }
0x126: {  	v9 =	vadd.f32 v13, v9;
	v13 =	vadd.f32 v25, v18;
	v18 =	vld.idx.msk [tilespmem:v31+s29+$0x0], $0xffff  }
0x127: {  	v25 =	vor.u32 v27, v0;
	v27 =	vmul.f32 v24, v24;
	v11 =	vadd.f32 v26, v11;
	v26 =	vld [tilespmem:$0x1FA40]  }
0x128: {  	v29 =	vsel vm0, v29, v30;
	v30 =	vld [tilespmem:$0x1FA50]  }
0x129: {  	v15 =	vadd.f32 v27, v15;
	v27 =	vld [tilespmem:$0x1FA60]  }
0x12a: {  	v5 =	vadd.f32 v34, v5;
	v31 =	vld [tilespmem:$0x1FA70]  }
0x12b: {  	v54 =	vld [tilespmem:$0x1F960]  }
0x12c: {  	v5 =	vadd.f32 v23, v5;
	v23 =	vld [tilespmem:$0x1F930];
	v26 =	vor.u32 v26, v0  }
0x12d: {  	v7 =	vadd.f32 v24, v7;
	v24 =	vld [tilespmem:$0x1F980];
	v44 =	vcombine.low v29, v28;
	v30 =	vor.u32 v30, v0  }
0x12e: {  	v49 =	vmul.f32 v18, v18;
	v12 =	vadd.f32 v18, v12;
	v18 =	vld [tilespmem:$0x1F9D0];
	v27 =	vor.u32 v27, v0  }
0x12f: {  	v31 =	vor.u32 v31, v0;
	v52 =	vcombine.low v28, v29;
	v29 =	vld [tilespmem:$0x1F9B0];
	[tilespmem:$0x1FAC0] =	vst v44  }
0x130: {  	v34 =	vor.u32 v47, v0;
	v3 =	vadd.f32 v56, v6;
	v25 =	vld.idx.msk [tilespmem:v25+s29+$0x0], $0xffff  }
0x131: {  	v61 =	vadd.f32 v57, v10;
	v1 =	vadd.f32 v19, v1;
	v50 =	vor.u32 v59, v0;
	v26 =	vld.idx.msk [tilespmem:v26+s29+$0x0], $0xffff  }
0x132: {  	v2 =	vadd.f32 v16, v2;
	v51 =	vor.u32 v44, v0;
	v30 =	vld.idx.msk [tilespmem:v30+s29+$0x0], $0xffff;
	[tilespmem:$0x1FA30] =	vst v52  }
0x133: {  	v45 =	vmul.f32 v62, v62;
	v46 =	vmul.f32 v63, v63;
	v23 =	vor.u32 v23, v0;
	v16 =	vld.idx.msk [tilespmem:v27+s29+$0x0], $0xffff  }
0x134: {  	v48 =	vmul.f32 v14, v14;
	v3 =	vadd.f32 v62, v3;
	v6 =	vadd.f32 v63, v61;
	v19 =	vld.idx.msk [tilespmem:v31+s29+$0x0], $0xffff  }
0x135: {  	v10 =	vor.u32 v54, v0;
	v4 =	vadd.f32 v14, v4;
	v17 =	vadd.f32 v45, v17;
	v53 =	vld.idx.msk [tilespmem:v34+s29+$0x0], $0xffff  }
0x136: {  	v21 =	vadd.f32 v46, v21;
	v20 =	vadd.f32 v48, v20;
	v24 =	vor.u32 v24, v0;
	v14 =	vld.idx.msk [tilespmem:v50+s29+$0x0], $0xffff  }
0x137: {  	v22 =	vadd.f32 v49, v22;
	v27 =	vmul.f32 v25, v25;
	v28 =	vld.idx.msk [tilespmem:v51+s29+$0x0], $0xffff;
	v31 =	vmul.f32 v26, v26  }
0x138: {  	v18 =	vor.u32 v18, v0;
	v1 =	vadd.f32 v25, v1;
	v2 =	vadd.f32 v26, v2;
	v23 =	vld.idx.msk [tilespmem:v23+s29+$0x0], $0xffff  }
0x139: {  	v29 =	vor.u32 v29, v0;
	v9 =	vadd.f32 v27, v9;
	v13 =	vadd.f32 v31, v13;
	v27 =	vld [tilespmem:$0x1F9F0]  }
0x13a: {  	v10 =	vld.idx.msk [tilespmem:v10+s29+$0x0], $0xffff;
	v31 =	vor.u32 v58, v0;
	v55 =	vmul.f32 v30, v30;
	v56 =	vmul.f32 v16, v16  }
0x13b: {  	v24 =	vld.idx.msk [tilespmem:v24+s29+$0x0], $0xffff;
	v5 =	vadd.f32 v30, v5;
	v57 =	vmul.f32 v19, v19;
	v34 =	vmul.f32 v53, v53  }
0x13c: {  	v58 =	vmul.f32 v14, v14;
	v7 =	vadd.f32 v16, v7;
	v3 =	vadd.f32 v19, v3  }
0x13d: {  	v59 =	vmul.f32 v28, v28;
	v6 =	vadd.f32 v53, v6;
	v4 =	vadd.f32 v14, v4  }
0x13e: {  	v29 =	vld.idx.msk [tilespmem:v29+s29+$0x0], $0xffff;
	v12 =	vadd.f32 v28, v12;
	v1 =	vadd.f32 v23, v1;
	v27 =	vor.u32 v27, v0  }
0x13f: {  	v18 =	vld.idx.msk [tilespmem:v18+s29+$0x0], $0xffff;
	v2 =	vadd.f32 v10, v2;
	v11 =	vadd.f32 v55, v11;
	v0 =	vor.u32 v52, v0  }
0x140: {  	v61 =	vmul.f32 v23, v23;
	v5 =	vadd.f32 v24, v5;
	v15 =	vadd.f32 v56, v15  }
0x141: {  	v16 =	vmul.f32 v10, v10;
	v17 =	vadd.f32 v57, v17;
	v21 =	vadd.f32 v34, v21  }
0x142: {  	v20 =	vadd.f32 v58, v20;
	v22 =	vadd.f32 v59, v22;
	v26 =	vld.idx.msk [tilespmem:v31+s29+$0x0], $0xffff  }
0x143: {  	v14 =	vmul.f32 v24, v24;
	v8 =	vadd.f32 v61, v9;
	v62 =	vadd.f32 v16, v13;
	v25 =	vld.idx.msk [tilespmem:v27+s29+$0x0], $0xffff  }
0x144: {  	v13 =	vmul.f32 v29, v29;
	v7 =	vadd.f32 v29, v7;
	v3 =	vadd.f32 v18, v3;
	v0 =	vld.idx.msk [tilespmem:v0+s29+$0x0], $0xffff  }
0x145: {  	v1 =	vadd.f32 v2, v1;
	v11 =	vadd.f32 v14, v11;
	v14 =	vmul.f32 v18, v18  }
0x146: {  	v13 =	vadd.f32 v13, v15;
	v8 =	vadd.f32 v62, v8  }
0x147: {  	v32 =	vadd.f32 v7, v5;
	v14 =	vadd.f32 v14, v17;
	v15 =	vmul.f32 v26, v26  }
0x148: {  	v63 =	vadd.f32 v13, v11;
	v4 =	vadd.f32 v26, v4  }
0x149: {  	v15 =	vadd.f32 v15, v20;
	v16 =	vmul.f32 v25, v25;
	v19 =	vmul.f32 v0, v0  }
0x14a: {  	v6 =	vadd.f32 v25, v6;
	v0 =	vadd.f32 v0, v12  }
0x14b: {  	v16 =	vadd.f32 v16, v21;
	v17 =	vadd.f32 v19, v22  }
0x14c: {  	v3 =	vadd.f32 v6, v3;
	v0 =	vadd.f32 v0, v4  }
0x14d: {  	v1 =	vadd.f32 v32, v1;
	v33 =	vadd.f32 v16, v14  }
0x14e: {  	v34 =	vadd.f32 v17, v15;
	v0 =	vadd.f32 v0, v3  }
0x14f: {  	s30 =	sadd.s32 $0x520, s28;
	v54 =	vld [tilespmem:$0x1FFF0];
	v35 =	vadd.f32 v63, v8  }
0x150: {  	v43 =	vld [tilespmem:s30+$0x1F0];
	v36 =	vadd.f32 v34, v33;
	v0 =	vadd.f32 v0, v1  }
0x151: {  	v57 =	vld [tilespmem:$0x1FF90]  }
0x152: {  	v12 =	vld [tilespmem:$0x1FFA0];
	v2 =	vadd.f32 v36, v35;
	v1 =	vmul.f32 $1.562500000e-02, v0  }
0x153: {  	s2 =	simm.s32 $0x10;
	v15 =	vld [tilespmem:$0x1FFC0]  }
0x154: {  	v42 =	vmov s2;
	v58 =	vld [tilespmem:$0x1FFD0];
	v37 =	vmul.f32 $1.562500000e-02, v2;
	v38 =	vmul.f32 v1, v1  }
0x155: {  	v59 =	vld [tilespmem:$0x1FFE0];
	v4 =	vshll.u32 v42, $0x6  }
0x156: {  	v18 =	vld [tilespmem:s30+$0xFFFFFE40];
	v11 =	vor.u32 v60, v4;
	v0 =	vsub.f32 v37, v38  }
0x157: {  	v14 =	vld [tilespmem:$0x1FFB0];
	v12 =	vor.u32 v12, v11  }
0x158: {  	v13 =	vld [tilespmem:s30+$0xFFFFFE50];
	v15 =	vor.u32 v15, v11;
	v0 =	vadd.f32 $9.999999740e-06, v0  }
0x159: {  	v8 =	vld [tilespmem:s30+$0xFFFFFE20];
	v7 =	vor.u32 v54, v11  }
0x15a: {  	v6 =	vld [tilespmem:s30+$0xFFFFFE00];
	v55 =	vor.u32 v40, v11;
	v39 =	vshra.s32 v0, $0x1;
	v0 =	vmul.f32 $5.000000000e-01, v0  }
0x15b: {  	v4 =	vld [tilespmem:s30+$0xFFFFFE10];
	v10 =	vor.u32 v57, v11;
	v2 =	vsub.s32 $0x5F3759DF, v39  }
0x15c: {  	v14 =	vor.u32 v14, v11;
	v49 =	vld.idx.msk [tilespmem:v12+s29+$0x0], $0xffff;
	v41 =	vmul.f32 v2, v0  }
0x15d: {  	v12 =	vld.idx.msk [tilespmem:v15+s29+$0x0], $0xffff  }
0x15e: {  	v57 =	vld.idx.msk [tilespmem:v7+s29+$0x0], $0xffff;
	v7 =	vor.u32 v58, v11;
	v3 =	vmul.f32 v2, v41  }
0x15f: {  	v62 =	vld.idx.msk [tilespmem:v55+s29+$0x0], $0xffff  }
0x160: {  	v56 =	vld.idx.msk [tilespmem:v10+s29+$0x0], $0xffff;
	v3 =	vsub.f32 $1.500000000e+00, v3  }
0x161: {  	v47 =	vld.idx.msk [tilespmem:v14+s29+$0x0], $0xffff  }
0x162: {  	v2 =	vmul.f32 v2, v3;
	v3 =	vld [tilespmem:s30+$0xFFFFFE30];
	[tilespmem:$0x1F150] =	vst v12  }
0x163: {  	v7 =	vld.idx.msk [tilespmem:v7+s29+$0x0], $0xffff  }
0x164: {  	v9 =	vor.u32 v59, v11;
	_ =	sdelay $0x3  }
0x165: {  	[tilespmem:$0x1F160] =	vst v7  }
0x166: {  	v61 =	vld.idx.msk [tilespmem:v9+s29+$0x0], $0xffff;
	_ =	sdelay $0x2  }
0x167: {  	v42 =	vld [tilespmem:$0x1FF30]  }
0x168: {  	v58 =	vld [tilespmem:$0x1FB10]  }
0x169: {  	v41 =	vld [tilespmem:$0x1FB50];
	[tilespmem:$0x1F170] =	vst v61  }
0x16a: {  	v7 =	vld [tilespmem:s30+$0xFFFFFE60]  }
0x16b: {  	v63 =	vld [tilespmem:s30+$0xFFFFFE70]  }
0x16c: {  	v14 =	vor.u32 v42, v11;
	v0 =	vmul.f32 v2, v0;
	v12 =	vld [tilespmem:s30+$0xFFFFFE80]  }
0x16d: {  	v15 =	vld [tilespmem:s30+$0xFFFFFE90]  }
0x16e: {  	v0 =	vmul.f32 v0, v2;
	v16 =	vld [tilespmem:s30+$0xFFFFFEA0]  }
0x16f: {  	v17 =	vld [tilespmem:s30+$0xFFFFFEB0]  }
0x170: {  	v0 =	vsub.f32 $1.500000000e+00, v0;
	v19 =	vld [tilespmem:s30+$0xFFFFFEC0]  }
0x171: {  	v60 =	vimm.s32 $0xF;
	v55 =	vld.idx.msk [tilespmem:v14+s29+$0x0], $0xffff  }
0x172: {  	v10 =	vmul.f32 v0, v2;
	v2 =	vperm.xlane v1, v60;
	v14 =	vld [tilespmem:s30+$0xFFFFFEE0]  }
0x173: {  	v20 =	vld [tilespmem:s30+$0xFFFFFEF0]  }
0x174: {  	v52 =	vperm.xlane v10, v60;
	v5 =	vsub.f32 v43, v2;
	v25 =	vld [tilespmem:s30+$0xFFFFFF00]  }
0x175: {  	v26 =	vld [tilespmem:s30+$0xFFFFFF10]  }
0x176: {  	v38 =	vimm.s32 $0x0;
	v5 =	vmul.f32 v5, v52;
	v28 =	vld [tilespmem:s30+$0xFFFFFF20]  }
0x177: {  	v30 =	vperm.xlane v1, v38;
	v29 =	vld [tilespmem:s30+$0xFFFFFF30]  }
0x178: {  	v31 =	vld [tilespmem:s30+$0xFFFFFF40];
	v5 =	vmul.f32 v5, v58  }
0x179: {  	v6 =	vsub.f32 v6, v30;
	v48 =	vperm.xlane v10, v38;
	v32 =	vld [tilespmem:s30+$0xFFFFFF50]  }
0x17a: {  	v4 =	vsub.f32 v4, v30;
	v34 =	vld [tilespmem:s30+$0xFFFFFF60];
	v5 =	vadd.f32 v5, v41  }
0x17b: {  	v37 =	vimm.s32 $0x1;
	v8 =	vsub.f32 v8, v30;
	v6 =	vmul.f32 v6, v48;
	v36 =	vld [tilespmem:s30+$0xFFFFFF70]  }
0x17c: {  	v3 =	vsub.f32 v3, v30;
	v43 =	vperm.xlane v1, v37;
	v4 =	vmul.f32 v4, v48;
	v30 =	vld [tilespmem:s30+$0xFFFFFF80];
	[tilespmem:s30+$0x1F0] =	vst v5  }
0x17d: {  	v5 =	vld [tilespmem:s30+$0xFFFFFED0];
	[tilespmem:$0x1F300] =	vst v6  }
0x17e: {  	v54 =	vperm.xlane v10, v37;
	v50 =	vsub.f32 v18, v43;
	v8 =	vmul.f32 v8, v48;
	[tilespmem:$0x1F310] =	vst v4  }
0x17f: {  	v39 =	vimm.s32 $0x2;
	v13 =	vsub.f32 v13, v43;
	v3 =	vmul.f32 v3, v48;
	v4 =	vld [tilespmem:s30+$0xFFFFFF90]  }
0x180: {  	v53 =	vperm.xlane v1, v39;
	v0 =	vmul.f32 v50, v54;
	v51 =	vsub.f32 v7, v43;
	v46 =	vld [tilespmem:s30+$0xFFFFFFA0];
	[tilespmem:$0x1F320] =	vst v8  }
0x181: {  	v60 =	vmul.f32 v13, v54;
	v9 =	vsub.f32 v63, v43;
	[tilespmem:$0x1F330] =	vst v3  }
0x182: {  	v61 =	vperm.xlane v10, v39;
	v59 =	vsub.f32 v12, v53;
	v6 =	vmul.f32 v51, v54;
	v3 =	vld [tilespmem:s30+$0xFFFFFFB0];
	[tilespmem:$0x1F340] =	vst v0  }
0x183: {  	v40 =	vimm.s32 $0x3;
	v12 =	vsub.f32 v15, v53;
	v9 =	vmul.f32 v9, v54;
	[tilespmem:$0x1F350] =	vst v60  }
0x184: {  	v63 =	vsub.f32 v16, v53;
	v15 =	vperm.xlane v1, v40;
	v8 =	vmul.f32 v59, v61;
	v0 =	vld [tilespmem:s30+$0xFFFFFFC0];
	[tilespmem:$0x1F360] =	vst v6  }
0x185: {  	v7 =	vsub.f32 v17, v53;
	v33 =	vmul.f32 v12, v61;
	v13 =	vld [tilespmem:s30+$0xFFFFFFD0];
	[tilespmem:$0x1F370] =	vst v9  }
0x186: {  	v35 =	vperm.xlane v10, v40;
	v12 =	vsub.f32 v19, v15;
	v9 =	vmul.f32 v63, v61;
	v16 =	vld [tilespmem:s30+$0xFFFFFFE0];
	[tilespmem:$0x1F380] =	vst v8  }
0x187: {  	v6 =	vmul.f32 v7, v61;
	[tilespmem:$0x1F390] =	vst v33  }
0x188: {  	v12 =	vmul.f32 v12, v35;
	v5 =	vsub.f32 v5, v15;
	v8 =	vld [tilespmem:s30+$0xFFFFFFF0];
	[tilespmem:$0x1F3A0] =	vst v9  }
0x189: {  	v45 =	vsub.f32 v14, v15;
	v63 =	vimm.s32 $0x4;
	v17 =	vld [tilespmem:s30+$0x0];
	[tilespmem:$0x1F3B0] =	vst v6  }
0x18a: {  	v5 =	vmul.f32 v5, v35;
	v7 =	vld [tilespmem:s30+$0x10];
	[tilespmem:$0x1F3C0] =	vst v12;
	v12 =	vperm.xlane v1, v63  }
0x18b: {  	v48 =	vmul.f32 v45, v35;
	v15 =	vsub.f32 v20, v15  }
0x18c: {  	v43 =	vimm.s32 $0x5;
	v20 =	vperm.xlane v10, v63;
	v14 =	vld [tilespmem:s30+$0x20];
	[tilespmem:$0x1F3D0] =	vst v5;
	v50 =	vsub.f32 v25, v12  }
0x18d: {  	v19 =	vperm.xlane v1, v43;
	v9 =	vmul.f32 v15, v35;
	[tilespmem:$0x1F3E0] =	vst v48  }
0x18e: {  	v42 =	vimm.s32 $0x6;
	v5 =	vld [tilespmem:s30+$0x30];
	v51 =	vsub.f32 v26, v12;
	v6 =	vmul.f32 v50, v20  }
0x18f: {  	v54 =	vperm.xlane v1, v42;
	v53 =	vsub.f32 v31, v19;
	v25 =	vld [tilespmem:s30+$0x40];
	[tilespmem:$0x1F3F0] =	vst v9;
	v15 =	vsub.f32 v28, v12  }
0x190: {  	v31 =	vsub.f32 v34, v19;
	v12 =	vsub.f32 v29, v12;
	v26 =	vld [tilespmem:s30+$0x50];
	v9 =	vmul.f32 v51, v20;
	[tilespmem:$0x1F400] =	vst v6  }
0x191: {  	v29 =	vsub.f32 v32, v19;
	v19 =	vsub.f32 v36, v19;
	v36 =	vmul.f32 v15, v20;
	v28 =	vld [tilespmem:s30+$0x60]  }
0x192: {  	v23 =	vimm.s32 $0x7;
	v27 =	vimm.s32 $0xA;
	v44 =	vperm.xlane v10, v43;
	v59 =	vld [tilespmem:s30+$0x70];
	[tilespmem:$0x1F410] =	vst v9  }
0x193: {  	v15 =	vsub.f32 v30, v54;
	v30 =	vperm.xlane v1, v23;
	v12 =	vmul.f32 v12, v20;
	[tilespmem:$0x1F420] =	vst v36  }
0x194: {  	v61 =	vimm.s32 $0x8;
	v4 =	vsub.f32 v4, v54;
	v6 =	vmul.f32 v53, v44;
	v9 =	vld [tilespmem:s30+$0x80]  }
0x195: {  	v3 =	vsub.f32 v3, v54;
	v50 =	vperm.xlane v1, v61;
	v13 =	vsub.f32 v13, v30;
	v45 =	vld [tilespmem:s30+$0x90];
	[tilespmem:$0x1F430] =	vst v12  }
0x196: {  	v51 =	vmul.f32 v29, v44;
	v16 =	vsub.f32 v16, v30;
	v8 =	vsub.f32 v8, v30;
	v20 =	vld [tilespmem:s30+$0xA0];
	[tilespmem:$0x1F440] =	vst v6  }
0x197: {  	v53 =	vmul.f32 v31, v44;
	v6 =	vsub.f32 v0, v30;
	v0 =	vimm.s32 $0x9;
	v21 =	vld [tilespmem:s30+$0xB0]  }
0x198: {  	v17 =	vsub.f32 v17, v50;
	v7 =	vsub.f32 v7, v50;
	v36 =	vld [tilespmem:s30+$0xC0];
	[tilespmem:$0x1F450] =	vst v51;
	v30 =	vperm.xlane v1, v0  }
0x199: {  	v18 =	vmul.f32 v19, v44;
	v14 =	vsub.f32 v14, v50;
	v5 =	vsub.f32 v5, v50;
	[tilespmem:$0x1F460] =	vst v53  }
0x19a: {  	v44 =	vimm.s32 $0xB;
	v12 =	vsub.f32 v46, v54;
	v29 =	vld [tilespmem:s30+$0xD0];
	v34 =	vsub.f32 v26, v30  }
0x19b: {  	v31 =	vld [tilespmem:s30+$0xE0];
	[tilespmem:$0x1F470] =	vst v18;
	v26 =	vperm.xlane v1, v27;
	v48 =	vsub.f32 v28, v30;
	v28 =	vperm.xlane v10, v42  }
0x19c: {  	v54 =	vperm.xlane v1, v44;
	v46 =	vimm.s32 $0xC;
	v50 =	vsub.f32 v59, v30;
	v59 =	vld [tilespmem:s30+$0x120]  }
0x19d: {  	v19 =	vld [tilespmem:s30+$0xF0];
	v25 =	vsub.f32 v25, v30;
	v18 =	vsub.f32 v9, v26;
	v60 =	vmul.f32 v15, v28  }
0x19e: {  	v32 =	vld [tilespmem:s30+$0x100];
	v51 =	vsub.f32 v45, v26;
	v20 =	vsub.f32 v20, v26;
	v4 =	vmul.f32 v4, v28  }
0x19f: {  	v30 =	vld [tilespmem:s30+$0x110];
	v45 =	vmul.f32 v12, v28;
	v21 =	vsub.f32 v21, v26;
	v26 =	vperm.xlane v1, v46;
	[tilespmem:$0x1F480] =	vst v60  }
0x1a0: {  	v22 =	vsub.f32 v36, v54;
	v36 =	vperm.xlane v10, v23;
	v15 =	vld [tilespmem:s30+$0x130];
	[tilespmem:$0x1F490] =	vst v4  }
0x1a1: {  	v3 =	vmul.f32 v3, v28;
	[tilespmem:$0x1F4A0] =	vst v45;
	v24 =	vsub.f32 v59, v26;
	v59 =	vld [tilespmem:$0x1FF40]  }
0x1a2: {  	v53 =	vmul.f32 v6, v36;
	v12 =	vld [tilespmem:s30+$0x140]  }
0x1a3: {  	v29 =	vsub.f32 v29, v54;
	v28 =	vsub.f32 v31, v54;
	v45 =	vld [tilespmem:s30+$0x150];
	[tilespmem:$0x1F4C0] =	vst v3  }
0x1a4: {  	v23 =	vsub.f32 v19, v54;
	v54 =	vimm.s32 $0xD;
	v60 =	vmul.f32 v13, v36;
	v31 =	vld [tilespmem:s30+$0x160];
	[tilespmem:$0x1F4E0] =	vst v53  }
0x1a5: {  	v9 =	vmul.f32 v16, v36;
	v35 =	vperm.xlane v1, v54;
	v6 =	vld [tilespmem:s30+$0x170]  }
0x1a6: {  	v54 =	vmul.f32 v8, v36;
	v46 =	vld [tilespmem:s30+$0x180];
	[tilespmem:$0x1F500] =	vst v60  }
0x1a7: {  	[tilespmem:$0x1F520] =	vst v9;
	v53 =	vor.u32 v59, v11;
	v59 =	vsub.f32 v12, v35  }
0x1a8: {  	v13 =	vld [tilespmem:s30+$0x190];
	[tilespmem:$0x1F540] =	vst v54;
	v60 =	vsub.f32 v45, v35  }
0x1a9: {  	v9 =	vld [tilespmem:$0x1FF50];
	[tilespmem:$0x1F290] =	vst v59  }
0x1aa: {  	v16 =	vperm.xlane v10, v61;
	v8 =	vsub.f32 v31, v35;
	[tilespmem:$0x1F2A0] =	vst v60;
	v59 =	vld [tilespmem:$0x1FF60]  }
0x1ab: {  	v33 =	vsub.f32 v15, v26;
	v35 =	vsub.f32 v6, v35;
	v15 =	vld [tilespmem:s30+$0x1A0]  }
0x1ac: {  	v60 =	vmul.f32 v17, v16;
	[tilespmem:$0x1F2D0] =	vst v8;
	v8 =	vld [tilespmem:$0x1FF70]  }
0x1ad: {  	v61 =	vmul.f32 v7, v16;
	v36 =	vld [tilespmem:s30+$0x1B0];
	[tilespmem:$0x1F2F0] =	vst v35  }
0x1ae: {  	v45 =	vimm.s32 $0xE;
	v54 =	vor.u32 v9, v11;
	v9 =	vmul.f32 v14, v16;
	v6 =	vld [tilespmem:s30+$0x1C0];
	[tilespmem:$0x1F560] =	vst v60  }
0x1af: {  	v1 =	vperm.xlane v1, v45;
	v45 =	vmul.f32 v5, v16;
	v35 =	vld [tilespmem:$0x1FF80];
	[tilespmem:$0x1F580] =	vst v61  }
0x1b0: {  	v14 =	vperm.xlane v10, v0;
	v17 =	vld.idx.msk [tilespmem:v53+s29+$0x0], $0xffff;
	[tilespmem:$0x1F5A0] =	vst v9  }
0x1b1: {  	v61 =	vld [tilespmem:s30+$0x1D0];
	[tilespmem:$0x1F5C0] =	vst v45  }
0x1b2: {  	v53 =	vmul.f32 v25, v14;
	v5 =	vld [tilespmem:s30+$0x1E0]  }
0x1b3: {  	v60 =	vor.u32 v8, v11;
	v8 =	vld [tilespmem:$0x1FEE0]  }
0x1b4: {  	v59 =	vor.u32 v59, v11;
	[tilespmem:$0x1F5E0] =	vst v53;
	v53 =	vsub.f32 v6, v2;
	v6 =	vld [tilespmem:$0x1FED0]  }
0x1b5: {  	v32 =	vsub.f32 v32, v26;
	v30 =	vsub.f32 v30, v26  }
0x1b6: {  	v46 =	vsub.f32 v46, v1;
	v4 =	vmul.f32 v34, v14;
	v48 =	vmul.f32 v48, v14  }
0x1b7: {  	v12 =	vld [tilespmem:$0x1F150];
	v9 =	vmul.f32 v62, v62;
	v45 =	vsub.f32 v15, v1;
	v0 =	vor.u32 v35, v11  }
0x1b8: {  	v35 =	vsub.f32 v13, v1;
	v7 =	vld.idx.msk [tilespmem:v54+s29+$0x0], $0xffff;
	[tilespmem:$0x1F600] =	vst v4;
	v25 =	vor.u32 v8, v11  }
0x1b9: {  	v13 =	vld.idx.msk [tilespmem:v59+s29+$0x0], $0xffff;
	v34 =	vsub.f32 v61, v2;
	v8 =	vmul.f32 v57, v57;
	v15 =	vor.u32 v6, v11  }
0x1ba: {  	v61 =	vmul.f32 v49, v49;
	v16 =	vld.idx.msk [tilespmem:v60+s29+$0x0], $0xffff;
	v60 =	vmul.f32 v56, v56;
	v54 =	vsub.f32 v5, v2  }
0x1bb: {  	v26 =	vld [tilespmem:$0x1F160];
	v5 =	vmul.f32 v55, v55;
	v8 =	vadd.f32 v8, v9;
	v9 =	vmul.f32 v17, v17  }
0x1bc: {  	v36 =	vsub.f32 v36, v1;
	v59 =	vmul.f32 v12, v12;
	v2 =	vmul.f32 v47, v47;
	v6 =	vld.idx.msk [tilespmem:v0+s29+$0x0], $0xffff  }
0x1bd: {  	v1 =	vmul.f32 v7, v7;
	v19 =	vadd.f32 v5, v60;
	v61 =	vadd.f32 v9, v61;
	v5 =	vld.idx.msk [tilespmem:v25+s29+$0x0], $0xffff  }
0x1be: {  	v9 =	vmul.f32 v13, v13;
	v15 =	vld.idx.msk [tilespmem:v15+s29+$0x0], $0xffff;
	[tilespmem:$0x1F620] =	vst v48;
	v48 =	vperm.xlane v10, v27  }
0x1bf: {  	v60 =	vadd.f32 v1, v2;
	v2 =	vadd.f32 $0.0e+00, v62;
	v62 =	vld [tilespmem:$0x1FF00]  }
0x1c0: {  	v4 =	vld [tilespmem:$0x1F170];
	v59 =	vadd.f32 v9, v59;
	v9 =	vmul.f32 v18, v48;
	_ =	sdelay $0x1  }
0x1c1: {  	[tilespmem:$0x1F660] =	vst v9;
	v9 =	vld [tilespmem:$0x1FEF0]  }
0x1c2: {  	v3 =	vmul.f32 v26, v26  }
0x1c3: {  	v50 =	vmul.f32 v50, v14;
	v14 =	vor.u32 v62, v11;
	v62 =	vmul.f32 v20, v48  }
0x1c4: {  	v25 =	vmul.f32 v4, v4;
	v51 =	vmul.f32 v51, v48  }
0x1c5: {  	v0 =	vmul.f32 v16, v16;
	v1 =	vmul.f32 v6, v6;
	[tilespmem:$0x1F6A0] =	vst v62;
	v62 =	vadd.f32 $0.0e+00, v56;
	v56 =	vld [tilespmem:$0x1FF20]  }
0x1c6: {  	[tilespmem:$0x1F680] =	vst v51;
	v51 =	vmul.f32 v21, v48;
	v18 =	vor.u32 v9, v11;
	v9 =	vld [tilespmem:$0x1FF10]  }
0x1c7: {  	[tilespmem:$0x1F640] =	vst v50;
	v31 =	vadd.f32 v0, v3;
	v50 =	vadd.f32 v1, v25  }
0x1c8: {  	v25 =	vadd.f32 v57, v2;
	v57 =	vld [tilespmem:$0x1F180];
	v21 =	vadd.f32 $0.0e+00, v49;
	[tilespmem:$0x1F6C0] =	vst v51  }
0x1c9: {  	v0 =	vmul.f32 v5, v5;
	v48 =	vld.idx.msk [tilespmem:v14+s29+$0x0], $0xffff;
	v14 =	vadd.f32 $0.0e+00, v47;
	v47 =	vperm.xlane v10, v44  }
0x1ca: {  	v51 =	vadd.f32 v55, v62;
	v21 =	vadd.f32 v17, v21;
	v62 =	vld [tilespmem:$0x1F190];
	v27 =	vor.u32 v56, v11  }
0x1cb: {  	v55 =	vld [tilespmem:$0x1F1A0];
	v56 =	vmul.f32 v29, v47;
	v29 =	vadd.f32 $0.0e+00, v12;
	v20 =	vor.u32 v9, v11  }
0x1cc: {  	v1 =	vmul.f32 v15, v15;
	v17 =	vadd.f32 v7, v14;
	v7 =	vadd.f32 $0.0e+00, v4  }
0x1cd: {  	v49 =	vor.u32 v57, v11;
	v57 =	vld [tilespmem:$0x1F1B0];
	v44 =	vmul.f32 v22, v47;
	v29 =	vadd.f32 v13, v29  }
0x1ce: {  	v6 =	vadd.f32 v6, v7;
	v7 =	vld [tilespmem:$0x1F1D0];
	v9 =	vadd.f32 v0, v1  }
0x1cf: {  	v13 =	vadd.f32 $0.0e+00, v15;
	v18 =	vld.idx.msk [tilespmem:v18+s29+$0x0], $0xffff;
	v1 =	vor.u32 v62, v11;
	[tilespmem:$0x1F6E0] =	vst v44;
	v62 =	vmul.f32 v28, v47  }
0x1d0: {  	v14 =	vor.u32 v55, v11;
	v55 =	vmul.f32 v23, v47;
	v22 =	vld.idx.msk [tilespmem:v20+s29+$0x0], $0xffff;
	[tilespmem:$0x1F700] =	vst v56  }
0x1d1: {  	v4 =	vadd.f32 v5, v13;
	v5 =	vld [tilespmem:$0x1F1C0];
	[tilespmem:$0x1F720] =	vst v62  }
0x1d2: {  	v28 =	vadd.f32 $0.0e+00, v26;
	v27 =	vld.idx.msk [tilespmem:v27+s29+$0x0], $0xffff;
	[tilespmem:$0x1F740] =	vst v55  }
0x1d3: {  	v56 =	vor.u32 v57, v11;
	v47 =	vld.idx.msk [tilespmem:v49+s29+$0x0], $0xffff  }
0x1d4: {  	v16 =	vadd.f32 v16, v28;
	v57 =	vmul.f32 v48, v48;
	v62 =	vimm.s32 $0xC;
	v28 =	vld.idx.msk [tilespmem:v1+s29+$0x0], $0xffff  }
0x1d5: {  	v49 =	vld.idx.msk [tilespmem:v14+s29+$0x0], $0xffff;
	v1 =	vperm.xlane v10, v62  }
0x1d6: {  	v8 =	vadd.f32 v57, v8;
	v62 =	vld [tilespmem:$0x1F1E0];
	v14 =	vmul.f32 v22, v22  }
0x1d7: {  	v57 =	vor.u32 v5, v11;
	v44 =	vmul.f32 v32, v1;
	v55 =	vmul.f32 v30, v1;
	v32 =	vld [tilespmem:$0x1F1F0]  }
0x1d8: {  	v56 =	vld.idx.msk [tilespmem:v56+s29+$0x0], $0xffff;
	v15 =	vadd.f32 v14, v61;
	v61 =	vor.u32 v7, v11  }
0x1d9: {  	[tilespmem:$0x1F780] =	vst v55;
	v55 =	vld [tilespmem:$0x1F200];
	v7 =	vmul.f32 v24, v1  }
0x1da: {  	[tilespmem:$0x1F760] =	vst v44;
	v1 =	vmul.f32 v33, v1  }
0x1db: {  	v13 =	vmul.f32 v18, v18;
	v23 =	vmul.f32 v28, v28;
	[tilespmem:$0x1F7A0] =	vst v7  }
0x1dc: {  	v24 =	vor.u32 v32, v11;
	v32 =	vld.idx.msk [tilespmem:v57+s29+$0x0], $0xffff;
	[tilespmem:$0x1F7C0] =	vst v1  }
0x1dd: {  	v5 =	vadd.f32 v13, v19;
	v44 =	vmul.f32 v27, v27;
	v19 =	vadd.f32 v23, v31;
	v23 =	vld.idx.msk [tilespmem:v61+s29+$0x0], $0xffff  }
0x1de: {  	v30 =	vor.u32 v62, v11;
	v62 =	vor.u32 v55, v11;
	v61 =	vld [tilespmem:$0x1F230]  }
0x1df: {  	v12 =	vadd.f32 v44, v60;
	v60 =	vld [tilespmem:$0x1F220]  }
0x1e0: {  	v57 =	vld [tilespmem:$0x1F210]  }
0x1e1: {  	v44 =	vmul.f32 v49, v49  }
0x1e2: {  	v20 =	vadd.f32 v48, v25;
	v7 =	vmul.f32 v47, v47  }
0x1e3: {  	v48 =	vadd.f32 v22, v21;
	v26 =	vadd.f32 v44, v50;
	v50 =	vld.idx.msk [tilespmem:v62+s29+$0x0], $0xffff;
	v62 =	vor.u32 v61, v11  }
0x1e4: {  	v33 =	vadd.f32 v18, v51;
	v2 =	vadd.f32 v7, v59;
	v30 =	vld.idx.msk [tilespmem:v30+s29+$0x0], $0xffff  }
0x1e5: {  	v18 =	vor.u32 v60, v11;
	v60 =	vld [tilespmem:$0x1F250];
	v59 =	vor.u32 v57, v11;
	v21 =	vmul.f32 v32, v32  }
0x1e6: {  	v24 =	vld.idx.msk [tilespmem:v24+s29+$0x0], $0xffff;
	v57 =	vmul.f32 v23, v23  }
0x1e7: {  	v14 =	vadd.f32 v21, v8;
	v8 =	vld [tilespmem:$0x1F270]  }
0x1e8: {  	v13 =	vadd.f32 v49, v6;
	v49 =	vadd.f32 v57, v5;
	v57 =	vld.idx.msk [tilespmem:v62+s29+$0x0], $0xffff  }
0x1e9: {  	v62 =	vld [tilespmem:$0x1F260]  }
0x1ea: {  	v29 =	vadd.f32 v47, v29;
	v47 =	vld.idx.msk [tilespmem:v59+s29+$0x0], $0xffff  }
0x1eb: {  	v59 =	vld [tilespmem:$0x1F240]  }
0x1ec: {  	v16 =	vadd.f32 v28, v16;
	v21 =	vmul.f32 v30, v30;
	v5 =	vor.u32 v60, v11;
	v60 =	vld [tilespmem:$0x1F290]  }
0x1ed: {  	v6 =	vimm.s32 $0xD;
	v28 =	vadd.f32 v56, v4;
	v4 =	vld [tilespmem:$0x1F2B0];
	v61 =	vmul.f32 v24, v24  }
0x1ee: {  	v55 =	vmul.f32 v56, v56;
	v56 =	vadd.f32 v21, v15;
	v3 =	vor.u32 v62, v11;
	v62 =	vld [tilespmem:$0x1F2A0]  }
0x1ef: {  	v44 =	vadd.f32 v61, v12;
	v12 =	vperm.xlane v10, v6;
	v21 =	vor.u32 v8, v11;
	v8 =	vld [tilespmem:$0x1F2D0]  }
0x1f0: {  	v7 =	vadd.f32 v55, v9;
	v9 =	vor.u32 v59, v11;
	v59 =	vld [tilespmem:$0x1F280]  }
0x1f1: {  	v6 =	vld [tilespmem:$0x1F2C0];
	v0 =	vmul.f32 v60, v12;
	_ =	sdelay $0x1  }
0x1f2: {  	v51 =	vld.idx.msk [tilespmem:v18+s29+$0x0], $0xffff;
	[tilespmem:$0x1F7F0] =	vst v0;
	v0 =	vmul.f32 v62, v12  }
0x1f3: {  	v55 =	vimm.s32 $0xE;
	v18 =	vmul.f32 v50, v50  }
0x1f4: {  	v10 =	vperm.xlane v10, v55;
	v55 =	vld [tilespmem:$0x1F2E0];
	v22 =	vor.u32 v59, v11;
	[tilespmem:$0x1F820] =	vst v0;
	v0 =	vmul.f32 v8, v12  }
0x1f5: {  	v61 =	vadd.f32 v18, v2;
	v2 =	vor.u32 v4, v11;
	v4 =	vor.u32 v6, v11;
	v9 =	vld.idx.msk [tilespmem:v9+s29+$0x0], $0xffff  }
0x1f6: {  	v18 =	vmul.f32 v47, v47;
	v5 =	vld.idx.msk [tilespmem:v5+s29+$0x0], $0xffff;
	[tilespmem:$0x1F850] =	vst v0  }
0x1f7: {  	v17 =	vadd.f32 v27, v17;
	v27 =	vld.idx.msk [tilespmem:v3+s29+$0x0], $0xffff  }
0x1f8: {  	v6 =	vadd.f32 v18, v19;
	v18 =	vld.idx.msk [tilespmem:v21+s29+$0x0], $0xffff  }
0x1f9: {  	v25 =	vmul.f32 v53, v52;
	v21 =	vld.idx.msk [tilespmem:v22+s29+$0x0], $0xffff  }
0x1fa: {  	v1 =	vmul.f32 v51, v51;
	v8 =	vadd.f32 v23, v33;
	v3 =	vor.u32 v55, v11;
	v23 =	vld.idx.msk [tilespmem:v4+s29+$0x0], $0xffff  }
0x1fb: {  	v30 =	vadd.f32 v30, v48;
	v31 =	vadd.f32 v24, v17;
	v59 =	vmul.f32 v57, v57;
	v22 =	vld.idx.msk [tilespmem:v2+s29+$0x0], $0xffff  }
0x1fc: {  	v60 =	vmul.f32 v46, v10;
	v1 =	vadd.f32 v1, v26;
	v19 =	vmul.f32 v54, v52;
	v54 =	vld [tilespmem:$0x1F360]  }
0x1fd: {  	v26 =	vmul.f32 v36, v10;
	v62 =	vld [tilespmem:$0x1F2F0];
	v33 =	vadd.f32 v47, v16;
	v0 =	vadd.f32 v59, v7  }
0x1fe: {  	v7 =	vadd.f32 v32, v20;
	v20 =	vmul.f32 v34, v52;
	v52 =	vld [tilespmem:$0x1F340];
	v47 =	vmul.f32 v27, v27  }
0x1ff: {  	v59 =	vmul.f32 v45, v10;
	v45 =	vadd.f32 v57, v28;
	v24 =	vld.idx.msk [tilespmem:v3+s29+$0x0], $0xffff;
	v57 =	vmul.f32 v23, v23  }
0x200: {  	v36 =	vadd.f32 v51, v13;
	v2 =	vld [tilespmem:$0x1FB00];
	v47 =	vadd.f32 v47, v56;
	v56 =	vmul.f32 v22, v22  }
0x201: {  	v55 =	vmul.f32 v35, v10;
	v10 =	vmul.f32 v9, v9;
	v48 =	vadd.f32 v57, v1;
	v1 =	vld [tilespmem:$0x1FAE0]  }
0x202: {  	v35 =	vmul.f32 v5, v5;
	v51 =	vmul.f32 v18, v18;
	v34 =	vadd.f32 v56, v6;
	v6 =	vld [tilespmem:$0x1F300]  }
0x203: {  	v4 =	vld [tilespmem:$0x1FB20];
	v46 =	vadd.f32 v10, v14;
	v53 =	vmul.f32 v21, v21  }
0x204: {  	v49 =	vadd.f32 v35, v49;
	v35 =	vadd.f32 v51, v44;
	v44 =	vld [tilespmem:$0x1F330];
	v14 =	vmul.f32 v24, v24  }
0x205: {  	v51 =	vadd.f32 v53, v61;
	v53 =	vld [tilespmem:$0x1F350]  }
0x206: {  	v28 =	vadd.f32 v14, v0;
	v0 =	vld [tilespmem:$0x1FAF0]  }
0x207: {  	v32 =	vadd.f32 v50, v29;
	v29 =	vadd.f32 v9, v7;
	v7 =	vld [tilespmem:$0x1F310];
	v14 =	vmul.f32 v6, v1  }
0x208: {  	v9 =	vld [tilespmem:$0x1F320]  }
0x209: {  	v57 =	vld [tilespmem:$0x1F370];
	v56 =	vadd.f32 v14, v4  }
0x20a: {  	v13 =	vmul.f32 v44, v58;
	v44 =	vld [tilespmem:$0x1FB30]  }
0x20b: {  	v50 =	vadd.f32 v5, v8;
	v5 =	vmul.f32 v53, v0;
	v53 =	vld [tilespmem:$0x1F380];
	[tilespmem:s30+$0xFFFFFE00] =	vst v56  }
0x20c: {  	v3 =	vld [tilespmem:$0x1FB40]  }
0x20d: {  	v10 =	vmul.f32 v7, v0;
	_ =	sdelay $0x1  }
0x20e: {  	v62 =	vmul.f32 v62, v12;
	v16 =	vmul.f32 v9, v2;
	v12 =	vadd.f32 v10, v44  }
0x20f: {  	v6 =	vmul.f32 v54, v2;
	v54 =	vld [tilespmem:$0x1F390]  }
0x210: {  	v56 =	vld [tilespmem:$0x1F3A0];
	[tilespmem:s30+$0xFFFFFE10] =	vst v12;
	v16 =	vadd.f32 v16, v3  }
0x211: {  	v12 =	vld [tilespmem:$0x1F3B0]  }
0x212: {  	v14 =	vld [tilespmem:$0x1F3C0];
	[tilespmem:s30+$0xFFFFFE20] =	vst v16  }
0x213: {  	v17 =	vld [tilespmem:$0x1F3E0];
	_ =	sdelay $0x1  }
0x214: {  	v13 =	vadd.f32 v13, v41;
	_ =	sdelay $0x1  }
0x215: {  	v15 =	vmul.f32 v52, v1;
	v16 =	vld [tilespmem:$0x1F3D0];
	[tilespmem:s30+$0xFFFFFE30] =	vst v13  }
0x216: {  	v52 =	vmul.f32 v17, v2;
	v17 =	vld [tilespmem:$0x1F400]  }
0x217: {  	v15 =	vadd.f32 v15, v4;
	_ =	sdelay $0x1  }
0x218: {  	v5 =	vadd.f32 v5, v44;
	v13 =	vld [tilespmem:$0x1F3F0];
	[tilespmem:s30+$0xFFFFFE40] =	vst v15  }
0x219: {  	v15 =	vld [tilespmem:$0x1F410]  }
0x21a: {  	v8 =	vmul.f32 v53, v1;
	v6 =	vadd.f32 v6, v3;
	v53 =	vmul.f32 v17, v1;
	v17 =	vld [tilespmem:$0x1F420];
	[tilespmem:s30+$0xFFFFFE50] =	vst v5  }
0x21b: {  	v61 =	vmul.f32 v57, v58;
	v5 =	vld [tilespmem:$0x1F430]  }
0x21c: {  	v57 =	vld [tilespmem:$0x1F440];
	[tilespmem:s30+$0xFFFFFE60] =	vst v6  }
0x21d: {  	v7 =	vadd.f32 v61, v41;
	v61 =	vld [tilespmem:$0x1F450];
	_ =	sdelay $0x3  }
0x21e: {  	v10 =	vmul.f32 v56, v2;
	v56 =	vmul.f32 v57, v1;
	v57 =	vld [tilespmem:$0x1F460];
	[tilespmem:s30+$0xFFFFFE70] =	vst v7  }
0x21f: {  	v6 =	vmul.f32 v61, v0;
	v61 =	vld [tilespmem:$0x1F470];
	_ =	sdelay $0x2  }
0x220: {  	v8 =	vadd.f32 v8, v4  }
0x221: {  	v9 =	vmul.f32 v54, v0  }
0x222: {  	v7 =	vmul.f32 v61, v58;
	v61 =	vld [tilespmem:$0x1F480];
	[tilespmem:s30+$0xFFFFFE80] =	vst v8  }
0x223: {  	v54 =	vmul.f32 v17, v2;
	v17 =	vmul.f32 v5, v58;
	v5 =	vadd.f32 v9, v44;
	v9 =	vld [tilespmem:$0x1F4A0];
	_ =	sdelay $0x4  }
0x224: {  	v9 =	vmul.f32 v9, v2;
	_ =	sdelay $0x1  }
0x225: {  	[tilespmem:$0x1F4B0] =	vst v9  }
0x226: {  	v8 =	vld [tilespmem:$0x1F490];
	[tilespmem:s30+$0xFFFFFE90] =	vst v5  }
0x227: {  	v5 =	vld [tilespmem:$0x1F4C0];
	_ =	sdelay $0x1  }
0x228: {  	v9 =	vadd.f32 v10, v3;
	v10 =	vld [tilespmem:$0x1F4E0];
	_ =	sdelay $0x2  }
0x229: {  	v5 =	vmul.f32 v5, v58;
	_ =	sdelay $0x1  }
0x22a: {  	[tilespmem:$0x1F4D0] =	vst v5;
	v5 =	vmul.f32 v10, v1;
	_ =	sdelay $0x1  }
0x22b: {  	[tilespmem:$0x1F4F0] =	vst v5  }
0x22c: {  	[tilespmem:s30+$0xFFFFFEA0] =	vst v9  }
0x22d: {  	v9 =	vld [tilespmem:$0x1F500];
	_ =	sdelay $0x4  }
0x22e: {  	v5 =	vmul.f32 v9, v0;
	v9 =	vld [tilespmem:$0x1F520];
	_ =	sdelay $0x3  }
0x22f: {  	v12 =	vmul.f32 v12, v58  }
0x230: {  	[tilespmem:$0x1F510] =	vst v5;
	v5 =	vmul.f32 v9, v2  }
0x231: {  	v10 =	vadd.f32 v12, v41  }
0x232: {  	[tilespmem:$0x1F530] =	vst v5  }
0x233: {  	[tilespmem:s30+$0xFFFFFEB0] =	vst v10  }
0x234: {  	v10 =	vld [tilespmem:$0x1F540];
	_ =	sdelay $0x4  }
0x235: {  	v5 =	vmul.f32 v10, v58;
	v10 =	vld [tilespmem:$0x1F560];
	_ =	sdelay $0x3  }
0x236: {  	v14 =	vmul.f32 v14, v1  }
0x237: {  	[tilespmem:$0x1F550] =	vst v5;
	v5 =	vmul.f32 v10, v1  }
0x238: {  	v9 =	vadd.f32 v14, v4  }
0x239: {  	[tilespmem:$0x1F570] =	vst v5  }
0x23a: {  	[tilespmem:s30+$0xFFFFFEC0] =	vst v9  }
0x23b: {  	v9 =	vld [tilespmem:$0x1F580];
	_ =	sdelay $0x4  }
0x23c: {  	v9 =	vmul.f32 v9, v0;
	_ =	sdelay $0x1  }
0x23d: {  	[tilespmem:$0x1F590] =	vst v9;
	v9 =	vld [tilespmem:$0x1F5A0];
	_ =	sdelay $0x3  }
0x23e: {  	v16 =	vmul.f32 v16, v0  }
0x23f: {  	v9 =	vmul.f32 v9, v2  }
0x240: {  	v5 =	vadd.f32 v16, v44  }
0x241: {  	[tilespmem:$0x1F5B0] =	vst v9  }
0x242: {  	[tilespmem:s30+$0xFFFFFED0] =	vst v5  }
0x243: {  	v5 =	vld [tilespmem:$0x1F5C0];
	_ =	sdelay $0x1  }
0x244: {  	v9 =	vadd.f32 v52, v3;
	v52 =	vld [tilespmem:$0x1F5E0];
	_ =	sdelay $0x2  }
0x245: {  	v5 =	vmul.f32 v5, v58;
	_ =	sdelay $0x1  }
0x246: {  	[tilespmem:$0x1F5D0] =	vst v5;
	v5 =	vmul.f32 v52, v1;
	_ =	sdelay $0x1  }
0x247: {  	[tilespmem:$0x1F5F0] =	vst v5  }
0x248: {  	[tilespmem:s30+$0xFFFFFEE0] =	vst v9  }
0x249: {  	v9 =	vld [tilespmem:$0x1F600];
	_ =	sdelay $0x1  }
0x24a: {  	v52 =	vld [tilespmem:$0x1F620];
	_ =	sdelay $0x2  }
0x24b: {  	v5 =	vmul.f32 v9, v0  }
0x24c: {  	v13 =	vmul.f32 v13, v58  }
0x24d: {  	[tilespmem:$0x1F610] =	vst v5;
	v5 =	vmul.f32 v52, v2  }
0x24e: {  	v10 =	vadd.f32 v13, v41  }
0x24f: {  	[tilespmem:$0x1F630] =	vst v5  }
0x250: {  	[tilespmem:s30+$0xFFFFFEF0] =	vst v10  }
0x251: {  	v9 =	vadd.f32 v53, v4;
	v53 =	vld [tilespmem:$0x1F640];
	_ =	sdelay $0x1  }
0x252: {  	v10 =	vld [tilespmem:$0x1F660];
	_ =	sdelay $0x2  }
0x253: {  	v5 =	vmul.f32 v53, v58;
	_ =	sdelay $0x1  }
0x254: {  	[tilespmem:$0x1F650] =	vst v5;
	v5 =	vmul.f32 v10, v1;
	_ =	sdelay $0x1  }
0x255: {  	[tilespmem:$0x1F670] =	vst v5  }
0x256: {  	[tilespmem:s30+$0xFFFFFF00] =	vst v9  }
0x257: {  	v9 =	vld [tilespmem:$0x1F680];
	_ =	sdelay $0x1  }
0x258: {  	v53 =	vld [tilespmem:$0x1F6A0];
	_ =	sdelay $0x2  }
0x259: {  	v9 =	vmul.f32 v9, v0  }
0x25a: {  	v15 =	vmul.f32 v15, v0  }
0x25b: {  	[tilespmem:$0x1F690] =	vst v9;
	v9 =	vmul.f32 v53, v2  }
0x25c: {  	v52 =	vadd.f32 v15, v44  }
0x25d: {  	[tilespmem:$0x1F6B0] =	vst v9  }
0x25e: {  	[tilespmem:s30+$0xFFFFFF10] =	vst v52  }
0x25f: {  	v5 =	vld [tilespmem:$0x1F6C0];
	_ =	sdelay $0x1  }
0x260: {  	v52 =	vld [tilespmem:$0x1F6E0];
	_ =	sdelay $0x2  }
0x261: {  	v5 =	vmul.f32 v5, v58;
	_ =	sdelay $0x1  }
0x262: {  	[tilespmem:$0x1F6D0] =	vst v5;
	v5 =	vmul.f32 v52, v1  }
0x263: {  	v54 =	vadd.f32 v54, v3  }
0x264: {  	[tilespmem:$0x1F6F0] =	vst v5  }
0x265: {  	[tilespmem:s30+$0xFFFFFF20] =	vst v54  }
0x266: {  	v54 =	vld [tilespmem:$0x1F700];
	_ =	sdelay $0x1  }
0x267: {  	v9 =	vld [tilespmem:$0x1F720];
	_ =	sdelay $0x2  }
0x268: {  	v5 =	vmul.f32 v54, v0;
	_ =	sdelay $0x1  }
0x269: {  	[tilespmem:$0x1F710] =	vst v5;
	v5 =	vmul.f32 v9, v2  }
0x26a: {  	v53 =	vadd.f32 v17, v41  }
0x26b: {  	[tilespmem:$0x1F730] =	vst v5  }
0x26c: {  	[tilespmem:s30+$0xFFFFFF30] =	vst v53  }
0x26d: {  	v9 =	vld [tilespmem:$0x1F740];
	_ =	sdelay $0x1  }
0x26e: {  	v53 =	vld [tilespmem:$0x1F760];
	_ =	sdelay $0x2  }
0x26f: {  	v9 =	vmul.f32 v9, v58;
	_ =	sdelay $0x1  }
0x270: {  	[tilespmem:$0x1F750] =	vst v9;
	v9 =	vmul.f32 v53, v1  }
0x271: {  	v52 =	vadd.f32 v56, v4  }
0x272: {  	[tilespmem:$0x1F770] =	vst v9  }
0x273: {  	[tilespmem:s30+$0xFFFFFF40] =	vst v52  }
0x274: {  	v5 =	vld [tilespmem:$0x1F780];
	_ =	sdelay $0x1  }
0x275: {  	v54 =	vld [tilespmem:$0x1F7A0];
	_ =	sdelay $0x2  }
0x276: {  	v5 =	vmul.f32 v5, v0;
	_ =	sdelay $0x1  }
0x277: {  	[tilespmem:$0x1F790] =	vst v5;
	v5 =	vmul.f32 v54, v2  }
0x278: {  	v6 =	vadd.f32 v6, v44  }
0x279: {  	[tilespmem:$0x1F7B0] =	vst v5  }
0x27a: {  	[tilespmem:s30+$0xFFFFFF50] =	vst v6  }
0x27b: {  	v56 =	vld [tilespmem:$0x1F7C0];
	_ =	sdelay $0x3  }
0x27c: {  	v57 =	vmul.f32 v57, v2  }
0x27d: {  	v5 =	vmul.f32 v56, v58  }
0x27e: {  	v3 =	vadd.f32 v57, v3  }
0x27f: {  	[tilespmem:$0x1F7D0] =	vst v5  }
0x280: {  	v6 =	vld [tilespmem:$0x1F7E0];
	[tilespmem:s30+$0xFFFFFF60] =	vst v3  }
0x281: {  	v3 =	vld [tilespmem:$0x1F7F0];
	_ =	sdelay $0x4  }
0x282: {  	v3 =	vmul.f32 v3, v1  }
0x283: {  	v57 =	vadd.f32 v7, v41  }
0x284: {  	[tilespmem:$0x1F800] =	vst v3  }
0x285: {  	v41 =	vld [tilespmem:$0x1F810];
	[tilespmem:s30+$0xFFFFFF70] =	vst v57  }
0x286: {  	v5 =	vld [tilespmem:$0x1F820];
	_ =	sdelay $0x3  }
0x287: {  	v61 =	vmul.f32 v61, v1  }
0x288: {  	v5 =	vmul.f32 v5, v0  }
0x289: {  	v61 =	vadd.f32 v61, v4  }
0x28a: {  	[tilespmem:$0x1F830] =	vst v5  }
0x28b: {  	v52 =	vld [tilespmem:$0x1F840];
	[tilespmem:s30+$0xFFFFFF80] =	vst v61  }
0x28c: {  	v3 =	vld [tilespmem:$0x1F850];
	_ =	sdelay $0x3  }
0x28d: {  	v8 =	vmul.f32 v8, v0;
	v53 =	vmul.f32 v62, v58  }
0x28e: {  	v3 =	vmul.f32 v3, v2  }
0x28f: {  	v8 =	vadd.f32 v8, v44;
	[tilespmem:$0x1F870] =	vst v53  }
0x290: {  	[tilespmem:$0x1F860] =	vst v3  }
0x291: {  	v54 =	vld [tilespmem:$0x1F880];
	[tilespmem:s30+$0xFFFFFF90] =	vst v8  }
0x292: {  	v56 =	vmul.f32 v60, v1;
	v60 =	vld [tilespmem:$0x1F8B0]  }
0x293: {  	v57 =	vmul.f32 v55, v0;
	v10 =	vld [tilespmem:$0x1F8E0]  }
0x294: {  	v55 =	vld [tilespmem:$0x1F910]  }
0x295: {  	[tilespmem:$0x1F8A0] =	vst v57;
	v57 =	vld [tilespmem:$0x1F930]  }
0x296: {  	v62 =	vmul.f32 v26, v58;
	v61 =	vmul.f32 v59, v2;
	v58 =	vld [tilespmem:$0x1F950]  }
0x297: {  	v6 =	vor.u32 v6, v11;
	v59 =	vld [tilespmem:$0x1F960]  }
0x298: {  	[tilespmem:$0x1F8C0] =	vst v61;
	v61 =	vld [tilespmem:$0x1F9A0]  }
0x299: {  	v7 =	vor.u32 v41, v11;
	[tilespmem:$0x1F8D0] =	vst v62;
	v62 =	vld [tilespmem:$0x1F9B0]  }
0x29a: {  	v44 =	vmov v4;
	v1 =	vmul.f32 v25, v1;
	v4 =	vld [tilespmem:$0x1F9D0]  }
0x29b: {  	v0 =	vmul.f32 v20, v0;
	[tilespmem:$0x1F890] =	vst v56;
	v5 =	vld [tilespmem:$0x1F9F0]  }
0x29c: {  	v9 =	vor.u32 v52, v11;
	v52 =	vld.idx.msk [tilespmem:v6+s29+$0x0], $0xffff;
	[tilespmem:$0x1F8F0] =	vst v1  }
0x29d: {  	[tilespmem:$0x1F900] =	vst v0;
	v6 =	vld [tilespmem:$0x1FA10]  }
0x29e: {  	v56 =	vmul.f32 v19, v2;
	v53 =	vld.idx.msk [tilespmem:v7+s29+$0x0], $0xffff  }
0x29f: {  	v12 =	vor.u32 v54, v11;
	v8 =	vor.u32 v60, v11;
	v60 =	vld [tilespmem:$0x1F980]  }
0x2a0: {  	[tilespmem:$0x1F920] =	vst v56;
	v7 =	vld [tilespmem:$0x1FA30]  }
0x2a1: {  	v54 =	vld.idx.msk [tilespmem:v9+s29+$0x0], $0xffff  }
0x2a2: {  	v9 =	vld [tilespmem:$0x1FA50];
	v0 =	vor.u32 v57, v11  }
0x2a3: {  	v17 =	vor.u32 v61, v11;
	v61 =	vld [tilespmem:$0x1FAA0];
	[tilespmem:$0x1F940] =	vst v0;
	v0 =	vor.u32 v59, v11  }
0x2a4: {  	v14 =	vor.u32 v55, v11;
	v55 =	vld.idx.msk [tilespmem:v12+s29+$0x0], $0xffff;
	[tilespmem:$0x1F970] =	vst v0;
	v0 =	vor.u32 v60, v11  }
0x2a5: {  	v60 =	vld [tilespmem:$0x1FA80];
	[tilespmem:$0x1F990] =	vst v0  }
0x2a6: {  	v41 =	vor.u32 v10, v11;
	v56 =	vld.idx.msk [tilespmem:v8+s29+$0x0], $0xffff  }
0x2a7: {  	v0 =	vor.u32 v62, v11;
	v8 =	vld [tilespmem:$0x1FA40]  }
0x2a8: {  	v15 =	vor.u32 v58, v11;
	v59 =	vld [tilespmem:$0x1FA70];
	[tilespmem:$0x1F9C0] =	vst v0;
	v0 =	vor.u32 v4, v11  }
0x2a9: {  	v62 =	vld [tilespmem:$0x1FAC0];
	[tilespmem:$0x1F9E0] =	vst v0;
	v0 =	vor.u32 v5, v11  }
0x2aa: {  	v10 =	vld [tilespmem:$0x1FA60];
	[tilespmem:$0x1FA00] =	vst v0;
	v0 =	vor.u32 v6, v11  }
0x2ab: {  	v57 =	vld.idx.msk [tilespmem:v41+s29+$0x0], $0xffff;
	[tilespmem:$0x1FA20] =	vst v0  }
0x2ac: {  	v0 =	vor.u32 v60, v11;
	v58 =	vld.idx.msk [tilespmem:v14+s29+$0x0], $0xffff;
	v26 =	vor.u32 v8, v11  }
0x2ad: {  	v19 =	vor.u32 v59, v11;
	v59 =	vld.idx.msk [tilespmem:v15+s29+$0x0], $0xffff;
	[tilespmem:$0x1FA90] =	vst v0;
	v0 =	vor.u32 v61, v11  }
0x2ae: {  	[tilespmem:$0x1FAB0] =	vst v0;
	v0 =	vor.u32 v62, v11  }
0x2af: {  	v12 =	vor.u32 v9, v11;
	v16 =	vor.u32 v10, v11;
	v60 =	vmul.f32 v52, v52;
	[tilespmem:$0x1FAD0] =	vst v0  }
0x2b0: {  	s31 =	smov.u32 s30;
	s2 =	simm.s32 $0x20;
	v41 =	vor.u32 v7, v11;
	v61 =	vmul.f32 v54, v54;
	v62 =	vmul.f32 v53, v53;
	v17 =	vld.idx.msk [tilespmem:v17+s29+$0x0], $0xffff  }
.LBB2_3:
0x2b1: {  	v26 =	vld.idx.msk [tilespmem:v26+s29+$0x0], $0xffff  }
0x2b2: {  	v0 =	vld [tilespmem:$0x1FA90]  }
0x2b3: {  	v5 =	vld [tilespmem:$0x1FAB0]  }
0x2b4: {  	v22 =	vadd.f32 v22, v33;
	v6 =	vld [tilespmem:$0x1FAD0];
	v33 =	vadd.f32 v60, v46  }
0x2b5: {  	v46 =	vadd.f32 v61, v47;
	v47 =	vadd.f32 v53, v50;
	v53 =	vld [tilespmem:$0x1F940]  }
0x2b6: {  	v61 =	vld [tilespmem:$0x1F970]  }
0x2b7: {  	v27 =	vadd.f32 v27, v30;
	v50 =	vld [tilespmem:$0x1F4D0]  }
0x2b8: {  	v29 =	vadd.f32 v52, v29;
	v52 =	vld [tilespmem:$0x1F4F0]  }
0x2b9: {  	v27 =	vadd.f32 v54, v27;
	v54 =	vld [tilespmem:$0x1F9C0]  }
0x2ba: {  	v25 =	vld.idx.msk [tilespmem:v12+s29+$0x0], $0xffff  }
0x2bb: {  	v23 =	vadd.f32 v23, v36;
	v20 =	vld.idx.msk [tilespmem:v16+s29+$0x0], $0xffff  }
0x2bc: {  	v18 =	vadd.f32 v18, v31;
	v36 =	vadd.f32 v62, v49;
	v19 =	vld.idx.msk [tilespmem:v19+s29+$0x0], $0xffff;
	v4 =	vmul.f32 v59, v59  }
0x2bd: {  	v11 =	vmul.f32 v57, v57;
	v62 =	vmul.f32 v58, v58;
	v22 =	vadd.f32 v57, v22;
	v57 =	vld [tilespmem:$0x1F9E0]  }
0x2be: {  	v21 =	vadd.f32 v21, v32;
	v28 =	vadd.f32 v4, v28;
	v4 =	vld [tilespmem:$0x1F990]  }
0x2bf: {  	v24 =	vadd.f32 v24, v45;
	v30 =	vmul.f32 v55, v55;
	v45 =	vadd.f32 v62, v48;
	v48 =	vld [tilespmem:$0x1F4B0]  }
0x2c0: {  	v31 =	vmul.f32 v56, v56;
	v18 =	vadd.f32 v55, v18;
	v21 =	vadd.f32 v56, v21;
	v16 =	vld.idx.msk [tilespmem:v0+s29+$0x0], $0xffff  }
0x2c1: {  	v23 =	vadd.f32 v58, v23;
	v24 =	vadd.f32 v59, v24;
	v15 =	vld.idx.msk [tilespmem:v5+s29+$0x0], $0xffff  }
0x2c2: {  	v30 =	vadd.f32 v30, v35;
	v31 =	vadd.f32 v31, v51;
	v14 =	vld.idx.msk [tilespmem:v6+s29+$0x0], $0xffff  }
0x2c3: {  	v32 =	vadd.f32 v11, v34;
	v34 =	vmul.f32 v17, v17;
	v35 =	vmul.f32 v26, v26;
	v6 =	vld.idx.msk [tilespmem:v41+s29+$0x0], $0xffff  }
0x2c4: {  	v17 =	vadd.f32 v17, v29;
	v26 =	vadd.f32 v26, v47;
	v41 =	vld [tilespmem:$0x1FB50]  }
0x2c5: {  	v33 =	vadd.f32 v34, v33;
	v55 =	vadd.f32 v35, v36;
	v13 =	vld.idx.msk [tilespmem:v53+s29+$0x0], $0xffff  }
0x2c6: {  	v7 =	vmul.f32 v25, v25;
	v60 =	vmul.f32 v20, v20;
	v12 =	vld.idx.msk [tilespmem:v61+s29+$0x0], $0xffff;
	v25 =	vadd.f32 v25, v27  }
0x2c7: {  	v62 =	vmul.f32 v19, v19;
	v18 =	vadd.f32 v20, v18;
	v19 =	vadd.f32 v19, v21;
	v10 =	vld.idx.msk [tilespmem:v54+s29+$0x0], $0xffff  }
0x2c8: {  	v53 =	vadd.f32 v52, v44;
	v54 =	vld [tilespmem:$0x1F510];
	v58 =	vadd.f32 v7, v46  }
0x2c9: {  	v30 =	vadd.f32 v60, v30;
	v60 =	vld [tilespmem:$0x1FA00];
	v31 =	vadd.f32 v62, v31  }
0x2ca: {  	v62 =	vld [tilespmem:$0x1FA20];
	v5 =	vmul.f32 v16, v16;
	v56 =	vmul.f32 v15, v15;
	v16 =	vadd.f32 v16, v22  }
0x2cb: {  	v9 =	vld.idx.msk [tilespmem:v57+s29+$0x0], $0xffff;
	v59 =	vmul.f32 v14, v14;
	v15 =	vadd.f32 v15, v23;
	v14 =	vadd.f32 v14, v24  }
0x2cc: {  	v51 =	vadd.f32 v50, v41;
	v50 =	vld [tilespmem:$0x1F610];
	v61 =	vmul.f32 v13, v13;
	v13 =	vadd.f32 v13, v17  }
0x2cd: {  	v11 =	vld.idx.msk [tilespmem:v4+s29+$0x0], $0xffff;
	v3 =	vmul.f32 v12, v12;
	v12 =	vadd.f32 v12, v26;
	v32 =	vadd.f32 v5, v32  }
0x2ce: {  	v4 =	vmov v44;
	v44 =	vld [tilespmem:$0x1FB30];
	v35 =	vadd.f32 v56, v45;
	v28 =	vadd.f32 v59, v28  }
0x2cf: {  	v20 =	vmul.f32 v10, v10;
	v10 =	vadd.f32 v10, v18;
	v56 =	vld [tilespmem:$0x1F530];
	v23 =	vadd.f32 v61, v33  }
0x2d0: {  	v24 =	vadd.f32 v3, v55;
	v12 =	vadd.f32 v12, v13;
	v3 =	vld [tilespmem:$0x1FB40];
	v21 =	vmul.f32 v9, v9  }
0x2d1: {  	v61 =	vld [tilespmem:$0x1F570];
	v20 =	vadd.f32 v20, v30;
	v30 =	vmul.f32 v6, v6;
	v9 =	vadd.f32 v9, v19  }
0x2d2: {  	v6 =	vadd.f32 v6, v14;
	v14 =	vadd.f32 v24, v23;
	v8 =	vld.idx.msk [tilespmem:v60+s29+$0x0], $0xffff  }
0x2d3: {  	v7 =	vld.idx.msk [tilespmem:v62+s29+$0x0], $0xffff;
	v29 =	vmul.f32 v11, v11;
	v21 =	vadd.f32 v21, v31;
	v28 =	vadd.f32 v30, v28  }
0x2d4: {  	v1 =	vld [tilespmem:$0x1F860];
	v11 =	vadd.f32 v11, v25;
	v55 =	vadd.f32 v54, v44  }
0x2d5: {  	v52 =	vld [tilespmem:$0x1F650];
	v26 =	vadd.f32 v50, v44;
	v29 =	vadd.f32 v29, v58  }
0x2d6: {  	v5 =	vld [tilespmem:$0x1F6F0];
	v10 =	vadd.f32 v10, v11;
	v49 =	vadd.f32 v48, v3  }
0x2d7: {  	v33 =	vld [tilespmem:$0x1F5B0];
	v57 =	vadd.f32 v56, v3;
	v62 =	vadd.f32 v61, v4  }
0x2d8: {  	[tilespmem:s30+$0xFFFFFFB0] =	vst v51;
	v51 =	vld [tilespmem:$0x1F630];
	v10 =	vadd.f32 v10, v12;
	v22 =	vmul.f32 v8, v8;
	v27 =	vmul.f32 v7, v7  }
0x2d9: {  	[tilespmem:s30+$0xFFFFFFC0] =	vst v53;
	v53 =	vld [tilespmem:$0x1F670];
	v8 =	vadd.f32 v8, v16;
	v7 =	vadd.f32 v7, v15  }
0x2da: {  	v54 =	vld [tilespmem:$0x1F690];
	v22 =	vadd.f32 v22, v32;
	v27 =	vadd.f32 v27, v35  }
0x2db: {  	v58 =	vld [tilespmem:$0x1F550];
	v8 =	vadd.f32 v8, v9;
	v6 =	vadd.f32 v6, v7  }
0x2dc: {  	[tilespmem:s30+$0xFFFFFFD0] =	vst v55;
	v48 =	vld [tilespmem:$0x1F5F0];
	v15 =	vadd.f32 v20, v29;
	v45 =	vadd.f32 v22, v21  }
0x2dd: {  	[tilespmem:s30+$0x50] =	vst v26;
	v55 =	vld [tilespmem:$0x1F6B0];
	v46 =	vadd.f32 v28, v27;
	v6 =	vadd.f32 v6, v8  }
0x2de: {  	v34 =	vadd.f32 v33, v3;
	v11 =	vld [tilespmem:$0x1F710];
	[tilespmem:s30+$0xFFFFFFA0] =	vst v49;
	v47 =	vadd.f32 v15, v14  }
0x2df: {  	v33 =	vld [tilespmem:$0x1F750];
	[tilespmem:s30+$0xFFFFFFE0] =	vst v57;
	v7 =	vadd.f32 v46, v45;
	v6 =	vadd.f32 v6, v10  }
0x2e0: {  	[tilespmem:s30+$0x20] =	vst v34;
	v34 =	vld [tilespmem:$0x1F770];
	v26 =	vadd.f32 v54, v44  }
0x2e1: {  	[tilespmem:s30+$0x0] =	vst v62;
	v59 =	vadd.f32 v58, v41;
	v35 =	vld [tilespmem:$0x1F5D0];
	v7 =	vadd.f32 v7, v47;
	v21 =	vmul.f32 $1.562500000e-02, v6  }
0x2e2: {  	v54 =	vld [tilespmem:$0x1F8F0];
	v25 =	vadd.f32 v48, v4;
	[tilespmem:s30+$0x90] =	vst v26  }
0x2e3: {  	v29 =	vadd.f32 v55, v3;
	v58 =	vld [tilespmem:$0x1F6D0];
	[tilespmem:s30+$0xFFFFFFF0] =	vst v59;
	v7 =	vmul.f32 $1.562500000e-02, v7;
	v60 =	vmul.f32 v21, v21  }
0x2e4: {  	v36 =	vimm.s32 $0x8;
	v56 =	vimm.s32 $0xA;
	v48 =	vld [tilespmem:$0x1F800];
	v27 =	vadd.f32 v51, v3;
	[tilespmem:s30+$0x40] =	vst v25  }
0x2e5: {  	v61 =	vimm.s32 $0xC;
	v28 =	vadd.f32 v53, v4;
	[tilespmem:s30+$0xA0] =	vst v29;
	v51 =	vld [tilespmem:$0x1F870];
	v7 =	vsub.f32 v7, v60  }
0x2e6: {  	v57 =	vimm.s32 $0x7;
	v25 =	vadd.f32 v52, v41;
	[tilespmem:s30+$0x60] =	vst v27;
	v46 =	vadd.f32 v35, v41;
	v35 =	vld [tilespmem:$0x1F790]  }
0x2e7: {  	v62 =	vimm.s32 $0xB;
	[tilespmem:s30+$0x80] =	vst v28;
	v28 =	vadd.f32 v33, v41;
	v6 =	vld [tilespmem:$0x1F590];
	v7 =	vadd.f32 $9.999999740e-06, v7  }
0x2e8: {  	v30 =	vadd.f32 v11, v44;
	v55 =	vimm.s32 $0xF;
	v59 =	vimm.s32 $0xE;
	v52 =	vld [tilespmem:$0x1F890];
	[tilespmem:s30+$0x70] =	vst v25  }
0x2e9: {  	v27 =	vadd.f32 v58, v41;
	[tilespmem:s31+$0xF0] =	vst v28;
	v28 =	vld [tilespmem:$0x1F8D0];
	v47 =	vshra.s32 v7, $0x1;
	v22 =	vmul.f32 $5.000000000e-01, v7  }
0x2ea: {  	v26 =	vadd.f32 v34, v4;
	[tilespmem:s30+$0x30] =	vst v46;
	v46 =	vld [tilespmem:$0x1F7B0];
	v49 =	vperm.xlane v21, v59;
	v23 =	vsub.s32 $0x5F3759DF, v47  }
0x2eb: {  	v34 =	vadd.f32 v54, v4;
	[tilespmem:s30+$0xB0] =	vst v27;
	v27 =	vld [tilespmem:$0x1F8A0];
	v31 =	vadd.f32 v35, v44;
	v24 =	vmul.f32 v23, v22  }
0x2ec: {  	v19 =	vperm.xlane v21, v38;
	v18 =	vperm.xlane v21, v37;
	[tilespmem:$0x1F0D0] =	vst v49;
	v49 =	vld [tilespmem:$0x1F830];
	v32 =	vadd.f32 v6, v44  }
0x2ed: {  	v25 =	vadd.f32 v5, v4;
	v17 =	vperm.xlane v21, v39;
	[tilespmem:s31+$0x110] =	vst v31;
	v31 =	vld [tilespmem:$0x1F920];
	v24 =	vmul.f32 v23, v24  }
0x2ee: {  	v45 =	vimm.s32 $0x9;
	v16 =	vperm.xlane v21, v40;
	v20 =	vperm.xlane v21, v63;
	[tilespmem:s30+$0x10] =	vst v32;
	v32 =	vld [tilespmem:$0x1F730];
	s30 =	sadd.s32 $0x400, s30  }
0x2ef: {  	v15 =	vperm.xlane v21, v43;
	v14 =	vperm.xlane v21, v42;
	[tilespmem:s31+$0xC0] =	vst v25;
	v25 =	vld [tilespmem:s30+$0x1F0];
	v24 =	vsub.f32 $1.500000000e+00, v24  }
0x2f0: {  	v13 =	vperm.xlane v21, v57;
	v12 =	vperm.xlane v21, v36;
	[tilespmem:s31+$0xD0] =	vst v30;
	v30 =	vadd.f32 v27, v44;
	v27 =	vld [tilespmem:s30+$0xFFFFFE00]  }
0x2f1: {  	v5 =	vadd.f32 v1, v3;
	v10 =	vperm.xlane v21, v45;
	v53 =	vld [tilespmem:s30+$0xFFFFFE10];
	v23 =	vmul.f32 v23, v24  }
0x2f2: {  	v2 =	vadd.f32 v48, v4;
	v9 =	vperm.xlane v21, v62;
	v8 =	vperm.xlane v21, v61;
	v35 =	vld [tilespmem:s30+$0xFFFFFE20]  }
0x2f3: {  	v58 =	vperm.xlane v21, v55;
	v60 =	vimm.s32 $0xD;
	v47 =	vld [tilespmem:$0x1F7D0];
	v22 =	vmul.f32 v23, v22  }
0x2f4: {  	v1 =	vadd.f32 v52, v4;
	v6 =	vperm.xlane v21, v60;
	v7 =	vperm.xlane v21, v56;
	v21 =	vld [tilespmem:$0x1F900]  }
0x2f5: {  	[tilespmem:s31+$0x100] =	vst v26;
	v28 =	vadd.f32 v28, v41;
	v29 =	vadd.f32 v46, v3;
	v26 =	vld [tilespmem:s30+$0xFFFFFE30];
	v50 =	vmul.f32 v22, v23  }
0x2f6: {  	[tilespmem:s31+$0x180] =	vst v1;
	v1 =	vld [tilespmem:s30+$0xFFFFFEE0];
	v11 =	vadd.f32 v49, v44;
	v46 =	vadd.f32 v31, v3  }
0x2f7: {  	v31 =	vld [tilespmem:s30+$0xFFFFFE40];
	v24 =	vadd.f32 v32, v3;
	v0 =	vsub.f32 $1.500000000e+00, v50  }
0x2f8: {  	[tilespmem:$0x1F0E0] =	vst v58;
	v48 =	vsub.f32 v27, v19;
	v27 =	vld [tilespmem:s30+$0xFFFFFE50];
	v32 =	vadd.f32 v47, v41  }
0x2f9: {  	v21 =	vadd.f32 v21, v44;
	v25 =	vsub.f32 v25, v58;
	v58 =	vld [tilespmem:s30+$0x30];
	[tilespmem:s31+$0xE0] =	vst v24;
	v23 =	vmul.f32 v0, v23  }
0x2fa: {  	v35 =	vsub.f32 v35, v19;
	v24 =	vld [tilespmem:$0x1F8C0];
	[tilespmem:s31+$0x130] =	vst v32;
	v32 =	vsub.f32 v53, v19  }
0x2fb: {  	v22 =	vadd.f32 v51, v41;
	v51 =	vld [tilespmem:s30+$0xFFFFFE60];
	v47 =	vperm.xlane v23, v38;
	v0 =	vperm.xlane v23, v55  }
0x2fc: {  	[tilespmem:s31+$0x160] =	vst v5;
	v19 =	vsub.f32 v26, v19;
	v26 =	vld [tilespmem:s30+$0xFFFFFE80];
	v49 =	vperm.xlane v23, v37;
	v50 =	vperm.xlane v23, v39  }
0x2fd: {  	[tilespmem:s31+$0x140] =	vst v2;
	v5 =	vsub.f32 v31, v18;
	v52 =	vperm.xlane v23, v40;
	v54 =	vperm.xlane v23, v63;
	v40 =	vld [tilespmem:$0x1FB10]  }
0x2fe: {  	[tilespmem:s31+$0x120] =	vst v29;
	v53 =	vld [tilespmem:s30+$0xFFFFFE70];
	v58 =	vsub.f32 v58, v12;
	v55 =	vperm.xlane v23, v43;
	v29 =	vperm.xlane v23, v42  }
0x2ff: {  	[tilespmem:s31+$0x170] =	vst v22;
	v22 =	vld [tilespmem:s30+$0xFFFFFEA0];
	v24 =	vadd.f32 v24, v3;
	v33 =	vperm.xlane v23, v57;
	v36 =	vperm.xlane v23, v36  }
0x300: {  	[tilespmem:s31+$0x190] =	vst v30;
	v30 =	vsub.f32 v51, v18;
	v51 =	vld [tilespmem:s30+$0xFFFFFFC0];
	v45 =	vperm.xlane v23, v45;
	v25 =	vmul.f32 v25, v0  }
0x301: {  	[tilespmem:s31+$0x150] =	vst v11;
	v31 =	vperm.xlane v23, v56;
	v42 =	vsub.f32 v27, v18;
	v43 =	vld [tilespmem:s30+$0xFFFFFEB0];
	v27 =	vperm.xlane v23, v62  }
0x302: {  	v26 =	vsub.f32 v26, v17;
	[tilespmem:s31+$0x1A0] =	vst v24;
	v2 =	vperm.xlane v23, v60;
	v62 =	vld [tilespmem:s30+$0xFFFFFED0];
	v11 =	vmul.f32 v25, v40  }
0x303: {  	v18 =	vsub.f32 v53, v18;
	[tilespmem:$0x1F0F0] =	vst v0;
	v0 =	vperm.xlane v23, v61;
	v24 =	vmul.f32 v32, v47;
	v25 =	vld [tilespmem:s30+$0xFFFFFE90]  }
0x304: {  	v61 =	vld [tilespmem:s30+$0xFFFFFEC0];
	v63 =	vmul.f32 v35, v47;
	v19 =	vmul.f32 v19, v47;
	v39 =	vadd.f32 v11, v41  }
0x305: {  	[tilespmem:s31+$0x1B0] =	vst v28;
	v38 =	vld [tilespmem:s30+$0xFFFFFF00];
	v37 =	vsub.f32 v22, v17;
	v28 =	vmul.f32 v5, v49;
	v30 =	vmul.f32 v30, v49  }
0x306: {  	v22 =	vld [tilespmem:s30+$0xFFFFFEF0];
	v26 =	vmul.f32 v26, v50;
	v58 =	vmul.f32 v58, v36;
	v51 =	vsub.f32 v51, v13;
	[tilespmem:s30+$0x1F0] =	vst v39  }
0x307: {  	v11 =	vperm.xlane v23, v59;
	v23 =	vmul.f32 v48, v47;
	v48 =	vsub.f32 v62, v16;
	[tilespmem:s31+$0x1D0] =	vst v21;
	v21 =	vld [tilespmem:s30+$0xFFFFFF10]  }
0x308: {  	v25 =	vsub.f32 v25, v17;
	[tilespmem:s31+$0x1C0] =	vst v34;
	v34 =	vmul.f32 v42, v49;
	v17 =	vsub.f32 v43, v17;
	v42 =	vld [tilespmem:$0x1FAE0]  }
0x309: {  	v39 =	vmul.f32 v37, v50;
	v49 =	vmul.f32 v18, v49;
	v18 =	vsub.f32 v61, v16;
	v43 =	vld [tilespmem:$0x1FAF0]  }
0x30a: {  	v61 =	vld [tilespmem:s30+$0xFFFFFF30];
	v25 =	vmul.f32 v25, v50;
	v50 =	vmul.f32 v17, v50;
	v17 =	vsub.f32 v1, v16  }
0x30b: {  	v51 =	vmul.f32 v51, v33;
	v53 =	vmul.f32 v18, v52;
	v18 =	vsub.f32 v22, v16;
	v1 =	vld [tilespmem:$0x1FB00]  }
0x30c: {  	v60 =	vld [tilespmem:s30+$0xFFFFFF20];
	v48 =	vmul.f32 v48, v52;
	v56 =	vmul.f32 v17, v52  }
0x30d: {  	v62 =	vld [tilespmem:s30+$0xFFFFFF60];
	v32 =	vmul.f32 v18, v52;
	v18 =	vmul.f32 v19, v40  }
0x30e: {  	v22 =	vld [tilespmem:s30+$0xFFFFFF40];
	v5 =	vmul.f32 v23, v42;
	v16 =	vmul.f32 v24, v43  }
0x30f: {  	v23 =	vsub.f32 v38, v20;
	v24 =	vld [tilespmem:s30+$0xFFFFFF50];
	v21 =	vsub.f32 v21, v20;
	v19 =	vmul.f32 v28, v42  }
0x310: {  	v37 =	vld [tilespmem:s30+$0xFFFFFF80];
	v28 =	vsub.f32 v61, v20;
	v51 =	vmul.f32 v51, v42;
	v17 =	vmul.f32 v63, v1  }
0x311: {  	v52 =	vmul.f32 v23, v54;
	v23 =	vsub.f32 v60, v20;
	v63 =	vld [tilespmem:s30+$0xFFFFFF70];
	v57 =	vmul.f32 v21, v54  }
0x312: {  	v38 =	vld [tilespmem:s30+$0xFFFFFF90];
	v20 =	vmul.f32 v34, v43;
	v21 =	vmul.f32 v30, v1;
	v30 =	vsub.f32 v62, v15  }
0x313: {  	v34 =	vmul.f32 v23, v54;
	v23 =	vsub.f32 v22, v15;
	v54 =	vmul.f32 v28, v54;
	v28 =	vld [tilespmem:s30+$0xFFFFFFA0]  }
0x314: {  	v47 =	vld [tilespmem:s30+$0xFFFFFFB0];
	v22 =	vmul.f32 v49, v40;
	v60 =	vmul.f32 v30, v55;
	v24 =	vsub.f32 v24, v15  }
0x315: {  	v30 =	vsub.f32 v37, v14;
	v49 =	vmul.f32 v23, v55;
	v23 =	vmul.f32 v26, v42  }
0x316: {  	v35 =	vld [tilespmem:s30+$0xFFFFFFD0];
	v59 =	vmul.f32 v24, v55;
	v26 =	vsub.f32 v63, v15;
	v15 =	vmul.f32 v25, v43  }
0x317: {  	v37 =	vld [tilespmem:s30+$0xFFFFFFE0];
	v24 =	vmul.f32 v39, v1;
	v39 =	vsub.f32 v38, v14;
	v25 =	vmul.f32 v50, v40  }
0x318: {  	[tilespmem:s31+$0x1E0] =	vst v46;
	v50 =	vmul.f32 v30, v29;
	v38 =	vld [tilespmem:s30+$0xFFFFFFF0];
	v46 =	vmul.f32 v26, v55;
	v28 =	vsub.f32 v28, v14  }
0x319: {  	v30 =	vsub.f32 v47, v14;
	v63 =	vld [tilespmem:s30+$0x50];
	v26 =	vmul.f32 v53, v42;
	v53 =	vmul.f32 v39, v29  }
0x31a: {  	v39 =	vld [tilespmem:s30+$0x0];
	v14 =	vmul.f32 v48, v43;
	v48 =	vmul.f32 v28, v29  }
0x31b: {  	v35 =	vsub.f32 v35, v13;
	v55 =	vld [tilespmem:s30+$0x10];
	v28 =	vmul.f32 v56, v1;
	v56 =	vmul.f32 v30, v29  }
0x31c: {  	v62 =	vld [tilespmem:s30+$0x20];
	v29 =	vmul.f32 v32, v40;
	v30 =	vmul.f32 v52, v42  }
0x31d: {  	v52 =	vmul.f32 v35, v33;
	v32 =	vmul.f32 v34, v1  }
0x31e: {  	v61 =	vld [tilespmem:s30+$0x40];
	v37 =	vsub.f32 v37, v13;
	v34 =	vmul.f32 v49, v42;
	v35 =	vmul.f32 v60, v1  }
0x31f: {  	v38 =	vsub.f32 v38, v13;
	v13 =	vmul.f32 v57, v43;
	v60 =	vsub.f32 v63, v10;
	v63 =	vld [tilespmem:s30+$0xA0]  }
0x320: {  	v57 =	vmul.f32 v37, v33;
	v47 =	vsub.f32 v39, v12;
	v39 =	vsub.f32 v55, v12;
	v55 =	vld [tilespmem:s30+$0x60]  }
0x321: {  	v37 =	vmul.f32 v38, v33;
	v33 =	vmul.f32 v54, v40;
	v54 =	vsub.f32 v62, v12;
	v62 =	vld [tilespmem:s30+$0x70]  }
0x322: {  	[tilespmem:$0x1F100] =	vst v18;
	v18 =	vmul.f32 v53, v43;
	v52 =	vmul.f32 v52, v43;
	v38 =	vld [tilespmem:s30+$0x80]  }
0x323: {  	v48 =	vmul.f32 v48, v1;
	v12 =	vmul.f32 v59, v43;
	v59 =	vsub.f32 v61, v10;
	v61 =	vld [tilespmem:s30+$0x90]  }
0x324: {  	v57 =	vmul.f32 v57, v1;
	[tilespmem:$0x1F510] =	vst v52;
	v52 =	vld [tilespmem:s30+$0x150];
	v47 =	vmul.f32 v47, v36  }
0x325: {  	[tilespmem:$0x1F4F0] =	vst v51;
	v13 =	vadd.f32 v13, v44;
	v49 =	vmul.f32 v39, v36;
	v54 =	vmul.f32 v54, v36;
	v39 =	vld [tilespmem:s30+$0xB0]  }
0x326: {  	v36 =	vmul.f32 v46, v40;
	v59 =	vmul.f32 v59, v45;
	[tilespmem:$0x1F530] =	vst v57;
	v57 =	vld [tilespmem:s30+$0x130]  }
0x327: {  	v5 =	vadd.f32 v5, v4;
	v46 =	vmul.f32 v50, v42;
	[tilespmem:s30+$0xFFFFFF10] =	vst v13;
	v13 =	vld [tilespmem:$0x1F1A0];
	v47 =	vmul.f32 v47, v42  }
0x328: {  	[tilespmem:$0x1F4B0] =	vst v48;
	v50 =	vmul.f32 v60, v45;
	v55 =	vsub.f32 v55, v10;
	v60 =	vsub.f32 v62, v10;
	v62 =	vld [tilespmem:s30+$0xC0]  }
0x329: {  	v49 =	vmul.f32 v49, v43;
	v38 =	vsub.f32 v38, v7;
	v48 =	vsub.f32 v61, v7;
	[tilespmem:$0x1F570] =	vst v47;
	v47 =	vld [tilespmem:s30+$0x140]  }
0x32a: {  	[tilespmem:s30+$0xFFFFFE00] =	vst v5;
	v61 =	vmul.f32 v56, v40;
	v53 =	vmul.f32 v55, v45;
	v55 =	vld [tilespmem:s30+$0xD0];
	v10 =	vsub.f32 v39, v7  }
0x32b: {  	v50 =	vmul.f32 v50, v43;
	v5 =	vadd.f32 v46, v4;
	[tilespmem:$0x1F590] =	vst v49;
	v45 =	vmul.f32 v60, v45;
	v60 =	vld [tilespmem:s30+$0xE0]  }
0x32c: {  	v56 =	vsub.f32 v63, v7;
	[tilespmem:$0x1F4D0] =	vst v61;
	v38 =	vmul.f32 v38, v31;
	v61 =	vld [tilespmem:s30+$0xF0];
	v10 =	vmul.f32 v10, v31  }
0x32d: {  	[tilespmem:$0x1F610] =	vst v50;
	v48 =	vmul.f32 v48, v31;
	v39 =	vld [tilespmem:s30+$0x100];
	v63 =	vsub.f32 v62, v9;
	v62 =	vmul.f32 v37, v40  }
0x32e: {  	[tilespmem:s30+$0xFFFFFF80] =	vst v5;
	v51 =	vmul.f32 v56, v31;
	v56 =	vld [tilespmem:s30+$0x110];
	v47 =	vsub.f32 v47, v6;
	v10 =	vmul.f32 v10, v40  }
0x32f: {  	v31 =	vsub.f32 v55, v9;
	v55 =	vld [tilespmem:s30+$0x120];
	[tilespmem:$0x1F550] =	vst v62;
	v37 =	vmul.f32 v63, v27;
	v62 =	vmul.f32 v58, v40  }
0x330: {  	v46 =	vld [tilespmem:$0x1FA50];
	v63 =	vsub.f32 v60, v9;
	v60 =	vmul.f32 v54, v1;
	v58 =	vmul.f32 v53, v1;
	[tilespmem:$0x1F6D0] =	vst v10  }
0x331: {  	v5 =	vld [tilespmem:$0x1F950];
	v9 =	vsub.f32 v61, v9;
	v31 =	vmul.f32 v31, v27;
	[tilespmem:$0x1F5D0] =	vst v62;
	v62 =	vmul.f32 v38, v42  }
0x332: {  	v39 =	vsub.f32 v39, v8;
	v61 =	vld [tilespmem:s30+$0x160];
	v49 =	vmul.f32 v63, v27;
	[tilespmem:$0x1F5B0] =	vst v60;
	v60 =	vmul.f32 v45, v40  }
0x333: {  	v9 =	vmul.f32 v9, v27;
	v27 =	vsub.f32 v56, v8;
	v56 =	vld [tilespmem:s30+$0x170];
	[tilespmem:$0x1F670] =	vst v62;
	v62 =	vmul.f32 v51, v1  }
0x334: {  	v53 =	vld [tilespmem:s30+$0x1B0];
	v63 =	vmul.f32 v59, v42;
	[tilespmem:$0x1F650] =	vst v60;
	v55 =	vsub.f32 v55, v8;
	v8 =	vsub.f32 v57, v8  }
0x335: {  	v59 =	vsub.f32 v52, v6;
	v45 =	vmul.f32 v47, v2;
	v60 =	vld [tilespmem:$0x1F0D0];
	[tilespmem:$0x1F6B0] =	vst v62;
	v62 =	vmul.f32 v49, v1  }
0x336: {  	[tilespmem:$0x1F630] =	vst v58;
	v57 =	vld [tilespmem:s30+$0x180];
	v50 =	vmul.f32 v55, v0;
	v58 =	vmul.f32 v8, v0  }
0x337: {  	[tilespmem:$0x1F5F0] =	vst v63;
	v61 =	vsub.f32 v61, v6;
	v55 =	vld [tilespmem:s30+$0x190];
	v8 =	vmul.f32 v59, v2;
	v59 =	vmul.f32 v48, v43  }
0x338: {  	v52 =	vld [tilespmem:s30+$0x1A0];
	v27 =	vmul.f32 v27, v0;
	v49 =	vmul.f32 v9, v40;
	v63 =	vsub.f32 v56, v6;
	[tilespmem:$0x1F730] =	vst v62  }
0x339: {  	v54 =	vld [tilespmem:s30+$0x1D0];
	v47 =	vmul.f32 v61, v2;
	[tilespmem:$0x1F690] =	vst v59;
	v59 =	vmul.f32 v31, v43  }
0x33a: {  	v38 =	vld [tilespmem:s30+$0x1C0];
	[tilespmem:$0x1F750] =	vst v49;
	v56 =	vmul.f32 v63, v2;
	v62 =	vmul.f32 v58, v40  }
0x33b: {  	v51 =	vld [tilespmem:s30+$0x1E0];
	v6 =	vsub.f32 v53, v60;
	v61 =	vsub.f32 v57, v60;
	v57 =	vmul.f32 v37, v42;
	[tilespmem:$0x1F710] =	vst v59  }
0x33c: {  	v2 =	vadd.f32 v34, v4;
	v34 =	vld [tilespmem:$0x1FEC0];
	v59 =	vmul.f32 v27, v43;
	[tilespmem:$0x1F7D0] =	vst v62;
	v63 =	vsub.f32 v55, v60  }
0x33d: {  	v6 =	vmul.f32 v6, v11;
	v62 =	vadd.f32 v14, v44;
	v55 =	vsub.f32 v52, v60;
	[tilespmem:$0x1F6F0] =	vst v57;
	v60 =	vld [tilespmem:$0x1F0E0]  }
0x33e: {  	v10 =	vmul.f32 v61, v11;
	v52 =	vld [tilespmem:$0x1F0F0];
	v57 =	vadd.f32 v16, v44;
	[tilespmem:$0x1F790] =	vst v59;
	v7 =	vmul.f32 v63, v11  }
0x33f: {  	v59 =	vadd.f32 v24, v3;
	[tilespmem:s30+$0xFFFFFED0] =	vst v62;
	v62 =	vld [tilespmem:$0x1FFC0];
	v31 =	vmul.f32 v55, v11;
	v11 =	vmul.f32 v45, v42  }
0x340: {  	[tilespmem:s30+$0xFFFFFE10] =	vst v57;
	v45 =	vmul.f32 v47, v1;
	v48 =	vmul.f32 v10, v42;
	v10 =	vld [tilespmem:$0x1FED0]  }
0x341: {  	v47 =	vmul.f32 v56, v40;
	[tilespmem:s30+$0xFFFFFEA0] =	vst v59;
	v59 =	vld [tilespmem:$0x1FFB0]  }
0x342: {  	[tilespmem:$0x1F860] =	vst v45;
	v45 =	vld [tilespmem:$0x1FA40]  }
0x343: {  	v56 =	vadd.f32 v23, v4;
	[tilespmem:$0x1F870] =	vst v47;
	v47 =	vld [tilespmem:$0x1FFF0]  }
0x344: {  	v57 =	vadd.f32 v15, v44;
	[tilespmem:$0x1F890] =	vst v48;
	v48 =	vld [tilespmem:$0x1FA60]  }
0x345: {  	[tilespmem:s30+$0xFFFFFE80] =	vst v56;
	v56 =	vld [tilespmem:$0x1FFA0]  }
0x346: {  	v39 =	vmul.f32 v39, v0;
	v49 =	vmul.f32 v7, v43;
	[tilespmem:s30+$0xFFFFFE90] =	vst v57;
	v57 =	vld [tilespmem:$0x1F810]  }
0x347: {  	v61 =	vsub.f32 v38, v60;
	v63 =	vsub.f32 v54, v60;
	v38 =	vmul.f32 v8, v43;
	v8 =	vld [tilespmem:$0x1F250]  }
0x348: {  	[tilespmem:$0x1F8A0] =	vst v49;
	v49 =	vld [tilespmem:$0x1FA70]  }
0x349: {  	v54 =	vmul.f32 v39, v42;
	v39 =	vadd.f32 v19, v4;
	v55 =	vmul.f32 v63, v52;
	v63 =	vld [tilespmem:$0x1F100]  }
0x34a: {  	v53 =	vsub.f32 v51, v60;
	[tilespmem:$0x1F830] =	vst v38;
	v38 =	vld [tilespmem:$0x1F980]  }
0x34b: {  	v15 =	vadd.f32 v33, v41;
	v51 =	vmul.f32 v31, v1;
	v9 =	vmul.f32 v61, v52;
	[tilespmem:s30+$0xFFFFFE40] =	vst v39;
	v39 =	vld [tilespmem:$0x1F9B0]  }
0x34c: {  	v33 =	vmov s2;
	v16 =	vmul.f32 v53, v52;
	v52 =	vmul.f32 v6, v40;
	v40 =	vld [tilespmem:$0x1F9D0]  }
0x34d: {  	[tilespmem:$0x1F8C0] =	vst v51;
	v6 =	vshll.u32 v33, $0x6;
	v51 =	vld [tilespmem:$0x1FA80]  }
0x34e: {  	v37 =	vor.u32 v34, v6;
	v6 =	vld [tilespmem:$0x1FFE0]  }
0x34f: {  	v60 =	vadd.f32 v17, v3;
	v58 =	vmul.f32 v16, v1;
	v16 =	vadd.f32 v36, v41;
	v36 =	vld [tilespmem:$0x1F960]  }
0x350: {  	[tilespmem:$0x1F770] =	vst v54;
	v54 =	vmul.f32 v9, v42;
	v42 =	vld [tilespmem:$0x1FA10]  }
0x351: {  	[tilespmem:s30+$0xFFFFFE20] =	vst v60;
	v53 =	vadd.f32 v22, v41;
	v55 =	vmul.f32 v55, v43;
	v43 =	vld [tilespmem:$0x1FA30]  }
0x352: {  	v60 =	vadd.f32 v25, v41;
	[tilespmem:$0x1F8D0] =	vst v52;
	v52 =	vld [tilespmem:$0x1FAA0]  }
0x353: {  	[tilespmem:s30+$0xFFFFFE70] =	vst v53;
	v53 =	vld [tilespmem:$0x1FF90]  }
0x354: {  	v61 =	vmul.f32 v50, v1;
	[tilespmem:s30+$0xFFFFFEB0] =	vst v60;
	v60 =	vld [tilespmem:$0x1F880]  }
0x355: {  	v12 =	vadd.f32 v12, v44;
	v23 =	vor.u32 v56, v37;
	v56 =	vld [tilespmem:$0x1F910]  }
0x356: {  	v0 =	vadd.f32 v30, v4;
	[tilespmem:$0x1F7B0] =	vst v61;
	v61 =	vadd.f32 v26, v4;
	v4 =	vld [tilespmem:$0x1F240]  }
0x357: {  	[tilespmem:s30+$0xFFFFFF50] =	vst v12;
	v9 =	vld [tilespmem:$0x1F260]  }
0x358: {  	[tilespmem:s30+$0xFFFFFF00] =	vst v0;
	v24 =	vor.u32 v59, v37;
	v59 =	vld [tilespmem:$0x1F2B0]  }
0x359: {  	v14 =	vadd.f32 v29, v41;
	[tilespmem:s30+$0xFFFFFF40] =	vst v2;
	v29 =	vor.u32 v5, v37;
	v5 =	vld [tilespmem:$0x1F1D0]  }
0x35a: {  	[tilespmem:$0x1F800] =	vst v11;
	v11 =	vor.u32 v10, v37;
	v10 =	vld [tilespmem:$0x1FF70]  }
0x35b: {  	[tilespmem:s30+$0xFFFFFEF0] =	vst v14;
	v33 =	vor.u32 v8, v37;
	v8 =	vld [tilespmem:$0x1F1F0]  }
0x35c: {  	[tilespmem:$0x1F8F0] =	vst v54;
	v54 =	vld [tilespmem:$0x1F7E0]  }
0x35d: {  	[tilespmem:$0x1F900] =	vst v55;
	v55 =	vld [tilespmem:$0x1FAC0]  }
0x35e: {  	v1 =	vadd.f32 v32, v3;
	v32 =	vadd.f32 v18, v44;
	[tilespmem:$0x1F920] =	vst v58;
	v58 =	vld [tilespmem:$0x1F840]  }
0x35f: {  	[tilespmem:s30+$0xFFFFFEC0] =	vst v61;
	v61 =	vld [tilespmem:$0x1F8B0]  }
0x360: {  	[tilespmem:s30+$0xFFFFFF90] =	vst v32;
	v32 =	vor.u32 v57, v37;
	v57 =	vld [tilespmem:$0x1FFD0]  }
0x361: {  	v50 =	vadd.f32 v21, v3;
	[tilespmem:s30+$0xFFFFFF70] =	vst v16;
	v16 =	vld [tilespmem:$0x1F1B0];
	v17 =	vadd.f32 v63, v41  }
0x362: {  	[tilespmem:s30+$0xFFFFFF30] =	vst v15;
	v63 =	vadd.f32 v28, v3;
	v3 =	vadd.f32 v35, v3;
	v35 =	vld [tilespmem:$0x1F930]  }
0x363: {  	[tilespmem:s30+$0xFFFFFE60] =	vst v50;
	v50 =	vlaneseq.u32;
	v41 =	vld [tilespmem:$0x1F9F0]  }
0x364: {  	v21 =	vor.u32 v50, v37;
	[tilespmem:s30+$0xFFFFFF20] =	vst v1;
	v7 =	vor.u32 v6, v37;
	v6 =	vld [tilespmem:$0x1F1E0]  }
0x365: {  	[tilespmem:s30+$0xFFFFFE30] =	vst v17;
	v17 =	vadd.f32 v20, v44;
	v44 =	vld [tilespmem:$0x1F9A0]  }
0x366: {  	[tilespmem:s30+$0xFFFFFEE0] =	vst v63;
	v63 =	vor.u32 v62, v37;
	v62 =	vld [tilespmem:$0x1F1C0]  }
0x367: {  	v13 =	vor.u32 v13, v37;
	[tilespmem:s30+$0xFFFFFF60] =	vst v3;
	v31 =	vor.u32 v4, v37;
	v4 =	vld [tilespmem:$0x1FF50]  }
0x368: {  	v27 =	vor.u32 v9, v37;
	v9 =	vld [tilespmem:$0x1F200];
	[tilespmem:s30+$0xFFFFFE50] =	vst v17  }
0x369: {  	v26 =	vor.u32 v45, v37;
	v45 =	vld.idx.msk [tilespmem:v21+s29+$0x0], $0xffff  }
0x36a: {  	v50 =	vld.idx.msk [tilespmem:v23+s29+$0x0], $0xffff  }
0x36b: {  	v18 =	vor.u32 v47, v37;
	v0 =	vor.u32 v35, v37;
	v35 =	vor.u32 v61, v37;
	v61 =	vld [tilespmem:$0x1FF40]  }
0x36c: {  	v13 =	vld.idx.msk [tilespmem:v13+s29+$0x0], $0xffff;
	[tilespmem:$0x1F940] =	vst v0;
	v0 =	vor.u32 v36, v37  }
0x36d: {  	[tilespmem:$0x1F970] =	vst v0;
	v0 =	vor.u32 v38, v37;
	v38 =	vld.idx.msk [tilespmem:v63+s29+$0x0], $0xffff  }
0x36e: {  	v63 =	vld [tilespmem:$0x1F2E0]  }
0x36f: {  	v36 =	vor.u32 v58, v37;
	v27 =	vld.idx.msk [tilespmem:v27+s29+$0x0], $0xffff  }
0x370: {  	v58 =	vor.u32 v57, v37;
	[tilespmem:$0x1F990] =	vst v0;
	v0 =	vor.u32 v39, v37;
	v39 =	vld.idx.msk [tilespmem:v18+s29+$0x0], $0xffff  }
0x371: {  	[tilespmem:$0x1F9C0] =	vst v0;
	v0 =	vor.u32 v40, v37;
	v40 =	vld [tilespmem:$0x1F270]  }
0x372: {  	v28 =	vor.u32 v56, v37;
	v56 =	vor.u32 v4, v37;
	[tilespmem:$0x1F9E0] =	vst v0;
	v0 =	vor.u32 v41, v37;
	v41 =	vld [tilespmem:$0x1F280]  }
0x373: {  	v30 =	vor.u32 v54, v37;
	v54 =	vor.u32 v61, v37;
	v61 =	vor.u32 v9, v37;
	v9 =	vld [tilespmem:$0x1FF10]  }
0x374: {  	v22 =	vor.u32 v53, v37;
	[tilespmem:$0x1FA00] =	vst v0;
	v0 =	vor.u32 v42, v37;
	v42 =	vld [tilespmem:$0x1FF30]  }
0x375: {  	v47 =	vld.idx.msk [tilespmem:v58+s29+$0x0], $0xffff  }
0x376: {  	[tilespmem:$0x1FA20] =	vst v0;
	v0 =	vor.u32 v44, v37;
	v44 =	vld [tilespmem:$0x1FEE0]  }
0x377: {  	v56 =	vld.idx.msk [tilespmem:v56+s29+$0x0], $0xffff  }
0x378: {  	[tilespmem:$0x1F140] =	vst v0;
	v0 =	vor.u32 v46, v37;
	v46 =	vor.u32 v60, v37;
	v60 =	vld [tilespmem:$0x1F2C0]  }
0x379: {  	[tilespmem:$0x1F130] =	vst v0;
	v0 =	vor.u32 v48, v37;
	v48 =	vld.idx.msk [tilespmem:v22+s29+$0x0], $0xffff  }
0x37a: {  	v18 =	vor.u32 v40, v37;
	v40 =	vld [tilespmem:$0x1F220]  }
0x37b: {  	[tilespmem:$0x1F120] =	vst v0;
	v0 =	vor.u32 v49, v37;
	v49 =	vld.idx.msk [tilespmem:v7+s29+$0x0], $0xffff  }
0x37c: {  	v7 =	vld [tilespmem:$0x1FF60]  }
0x37d: {  	v21 =	vor.u32 v41, v37;
	v41 =	vld [tilespmem:$0x1FF80]  }
0x37e: {  	v54 =	vld.idx.msk [tilespmem:v54+s29+$0x0], $0xffff  }
0x37f: {  	[tilespmem:$0x1F110] =	vst v0;
	v0 =	vor.u32 v51, v37;
	v51 =	vld.idx.msk [tilespmem:v11+s29+$0x0], $0xffff  }
0x380: {  	v11 =	vld [tilespmem:$0x1F210]  }
0x381: {  	v17 =	vor.u32 v43, v37;
	v43 =	vor.u32 v42, v37;
	v42 =	vld [tilespmem:$0x1FF00]  }
0x382: {  	[tilespmem:$0x1FA90] =	vst v0;
	v0 =	vor.u32 v52, v37;
	v52 =	vld.idx.msk [tilespmem:v24+s29+$0x0], $0xffff  }
0x383: {  	[tilespmem:$0x1FAB0] =	vst v0;
	v0 =	vor.u32 v55, v37;
	v55 =	vld [tilespmem:$0x1F8E0]  }
0x384: {  	v57 =	vor.u32 v5, v37;
	v23 =	vor.u32 v60, v37;
	v60 =	vor.u32 v8, v37;
	v8 =	vld [tilespmem:$0x1FEF0]  }
0x385: {  	v58 =	vor.u32 v6, v37;
	v14 =	vmul.f32 v39, v39;
	v4 =	vor.u32 v44, v37;
	v18 =	vld.idx.msk [tilespmem:v18+s29+$0x0], $0xffff  }
0x386: {  	v22 =	vor.u32 v59, v37;
	v24 =	vor.u32 v63, v37;
	v44 =	vmul.f32 v50, v50;
	v21 =	vld.idx.msk [tilespmem:v21+s29+$0x0], $0xffff  }
0x387: {  	v50 =	vadd.f32 $0.0e+00, v50;
	[tilespmem:$0x1FAD0] =	vst v0;
	v0 =	vor.u32 v40, v37;
	v40 =	vor.u32 v9, v37;
	v53 =	vld.idx.msk [tilespmem:v43+s29+$0x0], $0xffff  }
0x388: {  	v19 =	vmul.f32 v56, v56;
	v9 =	vmul.f32 v47, v47;
	v59 =	vor.u32 v7, v37;
	v43 =	vld [tilespmem:$0x1F230]  }
0x389: {  	v47 =	vadd.f32 $0.0e+00, v47;
	v1 =	vor.u32 v41, v37;
	v63 =	vor.u32 v11, v37;
	v11 =	vld [tilespmem:$0x1F180]  }
0x38a: {  	v41 =	vmul.f32 v45, v45;
	v45 =	vadd.f32 $0.0e+00, v45;
	v2 =	vor.u32 v42, v37;
	v4 =	vld.idx.msk [tilespmem:v4+s29+$0x0], $0xffff  }
0x38b: {  	v34 =	vor.u32 v55, v37;
	v55 =	vor.u32 v62, v37;
	v62 =	vor.u32 v10, v37;
	v10 =	vld [tilespmem:$0x1FF20]  }
0x38c: {  	v42 =	vmul.f32 v48, v48;
	v12 =	vmul.f32 v51, v51;
	v48 =	vadd.f32 $0.0e+00, v48;
	v40 =	vld.idx.msk [tilespmem:v40+s29+$0x0], $0xffff  }
0x38d: {  	v51 =	vadd.f32 $0.0e+00, v51;
	v6 =	vmul.f32 v52, v52;
	v5 =	vor.u32 v8, v37;
	v59 =	vld.idx.msk [tilespmem:v59+s29+$0x0], $0xffff  }
0x38e: {  	v52 =	vadd.f32 $0.0e+00, v52;
	v14 =	vadd.f32 v14, v41;
	v8 =	vmul.f32 v38, v38;
	v1 =	vld.idx.msk [tilespmem:v1+s29+$0x0], $0xffff  }
0x38f: {  	v38 =	vadd.f32 $0.0e+00, v38;
	v6 =	vadd.f32 v19, v6;
	v3 =	vor.u32 v43, v37;
	v2 =	vld.idx.msk [tilespmem:v2+s29+$0x0], $0xffff  }
0x390: {  	v7 =	vor.u32 v11, v37;
	v11 =	vmul.f32 v49, v49;
	v15 =	vmul.f32 v53, v53;
	v62 =	vld.idx.msk [tilespmem:v62+s29+$0x0], $0xffff  }
0x391: {  	v49 =	vadd.f32 $0.0e+00, v49;
	v19 =	vmul.f32 v4, v4;
	v43 =	vor.u32 v10, v37;
	v10 =	vld [tilespmem:$0x1F190]  }
0x392: {  	v4 =	vadd.f32 v4, v51;
	v5 =	vld.idx.msk [tilespmem:v5+s29+$0x0], $0xffff;
	v15 =	vadd.f32 v15, v42;
	v20 =	vmul.f32 v59, v59  }
0x393: {  	v42 =	vld.idx.msk [tilespmem:v55+s29+$0x0], $0xffff;
	v12 =	vadd.f32 v19, v12;
	v41 =	vmul.f32 v1, v1;
	v38 =	vadd.f32 v59, v38  }
0x394: {  	v51 =	vld.idx.msk [tilespmem:v60+s29+$0x0], $0xffff;
	v60 =	vmul.f32 v18, v18;
	v1 =	vadd.f32 v1, v49;
	v8 =	vadd.f32 v20, v8  }
0x395: {  	v22 =	vld.idx.msk [tilespmem:v22+s29+$0x0], $0xffff;
	v20 =	vmul.f32 v2, v2;
	v11 =	vadd.f32 v41, v11;
	v41 =	vmul.f32 v40, v40  }
0x396: {  	v7 =	vld.idx.msk [tilespmem:v7+s29+$0x0], $0xffff;
	v10 =	vor.u32 v10, v37;
	v37 =	vor.u32 v16, v37;
	v16 =	vmul.f32 v54, v54  }
0x397: {  	v24 =	vld.idx.msk [tilespmem:v24+s29+$0x0], $0xffff;
	v1 =	vadd.f32 v13, v1;
	v25 =	vmul.f32 v62, v62;
	v19 =	vmul.f32 v5, v5  }
0x398: {  	v43 =	vld.idx.msk [tilespmem:v43+s29+$0x0], $0xffff;
	v47 =	vadd.f32 v62, v47;
	v55 =	vmul.f32 v42, v42;
	v14 =	vadd.f32 v20, v14  }
0x399: {  	v20 =	vld.idx.msk [tilespmem:v61+s29+$0x0], $0xffff;
	v61 =	vmul.f32 v21, v21;
	v16 =	vadd.f32 v16, v44;
	v9 =	vadd.f32 v25, v9  }
0x39a: {  	v0 =	vld.idx.msk [tilespmem:v0+s29+$0x0], $0xffff;
	v44 =	vadd.f32 v54, v50;
	v15 =	vadd.f32 v19, v15;
	v19 =	vmul.f32 v13, v13  }
0x39b: {  	v50 =	vld.idx.msk [tilespmem:v57+s29+$0x0], $0xffff;
	v59 =	vmul.f32 v7, v7;
	v7 =	vadd.f32 v7, v38;
	v14 =	vadd.f32 v55, v14  }
0x39c: {  	v38 =	vimm.s32 $0x0;
	v16 =	vadd.f32 v41, v16;
	v11 =	vadd.f32 v19, v11;
	v10 =	vld.idx.msk [tilespmem:v10+s29+$0x0], $0xffff  }
0x39d: {  	v25 =	vld.idx.msk [tilespmem:v37+s29+$0x0], $0xffff;
	v37 =	vadd.f32 v39, v45;
	v45 =	vadd.f32 v56, v52;
	v56 =	vmul.f32 v43, v43  }
0x39e: {  	v39 =	vadd.f32 v53, v48;
	v53 =	vld.idx.msk [tilespmem:v58+s29+$0x0], $0xffff;
	v8 =	vadd.f32 v59, v8;
	v58 =	vmul.f32 v51, v51  }
0x39f: {  	v48 =	vld.idx.msk [tilespmem:v63+s29+$0x0], $0xffff;
	v63 =	vimm.s32 $0x4;
	v59 =	vmul.f32 v20, v20;
	v6 =	vadd.f32 v56, v6  }
0x3a0: {  	v23 =	vld.idx.msk [tilespmem:v23+s29+$0x0], $0xffff;
	v19 =	vmul.f32 v50, v50;
	v2 =	vadd.f32 v2, v37;
	v5 =	vadd.f32 v5, v39  }
0x3a1: {  	v39 =	vld.idx.msk [tilespmem:v31+s29+$0x0], $0xffff;
	v31 =	vadd.f32 v40, v44;
	v57 =	vadd.f32 v43, v45;
	v40 =	vimm.s32 $0x3  }
0x3a2: {  	v3 =	vld.idx.msk [tilespmem:v3+s29+$0x0], $0xffff;
	v37 =	vimm.s32 $0x1;
	v8 =	vadd.f32 v59, v8;
	v15 =	vadd.f32 v19, v15  }
0x3a3: {  	v55 =	vld.idx.msk [tilespmem:v46+s29+$0x0], $0xffff;
	v19 =	vmul.f32 v0, v0;
	v6 =	vadd.f32 v58, v6;
	v2 =	vadd.f32 v42, v2  }
0x3a4: {  	v52 =	vld.idx.msk [tilespmem:v30+s29+$0x0], $0xffff;
	v5 =	vadd.f32 v50, v5;
	v62 =	vmul.f32 v10, v10;
	v10 =	vadd.f32 v10, v47  }
0x3a5: {  	v44 =	vld [tilespmem:$0x1FB20];
	v54 =	vmul.f32 v25, v25;
	v4 =	vadd.f32 v25, v4;
	v30 =	vadd.f32 v53, v31  }
0x3a6: {  	v43 =	vld.idx.msk [tilespmem:v33+s29+$0x0], $0xffff;
	v42 =	vimm.s32 $0x6;
	v31 =	vadd.f32 v51, v57;
	v11 =	vadd.f32 v19, v11  }
0x3a7: {  	v12 =	vadd.f32 v54, v12;
	v54 =	vld.idx.msk [tilespmem:v36+s29+$0x0], $0xffff;
	v36 =	vadd.f32 v0, v1;
	v1 =	vmul.f32 v23, v23  }
0x3a8: {  	v56 =	vmul.f32 v53, v53;
	v53 =	vld.idx.msk [tilespmem:v32+s29+$0x0], $0xffff;
	v32 =	vadd.f32 v20, v7;
	v51 =	vadd.f32 v61, v8  }
0x3a9: {  	v13 =	vmul.f32 v48, v48;
	v33 =	vadd.f32 v48, v10;
	v48 =	vadd.f32 v1, v11;
	v11 =	vld [tilespmem:$0x1F140]  }
0x3aa: {  	v59 =	vld.idx.msk [tilespmem:v29+s29+$0x0], $0xffff;
	v25 =	vmul.f32 v3, v3;
	v9 =	vadd.f32 v62, v9;
	v16 =	vadd.f32 v56, v16  }
0x3ab: {  	v58 =	vld.idx.msk [tilespmem:v28+s29+$0x0], $0xffff;
	v19 =	vmul.f32 v43, v43;
	v45 =	vadd.f32 v3, v4;
	v62 =	vmul.f32 v22, v22  }
0x3ac: {  	p0 =	sne.s32 s2, $0x180;
	v56 =	vld.idx.msk [tilespmem:v35+s29+$0x0], $0xffff;
	v35 =	vadd.f32 v60, v6;
	v10 =	vmul.f32 v24, v24;
	v60 =	vmul.f32 v52, v52  }
.Ltmp0:
0x3ad: {  	v57 =	vld.idx.msk [tilespmem:v34+s29+$0x0], $0xffff;
	v29 =	vadd.f32 v39, v2;
	v12 =	vadd.f32 v25, v12;
	v25 =	vmul.f32 v27, v27;
	(pc) =	sbr.rel @p0 .LBB2_3-.Ltmp0, $4  }
0x3ae: {  	v9 =	vadd.f32 v13, v9;
	v13 =	vmul.f32 v39, v39;
	v49 =	vadd.f32 v19, v15;
	v19 =	vld [tilespmem:$0x1F110]  }
0x3af: {  	v50 =	vadd.f32 v43, v5;
	v43 =	vimm.s32 $0x5;
	v47 =	vadd.f32 v25, v16;
	v16 =	vld [tilespmem:$0x1F120]  }
0x3b0: {  	v41 =	vmovc v17;
	v39 =	vimm.s32 $0x2;
	v46 =	vadd.f32 v13, v14;
	v28 =	vadd.f32 v10, v12;
	v12 =	vld [tilespmem:$0x1F130]  }
0x3b1: {  	s31 =	smov.u32 s30;
	s2 =	sadd.s32 $0x10, s2;
	v34 =	vadd.f32 v62, v9;
	v62 =	vmul.f32 v53, v53;
	v61 =	vmul.f32 v54, v54;
	v17 =	vld.idx.msk [tilespmem:v11+s29+$0x0], $0xffff  }
0x3b2: {  	_ =	sdelay $0x3  }
0x3b3: {  	v8 =	vld.idx.msk [tilespmem:v26+s29+$0x0], $0xffff  }
0x3b4: {  	v20 =	vld [tilespmem:$0x1FA90]  }
0x3b5: {  	v3 =	vadd.f32 v22, v33;
	v22 =	vld [tilespmem:$0x1FAB0]  }
0x3b6: {  	v4 =	vadd.f32 v23, v36;
	v23 =	vld [tilespmem:$0x1FAD0]  }
0x3b7: {  	v2 =	vadd.f32 v21, v32;
	v21 =	vadd.f32 v53, v50;
	v50 =	vld [tilespmem:$0x1FA20]  }
0x3b8: {  	v1 =	vadd.f32 v18, v31;
	v31 =	vld [tilespmem:$0x1FB50]  }
0x3b9: {  	v32 =	vld [tilespmem:$0x1F550]  }
0x3ba: {  	v10 =	vmul.f32 v56, v56;
	v18 =	vld.idx.msk [tilespmem:v19+s29+$0x0], $0xffff  }
0x3bb: {  	v0 =	vadd.f32 v27, v30;
	v15 =	vld.idx.msk [tilespmem:v16+s29+$0x0], $0xffff  }
0x3bc: {  	v19 =	vadd.f32 v52, v29;
	v10 =	vadd.f32 v10, v51;
	v51 =	vld.idx.msk [tilespmem:v41+s29+$0x0], $0xffff  }
0x3bd: {  	v5 =	vadd.f32 v24, v45;
	v6 =	vadd.f32 v60, v46;
	v12 =	vld.idx.msk [tilespmem:v12+s29+$0x0], $0xffff;
	v24 =	vmul.f32 v17, v17  }
0x3be: {  	v7 =	vadd.f32 v62, v49;
	v17 =	vadd.f32 v17, v19;
	v19 =	vld [tilespmem:$0x1FA00];
	v25 =	vmul.f32 v8, v8  }
0x3bf: {  	v9 =	vmul.f32 v55, v55;
	v13 =	vmul.f32 v57, v57;
	v6 =	vadd.f32 v24, v6;
	v24 =	vld [tilespmem:$0x1F940]  }
0x3c0: {  	v14 =	vmul.f32 v58, v58;
	v11 =	vadd.f32 v61, v47;
	v7 =	vadd.f32 v25, v7;
	v25 =	vld [tilespmem:$0x1F970]  }
0x3c1: {  	v9 =	vadd.f32 v9, v35;
	v13 =	vadd.f32 v13, v34;
	v20 =	vld.idx.msk [tilespmem:v20+s29+$0x0], $0xffff  }
0x3c2: {  	v14 =	vadd.f32 v14, v48;
	v0 =	vadd.f32 v54, v0;
	v27 =	vmul.f32 v15, v15;
	v22 =	vld.idx.msk [tilespmem:v22+s29+$0x0], $0xffff  }
0x3c3: {  	v1 =	vadd.f32 v55, v1;
	v2 =	vadd.f32 v56, v2;
	v23 =	vld.idx.msk [tilespmem:v23+s29+$0x0], $0xffff;
	v26 =	vmul.f32 v12, v12  }
0x3c4: {  	v3 =	vadd.f32 v57, v3;
	v9 =	vadd.f32 v27, v9;
	v27 =	vld [tilespmem:$0x1F9C0]  }
0x3c5: {  	v16 =	vmul.f32 v59, v59;
	v4 =	vadd.f32 v58, v4;
	v11 =	vadd.f32 v26, v11;
	v26 =	vld [tilespmem:$0x1F990]  }
0x3c6: {  	v5 =	vadd.f32 v59, v5;
	v0 =	vadd.f32 v12, v0;
	v12 =	vld.idx.msk [tilespmem:v50+s29+$0x0], $0xffff;
	v29 =	vmul.f32 v20, v20  }
0x3c7: {  	v16 =	vadd.f32 v16, v28;
	v8 =	vadd.f32 v8, v21;
	v28 =	vmul.f32 v18, v18;
	v19 =	vld.idx.msk [tilespmem:v19+s29+$0x0], $0xffff  }
0x3c8: {  	v2 =	vadd.f32 v18, v2;
	v13 =	vadd.f32 v29, v13;
	v29 =	vld [tilespmem:$0x1F9E0]  }
0x3c9: {  	v1 =	vadd.f32 v15, v1;
	v10 =	vadd.f32 v28, v10;
	v24 =	vld.idx.msk [tilespmem:v24+s29+$0x0], $0xffff  }
0x3ca: {  	v30 =	vmul.f32 v22, v22;
	v28 =	vmul.f32 v23, v23;
	v3 =	vadd.f32 v20, v3;
	v25 =	vld.idx.msk [tilespmem:v25+s29+$0x0], $0xffff  }
0x3cb: {  	v33 =	vld [tilespmem:$0x1F570];
	v4 =	vadd.f32 v22, v4;
	v5 =	vadd.f32 v23, v5  }
0x3cc: {  	v22 =	vmul.f32 v51, v51;
	v14 =	vadd.f32 v30, v14;
	v16 =	vadd.f32 v28, v16;
	v27 =	vld.idx.msk [tilespmem:v27+s29+$0x0], $0xffff  }
0x3cd: {  	v4 =	vadd.f32 v12, v4;
	v5 =	vadd.f32 v51, v5;
	v26 =	vld.idx.msk [tilespmem:v26+s29+$0x0], $0xffff  }
0x3ce: {  	v36 =	vld [tilespmem:$0x1F5D0];
	v16 =	vadd.f32 v22, v16;
	v3 =	vadd.f32 v19, v3;
	v18 =	vmul.f32 v24, v24  }
0x3cf: {  	v45 =	vld [tilespmem:$0x1F6B0];
	v54 =	vadd.f32 v5, v4;
	v17 =	vadd.f32 v24, v17;
	v20 =	vmul.f32 v25, v25  }
0x3d0: {  	v8 =	vadd.f32 v25, v8;
	v6 =	vadd.f32 v18, v6;
	v29 =	vld.idx.msk [tilespmem:v29+s29+$0x0], $0xffff  }
0x3d1: {  	v46 =	vld [tilespmem:$0x1F6D0];
	v18 =	vmul.f32 v27, v27;
	v7 =	vadd.f32 v20, v7;
	v1 =	vadd.f32 v27, v1  }
0x3d2: {  	v61 =	vld [tilespmem:$0x1F4B0];
	v8 =	vadd.f32 v8, v17;
	v21 =	vmul.f32 v26, v26;
	v0 =	vadd.f32 v26, v0  }
0x3d3: {  	v47 =	vld [tilespmem:$0x1F6F0];
	v9 =	vadd.f32 v18, v9;
	v18 =	vmul.f32 v12, v12;
	v6 =	vadd.f32 v7, v6  }
0x3d4: {  	v49 =	vld [tilespmem:$0x1F730];
	v11 =	vadd.f32 v21, v11;
	v21 =	vmul.f32 v19, v19;
	v0 =	vadd.f32 v1, v0  }
0x3d5: {  	v34 =	vld [tilespmem:$0x1F590];
	v14 =	vadd.f32 v18, v14;
	v20 =	vmul.f32 v29, v29;
	v2 =	vadd.f32 v29, v2  }
0x3d6: {  	v35 =	vld [tilespmem:$0x1F5B0];
	v13 =	vadd.f32 v21, v13;
	v52 =	vadd.f32 v9, v11  }
0x3d7: {  	v41 =	vld [tilespmem:$0x1F670];
	v10 =	vadd.f32 v20, v10;
	v53 =	vadd.f32 v3, v2  }
0x3d8: {  	v48 =	vld [tilespmem:$0x1F710];
	v0 =	vadd.f32 v0, v8;
	v56 =	vadd.f32 v16, v14  }
0x3d9: {  	s2 =	sadd.s32 $0x400, s30;
	v30 =	vld [tilespmem:$0x1FB30];
	v55 =	vadd.f32 v13, v10;
	v1 =	vadd.f32 v54, v53  }
0x3da: {  	v15 =	vadd.f32 v32, v31;
	v32 =	vld [tilespmem:s2+$0xFFFFFE00];
	v57 =	vadd.f32 v52, v6  }
0x3db: {  	v50 =	vld [tilespmem:$0x1F750];
	v3 =	vadd.f32 v56, v55;
	v0 =	vadd.f32 v1, v0  }
0x3dc: {  	v28 =	vld [tilespmem:s2+$0x1F0]  }
0x3dd: {  	v51 =	vld [tilespmem:$0x1FB20];
	v58 =	vadd.f32 v3, v57;
	v6 =	vmul.f32 $1.562500000e-02, v0  }
0x3de: {  	v23 =	vadd.f32 v34, v30;
	v34 =	vadd.f32 v41, v44;
	v41 =	vld [tilespmem:s2+$0xFFFFFE30]  }
0x3df: {  	v7 =	vld [tilespmem:$0x1F4D0];
	v59 =	vmul.f32 $1.562500000e-02, v58;
	v60 =	vmul.f32 v6, v6  }
0x3e0: {  	v8 =	vld [tilespmem:$0x1F4F0]  }
0x3e1: {  	v29 =	vld [tilespmem:$0x1FB40];
	v0 =	vsub.f32 v59, v60  }
0x3e2: {  	v9 =	vld [tilespmem:$0x1F510]  }
0x3e3: {  	v52 =	vld [tilespmem:$0x1F770];
	v0 =	vadd.f32 $9.999999740e-06, v0  }
0x3e4: {  	v10 =	vld [tilespmem:$0x1F530]  }
0x3e5: {  	v54 =	vld [tilespmem:$0x1F790];
	v62 =	vshra.s32 v0, $0x1;
	v0 =	vmul.f32 $5.000000000e-01, v0  }
0x3e6: {  	v1 =	vadd.f32 v61, v29;
	v61 =	vld [tilespmem:$0x1F7B0];
	v2 =	vsub.s32 $0x5F3759DF, v62  }
0x3e7: {  	v22 =	vperm.xlane v6, v37;
	v37 =	vld [tilespmem:$0x1F5F0];
	v11 =	vmul.f32 v2, v0  }
0x3e8: {  	v26 =	vadd.f32 v36, v31;
	v21 =	vperm.xlane v6, v38;
	v38 =	vld [tilespmem:$0x1F610]  }
0x3e9: {  	v19 =	vadd.f32 v33, v44;
	v5 =	vmul.f32 v2, v11;
	v11 =	vperm.xlane v6, v43;
	v43 =	vld [tilespmem:$0x1F690]  }
0x3ea: {  	v12 =	vadd.f32 v9, v30;
	v53 =	vimm.s32 $0x7;
	v24 =	vperm.xlane v6, v39;
	v39 =	vld [tilespmem:$0x1F630]  }
0x3eb: {  	v3 =	vadd.f32 v7, v31;
	v14 =	vadd.f32 v10, v29;
	v4 =	vperm.xlane v6, v40;
	v40 =	vld [tilespmem:$0x1F650]  }
0x3ec: {  	v13 =	vperm.xlane v6, v63;
	v10 =	vperm.xlane v6, v42;
	v42 =	vadd.f32 v48, v30;
	v63 =	vld [tilespmem:$0x1F7D0];
	[tilespmem:s30+$0xFFFFFFA0] =	vst v1  }
0x3ed: {  	v48 =	vadd.f32 v50, v31;
	v9 =	vperm.xlane v6, v53;
	v50 =	vadd.f32 v54, v30;
	v53 =	vld [tilespmem:$0x1FB20]  }
0x3ee: {  	v54 =	vld [tilespmem:$0x1F800];
	v36 =	vadd.f32 v43, v30;
	v43 =	vadd.f32 v49, v29  }
0x3ef: {  	v62 =	vimm.s32 $0x8;
	v49 =	vadd.f32 v52, v51;
	v51 =	vadd.f32 v61, v29;
	v61 =	vld [tilespmem:$0x1F830];
	[tilespmem:s30+$0xFFFFFFB0] =	vst v3  }
0x3f0: {  	v18 =	vadd.f32 v8, v44;
	v8 =	vperm.xlane v6, v62;
	v5 =	vsub.f32 $1.500000000e+00, v5;
	v62 =	vld [tilespmem:$0x1F860]  }
0x3f1: {  	v25 =	vadd.f32 v35, v29;
	v35 =	vld [tilespmem:s2+$0xFFFFFE10];
	v27 =	vadd.f32 v37, v44  }
0x3f2: {  	v16 =	vadd.f32 v38, v30;
	v17 =	vadd.f32 v39, v29;
	v38 =	vld [tilespmem:s2+$0xFFFFFE20];
	v2 =	vmul.f32 v2, v5  }
0x3f3: {  	v33 =	vadd.f32 v40, v31;
	v40 =	vadd.f32 v47, v44;
	v44 =	vld [tilespmem:s2+$0xFFFFFE40]  }
0x3f4: {  	v37 =	vadd.f32 v45, v29;
	v39 =	vadd.f32 v46, v31;
	v45 =	vld [tilespmem:s2+$0xFFFFFE50];
	v0 =	vmul.f32 v2, v0  }
0x3f5: {  	v46 =	vld [tilespmem:s2+$0xFFFFFE60];
	v5 =	vadd.f32 v61, v30;
	v61 =	vimm.s32 $0xF;
	v1 =	vadd.f32 v62, v29  }
0x3f6: {  	v47 =	vld [tilespmem:s2+$0xFFFFFE70];
	v0 =	vmul.f32 v0, v2;
	v62 =	vperm.xlane v6, v61  }
0x3f7: {  	v20 =	vadd.f32 v54, v53;
	v53 =	vld [tilespmem:s2+$0xFFFFFE80];
	[tilespmem:$0x1F090] =	vst v1  }
0x3f8: {  	v0 =	vsub.f32 $1.500000000e+00, v0;
	[tilespmem:$0x1F0B0] =	vst v62  }
0x3f9: {  	[tilespmem:s30+$0xFFFFFFC0] =	vst v18  }
0x3fa: {  	v52 =	vadd.f32 v63, v31;
	v63 =	vimm.s32 $0xA;
	v2 =	vmul.f32 v0, v2;
	v0 =	vld [tilespmem:$0x1FB20]  }
0x3fb: {  	v1 =	vperm.xlane v6, v63;
	v63 =	vld [tilespmem:$0x1F890];
	_ =	sdelay $0x3  }
0x3fc: {  	v54 =	vld [tilespmem:$0x1F870]  }
0x3fd: {  	v0 =	vadd.f32 v63, v0;
	_ =	sdelay $0x1  }
0x3fe: {  	v3 =	vld [tilespmem:s2+$0xFFFFFE90];
	v61 =	vperm.xlane v2, v61;
	[tilespmem:$0x1F0A0] =	vst v0  }
0x3ff: {  	[tilespmem:s30+$0xFFFFFFD0] =	vst v12  }
0x400: {  	v18 =	vadd.f32 v54, v31;
	v54 =	vld [tilespmem:s2+$0xFFFFFEA0];
	[tilespmem:$0x1F0C0] =	vst v61  }
0x401: {  	[tilespmem:s30+$0xFFFFFFE0] =	vst v14  }
0x402: {  	[tilespmem:s30+$0xFFFFFFF0] =	vst v15  }
0x403: {  	[tilespmem:s30+$0x0] =	vst v19  }
0x404: {  	v56 =	vimm.s32 $0x1;
	v55 =	vimm.s32 $0x0;
	[tilespmem:s30+$0x10] =	vst v23  }
0x405: {  	v57 =	vimm.s32 $0x2;
	v28 =	vsub.f32 v28, v62;
	v12 =	vperm.xlane v2, v55;
	v55 =	vld [tilespmem:s2+$0xFFFFFEB0];
	[tilespmem:s30+$0x20] =	vst v25  }
0x406: {  	v62 =	vsub.f32 v32, v21;
	v32 =	vperm.xlane v2, v56;
	v56 =	vperm.xlane v2, v57;
	v57 =	vld [tilespmem:s2+$0xFFFFFEC0];
	[tilespmem:s30+$0x30] =	vst v26  }
0x407: {  	v58 =	vimm.s32 $0x3;
	v59 =	vimm.s32 $0x4;
	v3 =	vsub.f32 v3, v24;
	v63 =	vld [tilespmem:$0x1F8A0];
	[tilespmem:s30+$0x40] =	vst v27  }
0x408: {  	v60 =	vimm.s32 $0x5;
	v15 =	vsub.f32 v35, v21;
	v35 =	vsub.f32 v38, v21;
	v38 =	vld [tilespmem:s2+$0xFFFFFED0];
	[tilespmem:s30+$0x50] =	vst v16  }
0x409: {  	v19 =	vmul.f32 v28, v61;
	v21 =	vsub.f32 v41, v21;
	v28 =	vsub.f32 v44, v22;
	v41 =	vld [tilespmem:s2+$0xFFFFFEE0];
	[tilespmem:s30+$0x60] =	vst v17  }
0x40a: {  	v23 =	vperm.xlane v2, v59;
	v44 =	vsub.f32 v45, v22;
	v59 =	vld [tilespmem:s2+$0xFFFFFEF0];
	v25 =	vperm.xlane v2, v60;
	[tilespmem:s30+$0x70] =	vst v33  }
0x40b: {  	v45 =	vsub.f32 v46, v22;
	v60 =	vmul.f32 v62, v12;
	v33 =	vmul.f32 v3, v56;
	v27 =	vld [tilespmem:$0x1F8C0]  }
0x40c: {  	v22 =	vsub.f32 v47, v22;
	v14 =	vld [tilespmem:s2+$0xFFFFFF00];
	v62 =	vmul.f32 v15, v12;
	v0 =	vmul.f32 v21, v12  }
0x40d: {  	v17 =	vld [tilespmem:s2+$0xFFFFFF40];
	v21 =	vsub.f32 v53, v24;
	v16 =	vmul.f32 v28, v32;
	v47 =	vmul.f32 v44, v32;
	[tilespmem:s30+$0x80] =	vst v34  }
0x40e: {  	v3 =	vld [tilespmem:s2+$0xFFFFFF60];
	v45 =	vmul.f32 v45, v32;
	[tilespmem:s30+$0x90] =	vst v36;
	v26 =	vsub.f32 v54, v24;
	v24 =	vsub.f32 v55, v24  }
0x40f: {  	v15 =	vld [tilespmem:s2+$0xFFFFFF10];
	v46 =	vmul.f32 v22, v32;
	[tilespmem:s30+$0xA0] =	vst v37;
	v32 =	vmul.f32 v21, v56;
	v21 =	vsub.f32 v57, v4  }
0x410: {  	v26 =	vmul.f32 v26, v56;
	v44 =	vadd.f32 v27, v29;
	v27 =	vmul.f32 v24, v56;
	v56 =	vld [tilespmem:$0x1FB10]  }
0x411: {  	v58 =	vperm.xlane v2, v58;
	v53 =	vld [tilespmem:s2+$0xFFFFFF20];
	v22 =	vsub.f32 v38, v4;
	v14 =	vsub.f32 v14, v13;
	[tilespmem:s30+$0xB0] =	vst v39  }
0x412: {  	v54 =	vld [tilespmem:s2+$0xFFFFFF30];
	v61 =	vadd.f32 v63, v30;
	v63 =	vmul.f32 v35, v12;
	v35 =	vimm.s32 $0x6;
	[tilespmem:s31+$0xC0] =	vst v40  }
0x413: {  	v38 =	vld [tilespmem:s2+$0xFFFFFF80];
	v3 =	vsub.f32 v3, v11;
	v12 =	vperm.xlane v2, v35;
	v28 =	vmul.f32 v21, v58;
	[tilespmem:s31+$0xD0] =	vst v42  }
0x414: {  	v55 =	vld [tilespmem:s2+$0xFFFFFF50];
	v24 =	vsub.f32 v41, v4;
	v35 =	vmul.f32 v22, v58;
	v21 =	vmul.f32 v14, v23;
	[tilespmem:s31+$0xE0] =	vst v43  }
0x415: {  	v34 =	vld [tilespmem:s2+$0xFFFFFF70];
	v42 =	vimm.s32 $0x7;
	[tilespmem:s31+$0xF0] =	vst v48;
	v36 =	vmul.f32 v19, v56;
	v19 =	vsub.f32 v59, v4  }
0x416: {  	v15 =	vsub.f32 v15, v13;
	[tilespmem:s31+$0x100] =	vst v49;
	v57 =	vmul.f32 v24, v58;
	v41 =	vperm.xlane v2, v42;
	v42 =	vld [tilespmem:s2+$0xFFFFFFB0]  }
0x417: {  	v37 =	vmul.f32 v19, v58;
	v19 =	vsub.f32 v53, v13;
	v53 =	vsub.f32 v54, v13;
	v58 =	vld [tilespmem:$0x1F8D0];
	[tilespmem:s31+$0x110] =	vst v50  }
0x418: {  	v39 =	vld [tilespmem:s2+$0xFFFFFF90];
	v22 =	vmul.f32 v15, v23;
	v59 =	vsub.f32 v38, v10;
	v54 =	vsub.f32 v17, v11;
	[tilespmem:s31+$0x120] =	vst v51  }
0x419: {  	v40 =	vld [tilespmem:s2+$0xFFFFFFA0];
	[tilespmem:s31+$0x130] =	vst v52;
	v13 =	vmul.f32 v19, v23;
	v14 =	vmul.f32 v53, v23;
	v23 =	vsub.f32 v55, v11  }
0x41a: {  	v52 =	vld [tilespmem:$0x1FB20];
	v55 =	vimm.s32 $0x8;
	v19 =	vmul.f32 v54, v25;
	v54 =	vimm.s32 $0x9  }
0x41b: {  	v49 =	vperm.xlane v2, v55;
	v38 =	vperm.xlane v2, v54;
	v55 =	vsub.f32 v42, v10;
	v54 =	vld [tilespmem:$0x1F8F0];
	[tilespmem:s31+$0x140] =	vst v20  }
0x41c: {  	v43 =	vld [tilespmem:s2+$0xFFFFFFC0];
	[tilespmem:s31+$0x150] =	vst v5  }
0x41d: {  	v15 =	vmul.f32 v3, v25;
	v3 =	vmul.f32 v55, v12;
	v55 =	vld [tilespmem:$0x1F090]  }
0x41e: {  	v48 =	vld [tilespmem:s2+$0xFFFFFFD0]  }
0x41f: {  	v11 =	vsub.f32 v34, v11;
	v34 =	vld [tilespmem:s2+$0xFFFFFFE0]  }
0x420: {  	v42 =	vld [tilespmem:s2+$0x10]  }
0x421: {  	v20 =	vld [tilespmem:s2+$0x20]  }
0x422: {  	v23 =	vmul.f32 v23, v25;
	v24 =	vmul.f32 v11, v25;
	v25 =	vld [tilespmem:s2+$0x0];
	[tilespmem:s31+$0x160] =	vst v55  }
0x423: {  	v51 =	vadd.f32 v54, v52;
	v52 =	vld [tilespmem:$0x1FAE0];
	[tilespmem:s31+$0x170] =	vst v18  }
0x424: {  	v11 =	vsub.f32 v39, v10;
	v39 =	vsub.f32 v40, v10;
	v4 =	vld [tilespmem:$0x1F0A0]  }
0x425: {  	v59 =	vmul.f32 v59, v12;
	v40 =	vld [tilespmem:s2+$0x50]  }
0x426: {  	v36 =	vadd.f32 v36, v31;
	v10 =	vmul.f32 v11, v12;
	v11 =	vmul.f32 v39, v12;
	v12 =	vld [tilespmem:s2+$0x30]  }
0x427: {  	v17 =	vsub.f32 v43, v9;
	v55 =	vld [tilespmem:$0x1FAF0];
	[tilespmem:s31+$0x190] =	vst v61  }
0x428: {  	v53 =	vadd.f32 v58, v31;
	v58 =	vsub.f32 v48, v9;
	v18 =	vld [tilespmem:s2+$0x40];
	[tilespmem:s2+$0x1F0] =	vst v36  }
0x429: {  	v7 =	vimm.s32 $0x9;
	v39 =	vmul.f32 v60, v52;
	v60 =	vld [tilespmem:s2+$0x60];
	[tilespmem:s31+$0x180] =	vst v4  }
0x42a: {  	v34 =	vsub.f32 v34, v9;
	v54 =	vmul.f32 v17, v41;
	v17 =	vmul.f32 v58, v41;
	v58 =	vld [tilespmem:$0x1FB00];
	[tilespmem:s31+$0x1A0] =	vst v44  }
0x42b: {  	v7 =	vperm.xlane v6, v7;
	v25 =	vsub.f32 v25, v8;
	v4 =	vld [tilespmem:$0x1F900]  }
0x42c: {  	v0 =	vmul.f32 v0, v56;
	v5 =	vmul.f32 v34, v41;
	v34 =	vsub.f32 v42, v8;
	v61 =	vld [tilespmem:s2+$0x70]  }
0x42d: {  	v20 =	vsub.f32 v20, v8;
	v8 =	vsub.f32 v12, v8;
	v36 =	vmul.f32 v25, v49  }
0x42e: {  	v25 =	vsub.f32 v40, v7;
	v43 =	vmul.f32 v62, v55;
	[tilespmem:s31+$0x1B0] =	vst v53;
	v53 =	vmul.f32 v34, v49  }
0x42f: {  	v34 =	vmul.f32 v20, v49;
	v20 =	vsub.f32 v18, v7;
	v18 =	vmul.f32 v8, v49  }
0x430: {  	v50 =	vld [tilespmem:s2+$0xFFFFFFF0];
	v49 =	vsub.f32 v60, v7;
	v42 =	vmul.f32 v63, v58;
	v62 =	vadd.f32 v4, v30  }
0x431: {  	v27 =	vmul.f32 v27, v56;
	v7 =	vsub.f32 v61, v7;
	v61 =	vadd.f32 v43, v30;
	v63 =	vld [tilespmem:$0x1F920];
	[tilespmem:s31+$0x1C0] =	vst v51  }
0x432: {  	v33 =	vmul.f32 v33, v55;
	v42 =	vadd.f32 v42, v29;
	[tilespmem:s31+$0x1D0] =	vst v62  }
0x433: {  	v0 =	vadd.f32 v0, v31;
	v27 =	vadd.f32 v27, v31;
	v26 =	vmul.f32 v26, v58;
	v44 =	vld [tilespmem:$0x1FB20];
	[tilespmem:s2+$0xFFFFFE10] =	vst v61  }
0x434: {  	v14 =	vmul.f32 v14, v56;
	v24 =	vmul.f32 v24, v56;
	v33 =	vadd.f32 v33, v30;
	[tilespmem:s2+$0xFFFFFE20] =	vst v42  }
0x435: {  	v9 =	vsub.f32 v50, v9;
	v35 =	vmul.f32 v35, v55;
	v26 =	vadd.f32 v26, v29;
	[tilespmem:s2+$0xFFFFFE30] =	vst v0  }
0x436: {  	v14 =	vadd.f32 v14, v31;
	v3 =	vmul.f32 v3, v56;
	v22 =	vmul.f32 v22, v55;
	[tilespmem:s2+$0xFFFFFE90] =	vst v33  }
0x437: {  	v9 =	vmul.f32 v9, v41;
	v35 =	vadd.f32 v35, v30;
	v13 =	vmul.f32 v13, v58;
	[tilespmem:s2+$0xFFFFFEA0] =	vst v26  }
0x438: {  	v25 =	vmul.f32 v25, v38;
	v48 =	vmul.f32 v16, v52;
	v22 =	vadd.f32 v22, v30;
	[tilespmem:s2+$0xFFFFFEB0] =	vst v27  }
0x439: {  	v32 =	vmul.f32 v32, v52;
	v23 =	vmul.f32 v23, v55;
	v13 =	vadd.f32 v13, v29;
	[tilespmem:s2+$0xFFFFFED0] =	vst v35  }
0x43a: {  	v3 =	vadd.f32 v3, v31;
	v40 =	vld [tilespmem:s2+$0x90];
	v28 =	vmul.f32 v28, v52;
	v15 =	vmul.f32 v15, v58;
	[tilespmem:s2+$0xFFFFFF10] =	vst v22  }
0x43b: {  	v21 =	vmul.f32 v21, v52;
	v10 =	vmul.f32 v10, v55;
	v23 =	vadd.f32 v23, v30;
	[tilespmem:s2+$0xFFFFFF20] =	vst v13  }
0x43c: {  	v19 =	vmul.f32 v19, v52;
	v11 =	vmul.f32 v11, v58;
	v15 =	vadd.f32 v15, v29;
	[tilespmem:s2+$0xFFFFFF30] =	vst v14  }
0x43d: {  	v16 =	vmul.f32 v59, v52;
	v10 =	vadd.f32 v10, v30;
	v60 =	vld [tilespmem:s2+$0xA0];
	v20 =	vmul.f32 v20, v38;
	[tilespmem:s2+$0xFFFFFF50] =	vst v23  }
0x43e: {  	v18 =	vmul.f32 v18, v56;
	v5 =	vmul.f32 v5, v58;
	v11 =	vadd.f32 v11, v29;
	[tilespmem:s2+$0xFFFFFF60] =	vst v15  }
0x43f: {  	v40 =	vsub.f32 v40, v1;
	v51 =	vld [tilespmem:s2+$0x80];
	v8 =	vmul.f32 v49, v38;
	v7 =	vmul.f32 v7, v38;
	[tilespmem:s2+$0xFFFFFF90] =	vst v10  }
0x440: {  	v49 =	vimm.s32 $0xB;
	v20 =	vmul.f32 v20, v52;
	v5 =	vadd.f32 v5, v29;
	[tilespmem:s2+$0xFFFFFFA0] =	vst v11  }
0x441: {  	v18 =	vadd.f32 v18, v31;
	v50 =	vperm.xlane v6, v49;
	v8 =	vmul.f32 v8, v58;
	[tilespmem:s2+$0xFFFFFFB0] =	vst v3  }
0x442: {  	v7 =	vmul.f32 v7, v56;
	v12 =	vsub.f32 v60, v1;
	v23 =	vadd.f32 v24, v31;
	[tilespmem:s2+$0xFFFFFFE0] =	vst v5  }
0x443: {  	v27 =	vmul.f32 v37, v56;
	[tilespmem:s2+$0x30] =	vst v18;
	v8 =	vadd.f32 v8, v29;
	v4 =	vadd.f32 v63, v29  }
0x444: {  	v63 =	vmul.f32 v47, v55;
	v42 =	vsub.f32 v51, v1;
	v51 =	vimm.s32 $0xA;
	[tilespmem:s2+$0xFFFFFF70] =	vst v23  }
0x445: {  	v62 =	vld [tilespmem:s2+$0xB0];
	v7 =	vadd.f32 v7, v31;
	v47 =	vmul.f32 v46, v56;
	v60 =	vperm.xlane v2, v51;
	[tilespmem:s2+$0x60] =	vst v8  }
0x446: {  	v61 =	vld [tilespmem:s2+$0xC0];
	v27 =	vadd.f32 v27, v31;
	v23 =	vimm.s32 $0xD;
	[tilespmem:s31+$0x1E0] =	vst v4;
	v4 =	vmul.f32 v45, v58  }
0x447: {  	v26 =	vld [tilespmem:s2+$0xF0];
	[tilespmem:s2+$0x70] =	vst v7;
	v38 =	vadd.f32 v63, v30;
	v0 =	vadd.f32 v47, v31;
	v63 =	vmul.f32 v57, v58  }
0x448: {  	v57 =	vmul.f32 v17, v55;
	v17 =	vmul.f32 v53, v55;
	[tilespmem:s2+$0xFFFFFEF0] =	vst v27;
	v39 =	vadd.f32 v39, v44  }
0x449: {  	v33 =	vperm.xlane v2, v23;
	v45 =	vadd.f32 v48, v44;
	v41 =	vadd.f32 v4, v29;
	[tilespmem:s2+$0xFFFFFE50] =	vst v38  }
0x44a: {  	v46 =	vmul.f32 v42, v60;
	v48 =	vsub.f32 v62, v1;
	v32 =	vadd.f32 v32, v44;
	[tilespmem:s2+$0xFFFFFE70] =	vst v0  }
0x44b: {  	v40 =	vmul.f32 v40, v60;
	v28 =	vadd.f32 v28, v44;
	v0 =	vsub.f32 v61, v50;
	[tilespmem:s2+$0xFFFFFE00] =	vst v39  }
0x44c: {  	v12 =	vmul.f32 v12, v60;
	v21 =	vadd.f32 v21, v44;
	v26 =	vsub.f32 v26, v50;
	[tilespmem:s2+$0xFFFFFE40] =	vst v45  }
0x44d: {  	v19 =	vadd.f32 v19, v44;
	v61 =	vmul.f32 v36, v52;
	v10 =	vadd.f32 v57, v30;
	[tilespmem:s2+$0xFFFFFE60] =	vst v41  }
0x44e: {  	v62 =	vld [tilespmem:s2+$0xD0];
	v17 =	vadd.f32 v17, v30;
	v20 =	vadd.f32 v20, v44;
	v12 =	vmul.f32 v12, v58;
	[tilespmem:s2+$0xFFFFFEC0] =	vst v28  }
0x44f: {  	v22 =	vld [tilespmem:s2+$0x100];
	v4 =	vmul.f32 v48, v60;
	v28 =	vadd.f32 v63, v29;
	[tilespmem:s2+$0xFFFFFF00] =	vst v21;
	v21 =	vperm.xlane v2, v49  }
0x450: {  	[tilespmem:s2+$0xFFFFFE80] =	vst v32;
	v45 =	vld [tilespmem:s2+$0xE0];
	v48 =	vimm.s32 $0xC;
	v60 =	vmul.f32 v9, v56;
	v63 =	vperm.xlane v6, v23  }
0x451: {  	v49 =	vld [tilespmem:s2+$0x110];
	v9 =	vadd.f32 v61, v44;
	[tilespmem:s2+$0x10] =	vst v17;
	v17 =	vmul.f32 v25, v55;
	v27 =	vperm.xlane v6, v48  }
0x452: {  	[tilespmem:s2+$0xFFFFFF40] =	vst v19;
	v19 =	vld [tilespmem:s2+$0x130];
	v59 =	vperm.xlane v2, v48;
	v38 =	vadd.f32 v12, v29;
	v3 =	vadd.f32 v60, v31  }
0x453: {  	[tilespmem:s2+$0xFFFFFFD0] =	vst v10;
	v32 =	vld [tilespmem:s2+$0x170];
	v17 =	vadd.f32 v17, v30;
	v4 =	vmul.f32 v4, v56;
	v47 =	vsub.f32 v62, v50  }
0x454: {  	[tilespmem:s2+$0x40] =	vst v20;
	v0 =	vmul.f32 v0, v21;
	v51 =	vsub.f32 v22, v27;
	v22 =	vadd.f32 v16, v44  }
0x455: {  	v16 =	vmul.f32 v54, v52;
	[tilespmem:s2+$0x50] =	vst v17;
	v17 =	vmul.f32 v40, v55;
	v4 =	vadd.f32 v4, v31  }
0x456: {  	[tilespmem:s2+$0xFFFFFEE0] =	vst v28;
	v0 =	vmul.f32 v0, v52;
	v28 =	vsub.f32 v45, v50;
	v13 =	vsub.f32 v49, v27  }
0x457: {  	[tilespmem:s2+$0xFFFFFFF0] =	vst v3;
	v1 =	vmul.f32 v47, v21;
	v19 =	vsub.f32 v19, v27;
	v16 =	vadd.f32 v16, v44  }
0x458: {  	v62 =	vld [tilespmem:s2+$0x150];
	[tilespmem:s2+$0xFFFFFF80] =	vst v22;
	v22 =	vmul.f32 v34, v58;
	v15 =	vmul.f32 v51, v59;
	v3 =	vsub.f32 v32, v63  }
0x459: {  	[tilespmem:s2+$0x0] =	vst v9;
	v50 =	vld [tilespmem:s2+$0x120];
	v34 =	vmul.f32 v46, v52;
	v17 =	vadd.f32 v17, v30;
	v28 =	vmul.f32 v28, v21  }
0x45a: {  	[tilespmem:s2+$0xA0] =	vst v38;
	v0 =	vadd.f32 v0, v44;
	v21 =	vmul.f32 v26, v21;
	v13 =	vmul.f32 v13, v59  }
0x45b: {  	[tilespmem:s2+$0xFFFFFFC0] =	vst v16;
	v16 =	vld [tilespmem:s2+$0x140];
	v11 =	vmul.f32 v19, v59;
	v22 =	vadd.f32 v22, v29;
	v45 =	vmul.f32 v15, v52  }
0x45c: {  	v19 =	vld [tilespmem:s2+$0x160];
	v5 =	vadd.f32 v34, v44;
	[tilespmem:s2+$0x90] =	vst v17;
	v17 =	vmul.f32 v1, v55;
	v40 =	vmul.f32 v28, v58  }
0x45d: {  	[tilespmem:s2+$0xB0] =	vst v4;
	v10 =	vsub.f32 v62, v63;
	v42 =	vmul.f32 v21, v56;
	v13 =	vmul.f32 v13, v55  }
0x45e: {  	v35 =	vld [tilespmem:s2+$0x180];
	[tilespmem:s2+$0xC0] =	vst v0;
	v7 =	vadd.f32 v45, v44;
	v11 =	vmul.f32 v11, v56;
	v14 =	vsub.f32 v50, v27  }
0x45f: {  	v37 =	vld [tilespmem:s2+$0x1A0];
	[tilespmem:s2+$0x20] =	vst v22;
	v10 =	vmul.f32 v10, v33;
	v17 =	vadd.f32 v17, v30;
	v9 =	vadd.f32 v40, v29  }
0x460: {  	v36 =	vld [tilespmem:s2+$0x190];
	[tilespmem:s2+$0x80] =	vst v5;
	v8 =	vadd.f32 v42, v31;
	v14 =	vmul.f32 v14, v59;
	v16 =	vsub.f32 v16, v63  }
0x461: {  	v39 =	vld [tilespmem:s2+$0x1B0];
	[tilespmem:s2+$0x100] =	vst v7;
	v18 =	vsub.f32 v19, v63;
	v19 =	vimm.s32 $0xE;
	v10 =	vmul.f32 v10, v55  }
0x462: {  	v13 =	vadd.f32 v13, v30;
	[tilespmem:s2+$0xD0] =	vst v17;
	v6 =	vperm.xlane v6, v19;
	v2 =	vperm.xlane v2, v19  }
0x463: {  	v11 =	vadd.f32 v11, v31;
	[tilespmem:s2+$0xE0] =	vst v9;
	v16 =	vmul.f32 v16, v33;
	v47 =	vmul.f32 v14, v58  }
0x464: {  	[tilespmem:s2+$0xF0] =	vst v8;
	v18 =	vmul.f32 v18, v33;
	v10 =	vadd.f32 v10, v30;
	v41 =	vsub.f32 v35, v6  }
0x465: {  	[tilespmem:s2+$0x110] =	vst v13;
	v43 =	vsub.f32 v36, v6;
	v50 =	vmul.f32 v16, v52;
	v12 =	vadd.f32 v47, v29  }
0x466: {  	[tilespmem:s2+$0x130] =	vst v11;
	v5 =	vsub.f32 v37, v6;
	v6 =	vsub.f32 v39, v6;
	v51 =	vmul.f32 v18, v58  }
0x467: {  	v48 =	vld [tilespmem:s2+$0x1D0];
	v4 =	vmul.f32 v41, v2;
	v0 =	vmul.f32 v43, v2;
	[tilespmem:s2+$0x120] =	vst v12;
	v53 =	vadd.f32 v50, v44  }
0x468: {  	v5 =	vmul.f32 v5, v2;
	v2 =	vmul.f32 v6, v2;
	v6 =	vadd.f32 v51, v29;
	v54 =	vld [tilespmem:$0x1F0B0];
	[tilespmem:s2+$0x150] =	vst v10  }
0x469: {  	v46 =	vld [tilespmem:s2+$0x1C0];
	[tilespmem:s2+$0x140] =	vst v53  }
0x46a: {  	v49 =	vld [tilespmem:s2+$0x1E0];
	v3 =	vmul.f32 v3, v33;
	[tilespmem:s2+$0x160] =	vst v6  }
0x46b: {  	v57 =	vld [tilespmem:$0x1F0C0]  }
0x46c: {  	v3 =	vmul.f32 v3, v56;
	_ =	sdelay $0x1  }
0x46d: {  	v3 =	vadd.f32 v3, v31;
	v4 =	vmul.f32 v4, v52;
	v9 =	vsub.f32 v46, v54  }
0x46e: {  	v0 =	vmul.f32 v0, v55;
	v5 =	vmul.f32 v5, v58;
	v8 =	vsub.f32 v48, v54  }
0x46f: {  	v4 =	vadd.f32 v4, v44;
	v1 =	vsub.f32 v49, v54;
	v59 =	vmul.f32 v9, v57  }
0x470: {  	v2 =	vmul.f32 v2, v56;
	[tilespmem:s2+$0x170] =	vst v3;
	v0 =	vadd.f32 v0, v30;
	v60 =	vmul.f32 v8, v57  }
0x471: {  	v5 =	vadd.f32 v5, v29;
	[tilespmem:s2+$0x180] =	vst v4;
	v1 =	vmul.f32 v1, v57;
	v61 =	vmul.f32 v59, v52  }
0x472: {  	v2 =	vadd.f32 v2, v31;
	[tilespmem:s2+$0x190] =	vst v0;
	v62 =	vmul.f32 v60, v55  }
0x473: {  	[tilespmem:s2+$0x1A0] =	vst v5;
	v1 =	vmul.f32 v1, v58;
	v63 =	vadd.f32 v61, v44  }
0x474: {  	[tilespmem:s2+$0x1B0] =	vst v2;
	v0 =	vadd.f32 v62, v30  }
0x475: {  	v1 =	vadd.f32 v1, v29;
	[tilespmem:s2+$0x1C0] =	vst v63  }
0x476: {  	[tilespmem:s2+$0x1D0] =	vst v0  }
0x477: {  	[tilespmem:s2+$0x1E0] =	vst v1  }
0x478: {  	v36 =	vld [tilespmem:$0x1FF90]  }
0x479: {  	v39 =	vld [tilespmem:$0x1FFA0]  }
0x47a: {  	v18 =	vld [tilespmem:$0x1FFB0]  }
0x47b: {  	v19 =	vld [tilespmem:$0x1FFC0]  }
0x47c: {  	v20 =	vld [tilespmem:$0x1FFD0]  }
0x47d: {  	v60 =	vld [tilespmem:$0x1FFE0]  }
0x47e: {  	v59 =	vld [tilespmem:$0x1FFF0]  }
0x47f: {  	s25 =	sshll.u32 s25, $0x1;
	v21 =	vld [tilespmem:$0x1FED0]  }
0x480: {  	s25 =	sadd.s32 s8, s25;
	v61 =	vld [tilespmem:$0x1FF30]  }
0x481: {  	s31 =	smul.u32 $0x640, s25;
	v53 =	vld [tilespmem:$0x1FF40]  }
0x482: {  	s25 =	smul.u32 $0x3200, s25;
	v37 =	vld [tilespmem:$0x1FF50]  }
0x483: {  	p0 =	sne.s32 s26, $0x40;
	v23 =	vld [tilespmem:$0x1FEE0]  }
.Ltmp1:
0x484: {  	s30 =	sshrl.u32 s25, $0x3;
	v22 =	vld [tilespmem:$0x1FEC0];
	(pc) =	sbr.rel @p0 .LBB2_2-.Ltmp1, $4  }
0x485: {  	s31 =	sadd.s32 s3, s31;
	s2 =	sadd.s32 s3, s30;
	v25 =	vld [tilespmem:$0x1FEF0]  }
0x486: {  	[hbm4b:s31+s5] =	stream.linear.scatter [tilespmem:s29], [sflag:$0x2], $0x3200, $0x38;
	v27 =	vld [tilespmem:$0x1FF00]  }
0x487: {  	s25 =	smov.u32 s26;
	s2 =	sadd.s32 $0x640, s2;
	s31 =	sadd.s32 $0x3520, s28;
	v28 =	vld [tilespmem:$0x1FF10]  }
0x488: {  	v38 =	vlaneseq.u32;
	v32 =	vld [tilespmem:$0x1FF20];
	[hbm4b:s2+s5] =	stream.linear.scatter [tilespmem:s31], [sflag:$0x2], $0x3200, $0x38  }
0x489: {  	s24 =	sadd.s32 $0x1, s24  }
0x48a: {  	_ =	swait.ge [sflag:s23], $0x3200;
	p0 =	sne.s32 s24, s10  }
.Ltmp2:
0x48b: {  	[sflag:s23] =	ssyncset.done $0x0;
	(pc) =	sbr.rel @p0 .LBB2_1-.Ltmp2, $4  }
0x48c: {  	[sflag:s23] =	ssyncadd.s32 $0xFFFFCE00  }
0x48d: {  	_ =	swait.ge [sflag:s23], $0x3200  }
0x48e: {  	[sflag:s23] =	ssyncset.done $0x0  }
0x48f: {  	[sflag:s23] =	ssyncadd.s32 $0xFFFFCE00  }
0x490: {  	_ =	sfence.sel $0x180000  }
0x491: {  	[bflag:$0x0] =	sbarrier.arrive $0xFFFF  }
0x492: {  	_ =	strace $0x90000047  }
0x493: {  	[bflag:$0x2] =	sbarrier.arrive $0xFFFF  }
0x494: {  	p0 =	sne.s32 s4, $0x0;
	s0 =	rddreg [dreg:$0x4]  }
0x495: {  	s0 =	sadd.s32 @!p0 $0x100000, s0  }
0x496: {  	[sflag:s0] =	ssyncadd.tile.s32 @!p0 $0x1;
	_ =	shalt  }
.Lfunc_end2:
_tile_overlayer_lowered:
.L_overlay_start_2:
0x497: {  	(tag) =	ssettag $0x2  }
0x498: {  	s0 =	rddreg [dreg:$0x0];
	s2 =	stileid.u32  }
0x499: {  	s1 =	rddreg [dreg:$0x1];
	p0 =	sne.s32 s2, $0x0  }
0x49a: {  	s3 =	rddreg [dreg:$0x2];
	[bflag:$0x3] =	sbarrier.arrive $0xFFFF;
	s2 =	simm.s32 @!p0 $0x1C03  }
0x49b: {  	[timem:s3], [sflag:s2] =	dma.local @!p0 [hbm:s0], s1  }
0x49c: {  	s0 =	simm.s32 @!p0 $0x3  }
0x49d: {  	_ =	swait.ge @!p0 [sflag:s0], s1  }
0x49e: {  	s1 =	ssub.s32 @!p0 $0x0, s1;
	[sflag:s0] =	ssyncset.done @!p0 $0x0  }
0x49f: {  	[sflag:s0] =	ssyncadd.s32 @!p0 s1  }
0x4a0: {  	[bflag:$0x3] =	sbarrier.arrive $0xFFFF  }
0x4a1: {  	_ =	shalt  }

// kernel: sparse-core-data-format-call.cloned.1.call-start
scs
called_computation_lowered:
.L_overlay_start_0:
0x0: {  	s2 =	sld [smem:$0x3FD9]  }
0x1: {  	s3 =	sld [smem:$0x3FFE];
	_ =	sdelay $0x1  }
0x2: {  	s1 =	srdreg.scid  }
0x3: {  	s0 =	sand.u32 $0x1, s1  }
0x4: {  	s18 =	sshll.u32 s0, $0xA;
	s2 =	sadd.s32 s3, s2  }
0x5: {  	s2 =	sadd.s32 s2, s18  }
0x6: {  	[smem:$0x3FC4] =	sst s2  }
0x7: {  	_ = 	snop  }
0x8: {  	s2 =	sld [smem:$0x3FD0];
	(tm) =	ssettm $0x1  }
0x9: {  	s19 =	sld [smem:$0x3FFB];
	_ =	sdelay $0x3  }
0xa: {  	_ =	strace s19  }
0xb: {  	s3 =	sld [smem:$0x3FFC];
	_ =	sdelay $0x3  }
0xc: {  	_ =	strace s3  }
0xd: {  	s3 =	sld [smem:$0x3FFD];
	_ =	sdelay $0x3  }
0xe: {  	_ =	strace s3  }
0xf: {  	_ =	strace $0x8FFFFFFF  }
0x10: {  	s20 =	sld [smem:$0x3FDB];
	_ =	sdelay $0x1  }
0x11: {  	s4 =	simm.s32 $_scs_section_size  }
0x12: {  	s5 =	simm.s32 $_size__tile_overlayer_lowered;
	s6 =	simm.s32 $_tile_overlayer_lowered  }
0x13: {  	s23 =	simm.s32 $0x1BFF;
	s22 =	sshll.u32 s6, $0x1;
	s3 =	sadd.s32 s4, s20  }
0x14: {  	s7 =	simm.s32 $0x0;
	s21 =	sshll.u32 s5, $0x1;
	s5 =	sadd.s32 s22, s3  }
0x15: {  	[timem:s7], [sflag:s23] =	dma.local [hbm:s5], s21  }
0x16: {  	_ =	swait.ge [sflag:s23], s21  }
0x17: {  	s4 =	ssub.s32 $0x0, s21;
	[sflag:s23] =	ssyncset.done $0x0  }
0x18: {  	[sflag:s23] =	ssyncadd.s32 s4;
	_ =	sdelay $0x1  }
0x19: {  	s24 =	simm.s32 $0x1B8B  }
0x1a: {  	_ =	swait.ge [sflag:s24], $0x1  }
0x1b: {  	[sflag:s24] =	ssyncset.done $0x0  }
0x1c: {  	s26 =	simm.s32 $0x1B8E;
	s25 =	sld [smem:$0x3FFE];
	[sflag:s24] =	ssyncadd.s32 $0xFFFFFFFF  }
0x1d: {  	s27 =	simm.s32 $execute0_lowered;
	[smem:$0x3FD2] =	sst s26  }
0x1e: {  	s5 =	sshll.u32 s27, $0x1;
	_ =	strace $0x80000049;
	[dreg:$0x1] =	wrdreg $0xFFFFFFFF  }
0x1f: {  	s28 =	simm.s32 $_size_execute0_lowered;
	s3 =	sadd.s32 s3, s5;
	[dreg:$0x0] =	wrdreg $0x0  }
0x20: {  	s5 =	sshll.u32 s28, $0x1;
	[dreg:$0x2] =	wrdreg s3  }
0x21: {  	[dreg:$0x3] =	wrdreg s5  }
0x22: {  	[dreg:$0x4] =	wrdreg $0xC0  }
0x23: {  	_ =	task [dreg:s7], $0x5FFFF  }
0x24: {  	[dreg:$0x1] =	wrdreg $0xFFFFFFFF  }
0x25: {  	[dreg:$0x0] =	wrdreg $0x60  }
0x26: {  	[dreg:$0x2] =	wrdreg s25  }
0x27: {  	[dreg:$0x3] =	wrdreg s2  }
0x28: {  	[dreg:$0x4] =	wrdreg $0x9  }
0x29: {  	_ =	task.clear_ibuf [dreg:s7], $0x5FFFF;
	_ =	strace $0x90000049  }
0x2a: {  	s29 =	simm.s32 $0x9;
	_ =	strace $0x8000004B  }
0x2b: {  	_ =	swait.ge [sflag:s29], $0x1  }
0x2c: {  	[sflag:s29] =	ssyncadd.s32 $0xFFFFFFFF  }
0x2d: {  	_ =	strace $0x9000004B  }
0x2e: {  	_ =	sfence  }
0x2f: {  	s30 =	sld [smem:$0x0];
	_ =	sdelay $0x2  }
0x30: {  	s31 =	sshll.u32 s1, $0xD;
	s1 =	sshrl.u32 s1, $0x2  }
0x31: {  	s3 =	sand.u32 $0x4000, s31;
	s1 =	sadd.s32 s1, s30  }
0x32: {  	s0 =	sor.u32 s3, s0;
	s1 =	sshll.u32 s1, $0x11  }
0x33: {  	s0 =	sor.u32 s1, s0  }
0x34: {  	s0 =	sadd.s32 $0x8F2B, s0  }
0x35: {  	[sflag:s0] =	ssyncadd.remote.s32 $0x1  }
0x36: {  	_ =	sfence.sel $0xFFFF  }
0x37: {  	[dreg:$0x0] =	wrdreg $0xFFFFFFFF;
	(pc) =	sbr.abs _section_cstart, $3  }
0x38: {  	[dreg:$0x1] =	wrdreg $0xFFFFFFFF  }
0x39: {  	_ =	task.clear_ibuf [dreg:s7], $0x2FFFF;
	_ =	strace $0x9FFFFFFF  }
0x3a: {  	(tm) =	ssettm $0x7FFFFFFF  }
0x3b: {  	_ =	shalt  }
tec
execute0_lowered:
.L_overlay_start_1:
0x0: {  	(tag) =	ssettag $0x1  }
0x1: {  	s0 =	srdreg.scid  }
0x2: {  	s1 =	sshll.u32 s0, $0x4  }
0x3: {  	s0 =	stileid.u32;
	s1 =	sand.u32 $0x10, s1  }
0x4: {  	s1 =	sor.u32 s0, s1  }
0x5: {  	s6 =	rddreg [dreg:$0x0];
	s4 =	simm.s32 $0x1;
	s2 =	sshll.u32 s1, $0x7  }
0x6: {  	s7 =	simm.s32 $0x2;
	s12 =	simm.s32 $0x0;
	s1 =	ssub.s32 $0x1000, s2  }
0x7: {  	s8 =	simm.s32 $0x8000;
	s13 =	simm.s32 $0x0;
	s3 =	sand.u32 $0xF80, s1  }
0x8: {  	s9 =	simm.s32 $0x0;
	s5 =	sshrl.u32 s1, $0xC;
	p0 =	sne.s32 s3, $0x0  }
.Ltmp0:
0x9: {  	s1 =	rddreg [dreg:$0x2];
	s4 =	simm.s32 @!p0 $0x0;
	(pc) =	sbr.rel .LBB1_1-.Ltmp0, $4  }
0xa: {  	s11 =	simm.s32 $0x0;
	s3 =	rddreg [dreg:$0x1];
	s5 =	sadd.s32 s4, s5  }
0xb: {  	_ =	strace $0x8000004A;
	s4 =	simm.s32 $0x1;
	s5 =	smul.u32 $0xC8, s5  }
0xc: {  	s6 =	sadd.s32 $0xA00, s6;
	s10 =	smov.u32 s2;
	[sflag:s4] =	ssyncpa.u1 $0x0  }
0xd: {  	p0 =	por $0x0, $0x0;
	[sflag:s7] =	ssyncpa.u1 $0x0;
	s7 =	sor.u32 $0x1, s5  }
.LBB1_4:
0xe: {  	s16 =	sshll.u32 s13, $0x3;
	s17 =	sand.u32 $0x78, s13  }
0xf: {  	s30 =	sand.u32 $0x7E00, s13;
	s12 =	sshll.u32 s12, $0xF;
	s16 =	sand.u32 $0xC00, s16  }
0x10: {  	[tilespmem:s15+$0x810 ss:$0x81] =	vst.msk $0xffff, v2;
	s31 =	sand.u32 $0x7, s13;
	s16 =	sor.u32 s17, s16;
	s17 =	sadd.s32 s3, s30  }
0x11: {  	[tilespmem:s15+$0x1020 ss:$0x81] =	vst.msk $0xffff, v0;
	s13 =	sshll.u32 s31, $0x12;
	s12 =	sadd.s32 s12, s17;
	s16 =	sshrl.u32 s16, $0x3  }
0x12: {  	[tilespmem:s15+$0x0 ss:$0x81] =	vst.msk $0xffff, v1;
	s13 =	sor.u32 $0x400, s13;
	s12 =	sadd.s32 s16, s12  }
0x13: {  	[hbm4b:s12+s13] =	stream.strided.scatter [tilespmem:s14], [sflag:$0x2], $0x2000, s8, s13, $0x20;
	[tilespmem:$0x8080] =	vst v63  }
.LBB1_5:
0x14: {  	s14 =	sadd.s32 $0x1, s9  }
0x15: {  	s12 =	sadd.s32 $0x1000, s10;
	s16 =	smov.u32 s10;
	p2 =	sgt.s32 s14, $0xC7  }
0x16: {  	s16 =	smov.u32 @p2 s12  }
0x17: {  	s14 =	simm.s32 @p2 $0x0;
	p2 =	sgt.s32 s16, $0xFFF  }
0x18: {  	s16 =	smov.u32 @p2 s2;
	p2 =	sne.s32 s11, s7  }
.Ltmp1:
0x19: {  	p1 =	slt.u32 s11, $0x2;
	(pc) =	sbr.rel @!p2 .LBB1_6-.Ltmp1, $4  }
0x1a: {  	s15 =	simm.s32 @!p1 $0x2  }
0x1b: {  	s13 =	smov.u32 s10;
	p0 =	por !p0, !p0;
	_ =	swait.ge @!p1 [sflag:s15], $0x2000  }
0x1c: {  	s12 =	smov.u32 s9;
	[sflag:s15] =	ssyncset.done @!p1 $0x0;
	s9 =	smov.u32 s14  }
0x1d: {  	s11 =	sadd.s32 $0x1, s11;
	[sflag:s15] =	ssyncadd.s32 @!p1 $0xFFFFE000;
	s10 =	smov.u32 s16  }
.LBB1_1:
0x1e: {  	p1 =	sge.u32 s11, s5  }
0x1f: {  	s14 =	sand.u32 @!p1 $0x1FFFFFF, s9  }
0x20: {  	s15 =	smulhi.u32 @!p1 $0x147AE15, s14;
	_ =	sdelay $0x1  }
0x21: {  	s15 =	smul.u32 @!p1 $0xC8, s15  }
0x22: {  	s16 =	sxor.u32 @!p1 $0xFFFFFFFF, s11;
	s17 =	smul.u32 @!p1 $0xC80, s10  }
0x23: {  	s31 =	sadd.s32 $0xFFFFFFFF, s11;
	s16 =	sshll.u32 @!p1 s16, $0xD;
	s14 =	ssub.s32 @!p1 s14, s15  }
0x24: {  	s15 =	sand.u32 @!p1 $0x2000, s16;
	s16 =	sadd.s32 @!p1 s6, s17;
	s14 =	sshll.u32 @!p1 s14, $0x4  }
0x25: {  	s17 =	simm.s32 @!p1 $0x6400;
	s14 =	sadd.s32 @!p1 s14, s16;
	s16 =	simm.s32 @!p1 $0x40  }
0x26: {  	[tilespmem:s15], [sflag:$0x1] =	stream.strided.gather @!p1 [hbm4b:s14+s16], $0x2000, s17, s16, $0x38;
	[tilespmem:$0x8080] =	vst v63  }
0x27: {  	p1 =	sge.u32 s31, s5  }
.Ltmp2:
0x28: {  	_ = 	snop;
	(pc) =	sbr.rel @p1 .LBB1_5-.Ltmp2, $1  }
0x29: {  	_ =	sdelay $0x3  }
0x2a: {  	s14 =	simm.s32 $0x1  }
0x2b: {  	_ =	swait.ge [sflag:s4], $0x2000;
	s14 =	simm.s32 @!p0 $0x0  }
0x2c: {  	[sflag:s4] =	ssyncset.done $0x0;
	s15 =	sshll.u32 s14, $0xD  }
0x2d: {  	[sflag:s4] =	ssyncadd.s32 $0xFFFFE000;
	s18 =	sor.u32 $0x20, s15  }
0x2e: {  	s14 =	smul.u32 $0x8100, s14;
	v3 =	vld [tilespmem:s18+$0x10]  }
0x2f: {  	s30 =	sand.u32 $0x1, s11;
	v2 =	vld [tilespmem:s18+$0xFFFFFFF0]  }
0x30: {  	s15 =	smul.u32 $0x8100, s30;
	s14 =	sshrl.u32 s14, $0x2;
	v0 =	vld [tilespmem:s18+$0x0]  }
0x31: {  	v1 =	vld [tilespmem:s18+$0xFFFFFFE0];
	s16 =	sor.u32 $0x4000, s14  }
0x32: {  	s31 =	sshrl.u32 s15, $0x2;
	s15 =	sadd.s32 $0x0, s16  }
0x33: {  	s17 =	simm.s32 $0x4;
	s18 =	sadd.s32 $0x40, s18;
	s14 =	sor.u32 $0x4000, s31;
	[tilespmem:s15+$0x1830 ss:$0x81] =	vst.msk $0xffff, v3  }
.LBB1_3:
0x34: {  	v3 =	vld [tilespmem:s18+$0x10];
	p1 =	sne.s32 s17, $0x1FC;
	[tilespmem:s15+$0x810 ss:$0x81] =	vst.msk $0xffff, v2;
	s19 =	smov.u32 s17;
	s17 =	sadd.s32 $0x4, s17  }
.Ltmp3:
0x35: {  	v2 =	vld [tilespmem:s18+$0xFFFFFFF0];
	[tilespmem:s15+$0x1020 ss:$0x81] =	vst.msk $0xffff, v0;
	(pc) =	sbr.rel @p1 .LBB1_3-.Ltmp3, $4  }
0x36: {  	v0 =	vld [tilespmem:s18+$0x0];
	[tilespmem:s15+$0x0 ss:$0x81] =	vst.msk $0xffff, v1  }
0x37: {  	s15 =	sshra.s32 s19, $0x2;
	v1 =	vld [tilespmem:s18+$0xFFFFFFE0]  }
0x38: {  	s15 =	sadd.s32 s15, s16  }
0x39: {  	s18 =	sadd.s32 $0x40, s18;
	[tilespmem:s15+$0x1830 ss:$0x81] =	vst.msk $0xffff, v3  }
.Ltmp4:
0x3a: {  	_ = 	snop;
	(pc) =	sbr.rel .LBB1_4-.Ltmp4, $1  }
0x3b: {  	_ =	sdelay $0x3  }
.LBB1_6:
0x3c: {  	_ =	sfence.sel $0x180000  }
0x3d: {  	s2 =	simm.s32 $0x1;
	[bflag:$0x0] =	sbarrier.arrive $0xFFFF  }
0x3e: {  	s31 =	simm.s32 $0x2;
	[sflag:s2] =	ssyncpa.u1 $0x1  }
0x3f: {  	[sflag:s31] =	ssyncpa.u1 $0x1  }
0x40: {  	p0 =	sne.s32 s0, $0x0;
	_ =	strace $0x9000004A  }
0x41: {  	s0 =	sadd.s32 @!p0 $0x100000, s1;
	[bflag:$0x2] =	sbarrier.arrive $0xFFFF  }
0x42: {  	[sflag:s0] =	ssyncadd.tile.s32 @!p0 $0x1;
	_ =	shalt  }
.Lfunc_end1:
_tile_overlayer_lowered:
.L_overlay_start_2:
0x43: {  	(tag) =	ssettag $0x2  }
0x44: {  	s0 =	rddreg [dreg:$0x0];
	s2 =	stileid.u32  }
0x45: {  	s1 =	rddreg [dreg:$0x1];
	p0 =	sne.s32 s2, $0x0  }
0x46: {  	s3 =	rddreg [dreg:$0x2];
	[bflag:$0x3] =	sbarrier.arrive $0xFFFF;
	s2 =	simm.s32 @!p0 $0x1C01  }
0x47: {  	[timem:s3], [sflag:s2] =	dma.local @!p0 [hbm:s0], s1  }
0x48: {  	s0 =	simm.s32 @!p0 $0x1  }
0x49: {  	_ =	swait.ge @!p0 [sflag:s0], s1  }
0x4a: {  	s1 =	ssub.s32 @!p0 $0x0, s1;
	[sflag:s0] =	ssyncset.done @!p0 $0x0  }
0x4b: {  	[sflag:s0] =	ssyncadd.s32 @!p0 s1  }
0x4c: {  	[bflag:$0x3] =	sbarrier.arrive $0xFFFF  }
0x4d: {  	_ =	shalt  }

</sc_bundles>
